<compile_context>
chip_gen: v7x
topology: tpu7x:2x2x1
jax: 0.10.2.dev20260603
libtpu: 0.0.44.dev20260713+nightly
codegen_flags: <defaults>
</compile_context>

<pallas_src>
import functools

import jax
import jax.numpy as jnp
from jax import lax
from jax.experimental import pallas as pl
from jax.experimental.pallas import tpu as pltpu
from jax.experimental.pallas import tpu_sc as plsc

N = 10000
E = 320000
D = 128
H = 128
C = 10

NC = 2
NS = 16
NW = NC * NS
NP = 10240
CH = 128
EPW = NP
EP = NW * EPW
NB = EPW // CH
RPS = NP // NS

def _sc_pass_body(y_hbm, src_hbm, dst_hbm, out_hbm, sidx_v, didx_v, rows_v,
                  sems, ssems, acc_sh):
    c = lax.axis_index("c")
    s = lax.axis_index("s")
    w = s * NC + c

    def zfill(i, _):
        for jj in range(D // 16):
            rows_v[0, i, pl.ds(jj * 16, 16)] = jnp.zeros((16,), jnp.float32)
        return 0

    lax.fori_loop(0, CH, zfill, 0)

    for kk in range(5):
        pltpu.sync_copy(
            rows_v.at[0], acc_sh.at[pl.ds(s * RPS + kk * (RPS // 5), RPS // 5), :]
        )
    plsc.subcore_barrier()

    def prime(b):
        base = w * EPW + b * CH
        pltpu.sync_copy(src_hbm.at[pl.ds(base, CH)], sidx_v.at[b])
        pltpu.sync_copy(dst_hbm.at[pl.ds(base, CH)], didx_v.at[b])
        pltpu.async_copy(y_hbm.at[sidx_v.at[b]], rows_v.at[b], sems.at[b])

    for b in range(2):
        prime(b)

    def body(i, _):
        j0 = i * 2
        for b in range(2):
            pltpu.make_async_copy(
                y_hbm.at[sidx_v.at[b]], rows_v.at[b], sems.at[b]
            ).wait()
            pltpu.async_copy(
                rows_v.at[b], acc_sh.at[didx_v.at[b]], ssems.at[b], add=True
            )
        for b in range(2):
            @pl.when(j0 + 2 + b < NB)
            def _():
                pltpu.make_async_copy(
                    rows_v.at[b], acc_sh.at[didx_v.at[b]], ssems.at[b]
                ).wait()
                base = w * EPW + (j0 + 2 + b) * CH
                pltpu.sync_copy(src_hbm.at[pl.ds(base, CH)], sidx_v.at[b])
                pltpu.sync_copy(dst_hbm.at[pl.ds(base, CH)], didx_v.at[b])
                pltpu.async_copy(y_hbm.at[sidx_v.at[b]], rows_v.at[b], sems.at[b])

        return 0

    lax.fori_loop(0, NB // 2, body, 0)
    for b in range(2):
        pltpu.make_async_copy(
            rows_v.at[b], acc_sh.at[didx_v.at[b]], ssems.at[b]
        ).wait()
    plsc.subcore_barrier()
    pltpu.sync_copy(
        acc_sh.at[pl.ds(s * RPS, RPS), :],
        out_hbm.at[c, pl.ds(s * RPS, RPS), :],
    )


def _sc_deg_body(dst_hbm, out_hbm, didx_v, ones_v, acc_sh):
    c = lax.axis_index("c")
    s = lax.axis_index("s")
    w = s * NC + c

    def ofill(i, _):
        for jj in range(D // 16):
            ones_v[0, i, pl.ds(jj * 16, 16)] = jnp.zeros((16,), jnp.float32)
            ones_v[1, i, pl.ds(jj * 16, 16)] = jnp.ones((16,), jnp.float32)
        return 0

    lax.fori_loop(0, CH, ofill, 0)

    for kk in range(5):
        pltpu.sync_copy(
            ones_v.at[0], acc_sh.at[pl.ds(s * RPS + kk * (RPS // 5), RPS // 5), :]
        )
    plsc.subcore_barrier()

    def prime(b):
        base = w * EPW + b * CH
        pltpu.sync_copy(dst_hbm.at[pl.ds(base, CH)], didx_v.at[b])

    for b in range(2):
        prime(b)

    def body(i, _):
        j0 = i * 2
        for b in range(2):
            pltpu.sync_copy(ones_v.at[1], acc_sh.at[didx_v.at[b]], add=True)

            @pl.when(j0 + 2 + b < NB)
            def _():
                base = w * EPW + (j0 + 2 + b) * CH
                pltpu.sync_copy(dst_hbm.at[pl.ds(base, CH)], didx_v.at[b])

        return 0

    lax.fori_loop(0, NB // 2, body, 0)
    plsc.subcore_barrier()
    pltpu.sync_copy(
        acc_sh.at[pl.ds(s * RPS, RPS), :],
        out_hbm.at[c, pl.ds(s * RPS, RPS), :],
    )


@functools.cache
def _build_sc_kernels():
    mesh = plsc.VectorSubcoreMesh(
        core_axis_name="c", subcore_axis_name="s", num_cores=NC, num_subcores=NS
    )
    sc_pass = pl.kernel(
        _sc_pass_body,
        mesh=mesh,
        out_type=jax.ShapeDtypeStruct((NC, NP, D), jnp.float32),
        scratch_types=[
            pltpu.VMEM((2, CH), jnp.int32),
            pltpu.VMEM((2, CH), jnp.int32),
            pltpu.VMEM((2, CH, D), jnp.float32),
            pltpu.SemaphoreType.DMA((2,)),
            pltpu.SemaphoreType.DMA((2,)),
            pltpu.VMEM_SHARED((NP, D), jnp.float32),
        ],
    )
    sc_deg = pl.kernel(
        _sc_deg_body,
        mesh=mesh,
        out_type=jax.ShapeDtypeStruct((NC, NP, D), jnp.float32),
        scratch_types=[
            pltpu.VMEM((2, CH), jnp.int32),
            pltpu.VMEM((2, CH, D), jnp.float32),
            pltpu.VMEM_SHARED((NP, D), jnp.float32),
        ],
    )
    return sc_pass, sc_deg


BR = 1000
NG = N // BR


def _tc_norm_body(pdeg_ref, x_ref, norm_ref, y0_ref):
    d2 = pdeg_ref[0] + pdeg_ref[1]
    d = d2[:, 0:1]
    nrm = lax.rsqrt(jnp.where(d > 0.0, d, 1.0))
    norm_ref[...] = nrm
    y0_ref[...] = x_ref[...] * nrm


_tc_norm = pl.pallas_call(
    _tc_norm_body,
    grid=(NG,),
    in_specs=[
        pl.BlockSpec((NC, BR, D), lambda i: (0, i, 0)),
        pl.BlockSpec((BR, D), lambda i: (i, 0)),
    ],
    out_specs=[
        pl.BlockSpec((BR, 1), lambda i: (i, 0)),
        pl.BlockSpec((BR, D), lambda i: (i, 0)),
    ],
    out_shape=[
        jax.ShapeDtypeStruct((N, 1), jnp.float32),
        jax.ShapeDtypeStruct((N, D), jnp.float32),
    ],
)


def _tc_mid_body(p_ref, norm_ref, a_ref, y_ref):
    ssum = p_ref[0] + p_ref[1]
    nrm = norm_ref[...]
    a = ssum * nrm
    a_ref[...] = a
    y_ref[...] = a * nrm


_tc_mid = pl.pallas_call(
    _tc_mid_body,
    grid=(NG,),
    in_specs=[
        pl.BlockSpec((NC, BR, D), lambda i: (0, i, 0)),
        pl.BlockSpec((BR, 1), lambda i: (i, 0)),
    ],
    out_specs=[
        pl.BlockSpec((BR, D), lambda i: (i, 0)),
        pl.BlockSpec((BR, D), lambda i: (i, 0)),
    ],
    out_shape=[
        jax.ShapeDtypeStruct((N, D), jnp.float32),
        jax.ShapeDtypeStruct((N, D), jnp.float32),
    ],
)


def _tc_layer1_body(x_ref, a1_ref, a2_ref, w_ref, b_ref, norm_ref, h_ref, y_ref):
    acc = jnp.dot(x_ref[...], w_ref[0:D, :], preferred_element_type=jnp.float32)
    acc += jnp.dot(a1_ref[...], w_ref[D:2 * D, :], preferred_element_type=jnp.float32)
    acc += jnp.dot(a2_ref[...], w_ref[2 * D:3 * D, :], preferred_element_type=jnp.float32)
    h = jnp.maximum(acc + b_ref[...], 0.0)
    h_ref[...] = h
    y_ref[...] = h * norm_ref[...]


_tc_layer1 = pl.pallas_call(
    _tc_layer1_body,
    grid=(NG,),
    in_specs=[
        pl.BlockSpec((BR, D), lambda i: (i, 0)),
        pl.BlockSpec((BR, D), lambda i: (i, 0)),
        pl.BlockSpec((BR, D), lambda i: (i, 0)),
        pl.BlockSpec((3 * D, H), lambda i: (0, 0)),
        pl.BlockSpec((1, H), lambda i: (0, 0)),
        pl.BlockSpec((BR, 1), lambda i: (i, 0)),
    ],
    out_specs=[
        pl.BlockSpec((BR, H), lambda i: (i, 0)),
        pl.BlockSpec((BR, H), lambda i: (i, 0)),
    ],
    out_shape=[
        jax.ShapeDtypeStruct((N, H), jnp.float32),
        jax.ShapeDtypeStruct((N, H), jnp.float32),
    ],
)


def _tc_layer2_body(x_ref, a1_ref, a2_ref, w_ref, b_ref, wc_ref, bc_ref,
                    out_ref, mx_ref):
    i = pl.program_id(0)
    acc = jnp.dot(x_ref[...], w_ref[0:H, :], preferred_element_type=jnp.float32)
    acc += jnp.dot(a1_ref[...], w_ref[H:2 * H, :], preferred_element_type=jnp.float32)
    acc += jnp.dot(a2_ref[...], w_ref[2 * H:3 * H, :], preferred_element_type=jnp.float32)
    h = jnp.maximum(acc + b_ref[...], 0.0)
    m = jnp.max(h, axis=0, keepdims=True)

    @pl.when(i == 0)
    def _():
        mx_ref[...] = jnp.broadcast_to(m, (8, H))

    @pl.when(i > 0)
    def _():
        mx_ref[...] = jnp.maximum(mx_ref[...], m)

    @pl.when(i == NG - 1)
    def _():
        g = jnp.max(mx_ref[...], axis=0, keepdims=True)
        out_ref[...] = (
            jnp.dot(g, wc_ref[...], preferred_element_type=jnp.float32)
            + bc_ref[...]
        )


_tc_layer2 = pl.pallas_call(
    _tc_layer2_body,
    grid=(NG,),
    in_specs=[
        pl.BlockSpec((BR, H), lambda i: (i, 0)),
        pl.BlockSpec((BR, H), lambda i: (i, 0)),
        pl.BlockSpec((BR, H), lambda i: (i, 0)),
        pl.BlockSpec((3 * H, H), lambda i: (0, 0)),
        pl.BlockSpec((1, H), lambda i: (0, 0)),
        pl.BlockSpec((H, C), lambda i: (0, 0)),
        pl.BlockSpec((1, C), lambda i: (0, 0)),
    ],
    out_specs=pl.BlockSpec((1, C), lambda i: (0, 0)),
    out_shape=jax.ShapeDtypeStruct((1, C), jnp.float32),
    scratch_shapes=[pltpu.VMEM((8, H), jnp.float32)],
)


def kernel(x, edge_index, W1, b1, W2, b2, Wc, bc):
    npad = EP - E
    pr = jnp.arange(npad, dtype=jnp.int32)
    src = jnp.concatenate([edge_index[0], pr % N])
    dst = jnp.concatenate([edge_index[1], N + pr % (NP - N)])
    b1r = b1.reshape(1, H)
    b2r = b2.reshape(1, H)
    bcr = bc.reshape(1, C)
    _sc_pass, _sc_deg = _build_sc_kernels()

    pdeg = _sc_deg(dst)
    norm, y0 = _tc_norm(pdeg, x)

    p1 = _sc_pass(y0, src, dst)
    a1, y1 = _tc_mid(p1, norm)
    p2 = _sc_pass(y1, src, dst)
    a2, _ = _tc_mid(p2, norm)

    h1, yh1 = _tc_layer1(x, a1, a2, W1, b1r, norm)

    p3 = _sc_pass(yh1, src, dst)
    c1, yc1 = _tc_mid(p3, norm)
    p4 = _sc_pass(yc1, src, dst)
    c2, _ = _tc_mid(p4, norm)

    return _tc_layer2(h1, c1, c2, W2, b2r, Wc, bcr)

# --- scband reference (transcript-rebuilt; emitter-appended) ---
"""Pipeline reference for scband-tagclassifier-71176198029900 (READ-ONLY COPY).

The authoritative reference and input builder live on the scoring server;
editing this copy changes nothing except your own understanding.
"""

import jax, jax.numpy as jnp
import numpy as np

N = 10000
E = 320000
D = 128
H = 128
C = 10
K = 2  # DGL TAGConv default number of hops


def setup_inputs(seed: int = 0) -> dict:
    key = jax.random.key(seed)
    k1, k2, k3, k4, k5 = jax.random.split(key, 5)
    x = jax.random.normal(k1, (N, D), dtype=jnp.float32)
    edge_index = jax.random.randint(k2, (2, E), 0, N, dtype=jnp.int32)
    # TAGConv lin weight: Linear((K+1)*in_dim, out_dim)
    W1 = (jax.random.normal(k3, ((K + 1) * D, H), dtype=jnp.float32) / np.sqrt((K + 1) * D)).astype(jnp.float32)
    b1 = jnp.zeros((H,), dtype=jnp.float32)
    W2 = (jax.random.normal(k4, ((K + 1) * H, H), dtype=jnp.float32) / np.sqrt((K + 1) * H)).astype(jnp.float32)
    b2 = jnp.zeros((H,), dtype=jnp.float32)
    Wc = (jax.random.normal(k5, (H, C), dtype=jnp.float32) / np.sqrt(H)).astype(jnp.float32)
    bc = jnp.zeros((C,), dtype=jnp.float32)
    return {"x": x, "edge_index": edge_index, "W1": W1, "b1": b1, "W2": W2, "b2": b2, "Wc": Wc, "bc": bc}


def _tagconv(x, src, dst, norm, W, b):
    # DGL TAGConv: fstack = [x, A_hat x, A_hat^2 x]; out = relu(concat(fstack) @ W + b)
    # A_hat = D^{-1/2} A D^{-1/2} with in-degree normalization, clamp(deg, min=1)
    feats = [x]
    h = x
    for _ in range(K):
        h = h * norm[:, None]
        h = jax.ops.segment_sum(h[src], dst, num_segments=N)
        h = h * norm[:, None]
        feats.append(h)
    return jax.nn.relu(jnp.concatenate(feats, axis=-1) @ W + b)


def reference(x, edge_index, W1, b1, W2, b2, Wc, bc):
    src = edge_index[0]
    dst = edge_index[1]
    deg = jax.ops.segment_sum(jnp.ones((E,), dtype=jnp.float32), dst, num_segments=N)
    norm = jnp.where(deg > 0.0, deg, 1.0) ** -0.5
    h = _tagconv(x, src, dst, norm, W1, b1)
    h = _tagconv(h, src, dst, norm, W2, b2)
    g = jnp.max(h, axis=0, keepdims=True)  # dgl MaxPooling readout over single graph
    return g @ Wc + bc

if __name__ == "__main__":
    import jax
    _d = setup_inputs()
    print(jax.jit(kernel)(*tuple(_d.values())))

</pallas_src>

<mosaic_0001>
#map = affine_map<(d0, d1) -> (0, 0)>
#map1 = affine_map<(d0, d1) -> (0)>
#map2 = affine_map<(d0, d1) -> (0, 0, 0)>
module attributes {stable_mosaic.version = 14 : i64} {
  func.func @_sc_pass_body(%arg0: i32, %arg1: i32, %arg2: memref<10000x128xf32, #tpu.memory_space<hbm>>, %arg3: memref<327680xi32, #tpu.memory_space<hbm>>, %arg4: memref<327680xi32, #tpu.memory_space<hbm>>, %arg5: memref<2x10240x128xf32, #tpu.memory_space<hbm>>, %arg6: memref<2x128xi32, #tpu.memory_space<vmem>>, %arg7: memref<2x128xi32, #tpu.memory_space<vmem>>, %arg8: memref<2x128x128xf32, #tpu.memory_space<vmem>>, %arg9: memref<2x!tpu.dma_semaphore, #tpu.memory_space<semaphore_mem>>, %arg10: memref<2x!tpu.dma_semaphore, #tpu.memory_space<semaphore_mem>>, %arg11: memref<10240x128xf32, #tpu.memory_space<vmem_shared>>) attributes {dimension_semantics = [#tpu.dimension_semantics<core_parallel>, #tpu.dimension_semantics<subcore_parallel>], iteration_bounds = array<i64: 2, 16>, scalar_prefetch = 0 : i64, scratch_operands = 6 : i64, tpu.core_type = #tpu.core_type<sc_vector_subcore>, window_params = [{transform_indices = #map}, {transform_indices = #map1}, {transform_indices = #map1}, {transform_indices = #map2}]} {
    %mul3A = arith.constant 2 : i32
    %mul3A_0 = arith.muli %arg1, %mul3A : i32
    %add3A = arith.addi %mul3A_0, %arg0 : i32
    %scan3A = arith.constant 0 : i32
    %scan3A_1 = arith.constant 0 : i32
    %scan3A_2 = arith.constant 128 : i32
    %scan3A_3 = arith.addi %scan3A_1, %scan3A_2 : i32
    %scan3A_4 = arith.constant 1 : i32
    %scan3A_5 = scf.for %scan3A_113 = %scan3A_1 to %scan3A_3 step %scan3A_4 iter_args(%scan3A_114 = %scan3A) -> (i32)  : i32 {
      %broadcast_in_dim3A = arith.constant 0.000000e+00 : f32
      %broadcast_in_dim3A_115 = vector.broadcast %broadcast_in_dim3A : f32 to vector<16xf32>
      %swap3A = arith.constant 0 : i32
      %swap3A_116 = arith.index_cast %swap3A : i32 to index
      %swap3A_117 = arith.index_cast %scan3A_113 : i32 to index
      %swap3A_118 = arith.constant 0 : index
      %swap3A_119 = tpu.vector_load %arg8[%swap3A_116, %swap3A_117, %swap3A_118] {strides = array<i32>} : memref<2x128x128xf32, #tpu.memory_space<vmem>>, vector<1x1x16xf32>,
      %swap3A_120 = vector.shape_cast %swap3A_119 : vector<1x1x16xf32> to vector<16xf32>
      %swap3A_121 = vector.shape_cast %broadcast_in_dim3A_115 : vector<16xf32> to vector<1x1x16xf32>
      tpu.vector_store %arg8[%swap3A_116, %swap3A_117, %swap3A_118], %swap3A_121 {strides = array<i32>} : memref<2x128x128xf32, #tpu.memory_space<vmem>>, vector<1x1x16xf32>,
      %broadcast_in_dim3A_122 = arith.constant 0.000000e+00 : f32
      %broadcast_in_dim3A_123 = vector.broadcast %broadcast_in_dim3A_122 : f32 to vector<16xf32>
      %swap3A_124 = arith.constant 0 : i32
      %swap3A_125 = arith.index_cast %swap3A_124 : i32 to index
      %swap3A_126 = arith.index_cast %scan3A_113 : i32 to index
      %swap3A_127 = arith.constant 16 : index
      %swap3A_128 = tpu.vector_load %arg8[%swap3A_125, %swap3A_126, %swap3A_127] {strides = array<i32>} : memref<2x128x128xf32, #tpu.memory_space<vmem>>, vector<1x1x16xf32>,
      %swap3A_129 = vector.shape_cast %swap3A_128 : vector<1x1x16xf32> to vector<16xf32>
      %swap3A_130 = vector.shape_cast %broadcast_in_dim3A_123 : vector<16xf32> to vector<1x1x16xf32>
      tpu.vector_store %arg8[%swap3A_125, %swap3A_126, %swap3A_127], %swap3A_130 {strides = array<i32>} : memref<2x128x128xf32, #tpu.memory_space<vmem>>, vector<1x1x16xf32>,
      %broadcast_in_dim3A_131 = arith.constant 0.000000e+00 : f32
      %broadcast_in_dim3A_132 = vector.broadcast %broadcast_in_dim3A_131 : f32 to vector<16xf32>
      %swap3A_133 = arith.constant 0 : i32
      %swap3A_134 = arith.index_cast %swap3A_133 : i32 to index
      %swap3A_135 = arith.index_cast %scan3A_113 : i32 to index
      %swap3A_136 = arith.constant 32 : index
      %swap3A_137 = tpu.vector_load %arg8[%swap3A_134, %swap3A_135, %swap3A_136] {strides = array<i32>} : memref<2x128x128xf32, #tpu.memory_space<vmem>>, vector<1x1x16xf32>,
      %swap3A_138 = vector.shape_cast %swap3A_137 : vector<1x1x16xf32> to vector<16xf32>
      %swap3A_139 = vector.shape_cast %broadcast_in_dim3A_132 : vector<16xf32> to vector<1x1x16xf32>
      tpu.vector_store %arg8[%swap3A_134, %swap3A_135, %swap3A_136], %swap3A_139 {strides = array<i32>} : memref<2x128x128xf32, #tpu.memory_space<vmem>>, vector<1x1x16xf32>,
      %broadcast_in_dim3A_140 = arith.constant 0.000000e+00 : f32
      %broadcast_in_dim3A_141 = vector.broadcast %broadcast_in_dim3A_140 : f32 to vector<16xf32>
      %swap3A_142 = arith.constant 0 : i32
      %swap3A_143 = arith.index_cast %swap3A_142 : i32 to index
      %swap3A_144 = arith.index_cast %scan3A_113 : i32 to index
      %swap3A_145 = arith.constant 48 : index
      %swap3A_146 = tpu.vector_load %arg8[%swap3A_143, %swap3A_144, %swap3A_145] {strides = array<i32>} : memref<2x128x128xf32, #tpu.memory_space<vmem>>, vector<1x1x16xf32>,
      %swap3A_147 = vector.shape_cast %swap3A_146 : vector<1x1x16xf32> to vector<16xf32>
      %swap3A_148 = vector.shape_cast %broadcast_in_dim3A_141 : vector<16xf32> to vector<1x1x16xf32>
      tpu.vector_store %arg8[%swap3A_143, %swap3A_144, %swap3A_145], %swap3A_148 {strides = array<i32>} : memref<2x128x128xf32, #tpu.memory_space<vmem>>, vector<1x1x16xf32>,
      %broadcast_in_dim3A_149 = arith.constant 0.000000e+00 : f32
      %broadcast_in_dim3A_150 = vector.broadcast %broadcast_in_dim3A_149 : f32 to vector<16xf32>
      %swap3A_151 = arith.constant 0 : i32
      %swap3A_152 = arith.index_cast %swap3A_151 : i32 to index
      %swap3A_153 = arith.index_cast %scan3A_113 : i32 to index
      %swap3A_154 = arith.constant 64 : index
      %swap3A_155 = tpu.vector_load %arg8[%swap3A_152, %swap3A_153, %swap3A_154] {strides = array<i32>} : memref<2x128x128xf32, #tpu.memory_space<vmem>>, vector<1x1x16xf32>,
      %swap3A_156 = vector.shape_cast %swap3A_155 : vector<1x1x16xf32> to vector<16xf32>
      %swap3A_157 = vector.shape_cast %broadcast_in_dim3A_150 : vector<16xf32> to vector<1x1x16xf32>
      tpu.vector_store %arg8[%swap3A_152, %swap3A_153, %swap3A_154], %swap3A_157 {strides = array<i32>} : memref<2x128x128xf32, #tpu.memory_space<vmem>>, vector<1x1x16xf32>,
      %broadcast_in_dim3A_158 = arith.constant 0.000000e+00 : f32
      %broadcast_in_dim3A_159 = vector.broadcast %broadcast_in_dim3A_158 : f32 to vector<16xf32>
      %swap3A_160 = arith.constant 0 : i32
      %swap3A_161 = arith.index_cast %swap3A_160 : i32 to index
      %swap3A_162 = arith.index_cast %scan3A_113 : i32 to index
      %swap3A_163 = arith.constant 80 : index
      %swap3A_164 = tpu.vector_load %arg8[%swap3A_161, %swap3A_162, %swap3A_163] {strides = array<i32>} : memref<2x128x128xf32, #tpu.memory_space<vmem>>, vector<1x1x16xf32>,
      %swap3A_165 = vector.shape_cast %swap3A_164 : vector<1x1x16xf32> to vector<16xf32>
      %swap3A_166 = vector.shape_cast %broadcast_in_dim3A_159 : vector<16xf32> to vector<1x1x16xf32>
      tpu.vector_store %arg8[%swap3A_161, %swap3A_162, %swap3A_163], %swap3A_166 {strides = array<i32>} : memref<2x128x128xf32, #tpu.memory_space<vmem>>, vector<1x1x16xf32>,
      %broadcast_in_dim3A_167 = arith.constant 0.000000e+00 : f32
      %broadcast_in_dim3A_168 = vector.broadcast %broadcast_in_dim3A_167 : f32 to vector<16xf32>
      %swap3A_169 = arith.constant 0 : i32
      %swap3A_170 = arith.index_cast %swap3A_169 : i32 to index
      %swap3A_171 = arith.index_cast %scan3A_113 : i32 to index
      %swap3A_172 = arith.constant 96 : index
      %swap3A_173 = tpu.vector_load %arg8[%swap3A_170, %swap3A_171, %swap3A_172] {strides = array<i32>} : memref<2x128x128xf32, #tpu.memory_space<vmem>>, vector<1x1x16xf32>,
      %swap3A_174 = vector.shape_cast %swap3A_173 : vector<1x1x16xf32> to vector<16xf32>
      %swap3A_175 = vector.shape_cast %broadcast_in_dim3A_168 : vector<16xf32> to vector<1x1x16xf32>
      tpu.vector_store %arg8[%swap3A_170, %swap3A_171, %swap3A_172], %swap3A_175 {strides = array<i32>} : memref<2x128x128xf32, #tpu.memory_space<vmem>>, vector<1x1x16xf32>,
      %broadcast_in_dim3A_176 = arith.constant 0.000000e+00 : f32
      %broadcast_in_dim3A_177 = vector.broadcast %broadcast_in_dim3A_176 : f32 to vector<16xf32>
      %swap3A_178 = arith.constant 0 : i32
      %swap3A_179 = arith.index_cast %swap3A_178 : i32 to index
      %swap3A_180 = arith.index_cast %scan3A_113 : i32 to index
      %swap3A_181 = arith.constant 112 : index
      %swap3A_182 = tpu.vector_load %arg8[%swap3A_179, %swap3A_180, %swap3A_181] {strides = array<i32>} : memref<2x128x128xf32, #tpu.memory_space<vmem>>, vector<1x1x16xf32>,
      %swap3A_183 = vector.shape_cast %swap3A_182 : vector<1x1x16xf32> to vector<16xf32>
      %swap3A_184 = vector.shape_cast %broadcast_in_dim3A_177 : vector<16xf32> to vector<1x1x16xf32>
      tpu.vector_store %arg8[%swap3A_179, %swap3A_180, %swap3A_181], %swap3A_184 {strides = array<i32>} : memref<2x128x128xf32, #tpu.memory_space<vmem>>, vector<1x1x16xf32>,
      %scan3A_185 = arith.constant 0 : i32
      scf.yield %scan3A_185 : i32
    }
    %scan3A_6 = arith.constant 128 : i32
    %mul3A_7 = arith.constant 640 : i32
    %mul3A_8 = arith.muli %arg1, %mul3A_7 : i32
    %add3A_9 = arith.constant 0 : i32
    %add3A_10 = arith.addi %mul3A_8, %add3A_9 : i32
    %run_scoped3A = arith.constant 0 : i32
    "tpu.region"() ({
      %run_scoped3A_113 = tpu.sem_alloc : memref<!tpu.dma_semaphore, #tpu.memory_space<semaphore_mem>>
      %dma_start3A_114 = arith.constant 0 : i32
      %dma_start3A_115 = arith.constant 0 : i32
      %dma_start3A_116 = tpu.memref_slice %arg8[%run_scoped3A, %dma_start3A_114, %dma_start3A_115] : memref<2x128x128xf32, #tpu.memory_space<vmem>> -> memref<1x128x128xf32, #tpu.memory_space<vmem>>
      %dma_start3A_117 = tpu.memref_squeeze %dma_start3A_116 : memref<1x128x128xf32, #tpu.memory_space<vmem>> -> memref<128x128xf32, #tpu.memory_space<vmem>>
      %dma_start3A_118 = arith.constant 0 : i32
      %dma_start3A_119 = tpu.memref_slice %arg11[%add3A_10, %dma_start3A_118] : memref<10240x128xf32, #tpu.memory_space<vmem_shared>> -> memref<128x128xf32, #tpu.memory_space<vmem_shared>>
      %dma_start3A_120 = arith.constant 0 : i32
      %dma_start3A_121 = tpu.memref_slice %arg11[%add3A_10, %dma_start3A_120] : memref<10240x128xf32, #tpu.memory_space<vmem_shared>> -> memref<128x128xf32, #tpu.memory_space<vmem_shared>>
      %dma_start3A_122 = arith.constant 0 : i32
      %dma_start3A_123 = arith.constant 0 : i32
      %dma_start3A_124 = tpu.memref_slice %arg8[%run_scoped3A, %dma_start3A_122, %dma_start3A_123] : memref<2x128x128xf32, #tpu.memory_space<vmem>> -> memref<1x128x128xf32, #tpu.memory_space<vmem>>
      %dma_start3A_125 = tpu.memref_squeeze %dma_start3A_124 : memref<1x128x128xf32, #tpu.memory_space<vmem>> -> memref<128x128xf32, #tpu.memory_space<vmem>>
      tpu.enqueue_dma source(%dma_start3A_125 : memref<128x128xf32, #tpu.memory_space<vmem>>) target(%dma_start3A_121 : memref<128x128xf32, #tpu.memory_space<vmem_shared>>) target_semaphore(%run_scoped3A_113 : memref<!tpu.dma_semaphore, #tpu.memory_space<semaphore_mem>>)
      %dma_wait3A_126 = arith.constant 0 : i32
      %dma_wait3A_127 = arith.constant 0 : i32
      %dma_wait3A_128 = tpu.memref_slice %arg8[%run_scoped3A, %dma_wait3A_126, %dma_wait3A_127] : memref<2x128x128xf32, #tpu.memory_space<vmem>> -> memref<1x128x128xf32, #tpu.memory_space<vmem>>
      %dma_wait3A_129 = tpu.memref_squeeze %dma_wait3A_128 : memref<1x128x128xf32, #tpu.memory_space<vmem>> -> memref<128x128xf32, #tpu.memory_space<vmem>>
      %dma_wait3A_130 = arith.constant 0 : i32
      %dma_wait3A_131 = tpu.memref_slice %arg11[%add3A_10, %dma_wait3A_130] : memref<10240x128xf32, #tpu.memory_space<vmem_shared>> -> memref<128x128xf32, #tpu.memory_space<vmem_shared>>
      %dma_wait3A_132 = arith.constant 0 : i32
      %dma_wait3A_133 = tpu.memref_slice %arg11[%add3A_10, %dma_wait3A_132] : memref<10240x128xf32, #tpu.memory_space<vmem_shared>> -> memref<128x128xf32, #tpu.memory_space<vmem_shared>>
      %dma_wait3A_134 = arith.constant 0 : i32
      %dma_wait3A_135 = arith.constant 0 : i32
      %dma_wait3A_136 = tpu.memref_slice %arg8[%run_scoped3A, %dma_wait3A_134, %dma_wait3A_135] : memref<2x128x128xf32, #tpu.memory_space<vmem>> -> memref<1x128x128xf32, #tpu.memory_space<vmem>>
      %dma_wait3A_137 = tpu.memref_squeeze %dma_wait3A_136 : memref<1x128x128xf32, #tpu.memory_space<vmem>> -> memref<128x128xf32, #tpu.memory_space<vmem>>
      tpu.wait_dma2 semaphore(%run_scoped3A_113 : memref<!tpu.dma_semaphore, #tpu.memory_space<semaphore_mem>>) src(%dma_wait3A_137 : memref<128x128xf32, #tpu.memory_space<vmem>>) dst(%dma_wait3A_133 : memref<128x128xf32, #tpu.memory_space<vmem_shared>>)
      tpu.yield
    }) : () -> ()
    %mul3A_11 = arith.constant 640 : i32
    %mul3A_12 = arith.muli %arg1, %mul3A_11 : i32
    %add3A_13 = arith.constant 128 : i32
    %add3A_14 = arith.addi %mul3A_12, %add3A_13 : i32
    %run_scoped3A_15 = arith.constant 0 : i32
    "tpu.region"() ({
      %run_scoped3A_113 = tpu.sem_alloc : memref<!tpu.dma_semaphore, #tpu.memory_space<semaphore_mem>>
      %dma_start3A_114 = arith.constant 0 : i32
      %dma_start3A_115 = arith.constant 0 : i32
      %dma_start3A_116 = tpu.memref_slice %arg8[%run_scoped3A_15, %dma_start3A_114, %dma_start3A_115] : memref<2x128x128xf32, #tpu.memory_space<vmem>> -> memref<1x128x128xf32, #tpu.memory_space<vmem>>
      %dma_start3A_117 = tpu.memref_squeeze %dma_start3A_116 : memref<1x128x128xf32, #tpu.memory_space<vmem>> -> memref<128x128xf32, #tpu.memory_space<vmem>>
      %dma_start3A_118 = arith.constant 0 : i32
      %dma_start3A_119 = tpu.memref_slice %arg11[%add3A_14, %dma_start3A_118] : memref<10240x128xf32, #tpu.memory_space<vmem_shared>> -> memref<128x128xf32, #tpu.memory_space<vmem_shared>>
      %dma_start3A_120 = arith.constant 0 : i32
      %dma_start3A_121 = tpu.memref_slice %arg11[%add3A_14, %dma_start3A_120] : memref<10240x128xf32, #tpu.memory_space<vmem_shared>> -> memref<128x128xf32, #tpu.memory_space<vmem_shared>>
      %dma_start3A_122 = arith.constant 0 : i32
      %dma_start3A_123 = arith.constant 0 : i32
      %dma_start3A_124 = tpu.memref_slice %arg8[%run_scoped3A_15, %dma_start3A_122, %dma_start3A_123] : memref<2x128x128xf32, #tpu.memory_space<vmem>> -> memref<1x128x128xf32, #tpu.memory_space<vmem>>
      %dma_start3A_125 = tpu.memref_squeeze %dma_start3A_124 : memref<1x128x128xf32, #tpu.memory_space<vmem>> -> memref<128x128xf32, #tpu.memory_space<vmem>>
      tpu.enqueue_dma source(%dma_start3A_125 : memref<128x128xf32, #tpu.memory_space<vmem>>) target(%dma_start3A_121 : memref<128x128xf32, #tpu.memory_space<vmem_shared>>) target_semaphore(%run_scoped3A_113 : memref<!tpu.dma_semaphore, #tpu.memory_space<semaphore_mem>>)
      %dma_wait3A_126 = arith.constant 0 : i32
      %dma_wait3A_127 = arith.constant 0 : i32
      %dma_wait3A_128 = tpu.memref_slice %arg8[%run_scoped3A_15, %dma_wait3A_126, %dma_wait3A_127] : memref<2x128x128xf32, #tpu.memory_space<vmem>> -> memref<1x128x128xf32, #tpu.memory_space<vmem>>
      %dma_wait3A_129 = tpu.memref_squeeze %dma_wait3A_128 : memref<1x128x128xf32, #tpu.memory_space<vmem>> -> memref<128x128xf32, #tpu.memory_space<vmem>>
      %dma_wait3A_130 = arith.constant 0 : i32
      %dma_wait3A_131 = tpu.memref_slice %arg11[%add3A_14, %dma_wait3A_130] : memref<10240x128xf32, #tpu.memory_space<vmem_shared>> -> memref<128x128xf32, #tpu.memory_space<vmem_shared>>
      %dma_wait3A_132 = arith.constant 0 : i32
      %dma_wait3A_133 = tpu.memref_slice %arg11[%add3A_14, %dma_wait3A_132] : memref<10240x128xf32, #tpu.memory_space<vmem_shared>> -> memref<128x128xf32, #tpu.memory_space<vmem_shared>>
      %dma_wait3A_134 = arith.constant 0 : i32
      %dma_wait3A_135 = arith.constant 0 : i32
      %dma_wait3A_136 = tpu.memref_slice %arg8[%run_scoped3A_15, %dma_wait3A_134, %dma_wait3A_135] : memref<2x128x128xf32, #tpu.memory_space<vmem>> -> memref<1x128x128xf32, #tpu.memory_space<vmem>>
      %dma_wait3A_137 = tpu.memref_squeeze %dma_wait3A_136 : memref<1x128x128xf32, #tpu.memory_space<vmem>> -> memref<128x128xf32, #tpu.memory_space<vmem>>
      tpu.wait_dma2 semaphore(%run_scoped3A_113 : memref<!tpu.dma_semaphore, #tpu.memory_space<semaphore_mem>>) src(%dma_wait3A_137 : memref<128x128xf32, #tpu.memory_space<vmem>>) dst(%dma_wait3A_133 : memref<128x128xf32, #tpu.memory_space<vmem_shared>>)
      tpu.yield
    }) : () -> ()
    %mul3A_16 = arith.constant 640 : i32
    %mul3A_17 = arith.muli %arg1, %mul3A_16 : i32
    %add3A_18 = arith.constant 256 : i32
    %add3A_19 = arith.addi %mul3A_17, %add3A_18 : i32
    %run_scoped3A_20 = arith.constant 0 : i32
    "tpu.region"() ({
      %run_scoped3A_113 = tpu.sem_alloc : memref<!tpu.dma_semaphore, #tpu.memory_space<semaphore_mem>>
      %dma_start3A_114 = arith.constant 0 : i32
      %dma_start3A_115 = arith.constant 0 : i32
      %dma_start3A_116 = tpu.memref_slice %arg8[%run_scoped3A_20, %dma_start3A_114, %dma_start3A_115] : memref<2x128x128xf32, #tpu.memory_space<vmem>> -> memref<1x128x128xf32, #tpu.memory_space<vmem>>
      %dma_start3A_117 = tpu.memref_squeeze %dma_start3A_116 : memref<1x128x128xf32, #tpu.memory_space<vmem>> -> memref<128x128xf32, #tpu.memory_space<vmem>>
      %dma_start3A_118 = arith.constant 0 : i32
      %dma_start3A_119 = tpu.memref_slice %arg11[%add3A_19, %dma_start3A_118] : memref<10240x128xf32, #tpu.memory_space<vmem_shared>> -> memref<128x128xf32, #tpu.memory_space<vmem_shared>>
      %dma_start3A_120 = arith.constant 0 : i32
      %dma_start3A_121 = tpu.memref_slice %arg11[%add3A_19, %dma_start3A_120] : memref<10240x128xf32, #tpu.memory_space<vmem_shared>> -> memref<128x128xf32, #tpu.memory_space<vmem_shared>>
      %dma_start3A_122 = arith.constant 0 : i32
      %dma_start3A_123 = arith.constant 0 : i32
      %dma_start3A_124 = tpu.memref_slice %arg8[%run_scoped3A_20, %dma_start3A_122, %dma_start3A_123] : memref<2x128x128xf32, #tpu.memory_space<vmem>> -> memref<1x128x128xf32, #tpu.memory_space<vmem>>
      %dma_start3A_125 = tpu.memref_squeeze %dma_start3A_124 : memref<1x128x128xf32, #tpu.memory_space<vmem>> -> memref<128x128xf32, #tpu.memory_space<vmem>>
      tpu.enqueue_dma source(%dma_start3A_125 : memref<128x128xf32, #tpu.memory_space<vmem>>) target(%dma_start3A_121 : memref<128x128xf32, #tpu.memory_space<vmem_shared>>) target_semaphore(%run_scoped3A_113 : memref<!tpu.dma_semaphore, #tpu.memory_space<semaphore_mem>>)
      %dma_wait3A_126 = arith.constant 0 : i32
      %dma_wait3A_127 = arith.constant 0 : i32
      %dma_wait3A_128 = tpu.memref_slice %arg8[%run_scoped3A_20, %dma_wait3A_126, %dma_wait3A_127] : memref<2x128x128xf32, #tpu.memory_space<vmem>> -> memref<1x128x128xf32, #tpu.memory_space<vmem>>
      %dma_wait3A_129 = tpu.memref_squeeze %dma_wait3A_128 : memref<1x128x128xf32, #tpu.memory_space<vmem>> -> memref<128x128xf32, #tpu.memory_space<vmem>>
      %dma_wait3A_130 = arith.constant 0 : i32
      %dma_wait3A_131 = tpu.memref_slice %arg11[%add3A_19, %dma_wait3A_130] : memref<10240x128xf32, #tpu.memory_space<vmem_shared>> -> memref<128x128xf32, #tpu.memory_space<vmem_shared>>
      %dma_wait3A_132 = arith.constant 0 : i32
      %dma_wait3A_133 = tpu.memref_slice %arg11[%add3A_19, %dma_wait3A_132] : memref<10240x128xf32, #tpu.memory_space<vmem_shared>> -> memref<128x128xf32, #tpu.memory_space<vmem_shared>>
      %dma_wait3A_134 = arith.constant 0 : i32
      %dma_wait3A_135 = arith.constant 0 : i32
      %dma_wait3A_136 = tpu.memref_slice %arg8[%run_scoped3A_20, %dma_wait3A_134, %dma_wait3A_135] : memref<2x128x128xf32, #tpu.memory_space<vmem>> -> memref<1x128x128xf32, #tpu.memory_space<vmem>>
      %dma_wait3A_137 = tpu.memref_squeeze %dma_wait3A_136 : memref<1x128x128xf32, #tpu.memory_space<vmem>> -> memref<128x128xf32, #tpu.memory_space<vmem>>
      tpu.wait_dma2 semaphore(%run_scoped3A_113 : memref<!tpu.dma_semaphore, #tpu.memory_space<semaphore_mem>>) src(%dma_wait3A_137 : memref<128x128xf32, #tpu.memory_space<vmem>>) dst(%dma_wait3A_133 : memref<128x128xf32, #tpu.memory_space<vmem_shared>>)
      tpu.yield
    }) : () -> ()
    %mul3A_21 = arith.constant 640 : i32
    %mul3A_22 = arith.muli %arg1, %mul3A_21 : i32
    %add3A_23 = arith.constant 384 : i32
    %add3A_24 = arith.addi %mul3A_22, %add3A_23 : i32
    %run_scoped3A_25 = arith.constant 0 : i32
    "tpu.region"() ({
      %run_scoped3A_113 = tpu.sem_alloc : memref<!tpu.dma_semaphore, #tpu.memory_space<semaphore_mem>>
      %dma_start3A_114 = arith.constant 0 : i32
      %dma_start3A_115 = arith.constant 0 : i32
      %dma_start3A_116 = tpu.memref_slice %arg8[%run_scoped3A_25, %dma_start3A_114, %dma_start3A_115] : memref<2x128x128xf32, #tpu.memory_space<vmem>> -> memref<1x128x128xf32, #tpu.memory_space<vmem>>
      %dma_start3A_117 = tpu.memref_squeeze %dma_start3A_116 : memref<1x128x128xf32, #tpu.memory_space<vmem>> -> memref<128x128xf32, #tpu.memory_space<vmem>>
      %dma_start3A_118 = arith.constant 0 : i32
      %dma_start3A_119 = tpu.memref_slice %arg11[%add3A_24, %dma_start3A_118] : memref<10240x128xf32, #tpu.memory_space<vmem_shared>> -> memref<128x128xf32, #tpu.memory_space<vmem_shared>>
      %dma_start3A_120 = arith.constant 0 : i32
      %dma_start3A_121 = tpu.memref_slice %arg11[%add3A_24, %dma_start3A_120] : memref<10240x128xf32, #tpu.memory_space<vmem_shared>> -> memref<128x128xf32, #tpu.memory_space<vmem_shared>>
      %dma_start3A_122 = arith.constant 0 : i32
      %dma_start3A_123 = arith.constant 0 : i32
      %dma_start3A_124 = tpu.memref_slice %arg8[%run_scoped3A_25, %dma_start3A_122, %dma_start3A_123] : memref<2x128x128xf32, #tpu.memory_space<vmem>> -> memref<1x128x128xf32, #tpu.memory_space<vmem>>
      %dma_start3A_125 = tpu.memref_squeeze %dma_start3A_124 : memref<1x128x128xf32, #tpu.memory_space<vmem>> -> memref<128x128xf32, #tpu.memory_space<vmem>>
      tpu.enqueue_dma source(%dma_start3A_125 : memref<128x128xf32, #tpu.memory_space<vmem>>) target(%dma_start3A_121 : memref<128x128xf32, #tpu.memory_space<vmem_shared>>) target_semaphore(%run_scoped3A_113 : memref<!tpu.dma_semaphore, #tpu.memory_space<semaphore_mem>>)
      %dma_wait3A_126 = arith.constant 0 : i32
      %dma_wait3A_127 = arith.constant 0 : i32
      %dma_wait3A_128 = tpu.memref_slice %arg8[%run_scoped3A_25, %dma_wait3A_126, %dma_wait3A_127] : memref<2x128x128xf32, #tpu.memory_space<vmem>> -> memref<1x128x128xf32, #tpu.memory_space<vmem>>
      %dma_wait3A_129 = tpu.memref_squeeze %dma_wait3A_128 : memref<1x128x128xf32, #tpu.memory_space<vmem>> -> memref<128x128xf32, #tpu.memory_space<vmem>>
      %dma_wait3A_130 = arith.constant 0 : i32
      %dma_wait3A_131 = tpu.memref_slice %arg11[%add3A_24, %dma_wait3A_130] : memref<10240x128xf32, #tpu.memory_space<vmem_shared>> -> memref<128x128xf32, #tpu.memory_space<vmem_shared>>
      %dma_wait3A_132 = arith.constant 0 : i32
      %dma_wait3A_133 = tpu.memref_slice %arg11[%add3A_24, %dma_wait3A_132] : memref<10240x128xf32, #tpu.memory_space<vmem_shared>> -> memref<128x128xf32, #tpu.memory_space<vmem_shared>>
      %dma_wait3A_134 = arith.constant 0 : i32
      %dma_wait3A_135 = arith.constant 0 : i32
      %dma_wait3A_136 = tpu.memref_slice %arg8[%run_scoped3A_25, %dma_wait3A_134, %dma_wait3A_135] : memref<2x128x128xf32, #tpu.memory_space<vmem>> -> memref<1x128x128xf32, #tpu.memory_space<vmem>>
      %dma_wait3A_137 = tpu.memref_squeeze %dma_wait3A_136 : memref<1x128x128xf32, #tpu.memory_space<vmem>> -> memref<128x128xf32, #tpu.memory_space<vmem>>
      tpu.wait_dma2 semaphore(%run_scoped3A_113 : memref<!tpu.dma_semaphore, #tpu.memory_space<semaphore_mem>>) src(%dma_wait3A_137 : memref<128x128xf32, #tpu.memory_space<vmem>>) dst(%dma_wait3A_133 : memref<128x128xf32, #tpu.memory_space<vmem_shared>>)
      tpu.yield
    }) : () -> ()
    %mul3A_26 = arith.constant 640 : i32
    %mul3A_27 = arith.muli %arg1, %mul3A_26 : i32
    %add3A_28 = arith.constant 512 : i32
    %add3A_29 = arith.addi %mul3A_27, %add3A_28 : i32
    %run_scoped3A_30 = arith.constant 0 : i32
    "tpu.region"() ({
      %run_scoped3A_113 = tpu.sem_alloc : memref<!tpu.dma_semaphore, #tpu.memory_space<semaphore_mem>>
      %dma_start3A_114 = arith.constant 0 : i32
      %dma_start3A_115 = arith.constant 0 : i32
      %dma_start3A_116 = tpu.memref_slice %arg8[%run_scoped3A_30, %dma_start3A_114, %dma_start3A_115] : memref<2x128x128xf32, #tpu.memory_space<vmem>> -> memref<1x128x128xf32, #tpu.memory_space<vmem>>
      %dma_start3A_117 = tpu.memref_squeeze %dma_start3A_116 : memref<1x128x128xf32, #tpu.memory_space<vmem>> -> memref<128x128xf32, #tpu.memory_space<vmem>>
      %dma_start3A_118 = arith.constant 0 : i32
      %dma_start3A_119 = tpu.memref_slice %arg11[%add3A_29, %dma_start3A_118] : memref<10240x128xf32, #tpu.memory_space<vmem_shared>> -> memref<128x128xf32, #tpu.memory_space<vmem_shared>>
      %dma_start3A_120 = arith.constant 0 : i32
      %dma_start3A_121 = tpu.memref_slice %arg11[%add3A_29, %dma_start3A_120] : memref<10240x128xf32, #tpu.memory_space<vmem_shared>> -> memref<128x128xf32, #tpu.memory_space<vmem_shared>>
      %dma_start3A_122 = arith.constant 0 : i32
      %dma_start3A_123 = arith.constant 0 : i32
      %dma_start3A_124 = tpu.memref_slice %arg8[%run_scoped3A_30, %dma_start3A_122, %dma_start3A_123] : memref<2x128x128xf32, #tpu.memory_space<vmem>> -> memref<1x128x128xf32, #tpu.memory_space<vmem>>
      %dma_start3A_125 = tpu.memref_squeeze %dma_start3A_124 : memref<1x128x128xf32, #tpu.memory_space<vmem>> -> memref<128x128xf32, #tpu.memory_space<vmem>>
      tpu.enqueue_dma source(%dma_start3A_125 : memref<128x128xf32, #tpu.memory_space<vmem>>) target(%dma_start3A_121 : memref<128x128xf32, #tpu.memory_space<vmem_shared>>) target_semaphore(%run_scoped3A_113 : memref<!tpu.dma_semaphore, #tpu.memory_space<semaphore_mem>>)
      %dma_wait3A_126 = arith.constant 0 : i32
      %dma_wait3A_127 = arith.constant 0 : i32
      %dma_wait3A_128 = tpu.memref_slice %arg8[%run_scoped3A_30, %dma_wait3A_126, %dma_wait3A_127] : memref<2x128x128xf32, #tpu.memory_space<vmem>> -> memref<1x128x128xf32, #tpu.memory_space<vmem>>
      %dma_wait3A_129 = tpu.memref_squeeze %dma_wait3A_128 : memref<1x128x128xf32, #tpu.memory_space<vmem>> -> memref<128x128xf32, #tpu.memory_space<vmem>>
      %dma_wait3A_130 = arith.constant 0 : i32
      %dma_wait3A_131 = tpu.memref_slice %arg11[%add3A_29, %dma_wait3A_130] : memref<10240x128xf32, #tpu.memory_space<vmem_shared>> -> memref<128x128xf32, #tpu.memory_space<vmem_shared>>
      %dma_wait3A_132 = arith.constant 0 : i32
      %dma_wait3A_133 = tpu.memref_slice %arg11[%add3A_29, %dma_wait3A_132] : memref<10240x128xf32, #tpu.memory_space<vmem_shared>> -> memref<128x128xf32, #tpu.memory_space<vmem_shared>>
      %dma_wait3A_134 = arith.constant 0 : i32
      %dma_wait3A_135 = arith.constant 0 : i32
      %dma_wait3A_136 = tpu.memref_slice %arg8[%run_scoped3A_30, %dma_wait3A_134, %dma_wait3A_135] : memref<2x128x128xf32, #tpu.memory_space<vmem>> -> memref<1x128x128xf32, #tpu.memory_space<vmem>>
      %dma_wait3A_137 = tpu.memref_squeeze %dma_wait3A_136 : memref<1x128x128xf32, #tpu.memory_space<vmem>> -> memref<128x128xf32, #tpu.memory_space<vmem>>
      tpu.wait_dma2 semaphore(%run_scoped3A_113 : memref<!tpu.dma_semaphore, #tpu.memory_space<semaphore_mem>>) src(%dma_wait3A_137 : memref<128x128xf32, #tpu.memory_space<vmem>>) dst(%dma_wait3A_133 : memref<128x128xf32, #tpu.memory_space<vmem_shared>>)
      tpu.yield
    }) : () -> ()
    %barrier3A = arith.constant 0 : index
    tpu.barrier barrier_id(%barrier3A)
    %mul3A_31 = arith.constant 10240 : i32
    %mul3A_32 = arith.muli %add3A, %mul3A_31 : i32
    %add3A_33 = arith.constant 0 : i32
    %add3A_34 = arith.addi %mul3A_32, %add3A_33 : i32
    %run_scoped3A_35 = arith.constant 0 : i32
    "tpu.region"() ({
      %run_scoped3A_113 = tpu.sem_alloc : memref<!tpu.dma_semaphore, #tpu.memory_space<semaphore_mem>>
      %dma_start3A_114 = arith.constant 0 : i32
      %dma_start3A_115 = tpu.memref_slice %arg6[%run_scoped3A_35, %dma_start3A_114] : memref<2x128xi32, #tpu.memory_space<vmem>> -> memref<1x128xi32, #tpu.memory_space<vmem>>
      %dma_start3A_116 = tpu.memref_squeeze %dma_start3A_115 : memref<1x128xi32, #tpu.memory_space<vmem>> -> memref<128xi32, #tpu.memory_space<vmem>>
      %dma_start3A_117 = tpu.memref_slice %arg3[%add3A_34] : memref<327680xi32, #tpu.memory_space<hbm>> -> memref<128xi32, #tpu.memory_space<hbm>>
      %dma_start3A_118 = arith.constant 0 : i32
      %dma_start3A_119 = tpu.memref_slice %arg6[%run_scoped3A_35, %dma_start3A_118] : memref<2x128xi32, #tpu.memory_space<vmem>> -> memref<1x128xi32, #tpu.memory_space<vmem>>
      %dma_start3A_120 = tpu.memref_squeeze %dma_start3A_119 : memref<1x128xi32, #tpu.memory_space<vmem>> -> memref<128xi32, #tpu.memory_space<vmem>>
      %dma_start3A_121 = tpu.memref_slice %arg3[%add3A_34] : memref<327680xi32, #tpu.memory_space<hbm>> -> memref<128xi32, #tpu.memory_space<hbm>>
      tpu.enqueue_dma source(%dma_start3A_121 : memref<128xi32, #tpu.memory_space<hbm>>) target(%dma_start3A_120 : memref<128xi32, #tpu.memory_space<vmem>>) target_semaphore(%run_scoped3A_113 : memref<!tpu.dma_semaphore, #tpu.memory_space<semaphore_mem>>)
      %dma_wait3A_122 = arith.constant 0 : i32
      %dma_wait3A_123 = tpu.memref_slice %arg6[%run_scoped3A_35, %dma_wait3A_122] : memref<2x128xi32, #tpu.memory_space<vmem>> -> memref<1x128xi32, #tpu.memory_space<vmem>>
      %dma_wait3A_124 = tpu.memref_squeeze %dma_wait3A_123 : memref<1x128xi32, #tpu.memory_space<vmem>> -> memref<128xi32, #tpu.memory_space<vmem>>
      %dma_wait3A_125 = tpu.memref_slice %arg3[%add3A_34] : memref<327680xi32, #tpu.memory_space<hbm>> -> memref<128xi32, #tpu.memory_space<hbm>>
      %dma_wait3A_126 = arith.constant 0 : i32
      %dma_wait3A_127 = tpu.memref_slice %arg6[%run_scoped3A_35, %dma_wait3A_126] : memref<2x128xi32, #tpu.memory_space<vmem>> -> memref<1x128xi32, #tpu.memory_space<vmem>>
      %dma_wait3A_128 = tpu.memref_squeeze %dma_wait3A_127 : memref<1x128xi32, #tpu.memory_space<vmem>> -> memref<128xi32, #tpu.memory_space<vmem>>
      %dma_wait3A_129 = tpu.memref_slice %arg3[%add3A_34] : memref<327680xi32, #tpu.memory_space<hbm>> -> memref<128xi32, #tpu.memory_space<hbm>>
      tpu.wait_dma2 semaphore(%run_scoped3A_113 : memref<!tpu.dma_semaphore, #tpu.memory_space<semaphore_mem>>) src(%dma_wait3A_129 : memref<128xi32, #tpu.memory_space<hbm>>) dst(%dma_wait3A_128 : memref<128xi32, #tpu.memory_space<vmem>>)
      tpu.yield
    }) : () -> ()
    %run_scoped3A_36 = arith.constant 0 : i32
    "tpu.region"() ({
      %run_scoped3A_113 = tpu.sem_alloc : memref<!tpu.dma_semaphore, #tpu.memory_space<semaphore_mem>>
      %dma_start3A_114 = arith.constant 0 : i32
      %dma_start3A_115 = tpu.memref_slice %arg7[%run_scoped3A_36, %dma_start3A_114] : memref<2x128xi32, #tpu.memory_space<vmem>> -> memref<1x128xi32, #tpu.memory_space<vmem>>
      %dma_start3A_116 = tpu.memref_squeeze %dma_start3A_115 : memref<1x128xi32, #tpu.memory_space<vmem>> -> memref<128xi32, #tpu.memory_space<vmem>>
      %dma_start3A_117 = tpu.memref_slice %arg4[%add3A_34] : memref<327680xi32, #tpu.memory_space<hbm>> -> memref<128xi32, #tpu.memory_space<hbm>>
      %dma_start3A_118 = arith.constant 0 : i32
      %dma_start3A_119 = tpu.memref_slice %arg7[%run_scoped3A_36, %dma_start3A_118] : memref<2x128xi32, #tpu.memory_space<vmem>> -> memref<1x128xi32, #tpu.memory_space<vmem>>
      %dma_start3A_120 = tpu.memref_squeeze %dma_start3A_119 : memref<1x128xi32, #tpu.memory_space<vmem>> -> memref<128xi32, #tpu.memory_space<vmem>>
      %dma_start3A_121 = tpu.memref_slice %arg4[%add3A_34] : memref<327680xi32, #tpu.memory_space<hbm>> -> memref<128xi32, #tpu.memory_space<hbm>>
      tpu.enqueue_dma source(%dma_start3A_121 : memref<128xi32, #tpu.memory_space<hbm>>) target(%dma_start3A_120 : memref<128xi32, #tpu.memory_space<vmem>>) target_semaphore(%run_scoped3A_113 : memref<!tpu.dma_semaphore, #tpu.memory_space<semaphore_mem>>)
      %dma_wait3A_122 = arith.constant 0 : i32
      %dma_wait3A_123 = tpu.memref_slice %arg7[%run_scoped3A_36, %dma_wait3A_122] : memref<2x128xi32, #tpu.memory_space<vmem>> -> memref<1x128xi32, #tpu.memory_space<vmem>>
      %dma_wait3A_124 = tpu.memref_squeeze %dma_wait3A_123 : memref<1x128xi32, #tpu.memory_space<vmem>> -> memref<128xi32, #tpu.memory_space<vmem>>
      %dma_wait3A_125 = tpu.memref_slice %arg4[%add3A_34] : memref<327680xi32, #tpu.memory_space<hbm>> -> memref<128xi32, #tpu.memory_space<hbm>>
      %dma_wait3A_126 = arith.constant 0 : i32
      %dma_wait3A_127 = tpu.memref_slice %arg7[%run_scoped3A_36, %dma_wait3A_126] : memref<2x128xi32, #tpu.memory_space<vmem>> -> memref<1x128xi32, #tpu.memory_space<vmem>>
      %dma_wait3A_128 = tpu.memref_squeeze %dma_wait3A_127 : memref<1x128xi32, #tpu.memory_space<vmem>> -> memref<128xi32, #tpu.memory_space<vmem>>
      %dma_wait3A_129 = tpu.memref_slice %arg4[%add3A_34] : memref<327680xi32, #tpu.memory_space<hbm>> -> memref<128xi32, #tpu.memory_space<hbm>>
      tpu.wait_dma2 semaphore(%run_scoped3A_113 : memref<!tpu.dma_semaphore, #tpu.memory_space<semaphore_mem>>) src(%dma_wait3A_129 : memref<128xi32, #tpu.memory_space<hbm>>) dst(%dma_wait3A_128 : memref<128xi32, #tpu.memory_space<vmem>>)
      tpu.yield
    }) : () -> ()
    %dma_start3A = arith.constant 0 : i32
    %dma_start3A_37 = arith.constant 0 : i32
    %dma_start3A_38 = arith.constant 0 : i32
    %dma_start3A_39 = arith.constant 0 : i32
    %dma_start3A_40 = arith.constant 0 : i32
    %dma_start3A_41 = tpu.memref_slice %arg8[%dma_start3A_37, %dma_start3A_39, %dma_start3A_40] : memref<2x128x128xf32, #tpu.memory_space<vmem>> -> memref<1x128x128xf32, #tpu.memory_space<vmem>>
    %dma_start3A_42 = tpu.memref_squeeze %dma_start3A_41 : memref<1x128x128xf32, #tpu.memory_space<vmem>> -> memref<128x128xf32, #tpu.memory_space<vmem>>
    %dma_start3A_43 = arith.constant 0 : i32
    %dma_start3A_44 = tpu.memref_slice %arg6[%dma_start3A, %dma_start3A_43] : memref<2x128xi32, #tpu.memory_space<vmem>> -> memref<1x128xi32, #tpu.memory_space<vmem>>
    %dma_start3A_45 = tpu.memref_squeeze %dma_start3A_44 : memref<1x128xi32, #tpu.memory_space<vmem>> -> memref<128xi32, #tpu.memory_space<vmem>>
    %dma_start3A_46 = arith.constant 0 : i32
    %dma_start3A_47 = arith.constant 0 : i32
    %dma_start3A_48 = tpu.memref_slice %arg2[%dma_start3A_46, %dma_start3A_47] : memref<10000x128xf32, #tpu.memory_space<hbm>> -> memref<10000x128xf32, #tpu.memory_space<hbm>>
    %dma_start3A_49 = tpu.memref_slice %arg9[%dma_start3A_38] : memref<2x!tpu.dma_semaphore, #tpu.memory_space<semaphore_mem>> -> memref<1x!tpu.dma_semaphore, #tpu.memory_space<semaphore_mem>>
    %dma_start3A_50 = tpu.memref_squeeze %dma_start3A_49 : memref<1x!tpu.dma_semaphore, #tpu.memory_space<semaphore_mem>> -> memref<!tpu.dma_semaphore, #tpu.memory_space<semaphore_mem>>
    tpu.enqueue_indirect_dma source(%dma_start3A_48 : memref<10000x128xf32, #tpu.memory_space<hbm>>) target(%dma_start3A_42 : memref<128x128xf32, #tpu.memory_space<vmem>>) offsets(%dma_start3A_45 : memref<128xi32, #tpu.memory_space<vmem>>) semaphore(%dma_start3A_50 : memref<!tpu.dma_semaphore, #tpu.memory_space<semaphore_mem>>)
    %mul3A_51 = arith.constant 10240 : i32
    %mul3A_52 = arith.muli %add3A, %mul3A_51 : i32
    %add3A_53 = arith.constant 128 : i32
    %add3A_54 = arith.addi %mul3A_52, %add3A_53 : i32
    %run_scoped3A_55 = arith.constant 1 : i32
    "tpu.region"() ({
      %run_scoped3A_113 = tpu.sem_alloc : memref<!tpu.dma_semaphore, #tpu.memory_space<semaphore_mem>>
      %dma_start3A_114 = arith.constant 0 : i32
      %dma_start3A_115 = tpu.memref_slice %arg6[%run_scoped3A_55, %dma_start3A_114] : memref<2x128xi32, #tpu.memory_space<vmem>> -> memref<1x128xi32, #tpu.memory_space<vmem>>
      %dma_start3A_116 = tpu.memref_squeeze %dma_start3A_115 : memref<1x128xi32, #tpu.memory_space<vmem>> -> memref<128xi32, #tpu.memory_space<vmem>>
      %dma_start3A_117 = tpu.memref_slice %arg3[%add3A_54] : memref<327680xi32, #tpu.memory_space<hbm>> -> memref<128xi32, #tpu.memory_space<hbm>>
      %dma_start3A_118 = arith.constant 0 : i32
      %dma_start3A_119 = tpu.memref_slice %arg6[%run_scoped3A_55, %dma_start3A_118] : memref<2x128xi32, #tpu.memory_space<vmem>> -> memref<1x128xi32, #tpu.memory_space<vmem>>
      %dma_start3A_120 = tpu.memref_squeeze %dma_start3A_119 : memref<1x128xi32, #tpu.memory_space<vmem>> -> memref<128xi32, #tpu.memory_space<vmem>>
      %dma_start3A_121 = tpu.memref_slice %arg3[%add3A_54] : memref<327680xi32, #tpu.memory_space<hbm>> -> memref<128xi32, #tpu.memory_space<hbm>>
      tpu.enqueue_dma source(%dma_start3A_121 : memref<128xi32, #tpu.memory_space<hbm>>) target(%dma_start3A_120 : memref<128xi32, #tpu.memory_space<vmem>>) target_semaphore(%run_scoped3A_113 : memref<!tpu.dma_semaphore, #tpu.memory_space<semaphore_mem>>)
      %dma_wait3A_122 = arith.constant 0 : i32
      %dma_wait3A_123 = tpu.memref_slice %arg6[%run_scoped3A_55, %dma_wait3A_122] : memref<2x128xi32, #tpu.memory_space<vmem>> -> memref<1x128xi32, #tpu.memory_space<vmem>>
      %dma_wait3A_124 = tpu.memref_squeeze %dma_wait3A_123 : memref<1x128xi32, #tpu.memory_space<vmem>> -> memref<128xi32, #tpu.memory_space<vmem>>
      %dma_wait3A_125 = tpu.memref_slice %arg3[%add3A_54] : memref<327680xi32, #tpu.memory_space<hbm>> -> memref<128xi32, #tpu.memory_space<hbm>>
      %dma_wait3A_126 = arith.constant 0 : i32
      %dma_wait3A_127 = tpu.memref_slice %arg6[%run_scoped3A_55, %dma_wait3A_126] : memref<2x128xi32, #tpu.memory_space<vmem>> -> memref<1x128xi32, #tpu.memory_space<vmem>>
      %dma_wait3A_128 = tpu.memref_squeeze %dma_wait3A_127 : memref<1x128xi32, #tpu.memory_space<vmem>> -> memref<128xi32, #tpu.memory_space<vmem>>
      %dma_wait3A_129 = tpu.memref_slice %arg3[%add3A_54] : memref<327680xi32, #tpu.memory_space<hbm>> -> memref<128xi32, #tpu.memory_space<hbm>>
      tpu.wait_dma2 semaphore(%run_scoped3A_113 : memref<!tpu.dma_semaphore, #tpu.memory_space<semaphore_mem>>) src(%dma_wait3A_129 : memref<128xi32, #tpu.memory_space<hbm>>) dst(%dma_wait3A_128 : memref<128xi32, #tpu.memory_space<vmem>>)
      tpu.yield
    }) : () -> ()
    %run_scoped3A_56 = arith.constant 1 : i32
    "tpu.region"() ({
      %run_scoped3A_113 = tpu.sem_alloc : memref<!tpu.dma_semaphore, #tpu.memory_space<semaphore_mem>>
      %dma_start3A_114 = arith.constant 0 : i32
      %dma_start3A_115 = tpu.memref_slice %arg7[%run_scoped3A_56, %dma_start3A_114] : memref<2x128xi32, #tpu.memory_space<vmem>> -> memref<1x128xi32, #tpu.memory_space<vmem>>
      %dma_start3A_116 = tpu.memref_squeeze %dma_start3A_115 : memref<1x128xi32, #tpu.memory_space<vmem>> -> memref<128xi32, #tpu.memory_space<vmem>>
      %dma_start3A_117 = tpu.memref_slice %arg4[%add3A_54] : memref<327680xi32, #tpu.memory_space<hbm>> -> memref<128xi32, #tpu.memory_space<hbm>>
      %dma_start3A_118 = arith.constant 0 : i32
      %dma_start3A_119 = tpu.memref_slice %arg7[%run_scoped3A_56, %dma_start3A_118] : memref<2x128xi32, #tpu.memory_space<vmem>> -> memref<1x128xi32, #tpu.memory_space<vmem>>
      %dma_start3A_120 = tpu.memref_squeeze %dma_start3A_119 : memref<1x128xi32, #tpu.memory_space<vmem>> -> memref<128xi32, #tpu.memory_space<vmem>>
      %dma_start3A_121 = tpu.memref_slice %arg4[%add3A_54] : memref<327680xi32, #tpu.memory_space<hbm>> -> memref<128xi32, #tpu.memory_space<hbm>>
      tpu.enqueue_dma source(%dma_start3A_121 : memref<128xi32, #tpu.memory_space<hbm>>) target(%dma_start3A_120 : memref<128xi32, #tpu.memory_space<vmem>>) target_semaphore(%run_scoped3A_113 : memref<!tpu.dma_semaphore, #tpu.memory_space<semaphore_mem>>)
      %dma_wait3A_122 = arith.constant 0 : i32
      %dma_wait3A_123 = tpu.memref_slice %arg7[%run_scoped3A_56, %dma_wait3A_122] : memref<2x128xi32, #tpu.memory_space<vmem>> -> memref<1x128xi32, #tpu.memory_space<vmem>>
      %dma_wait3A_124 = tpu.memref_squeeze %dma_wait3A_123 : memref<1x128xi32, #tpu.memory_space<vmem>> -> memref<128xi32, #tpu.memory_space<vmem>>
      %dma_wait3A_125 = tpu.memref_slice %arg4[%add3A_54] : memref<327680xi32, #tpu.memory_space<hbm>> -> memref<128xi32, #tpu.memory_space<hbm>>
      %dma_wait3A_126 = arith.constant 0 : i32
      %dma_wait3A_127 = tpu.memref_slice %arg7[%run_scoped3A_56, %dma_wait3A_126] : memref<2x128xi32, #tpu.memory_space<vmem>> -> memref<1x128xi32, #tpu.memory_space<vmem>>
      %dma_wait3A_128 = tpu.memref_squeeze %dma_wait3A_127 : memref<1x128xi32, #tpu.memory_space<vmem>> -> memref<128xi32, #tpu.memory_space<vmem>>
      %dma_wait3A_129 = tpu.memref_slice %arg4[%add3A_54] : memref<327680xi32, #tpu.memory_space<hbm>> -> memref<128xi32, #tpu.memory_space<hbm>>
      tpu.wait_dma2 semaphore(%run_scoped3A_113 : memref<!tpu.dma_semaphore, #tpu.memory_space<semaphore_mem>>) src(%dma_wait3A_129 : memref<128xi32, #tpu.memory_space<hbm>>) dst(%dma_wait3A_128 : memref<128xi32, #tpu.memory_space<vmem>>)
      tpu.yield
    }) : () -> ()
    %dma_start3A_57 = arith.constant 1 : i32
    %dma_start3A_58 = arith.constant 1 : i32
    %dma_start3A_59 = arith.constant 1 : i32
    %dma_start3A_60 = arith.constant 0 : i32
    %dma_start3A_61 = arith.constant 0 : i32
    %dma_start3A_62 = tpu.memref_slice %arg8[%dma_start3A_58, %dma_start3A_60, %dma_start3A_61] : memref<2x128x128xf32, #tpu.memory_space<vmem>> -> memref<1x128x128xf32, #tpu.memory_space<vmem>>
    %dma_start3A_63 = tpu.memref_squeeze %dma_start3A_62 : memref<1x128x128xf32, #tpu.memory_space<vmem>> -> memref<128x128xf32, #tpu.memory_space<vmem>>
    %dma_start3A_64 = arith.constant 0 : i32
    %dma_start3A_65 = tpu.memref_slice %arg6[%dma_start3A_57, %dma_start3A_64] : memref<2x128xi32, #tpu.memory_space<vmem>> -> memref<1x128xi32, #tpu.memory_space<vmem>>
    %dma_start3A_66 = tpu.memref_squeeze %dma_start3A_65 : memref<1x128xi32, #tpu.memory_space<vmem>> -> memref<128xi32, #tpu.memory_space<vmem>>
    %dma_start3A_67 = arith.constant 0 : i32
    %dma_start3A_68 = arith.constant 0 : i32
    %dma_start3A_69 = tpu.memref_slice %arg2[%dma_start3A_67, %dma_start3A_68] : memref<10000x128xf32, #tpu.memory_space<hbm>> -> memref<10000x128xf32, #tpu.memory_space<hbm>>
    %dma_start3A_70 = tpu.memref_slice %arg9[%dma_start3A_59] : memref<2x!tpu.dma_semaphore, #tpu.memory_space<semaphore_mem>> -> memref<1x!tpu.dma_semaphore, #tpu.memory_space<semaphore_mem>>
    %dma_start3A_71 = tpu.memref_squeeze %dma_start3A_70 : memref<1x!tpu.dma_semaphore, #tpu.memory_space<semaphore_mem>> -> memref<!tpu.dma_semaphore, #tpu.memory_space<semaphore_mem>>
    tpu.enqueue_indirect_dma source(%dma_start3A_69 : memref<10000x128xf32, #tpu.memory_space<hbm>>) target(%dma_start3A_63 : memref<128x128xf32, #tpu.memory_space<vmem>>) offsets(%dma_start3A_66 : memref<128xi32, #tpu.memory_space<vmem>>) semaphore(%dma_start3A_71 : memref<!tpu.dma_semaphore, #tpu.memory_space<semaphore_mem>>)
    %scan3A_72 = arith.constant 0 : i32
    %scan3A_73 = arith.constant 0 : i32
    %scan3A_74 = arith.constant 40 : i32
    %scan3A_75 = arith.addi %scan3A_73, %scan3A_74 : i32
    %scan3A_76 = arith.constant 1 : i32
    %scan3A_77 = scf.for %scan3A_113 = %scan3A_73 to %scan3A_75 step %scan3A_76 iter_args(%scan3A_114 = %scan3A_72) -> (i32)  : i32 {
      %mul3A_115 = arith.constant 2 : i32
      %mul3A_116 = arith.muli %scan3A_113, %mul3A_115 : i32
      %dma_wait3A_117 = arith.constant 0 : i32
      %dma_wait3A_118 = arith.constant 0 : i32
      %dma_wait3A_119 = arith.constant 0 : i32
      %dma_wait3A_120 = arith.constant 0 : i32
      %dma_wait3A_121 = arith.constant 0 : i32
      %dma_wait3A_122 = tpu.memref_slice %arg8[%dma_wait3A_118, %dma_wait3A_120, %dma_wait3A_121] : memref<2x128x128xf32, #tpu.memory_space<vmem>> -> memref<1x128x128xf32, #tpu.memory_space<vmem>>
      %dma_wait3A_123 = tpu.memref_squeeze %dma_wait3A_122 : memref<1x128x128xf32, #tpu.memory_space<vmem>> -> memref<128x128xf32, #tpu.memory_space<vmem>>
      %dma_wait3A_124 = arith.constant 0 : i32
      %dma_wait3A_125 = tpu.memref_slice %arg6[%dma_wait3A_117, %dma_wait3A_124] : memref<2x128xi32, #tpu.memory_space<vmem>> -> memref<1x128xi32, #tpu.memory_space<vmem>>
      %dma_wait3A_126 = tpu.memref_squeeze %dma_wait3A_125 : memref<1x128xi32, #tpu.memory_space<vmem>> -> memref<128xi32, #tpu.memory_space<vmem>>
      %dma_wait3A_127 = arith.constant 0 : i32
      %dma_wait3A_128 = arith.constant 0 : i32
      %dma_wait3A_129 = tpu.memref_slice %arg2[%dma_wait3A_127, %dma_wait3A_128] : memref<10000x128xf32, #tpu.memory_space<hbm>> -> memref<10000x128xf32, #tpu.memory_space<hbm>>
      %dma_wait3A_130 = tpu.memref_slice %arg9[%dma_wait3A_119] : memref<2x!tpu.dma_semaphore, #tpu.memory_space<semaphore_mem>> -> memref<1x!tpu.dma_semaphore, #tpu.memory_space<semaphore_mem>>
      %dma_wait3A_131 = tpu.memref_squeeze %dma_wait3A_130 : memref<1x!tpu.dma_semaphore, #tpu.memory_space<semaphore_mem>> -> memref<!tpu.dma_semaphore, #tpu.memory_space<semaphore_mem>>
      tpu.wait_indirect_dma semaphore(%dma_wait3A_131 : memref<!tpu.dma_semaphore, #tpu.memory_space<semaphore_mem>>) src(%dma_wait3A_129 : memref<10000x128xf32, #tpu.memory_space<hbm>>) dst(%dma_wait3A_123 : memref<128x128xf32, #tpu.memory_space<vmem>>)
      %dma_start3A_132 = arith.constant 0 : i32
      %dma_start3A_133 = arith.constant 0 : i32
      %dma_start3A_134 = arith.constant 0 : i32
      %dma_start3A_135 = arith.constant 0 : i32
      %dma_start3A_136 = arith.constant 0 : i32
      %dma_start3A_137 = tpu.memref_slice %arg8[%dma_start3A_132, %dma_start3A_135, %dma_start3A_136] : memref<2x128x128xf32, #tpu.memory_space<vmem>> -> memref<1x128x128xf32, #tpu.memory_space<vmem>>
      %dma_start3A_138 = tpu.memref_squeeze %dma_start3A_137 : memref<1x128x128xf32, #tpu.memory_space<vmem>> -> memref<128x128xf32, #tpu.memory_space<vmem>>
      %dma_start3A_139 = arith.constant 0 : i32
      %dma_start3A_140 = tpu.memref_slice %arg7[%dma_start3A_133, %dma_start3A_139] : memref<2x128xi32, #tpu.memory_space<vmem>> -> memref<1x128xi32, #tpu.memory_space<vmem>>
      %dma_start3A_141 = tpu.memref_squeeze %dma_start3A_140 : memref<1x128xi32, #tpu.memory_space<vmem>> -> memref<128xi32, #tpu.memory_space<vmem>>
      %dma_start3A_142 = arith.constant 0 : i32
      %dma_start3A_143 = arith.constant 0 : i32
      %dma_start3A_144 = tpu.memref_slice %arg11[%dma_start3A_142, %dma_start3A_143] : memref<10240x128xf32, #tpu.memory_space<vmem_shared>> -> memref<10240x128xf32, #tpu.memory_space<vmem_shared>>
      %dma_start3A_145 = tpu.memref_slice %arg10[%dma_start3A_134] : memref<2x!tpu.dma_semaphore, #tpu.memory_space<semaphore_mem>> -> memref<1x!tpu.dma_semaphore, #tpu.memory_space<semaphore_mem>>
      %dma_start3A_146 = tpu.memref_squeeze %dma_start3A_145 : memref<1x!tpu.dma_semaphore, #tpu.memory_space<semaphore_mem>> -> memref<!tpu.dma_semaphore, #tpu.memory_space<semaphore_mem>>
      tpu.enqueue_indirect_dma source(%dma_start3A_138 : memref<128x128xf32, #tpu.memory_space<vmem>>) target(%dma_start3A_144 : memref<10240x128xf32, #tpu.memory_space<vmem_shared>>) offsets(%dma_start3A_141 : memref<128xi32, #tpu.memory_space<vmem>>) semaphore(%dma_start3A_146 : memref<!tpu.dma_semaphore, #tpu.memory_space<semaphore_mem>>) {add = true}
      %dma_wait3A_147 = arith.constant 1 : i32
      %dma_wait3A_148 = arith.constant 1 : i32
      %dma_wait3A_149 = arith.constant 1 : i32
      %dma_wait3A_150 = arith.constant 0 : i32
      %dma_wait3A_151 = arith.constant 0 : i32
      %dma_wait3A_152 = tpu.memref_slice %arg8[%dma_wait3A_148, %dma_wait3A_150, %dma_wait3A_151] : memref<2x128x128xf32, #tpu.memory_space<vmem>> -> memref<1x128x128xf32, #tpu.memory_space<vmem>>
      %dma_wait3A_153 = tpu.memref_squeeze %dma_wait3A_152 : memref<1x128x128xf32, #tpu.memory_space<vmem>> -> memref<128x128xf32, #tpu.memory_space<vmem>>
      %dma_wait3A_154 = arith.constant 0 : i32
      %dma_wait3A_155 = tpu.memref_slice %arg6[%dma_wait3A_147, %dma_wait3A_154] : memref<2x128xi32, #tpu.memory_space<vmem>> -> memref<1x128xi32, #tpu.memory_space<vmem>>
      %dma_wait3A_156 = tpu.memref_squeeze %dma_wait3A_155 : memref<1x128xi32, #tpu.memory_space<vmem>> -> memref<128xi32, #tpu.memory_space<vmem>>
      %dma_wait3A_157 = arith.constant 0 : i32
      %dma_wait3A_158 = arith.constant 0 : i32
      %dma_wait3A_159 = tpu.memref_slice %arg2[%dma_wait3A_157, %dma_wait3A_158] : memref<10000x128xf32, #tpu.memory_space<hbm>> -> memref<10000x128xf32, #tpu.memory_space<hbm>>
      %dma_wait3A_160 = tpu.memref_slice %arg9[%dma_wait3A_149] : memref<2x!tpu.dma_semaphore, #tpu.memory_space<semaphore_mem>> -> memref<1x!tpu.dma_semaphore, #tpu.memory_space<semaphore_mem>>
      %dma_wait3A_161 = tpu.memref_squeeze %dma_wait3A_160 : memref<1x!tpu.dma_semaphore, #tpu.memory_space<semaphore_mem>> -> memref<!tpu.dma_semaphore, #tpu.memory_space<semaphore_mem>>
      tpu.wait_indirect_dma semaphore(%dma_wait3A_161 : memref<!tpu.dma_semaphore, #tpu.memory_space<semaphore_mem>>) src(%dma_wait3A_159 : memref<10000x128xf32, #tpu.memory_space<hbm>>) dst(%dma_wait3A_153 : memref<128x128xf32, #tpu.memory_space<vmem>>)
      %dma_start3A_162 = arith.constant 1 : i32
      %dma_start3A_163 = arith.constant 1 : i32
      %dma_start3A_164 = arith.constant 1 : i32
      %dma_start3A_165 = arith.constant 0 : i32
      %dma_start3A_166 = arith.constant 0 : i32
      %dma_start3A_167 = tpu.memref_slice %arg8[%dma_start3A_162, %dma_start3A_165, %dma_start3A_166] : memref<2x128x128xf32, #tpu.memory_space<vmem>> -> memref<1x128x128xf32, #tpu.memory_space<vmem>>
      %dma_start3A_168 = tpu.memref_squeeze %dma_start3A_167 : memref<1x128x128xf32, #tpu.memory_space<vmem>> -> memref<128x128xf32, #tpu.memory_space<vmem>>
      %dma_start3A_169 = arith.constant 0 : i32
      %dma_start3A_170 = tpu.memref_slice %arg7[%dma_start3A_163, %dma_start3A_169] : memref<2x128xi32, #tpu.memory_space<vmem>> -> memref<1x128xi32, #tpu.memory_space<vmem>>
      %dma_start3A_171 = tpu.memref_squeeze %dma_start3A_170 : memref<1x128xi32, #tpu.memory_space<vmem>> -> memref<128xi32, #tpu.memory_space<vmem>>
      %dma_start3A_172 = arith.constant 0 : i32
      %dma_start3A_173 = arith.constant 0 : i32
      %dma_start3A_174 = tpu.memref_slice %arg11[%dma_start3A_172, %dma_start3A_173] : memref<10240x128xf32, #tpu.memory_space<vmem_shared>> -> memref<10240x128xf32, #tpu.memory_space<vmem_shared>>
      %dma_start3A_175 = tpu.memref_slice %arg10[%dma_start3A_164] : memref<2x!tpu.dma_semaphore, #tpu.memory_space<semaphore_mem>> -> memref<1x!tpu.dma_semaphore, #tpu.memory_space<semaphore_mem>>
      %dma_start3A_176 = tpu.memref_squeeze %dma_start3A_175 : memref<1x!tpu.dma_semaphore, #tpu.memory_space<semaphore_mem>> -> memref<!tpu.dma_semaphore, #tpu.memory_space<semaphore_mem>>
      tpu.enqueue_indirect_dma source(%dma_start3A_168 : memref<128x128xf32, #tpu.memory_space<vmem>>) target(%dma_start3A_174 : memref<10240x128xf32, #tpu.memory_space<vmem_shared>>) offsets(%dma_start3A_171 : memref<128xi32, #tpu.memory_space<vmem>>) semaphore(%dma_start3A_176 : memref<!tpu.dma_semaphore, #tpu.memory_space<semaphore_mem>>) {add = true}
      %add3A_177 = arith.constant 2 : i32
      %add3A_178 = arith.addi %mul3A_116, %add3A_177 : i32
      %add3A_179 = arith.constant 0 : i32
      %add3A_180 = arith.addi %add3A_178, %add3A_179 : i32
      %lt3A = arith.constant 80 : i32
      %lt3A_181 = arith.cmpi slt, %add3A_180, %lt3A : i32
      %convert_element_type3A = arith.extui %lt3A_181 : i1 to i32
      %cond3A = arith.constant 0 : i32
      %cond3A_182 = arith.cmpi ne, %convert_element_type3A, %cond3A : i32
      scf.if %cond3A_182 {
        %dma_wait3A_193 = arith.constant 0 : i32
        %dma_wait3A_194 = arith.constant 0 : i32
        %dma_wait3A_195 = arith.constant 0 : i32
        %dma_wait3A_196 = arith.constant 0 : i32
        %dma_wait3A_197 = arith.constant 0 : i32
        %dma_wait3A_198 = tpu.memref_slice %arg8[%dma_wait3A_193, %dma_wait3A_196, %dma_wait3A_197] : memref<2x128x128xf32, #tpu.memory_space<vmem>> -> memref<1x128x128xf32, #tpu.memory_space<vmem>>
        %dma_wait3A_199 = tpu.memref_squeeze %dma_wait3A_198 : memref<1x128x128xf32, #tpu.memory_space<vmem>> -> memref<128x128xf32, #tpu.memory_space<vmem>>
        %dma_wait3A_200 = arith.constant 0 : i32
        %dma_wait3A_201 = tpu.memref_slice %arg7[%dma_wait3A_194, %dma_wait3A_200] : memref<2x128xi32, #tpu.memory_space<vmem>> -> memref<1x128xi32, #tpu.memory_space<vmem>>
        %dma_wait3A_202 = tpu.memref_squeeze %dma_wait3A_201 : memref<1x128xi32, #tpu.memory_space<vmem>> -> memref<128xi32, #tpu.memory_space<vmem>>
        %dma_wait3A_203 = arith.constant 0 : i32
        %dma_wait3A_204 = arith.constant 0 : i32
        %dma_wait3A_205 = tpu.memref_slice %arg11[%dma_wait3A_203, %dma_wait3A_204] : memref<10240x128xf32, #tpu.memory_space<vmem_shared>> -> memref<10240x128xf32, #tpu.memory_space<vmem_shared>>
        %dma_wait3A_206 = tpu.memref_slice %arg10[%dma_wait3A_195] : memref<2x!tpu.dma_semaphore, #tpu.memory_space<semaphore_mem>> -> memref<1x!tpu.dma_semaphore, #tpu.memory_space<semaphore_mem>>
        %dma_wait3A_207 = tpu.memref_squeeze %dma_wait3A_206 : memref<1x!tpu.dma_semaphore, #tpu.memory_space<semaphore_mem>> -> memref<!tpu.dma_semaphore, #tpu.memory_space<semaphore_mem>>
        tpu.wait_indirect_dma semaphore(%dma_wait3A_207 : memref<!tpu.dma_semaphore, #tpu.memory_space<semaphore_mem>>) src(%dma_wait3A_199 : memref<128x128xf32, #tpu.memory_space<vmem>>) dst(%dma_wait3A_205 : memref<10240x128xf32, #tpu.memory_space<vmem_shared>>)
        %mul3A_208 = arith.constant 10240 : i32
        %mul3A_209 = arith.muli %add3A, %mul3A_208 : i32
        %add3A_210 = arith.constant 2 : i32
        %add3A_211 = arith.addi %mul3A_116, %add3A_210 : i32
        %add3A_212 = arith.constant 0 : i32
        %add3A_213 = arith.addi %add3A_211, %add3A_212 : i32
        %mul3A_214 = arith.constant 128 : i32
        %mul3A_215 = arith.muli %add3A_213, %mul3A_214 : i32
        %add3A_216 = arith.addi %mul3A_209, %mul3A_215 : i32
        %run_scoped3A_217 = arith.constant 0 : i32
        "tpu.region"() ({
          %run_scoped3A_234 = tpu.sem_alloc : memref<!tpu.dma_semaphore, #tpu.memory_space<semaphore_mem>>
          %dma_start3A_235 = arith.constant 0 : i32
          %dma_start3A_236 = tpu.memref_slice %arg6[%run_scoped3A_217, %dma_start3A_235] : memref<2x128xi32, #tpu.memory_space<vmem>> -> memref<1x128xi32, #tpu.memory_space<vmem>>
          %dma_start3A_237 = tpu.memref_squeeze %dma_start3A_236 : memref<1x128xi32, #tpu.memory_space<vmem>> -> memref<128xi32, #tpu.memory_space<vmem>>
          %dma_start3A_238 = tpu.memref_slice %arg3[%add3A_216] : memref<327680xi32, #tpu.memory_space<hbm>> -> memref<128xi32, #tpu.memory_space<hbm>>
          %dma_start3A_239 = arith.constant 0 : i32
          %dma_start3A_240 = tpu.memref_slice %arg6[%run_scoped3A_217, %dma_start3A_239] : memref<2x128xi32, #tpu.memory_space<vmem>> -> memref<1x128xi32, #tpu.memory_space<vmem>>
          %dma_start3A_241 = tpu.memref_squeeze %dma_start3A_240 : memref<1x128xi32, #tpu.memory_space<vmem>> -> memref<128xi32, #tpu.memory_space<vmem>>
          %dma_start3A_242 = tpu.memref_slice %arg3[%add3A_216] : memref<327680xi32, #tpu.memory_space<hbm>> -> memref<128xi32, #tpu.memory_space<hbm>>
          tpu.enqueue_dma source(%dma_start3A_242 : memref<128xi32, #tpu.memory_space<hbm>>) target(%dma_start3A_241 : memref<128xi32, #tpu.memory_space<vmem>>) target_semaphore(%run_scoped3A_234 : memref<!tpu.dma_semaphore, #tpu.memory_space<semaphore_mem>>)
          %dma_wait3A_243 = arith.constant 0 : i32
          %dma_wait3A_244 = tpu.memref_slice %arg6[%run_scoped3A_217, %dma_wait3A_243] : memref<2x128xi32, #tpu.memory_space<vmem>> -> memref<1x128xi32, #tpu.memory_space<vmem>>
          %dma_wait3A_245 = tpu.memref_squeeze %dma_wait3A_244 : memref<1x128xi32, #tpu.memory_space<vmem>> -> memref<128xi32, #tpu.memory_space<vmem>>
          %dma_wait3A_246 = tpu.memref_slice %arg3[%add3A_216] : memref<327680xi32, #tpu.memory_space<hbm>> -> memref<128xi32, #tpu.memory_space<hbm>>
          %dma_wait3A_247 = arith.constant 0 : i32
          %dma_wait3A_248 = tpu.memref_slice %arg6[%run_scoped3A_217, %dma_wait3A_247] : memref<2x128xi32, #tpu.memory_space<vmem>> -> memref<1x128xi32, #tpu.memory_space<vmem>>
          %dma_wait3A_249 = tpu.memref_squeeze %dma_wait3A_248 : memref<1x128xi32, #tpu.memory_space<vmem>> -> memref<128xi32, #tpu.memory_space<vmem>>
          %dma_wait3A_250 = tpu.memref_slice %arg3[%add3A_216] : memref<327680xi32, #tpu.memory_space<hbm>> -> memref<128xi32, #tpu.memory_space<hbm>>
          tpu.wait_dma2 semaphore(%run_scoped3A_234 : memref<!tpu.dma_semaphore, #tpu.memory_space<semaphore_mem>>) src(%dma_wait3A_250 : memref<128xi32, #tpu.memory_space<hbm>>) dst(%dma_wait3A_249 : memref<128xi32, #tpu.memory_space<vmem>>)
          tpu.yield
        }) : () -> ()
        %run_scoped3A_218 = arith.constant 0 : i32
        "tpu.region"() ({
          %run_scoped3A_234 = tpu.sem_alloc : memref<!tpu.dma_semaphore, #tpu.memory_space<semaphore_mem>>
          %dma_start3A_235 = arith.constant 0 : i32
          %dma_start3A_236 = tpu.memref_slice %arg7[%run_scoped3A_218, %dma_start3A_235] : memref<2x128xi32, #tpu.memory_space<vmem>> -> memref<1x128xi32, #tpu.memory_space<vmem>>
          %dma_start3A_237 = tpu.memref_squeeze %dma_start3A_236 : memref<1x128xi32, #tpu.memory_space<vmem>> -> memref<128xi32, #tpu.memory_space<vmem>>
          %dma_start3A_238 = tpu.memref_slice %arg4[%add3A_216] : memref<327680xi32, #tpu.memory_space<hbm>> -> memref<128xi32, #tpu.memory_space<hbm>>
          %dma_start3A_239 = arith.constant 0 : i32
          %dma_start3A_240 = tpu.memref_slice %arg7[%run_scoped3A_218, %dma_start3A_239] : memref<2x128xi32, #tpu.memory_space<vmem>> -> memref<1x128xi32, #tpu.memory_space<vmem>>
          %dma_start3A_241 = tpu.memref_squeeze %dma_start3A_240 : memref<1x128xi32, #tpu.memory_space<vmem>> -> memref<128xi32, #tpu.memory_space<vmem>>
          %dma_start3A_242 = tpu.memref_slice %arg4[%add3A_216] : memref<327680xi32, #tpu.memory_space<hbm>> -> memref<128xi32, #tpu.memory_space<hbm>>
          tpu.enqueue_dma source(%dma_start3A_242 : memref<128xi32, #tpu.memory_space<hbm>>) target(%dma_start3A_241 : memref<128xi32, #tpu.memory_space<vmem>>) target_semaphore(%run_scoped3A_234 : memref<!tpu.dma_semaphore, #tpu.memory_space<semaphore_mem>>)
          %dma_wait3A_243 = arith.constant 0 : i32
          %dma_wait3A_244 = tpu.memref_slice %arg7[%run_scoped3A_218, %dma_wait3A_243] : memref<2x128xi32, #tpu.memory_space<vmem>> -> memref<1x128xi32, #tpu.memory_space<vmem>>
          %dma_wait3A_245 = tpu.memref_squeeze %dma_wait3A_244 : memref<1x128xi32, #tpu.memory_space<vmem>> -> memref<128xi32, #tpu.memory_space<vmem>>
          %dma_wait3A_246 = tpu.memref_slice %arg4[%add3A_216] : memref<327680xi32, #tpu.memory_space<hbm>> -> memref<128xi32, #tpu.memory_space<hbm>>
          %dma_wait3A_247 = arith.constant 0 : i32
          %dma_wait3A_248 = tpu.memref_slice %arg7[%run_scoped3A_218, %dma_wait3A_247] : memref<2x128xi32, #tpu.memory_space<vmem>> -> memref<1x128xi32, #tpu.memory_space<vmem>>
          %dma_wait3A_249 = tpu.memref_squeeze %dma_wait3A_248 : memref<1x128xi32, #tpu.memory_space<vmem>> -> memref<128xi32, #tpu.memory_space<vmem>>
          %dma_wait3A_250 = tpu.memref_slice %arg4[%add3A_216] : memref<327680xi32, #tpu.memory_space<hbm>> -> memref<128xi32, #tpu.memory_space<hbm>>
          tpu.wait_dma2 semaphore(%run_scoped3A_234 : memref<!tpu.dma_semaphore, #tpu.memory_space<semaphore_mem>>) src(%dma_wait3A_250 : memref<128xi32, #tpu.memory_space<hbm>>) dst(%dma_wait3A_249 : memref<128xi32, #tpu.memory_space<vmem>>)
          tpu.yield
        }) : () -> ()
        %dma_start3A_219 = arith.constant 0 : i32
        %dma_start3A_220 = arith.constant 0 : i32
        %dma_start3A_221 = arith.constant 0 : i32
        %dma_start3A_222 = arith.constant 0 : i32
        %dma_start3A_223 = arith.constant 0 : i32
        %dma_start3A_224 = tpu.memref_slice %arg8[%dma_start3A_220, %dma_start3A_222, %dma_start3A_223] : memref<2x128x128xf32, #tpu.memory_space<vmem>> -> memref<1x128x128xf32, #tpu.memory_space<vmem>>
        %dma_start3A_225 = tpu.memref_squeeze %dma_start3A_224 : memref<1x128x128xf32, #tpu.memory_space<vmem>> -> memref<128x128xf32, #tpu.memory_space<vmem>>
        %dma_start3A_226 = arith.constant 0 : i32
        %dma_start3A_227 = tpu.memref_slice %arg6[%dma_start3A_219, %dma_start3A_226] : memref<2x128xi32, #tpu.memory_space<vmem>> -> memref<1x128xi32, #tpu.memory_space<vmem>>
        %dma_start3A_228 = tpu.memref_squeeze %dma_start3A_227 : memref<1x128xi32, #tpu.memory_space<vmem>> -> memref<128xi32, #tpu.memory_space<vmem>>
        %dma_start3A_229 = arith.constant 0 : i32
        %dma_start3A_230 = arith.constant 0 : i32
        %dma_start3A_231 = tpu.memref_slice %arg2[%dma_start3A_229, %dma_start3A_230] : memref<10000x128xf32, #tpu.memory_space<hbm>> -> memref<10000x128xf32, #tpu.memory_space<hbm>>
        %dma_start3A_232 = tpu.memref_slice %arg9[%dma_start3A_221] : memref<2x!tpu.dma_semaphore, #tpu.memory_space<semaphore_mem>> -> memref<1x!tpu.dma_semaphore, #tpu.memory_space<semaphore_mem>>
        %dma_start3A_233 = tpu.memref_squeeze %dma_start3A_232 : memref<1x!tpu.dma_semaphore, #tpu.memory_space<semaphore_mem>> -> memref<!tpu.dma_semaphore, #tpu.memory_space<semaphore_mem>>
        tpu.enqueue_indirect_dma source(%dma_start3A_231 : memref<10000x128xf32, #tpu.memory_space<hbm>>) target(%dma_start3A_225 : memref<128x128xf32, #tpu.memory_space<vmem>>) offsets(%dma_start3A_228 : memref<128xi32, #tpu.memory_space<vmem>>) semaphore(%dma_start3A_233 : memref<!tpu.dma_semaphore, #tpu.memory_space<semaphore_mem>>)
      } else {
      }
      %add3A_183 = arith.constant 2 : i32
      %add3A_184 = arith.addi %mul3A_116, %add3A_183 : i32
      %add3A_185 = arith.constant 1 : i32
      %add3A_186 = arith.addi %add3A_184, %add3A_185 : i32
      %lt3A_187 = arith.constant 80 : i32
      %lt3A_188 = arith.cmpi slt, %add3A_186, %lt3A_187 : i32
      %convert_element_type3A_189 = arith.extui %lt3A_188 : i1 to i32
      %cond3A_190 = arith.constant 0 : i32
      %cond3A_191 = arith.cmpi ne, %convert_element_type3A_189, %cond3A_190 : i32
      scf.if %cond3A_191 {
        %dma_wait3A_193 = arith.constant 1 : i32
        %dma_wait3A_194 = arith.constant 1 : i32
        %dma_wait3A_195 = arith.constant 1 : i32
        %dma_wait3A_196 = arith.constant 0 : i32
        %dma_wait3A_197 = arith.constant 0 : i32
        %dma_wait3A_198 = tpu.memref_slice %arg8[%dma_wait3A_193, %dma_wait3A_196, %dma_wait3A_197] : memref<2x128x128xf32, #tpu.memory_space<vmem>> -> memref<1x128x128xf32, #tpu.memory_space<vmem>>
        %dma_wait3A_199 = tpu.memref_squeeze %dma_wait3A_198 : memref<1x128x128xf32, #tpu.memory_space<vmem>> -> memref<128x128xf32, #tpu.memory_space<vmem>>
        %dma_wait3A_200 = arith.constant 0 : i32
        %dma_wait3A_201 = tpu.memref_slice %arg7[%dma_wait3A_194, %dma_wait3A_200] : memref<2x128xi32, #tpu.memory_space<vmem>> -> memref<1x128xi32, #tpu.memory_space<vmem>>
        %dma_wait3A_202 = tpu.memref_squeeze %dma_wait3A_201 : memref<1x128xi32, #tpu.memory_space<vmem>> -> memref<128xi32, #tpu.memory_space<vmem>>
        %dma_wait3A_203 = arith.constant 0 : i32
        %dma_wait3A_204 = arith.constant 0 : i32
        %dma_wait3A_205 = tpu.memref_slice %arg11[%dma_wait3A_203, %dma_wait3A_204] : memref<10240x128xf32, #tpu.memory_space<vmem_shared>> -> memref<10240x128xf32, #tpu.memory_space<vmem_shared>>
        %dma_wait3A_206 = tpu.memref_slice %arg10[%dma_wait3A_195] : memref<2x!tpu.dma_semaphore, #tpu.memory_space<semaphore_mem>> -> memref<1x!tpu.dma_semaphore, #tpu.memory_space<semaphore_mem>>
        %dma_wait3A_207 = tpu.memref_squeeze %dma_wait3A_206 : memref<1x!tpu.dma_semaphore, #tpu.memory_space<semaphore_mem>> -> memref<!tpu.dma_semaphore, #tpu.memory_space<semaphore_mem>>
        tpu.wait_indirect_dma semaphore(%dma_wait3A_207 : memref<!tpu.dma_semaphore, #tpu.memory_space<semaphore_mem>>) src(%dma_wait3A_199 : memref<128x128xf32, #tpu.memory_space<vmem>>) dst(%dma_wait3A_205 : memref<10240x128xf32, #tpu.memory_space<vmem_shared>>)
        %mul3A_208 = arith.constant 10240 : i32
        %mul3A_209 = arith.muli %add3A, %mul3A_208 : i32
        %add3A_210 = arith.constant 2 : i32
        %add3A_211 = arith.addi %mul3A_116, %add3A_210 : i32
        %add3A_212 = arith.constant 1 : i32
        %add3A_213 = arith.addi %add3A_211, %add3A_212 : i32
        %mul3A_214 = arith.constant 128 : i32
        %mul3A_215 = arith.muli %add3A_213, %mul3A_214 : i32
        %add3A_216 = arith.addi %mul3A_209, %mul3A_215 : i32
        %run_scoped3A_217 = arith.constant 1 : i32
        "tpu.region"() ({
          %run_scoped3A_234 = tpu.sem_alloc : memref<!tpu.dma_semaphore, #tpu.memory_space<semaphore_mem>>
          %dma_start3A_235 = arith.constant 0 : i32
          %dma_start3A_236 = tpu.memref_slice %arg6[%run_scoped3A_217, %dma_start3A_235] : memref<2x128xi32, #tpu.memory_space<vmem>> -> memref<1x128xi32, #tpu.memory_space<vmem>>
          %dma_start3A_237 = tpu.memref_squeeze %dma_start3A_236 : memref<1x128xi32, #tpu.memory_space<vmem>> -> memref<128xi32, #tpu.memory_space<vmem>>
          %dma_start3A_238 = tpu.memref_slice %arg3[%add3A_216] : memref<327680xi32, #tpu.memory_space<hbm>> -> memref<128xi32, #tpu.memory_space<hbm>>
          %dma_start3A_239 = arith.constant 0 : i32
          %dma_start3A_240 = tpu.memref_slice %arg6[%run_scoped3A_217, %dma_start3A_239] : memref<2x128xi32, #tpu.memory_space<vmem>> -> memref<1x128xi32, #tpu.memory_space<vmem>>
          %dma_start3A_241 = tpu.memref_squeeze %dma_start3A_240 : memref<1x128xi32, #tpu.memory_space<vmem>> -> memref<128xi32, #tpu.memory_space<vmem>>
          %dma_start3A_242 = tpu.memref_slice %arg3[%add3A_216] : memref<327680xi32, #tpu.memory_space<hbm>> -> memref<128xi32, #tpu.memory_space<hbm>>
          tpu.enqueue_dma source(%dma_start3A_242 : memref<128xi32, #tpu.memory_space<hbm>>) target(%dma_start3A_241 : memref<128xi32, #tpu.memory_space<vmem>>) target_semaphore(%run_scoped3A_234 : memref<!tpu.dma_semaphore, #tpu.memory_space<semaphore_mem>>)
          %dma_wait3A_243 = arith.constant 0 : i32
          %dma_wait3A_244 = tpu.memref_slice %arg6[%run_scoped3A_217, %dma_wait3A_243] : memref<2x128xi32, #tpu.memory_space<vmem>> -> memref<1x128xi32, #tpu.memory_space<vmem>>
          %dma_wait3A_245 = tpu.memref_squeeze %dma_wait3A_244 : memref<1x128xi32, #tpu.memory_space<vmem>> -> memref<128xi32, #tpu.memory_space<vmem>>
          %dma_wait3A_246 = tpu.memref_slice %arg3[%add3A_216] : memref<327680xi32, #tpu.memory_space<hbm>> -> memref<128xi32, #tpu.memory_space<hbm>>
          %dma_wait3A_247 = arith.constant 0 : i32
          %dma_wait3A_248 = tpu.memref_slice %arg6[%run_scoped3A_217, %dma_wait3A_247] : memref<2x128xi32, #tpu.memory_space<vmem>> -> memref<1x128xi32, #tpu.memory_space<vmem>>
          %dma_wait3A_249 = tpu.memref_squeeze %dma_wait3A_248 : memref<1x128xi32, #tpu.memory_space<vmem>> -> memref<128xi32, #tpu.memory_space<vmem>>
          %dma_wait3A_250 = tpu.memref_slice %arg3[%add3A_216] : memref<327680xi32, #tpu.memory_space<hbm>> -> memref<128xi32, #tpu.memory_space<hbm>>
          tpu.wait_dma2 semaphore(%run_scoped3A_234 : memref<!tpu.dma_semaphore, #tpu.memory_space<semaphore_mem>>) src(%dma_wait3A_250 : memref<128xi32, #tpu.memory_space<hbm>>) dst(%dma_wait3A_249 : memref<128xi32, #tpu.memory_space<vmem>>)
          tpu.yield
        }) : () -> ()
        %run_scoped3A_218 = arith.constant 1 : i32
        "tpu.region"() ({
          %run_scoped3A_234 = tpu.sem_alloc : memref<!tpu.dma_semaphore, #tpu.memory_space<semaphore_mem>>
          %dma_start3A_235 = arith.constant 0 : i32
          %dma_start3A_236 = tpu.memref_slice %arg7[%run_scoped3A_218, %dma_start3A_235] : memref<2x128xi32, #tpu.memory_space<vmem>> -> memref<1x128xi32, #tpu.memory_space<vmem>>
          %dma_start3A_237 = tpu.memref_squeeze %dma_start3A_236 : memref<1x128xi32, #tpu.memory_space<vmem>> -> memref<128xi32, #tpu.memory_space<vmem>>
          %dma_start3A_238 = tpu.memref_slice %arg4[%add3A_216] : memref<327680xi32, #tpu.memory_space<hbm>> -> memref<128xi32, #tpu.memory_space<hbm>>
          %dma_start3A_239 = arith.constant 0 : i32
          %dma_start3A_240 = tpu.memref_slice %arg7[%run_scoped3A_218, %dma_start3A_239] : memref<2x128xi32, #tpu.memory_space<vmem>> -> memref<1x128xi32, #tpu.memory_space<vmem>>
          %dma_start3A_241 = tpu.memref_squeeze %dma_start3A_240 : memref<1x128xi32, #tpu.memory_space<vmem>> -> memref<128xi32, #tpu.memory_space<vmem>>
          %dma_start3A_242 = tpu.memref_slice %arg4[%add3A_216] : memref<327680xi32, #tpu.memory_space<hbm>> -> memref<128xi32, #tpu.memory_space<hbm>>
          tpu.enqueue_dma source(%dma_start3A_242 : memref<128xi32, #tpu.memory_space<hbm>>) target(%dma_start3A_241 : memref<128xi32, #tpu.memory_space<vmem>>) target_semaphore(%run_scoped3A_234 : memref<!tpu.dma_semaphore, #tpu.memory_space<semaphore_mem>>)
          %dma_wait3A_243 = arith.constant 0 : i32
          %dma_wait3A_244 = tpu.memref_slice %arg7[%run_scoped3A_218, %dma_wait3A_243] : memref<2x128xi32, #tpu.memory_space<vmem>> -> memref<1x128xi32, #tpu.memory_space<vmem>>
          %dma_wait3A_245 = tpu.memref_squeeze %dma_wait3A_244 : memref<1x128xi32, #tpu.memory_space<vmem>> -> memref<128xi32, #tpu.memory_space<vmem>>
          %dma_wait3A_246 = tpu.memref_slice %arg4[%add3A_216] : memref<327680xi32, #tpu.memory_space<hbm>> -> memref<128xi32, #tpu.memory_space<hbm>>
          %dma_wait3A_247 = arith.constant 0 : i32
          %dma_wait3A_248 = tpu.memref_slice %arg7[%run_scoped3A_218, %dma_wait3A_247] : memref<2x128xi32, #tpu.memory_space<vmem>> -> memref<1x128xi32, #tpu.memory_space<vmem>>
          %dma_wait3A_249 = tpu.memref_squeeze %dma_wait3A_248 : memref<1x128xi32, #tpu.memory_space<vmem>> -> memref<128xi32, #tpu.memory_space<vmem>>
          %dma_wait3A_250 = tpu.memref_slice %arg4[%add3A_216] : memref<327680xi32, #tpu.memory_space<hbm>> -> memref<128xi32, #tpu.memory_space<hbm>>
          tpu.wait_dma2 semaphore(%run_scoped3A_234 : memref<!tpu.dma_semaphore, #tpu.memory_space<semaphore_mem>>) src(%dma_wait3A_250 : memref<128xi32, #tpu.memory_space<hbm>>) dst(%dma_wait3A_249 : memref<128xi32, #tpu.memory_space<vmem>>)
          tpu.yield
        }) : () -> ()
        %dma_start3A_219 = arith.constant 1 : i32
        %dma_start3A_220 = arith.constant 1 : i32
        %dma_start3A_221 = arith.constant 1 : i32
        %dma_start3A_222 = arith.constant 0 : i32
        %dma_start3A_223 = arith.constant 0 : i32
        %dma_start3A_224 = tpu.memref_slice %arg8[%dma_start3A_220, %dma_start3A_222, %dma_start3A_223] : memref<2x128x128xf32, #tpu.memory_space<vmem>> -> memref<1x128x128xf32, #tpu.memory_space<vmem>>
        %dma_start3A_225 = tpu.memref_squeeze %dma_start3A_224 : memref<1x128x128xf32, #tpu.memory_space<vmem>> -> memref<128x128xf32, #tpu.memory_space<vmem>>
        %dma_start3A_226 = arith.constant 0 : i32
        %dma_start3A_227 = tpu.memref_slice %arg6[%dma_start3A_219, %dma_start3A_226] : memref<2x128xi32, #tpu.memory_space<vmem>> -> memref<1x128xi32, #tpu.memory_space<vmem>>
        %dma_start3A_228 = tpu.memref_squeeze %dma_start3A_227 : memref<1x128xi32, #tpu.memory_space<vmem>> -> memref<128xi32, #tpu.memory_space<vmem>>
        %dma_start3A_229 = arith.constant 0 : i32
        %dma_start3A_230 = arith.constant 0 : i32
        %dma_start3A_231 = tpu.memref_slice %arg2[%dma_start3A_229, %dma_start3A_230] : memref<10000x128xf32, #tpu.memory_space<hbm>> -> memref<10000x128xf32, #tpu.memory_space<hbm>>
        %dma_start3A_232 = tpu.memref_slice %arg9[%dma_start3A_221] : memref<2x!tpu.dma_semaphore, #tpu.memory_space<semaphore_mem>> -> memref<1x!tpu.dma_semaphore, #tpu.memory_space<semaphore_mem>>
        %dma_start3A_233 = tpu.memref_squeeze %dma_start3A_232 : memref<1x!tpu.dma_semaphore, #tpu.memory_space<semaphore_mem>> -> memref<!tpu.dma_semaphore, #tpu.memory_space<semaphore_mem>>
        tpu.enqueue_indirect_dma source(%dma_start3A_231 : memref<10000x128xf32, #tpu.memory_space<hbm>>) target(%dma_start3A_225 : memref<128x128xf32, #tpu.memory_space<vmem>>) offsets(%dma_start3A_228 : memref<128xi32, #tpu.memory_space<vmem>>) semaphore(%dma_start3A_233 : memref<!tpu.dma_semaphore, #tpu.memory_space<semaphore_mem>>)
      } else {
      }
      %scan3A_192 = arith.constant 0 : i32
      scf.yield %scan3A_192 : i32
    }
    %scan3A_78 = arith.constant 40 : i32
    %dma_wait3A = arith.constant 0 : i32
    %dma_wait3A_79 = arith.constant 0 : i32
    %dma_wait3A_80 = arith.constant 0 : i32
    %dma_wait3A_81 = arith.constant 0 : i32
    %dma_wait3A_82 = arith.constant 0 : i32
    %dma_wait3A_83 = tpu.memref_slice %arg8[%dma_wait3A, %dma_wait3A_81, %dma_wait3A_82] : memref<2x128x128xf32, #tpu.memory_space<vmem>> -> memref<1x128x128xf32, #tpu.memory_space<vmem>>
    %dma_wait3A_84 = tpu.memref_squeeze %dma_wait3A_83 : memref<1x128x128xf32, #tpu.memory_space<vmem>> -> memref<128x128xf32, #tpu.memory_space<vmem>>
    %dma_wait3A_85 = arith.constant 0 : i32
    %dma_wait3A_86 = tpu.memref_slice %arg7[%dma_wait3A_79, %dma_wait3A_85] : memref<2x128xi32, #tpu.memory_space<vmem>> -> memref<1x128xi32, #tpu.memory_space<vmem>>
    %dma_wait3A_87 = tpu.memref_squeeze %dma_wait3A_86 : memref<1x128xi32, #tpu.memory_space<vmem>> -> memref<128xi32, #tpu.memory_space<vmem>>
    %dma_wait3A_88 = arith.constant 0 : i32
    %dma_wait3A_89 = arith.constant 0 : i32
    %dma_wait3A_90 = tpu.memref_slice %arg11[%dma_wait3A_88, %dma_wait3A_89] : memref<10240x128xf32, #tpu.memory_space<vmem_shared>> -> memref<10240x128xf32, #tpu.memory_space<vmem_shared>>
    %dma_wait3A_91 = tpu.memref_slice %arg10[%dma_wait3A_80] : memref<2x!tpu.dma_semaphore, #tpu.memory_space<semaphore_mem>> -> memref<1x!tpu.dma_semaphore, #tpu.memory_space<semaphore_mem>>
    %dma_wait3A_92 = tpu.memref_squeeze %dma_wait3A_91 : memref<1x!tpu.dma_semaphore, #tpu.memory_space<semaphore_mem>> -> memref<!tpu.dma_semaphore, #tpu.memory_space<semaphore_mem>>
    tpu.wait_indirect_dma semaphore(%dma_wait3A_92 : memref<!tpu.dma_semaphore, #tpu.memory_space<semaphore_mem>>) src(%dma_wait3A_84 : memref<128x128xf32, #tpu.memory_space<vmem>>) dst(%dma_wait3A_90 : memref<10240x128xf32, #tpu.memory_space<vmem_shared>>)
    %dma_wait3A_93 = arith.constant 1 : i32
    %dma_wait3A_94 = arith.constant 1 : i32
    %dma_wait3A_95 = arith.constant 1 : i32
    %dma_wait3A_96 = arith.constant 0 : i32
    %dma_wait3A_97 = arith.constant 0 : i32
    %dma_wait3A_98 = tpu.memref_slice %arg8[%dma_wait3A_93, %dma_wait3A_96, %dma_wait3A_97] : memref<2x128x128xf32, #tpu.memory_space<vmem>> -> memref<1x128x128xf32, #tpu.memory_space<vmem>>
    %dma_wait3A_99 = tpu.memref_squeeze %dma_wait3A_98 : memref<1x128x128xf32, #tpu.memory_space<vmem>> -> memref<128x128xf32, #tpu.memory_space<vmem>>
    %dma_wait3A_100 = arith.constant 0 : i32
    %dma_wait3A_101 = tpu.memref_slice %arg7[%dma_wait3A_94, %dma_wait3A_100] : memref<2x128xi32, #tpu.memory_space<vmem>> -> memref<1x128xi32, #tpu.memory_space<vmem>>
    %dma_wait3A_102 = tpu.memref_squeeze %dma_wait3A_101 : memref<1x128xi32, #tpu.memory_space<vmem>> -> memref<128xi32, #tpu.memory_space<vmem>>
    %dma_wait3A_103 = arith.constant 0 : i32
    %dma_wait3A_104 = arith.constant 0 : i32
    %dma_wait3A_105 = tpu.memref_slice %arg11[%dma_wait3A_103, %dma_wait3A_104] : memref<10240x128xf32, #tpu.memory_space<vmem_shared>> -> memref<10240x128xf32, #tpu.memory_space<vmem_shared>>
    %dma_wait3A_106 = tpu.memref_slice %arg10[%dma_wait3A_95] : memref<2x!tpu.dma_semaphore, #tpu.memory_space<semaphore_mem>> -> memref<1x!tpu.dma_semaphore, #tpu.memory_space<semaphore_mem>>
    %dma_wait3A_107 = tpu.memref_squeeze %dma_wait3A_106 : memref<1x!tpu.dma_semaphore, #tpu.memory_space<semaphore_mem>> -> memref<!tpu.dma_semaphore, #tpu.memory_space<semaphore_mem>>
    tpu.wait_indirect_dma semaphore(%dma_wait3A_107 : memref<!tpu.dma_semaphore, #tpu.memory_space<semaphore_mem>>) src(%dma_wait3A_99 : memref<128x128xf32, #tpu.memory_space<vmem>>) dst(%dma_wait3A_105 : memref<10240x128xf32, #tpu.memory_space<vmem_shared>>)
    %barrier3A_108 = arith.constant 0 : index
    tpu.barrier barrier_id(%barrier3A_108)
    %mul3A_109 = arith.constant 640 : i32
    %mul3A_110 = arith.muli %arg1, %mul3A_109 : i32
    %mul3A_111 = arith.constant 640 : i32
    %mul3A_112 = arith.muli %arg1, %mul3A_111 : i32
    "tpu.region"() ({
      %run_scoped3A_113 = tpu.sem_alloc : memref<!tpu.dma_semaphore, #tpu.memory_space<semaphore_mem>>
      %dma_start3A_114 = arith.constant 0 : i32
      %dma_start3A_115 = tpu.memref_slice %arg5[%arg0, %mul3A_112, %dma_start3A_114] : memref<2x10240x128xf32, #tpu.memory_space<hbm>> -> memref<1x640x128xf32, #tpu.memory_space<hbm>>
      %dma_start3A_116 = tpu.memref_squeeze %dma_start3A_115 : memref<1x640x128xf32, #tpu.memory_space<hbm>> -> memref<640x128xf32, #tpu.memory_space<hbm>>
      %dma_start3A_117 = arith.constant 0 : i32
      %dma_start3A_118 = tpu.memref_slice %arg11[%mul3A_110, %dma_start3A_117] : memref<10240x128xf32, #tpu.memory_space<vmem_shared>> -> memref<640x128xf32, #tpu.memory_space<vmem_shared>>
      tpu.enqueue_dma source(%dma_start3A_118 : memref<640x128xf32, #tpu.memory_space<vmem_shared>>) target(%dma_start3A_116 : memref<640x128xf32, #tpu.memory_space<hbm>>) target_semaphore(%run_scoped3A_113 : memref<!tpu.dma_semaphore, #tpu.memory_space<semaphore_mem>>)
      %dma_wait3A_119 = arith.constant 0 : i32
      %dma_wait3A_120 = tpu.memref_slice %arg5[%arg0, %mul3A_112, %dma_wait3A_119] : memref<2x10240x128xf32, #tpu.memory_space<hbm>> -> memref<1x640x128xf32, #tpu.memory_space<hbm>>
      %dma_wait3A_121 = tpu.memref_squeeze %dma_wait3A_120 : memref<1x640x128xf32, #tpu.memory_space<hbm>> -> memref<640x128xf32, #tpu.memory_space<hbm>>
      %dma_wait3A_122 = arith.constant 0 : i32
      %dma_wait3A_123 = tpu.memref_slice %arg11[%mul3A_110, %dma_wait3A_122] : memref<10240x128xf32, #tpu.memory_space<vmem_shared>> -> memref<640x128xf32, #tpu.memory_space<vmem_shared>>
      tpu.wait_dma2 semaphore(%run_scoped3A_113 : memref<!tpu.dma_semaphore, #tpu.memory_space<semaphore_mem>>) src(%dma_wait3A_123 : memref<640x128xf32, #tpu.memory_space<vmem_shared>>) dst(%dma_wait3A_121 : memref<640x128xf32, #tpu.memory_space<hbm>>)
      tpu.yield
    }) : () -> ()
    return
  }
}

#map = affine_map<(d0, d1) -> (0)>
#map1 = affine_map<(d0, d1) -> (0, 0, 0)>
module attributes {stable_mosaic.version = 14 : i64} {
  func.func @_sc_deg_body(%arg0: i32, %arg1: i32, %arg2: memref<327680xi32, #tpu.memory_space<hbm>>, %arg3: memref<2x10240x128xf32, #tpu.memory_space<hbm>>, %arg4: memref<2x128xi32, #tpu.memory_space<vmem>>, %arg5: memref<2x128x128xf32, #tpu.memory_space<vmem>>, %arg6: memref<10240x128xf32, #tpu.memory_space<vmem_shared>>) attributes {dimension_semantics = [#tpu.dimension_semantics<core_parallel>, #tpu.dimension_semantics<subcore_parallel>], iteration_bounds = array<i64: 2, 16>, scalar_prefetch = 0 : i64, scratch_operands = 3 : i64, tpu.core_type = #tpu.core_type<sc_vector_subcore>, window_params = [{transform_indices = #map}, {transform_indices = #map1}]} {
    %mul3A = arith.constant 2 : i32
    %mul3A_0 = arith.muli %arg1, %mul3A : i32
    %add3A = arith.addi %mul3A_0, %arg0 : i32
    %scan3A = arith.constant 0 : i32
    %scan3A_1 = arith.constant 0 : i32
    %scan3A_2 = arith.constant 128 : i32
    %scan3A_3 = arith.addi %scan3A_1, %scan3A_2 : i32
    %scan3A_4 = arith.constant 1 : i32
    %scan3A_5 = scf.for %scan3A_53 = %scan3A_1 to %scan3A_3 step %scan3A_4 iter_args(%scan3A_54 = %scan3A) -> (i32)  : i32 {
      %broadcast_in_dim3A = arith.constant 0.000000e+00 : f32
      %broadcast_in_dim3A_55 = vector.broadcast %broadcast_in_dim3A : f32 to vector<16xf32>
      %swap3A = arith.constant 0 : i32
      %swap3A_56 = arith.index_cast %swap3A : i32 to index
      %swap3A_57 = arith.index_cast %scan3A_53 : i32 to index
      %swap3A_58 = arith.constant 0 : index
      %swap3A_59 = tpu.vector_load %arg5[%swap3A_56, %swap3A_57, %swap3A_58] {strides = array<i32>} : memref<2x128x128xf32, #tpu.memory_space<vmem>>, vector<1x1x16xf32>,
      %swap3A_60 = vector.shape_cast %swap3A_59 : vector<1x1x16xf32> to vector<16xf32>
      %swap3A_61 = vector.shape_cast %broadcast_in_dim3A_55 : vector<16xf32> to vector<1x1x16xf32>
      tpu.vector_store %arg5[%swap3A_56, %swap3A_57, %swap3A_58], %swap3A_61 {strides = array<i32>} : memref<2x128x128xf32, #tpu.memory_space<vmem>>, vector<1x1x16xf32>,
      %broadcast_in_dim3A_62 = arith.constant 1.000000e+00 : f32
      %broadcast_in_dim3A_63 = vector.broadcast %broadcast_in_dim3A_62 : f32 to vector<16xf32>
      %swap3A_64 = arith.constant 1 : i32
      %swap3A_65 = arith.index_cast %swap3A_64 : i32 to index
      %swap3A_66 = arith.index_cast %scan3A_53 : i32 to index
      %swap3A_67 = arith.constant 0 : index
      %swap3A_68 = tpu.vector_load %arg5[%swap3A_65, %swap3A_66, %swap3A_67] {strides = array<i32>} : memref<2x128x128xf32, #tpu.memory_space<vmem>>, vector<1x1x16xf32>,
      %swap3A_69 = vector.shape_cast %swap3A_68 : vector<1x1x16xf32> to vector<16xf32>
      %swap3A_70 = vector.shape_cast %broadcast_in_dim3A_63 : vector<16xf32> to vector<1x1x16xf32>
      tpu.vector_store %arg5[%swap3A_65, %swap3A_66, %swap3A_67], %swap3A_70 {strides = array<i32>} : memref<2x128x128xf32, #tpu.memory_space<vmem>>, vector<1x1x16xf32>,
      %broadcast_in_dim3A_71 = arith.constant 0.000000e+00 : f32
      %broadcast_in_dim3A_72 = vector.broadcast %broadcast_in_dim3A_71 : f32 to vector<16xf32>
      %swap3A_73 = arith.constant 0 : i32
      %swap3A_74 = arith.index_cast %swap3A_73 : i32 to index
      %swap3A_75 = arith.index_cast %scan3A_53 : i32 to index
      %swap3A_76 = arith.constant 16 : index
      %swap3A_77 = tpu.vector_load %arg5[%swap3A_74, %swap3A_75, %swap3A_76] {strides = array<i32>} : memref<2x128x128xf32, #tpu.memory_space<vmem>>, vector<1x1x16xf32>,
      %swap3A_78 = vector.shape_cast %swap3A_77 : vector<1x1x16xf32> to vector<16xf32>
      %swap3A_79 = vector.shape_cast %broadcast_in_dim3A_72 : vector<16xf32> to vector<1x1x16xf32>
      tpu.vector_store %arg5[%swap3A_74, %swap3A_75, %swap3A_76], %swap3A_79 {strides = array<i32>} : memref<2x128x128xf32, #tpu.memory_space<vmem>>, vector<1x1x16xf32>,
      %broadcast_in_dim3A_80 = arith.constant 1.000000e+00 : f32
      %broadcast_in_dim3A_81 = vector.broadcast %broadcast_in_dim3A_80 : f32 to vector<16xf32>
      %swap3A_82 = arith.constant 1 : i32
      %swap3A_83 = arith.index_cast %swap3A_82 : i32 to index
      %swap3A_84 = arith.index_cast %scan3A_53 : i32 to index
      %swap3A_85 = arith.constant 16 : index
      %swap3A_86 = tpu.vector_load %arg5[%swap3A_83, %swap3A_84, %swap3A_85] {strides = array<i32>} : memref<2x128x128xf32, #tpu.memory_space<vmem>>, vector<1x1x16xf32>,
      %swap3A_87 = vector.shape_cast %swap3A_86 : vector<1x1x16xf32> to vector<16xf32>
      %swap3A_88 = vector.shape_cast %broadcast_in_dim3A_81 : vector<16xf32> to vector<1x1x16xf32>
      tpu.vector_store %arg5[%swap3A_83, %swap3A_84, %swap3A_85], %swap3A_88 {strides = array<i32>} : memref<2x128x128xf32, #tpu.memory_space<vmem>>, vector<1x1x16xf32>,
      %broadcast_in_dim3A_89 = arith.constant 0.000000e+00 : f32
      %broadcast_in_dim3A_90 = vector.broadcast %broadcast_in_dim3A_89 : f32 to vector<16xf32>
      %swap3A_91 = arith.constant 0 : i32
      %swap3A_92 = arith.index_cast %swap3A_91 : i32 to index
      %swap3A_93 = arith.index_cast %scan3A_53 : i32 to index
      %swap3A_94 = arith.constant 32 : index
      %swap3A_95 = tpu.vector_load %arg5[%swap3A_92, %swap3A_93, %swap3A_94] {strides = array<i32>} : memref<2x128x128xf32, #tpu.memory_space<vmem>>, vector<1x1x16xf32>,
      %swap3A_96 = vector.shape_cast %swap3A_95 : vector<1x1x16xf32> to vector<16xf32>
      %swap3A_97 = vector.shape_cast %broadcast_in_dim3A_90 : vector<16xf32> to vector<1x1x16xf32>
      tpu.vector_store %arg5[%swap3A_92, %swap3A_93, %swap3A_94], %swap3A_97 {strides = array<i32>} : memref<2x128x128xf32, #tpu.memory_space<vmem>>, vector<1x1x16xf32>,
      %broadcast_in_dim3A_98 = arith.constant 1.000000e+00 : f32
      %broadcast_in_dim3A_99 = vector.broadcast %broadcast_in_dim3A_98 : f32 to vector<16xf32>
      %swap3A_100 = arith.constant 1 : i32
      %swap3A_101 = arith.index_cast %swap3A_100 : i32 to index
      %swap3A_102 = arith.index_cast %scan3A_53 : i32 to index
      %swap3A_103 = arith.constant 32 : index
      %swap3A_104 = tpu.vector_load %arg5[%swap3A_101, %swap3A_102, %swap3A_103] {strides = array<i32>} : memref<2x128x128xf32, #tpu.memory_space<vmem>>, vector<1x1x16xf32>,
      %swap3A_105 = vector.shape_cast %swap3A_104 : vector<1x1x16xf32> to vector<16xf32>
      %swap3A_106 = vector.shape_cast %broadcast_in_dim3A_99 : vector<16xf32> to vector<1x1x16xf32>
      tpu.vector_store %arg5[%swap3A_101, %swap3A_102, %swap3A_103], %swap3A_106 {strides = array<i32>} : memref<2x128x128xf32, #tpu.memory_space<vmem>>, vector<1x1x16xf32>,
      %broadcast_in_dim3A_107 = arith.constant 0.000000e+00 : f32
      %broadcast_in_dim3A_108 = vector.broadcast %broadcast_in_dim3A_107 : f32 to vector<16xf32>
      %swap3A_109 = arith.constant 0 : i32
      %swap3A_110 = arith.index_cast %swap3A_109 : i32 to index
      %swap3A_111 = arith.index_cast %scan3A_53 : i32 to index
      %swap3A_112 = arith.constant 48 : index
      %swap3A_113 = tpu.vector_load %arg5[%swap3A_110, %swap3A_111, %swap3A_112] {strides = array<i32>} : memref<2x128x128xf32, #tpu.memory_space<vmem>>, vector<1x1x16xf32>,
      %swap3A_114 = vector.shape_cast %swap3A_113 : vector<1x1x16xf32> to vector<16xf32>
      %swap3A_115 = vector.shape_cast %broadcast_in_dim3A_108 : vector<16xf32> to vector<1x1x16xf32>
      tpu.vector_store %arg5[%swap3A_110, %swap3A_111, %swap3A_112], %swap3A_115 {strides = array<i32>} : memref<2x128x128xf32, #tpu.memory_space<vmem>>, vector<1x1x16xf32>,
      %broadcast_in_dim3A_116 = arith.constant 1.000000e+00 : f32
      %broadcast_in_dim3A_117 = vector.broadcast %broadcast_in_dim3A_116 : f32 to vector<16xf32>
      %swap3A_118 = arith.constant 1 : i32
      %swap3A_119 = arith.index_cast %swap3A_118 : i32 to index
      %swap3A_120 = arith.index_cast %scan3A_53 : i32 to index
      %swap3A_121 = arith.constant 48 : index
      %swap3A_122 = tpu.vector_load %arg5[%swap3A_119, %swap3A_120, %swap3A_121] {strides = array<i32>} : memref<2x128x128xf32, #tpu.memory_space<vmem>>, vector<1x1x16xf32>,
      %swap3A_123 = vector.shape_cast %swap3A_122 : vector<1x1x16xf32> to vector<16xf32>
      %swap3A_124 = vector.shape_cast %broadcast_in_dim3A_117 : vector<16xf32> to vector<1x1x16xf32>
      tpu.vector_store %arg5[%swap3A_119, %swap3A_120, %swap3A_121], %swap3A_124 {strides = array<i32>} : memref<2x128x128xf32, #tpu.memory_space<vmem>>, vector<1x1x16xf32>,
      %broadcast_in_dim3A_125 = arith.constant 0.000000e+00 : f32
      %broadcast_in_dim3A_126 = vector.broadcast %broadcast_in_dim3A_125 : f32 to vector<16xf32>
      %swap3A_127 = arith.constant 0 : i32
      %swap3A_128 = arith.index_cast %swap3A_127 : i32 to index
      %swap3A_129 = arith.index_cast %scan3A_53 : i32 to index
      %swap3A_130 = arith.constant 64 : index
      %swap3A_131 = tpu.vector_load %arg5[%swap3A_128, %swap3A_129, %swap3A_130] {strides = array<i32>} : memref<2x128x128xf32, #tpu.memory_space<vmem>>, vector<1x1x16xf32>,
      %swap3A_132 = vector.shape_cast %swap3A_131 : vector<1x1x16xf32> to vector<16xf32>
      %swap3A_133 = vector.shape_cast %broadcast_in_dim3A_126 : vector<16xf32> to vector<1x1x16xf32>
      tpu.vector_store %arg5[%swap3A_128, %swap3A_129, %swap3A_130], %swap3A_133 {strides = array<i32>} : memref<2x128x128xf32, #tpu.memory_space<vmem>>, vector<1x1x16xf32>,
      %broadcast_in_dim3A_134 = arith.constant 1.000000e+00 : f32
      %broadcast_in_dim3A_135 = vector.broadcast %broadcast_in_dim3A_134 : f32 to vector<16xf32>
      %swap3A_136 = arith.constant 1 : i32
      %swap3A_137 = arith.index_cast %swap3A_136 : i32 to index
      %swap3A_138 = arith.index_cast %scan3A_53 : i32 to index
      %swap3A_139 = arith.constant 64 : index
      %swap3A_140 = tpu.vector_load %arg5[%swap3A_137, %swap3A_138, %swap3A_139] {strides = array<i32>} : memref<2x128x128xf32, #tpu.memory_space<vmem>>, vector<1x1x16xf32>,
      %swap3A_141 = vector.shape_cast %swap3A_140 : vector<1x1x16xf32> to vector<16xf32>
      %swap3A_142 = vector.shape_cast %broadcast_in_dim3A_135 : vector<16xf32> to vector<1x1x16xf32>
      tpu.vector_store %arg5[%swap3A_137, %swap3A_138, %swap3A_139], %swap3A_142 {strides = array<i32>} : memref<2x128x128xf32, #tpu.memory_space<vmem>>, vector<1x1x16xf32>,
      %broadcast_in_dim3A_143 = arith.constant 0.000000e+00 : f32
      %broadcast_in_dim3A_144 = vector.broadcast %broadcast_in_dim3A_143 : f32 to vector<16xf32>
      %swap3A_145 = arith.constant 0 : i32
      %swap3A_146 = arith.index_cast %swap3A_145 : i32 to index
      %swap3A_147 = arith.index_cast %scan3A_53 : i32 to index
      %swap3A_148 = arith.constant 80 : index
      %swap3A_149 = tpu.vector_load %arg5[%swap3A_146, %swap3A_147, %swap3A_148] {strides = array<i32>} : memref<2x128x128xf32, #tpu.memory_space<vmem>>, vector<1x1x16xf32>,
      %swap3A_150 = vector.shape_cast %swap3A_149 : vector<1x1x16xf32> to vector<16xf32>
      %swap3A_151 = vector.shape_cast %broadcast_in_dim3A_144 : vector<16xf32> to vector<1x1x16xf32>
      tpu.vector_store %arg5[%swap3A_146, %swap3A_147, %swap3A_148], %swap3A_151 {strides = array<i32>} : memref<2x128x128xf32, #tpu.memory_space<vmem>>, vector<1x1x16xf32>,
      %broadcast_in_dim3A_152 = arith.constant 1.000000e+00 : f32
      %broadcast_in_dim3A_153 = vector.broadcast %broadcast_in_dim3A_152 : f32 to vector<16xf32>
      %swap3A_154 = arith.constant 1 : i32
      %swap3A_155 = arith.index_cast %swap3A_154 : i32 to index
      %swap3A_156 = arith.index_cast %scan3A_53 : i32 to index
      %swap3A_157 = arith.constant 80 : index
      %swap3A_158 = tpu.vector_load %arg5[%swap3A_155, %swap3A_156, %swap3A_157] {strides = array<i32>} : memref<2x128x128xf32, #tpu.memory_space<vmem>>, vector<1x1x16xf32>,
      %swap3A_159 = vector.shape_cast %swap3A_158 : vector<1x1x16xf32> to vector<16xf32>
      %swap3A_160 = vector.shape_cast %broadcast_in_dim3A_153 : vector<16xf32> to vector<1x1x16xf32>
      tpu.vector_store %arg5[%swap3A_155, %swap3A_156, %swap3A_157], %swap3A_160 {strides = array<i32>} : memref<2x128x128xf32, #tpu.memory_space<vmem>>, vector<1x1x16xf32>,
      %broadcast_in_dim3A_161 = arith.constant 0.000000e+00 : f32
      %broadcast_in_dim3A_162 = vector.broadcast %broadcast_in_dim3A_161 : f32 to vector<16xf32>
      %swap3A_163 = arith.constant 0 : i32
      %swap3A_164 = arith.index_cast %swap3A_163 : i32 to index
      %swap3A_165 = arith.index_cast %scan3A_53 : i32 to index
      %swap3A_166 = arith.constant 96 : index
      %swap3A_167 = tpu.vector_load %arg5[%swap3A_164, %swap3A_165, %swap3A_166] {strides = array<i32>} : memref<2x128x128xf32, #tpu.memory_space<vmem>>, vector<1x1x16xf32>,
      %swap3A_168 = vector.shape_cast %swap3A_167 : vector<1x1x16xf32> to vector<16xf32>
      %swap3A_169 = vector.shape_cast %broadcast_in_dim3A_162 : vector<16xf32> to vector<1x1x16xf32>
      tpu.vector_store %arg5[%swap3A_164, %swap3A_165, %swap3A_166], %swap3A_169 {strides = array<i32>} : memref<2x128x128xf32, #tpu.memory_space<vmem>>, vector<1x1x16xf32>,
      %broadcast_in_dim3A_170 = arith.constant 1.000000e+00 : f32
      %broadcast_in_dim3A_171 = vector.broadcast %broadcast_in_dim3A_170 : f32 to vector<16xf32>
      %swap3A_172 = arith.constant 1 : i32
      %swap3A_173 = arith.index_cast %swap3A_172 : i32 to index
      %swap3A_174 = arith.index_cast %scan3A_53 : i32 to index
      %swap3A_175 = arith.constant 96 : index
      %swap3A_176 = tpu.vector_load %arg5[%swap3A_173, %swap3A_174, %swap3A_175] {strides = array<i32>} : memref<2x128x128xf32, #tpu.memory_space<vmem>>, vector<1x1x16xf32>,
      %swap3A_177 = vector.shape_cast %swap3A_176 : vector<1x1x16xf32> to vector<16xf32>
      %swap3A_178 = vector.shape_cast %broadcast_in_dim3A_171 : vector<16xf32> to vector<1x1x16xf32>
      tpu.vector_store %arg5[%swap3A_173, %swap3A_174, %swap3A_175], %swap3A_178 {strides = array<i32>} : memref<2x128x128xf32, #tpu.memory_space<vmem>>, vector<1x1x16xf32>,
      %broadcast_in_dim3A_179 = arith.constant 0.000000e+00 : f32
      %broadcast_in_dim3A_180 = vector.broadcast %broadcast_in_dim3A_179 : f32 to vector<16xf32>
      %swap3A_181 = arith.constant 0 : i32
      %swap3A_182 = arith.index_cast %swap3A_181 : i32 to index
      %swap3A_183 = arith.index_cast %scan3A_53 : i32 to index
      %swap3A_184 = arith.constant 112 : index
      %swap3A_185 = tpu.vector_load %arg5[%swap3A_182, %swap3A_183, %swap3A_184] {strides = array<i32>} : memref<2x128x128xf32, #tpu.memory_space<vmem>>, vector<1x1x16xf32>,
      %swap3A_186 = vector.shape_cast %swap3A_185 : vector<1x1x16xf32> to vector<16xf32>
      %swap3A_187 = vector.shape_cast %broadcast_in_dim3A_180 : vector<16xf32> to vector<1x1x16xf32>
      tpu.vector_store %arg5[%swap3A_182, %swap3A_183, %swap3A_184], %swap3A_187 {strides = array<i32>} : memref<2x128x128xf32, #tpu.memory_space<vmem>>, vector<1x1x16xf32>,
      %broadcast_in_dim3A_188 = arith.constant 1.000000e+00 : f32
      %broadcast_in_dim3A_189 = vector.broadcast %broadcast_in_dim3A_188 : f32 to vector<16xf32>
      %swap3A_190 = arith.constant 1 : i32
      %swap3A_191 = arith.index_cast %swap3A_190 : i32 to index
      %swap3A_192 = arith.index_cast %scan3A_53 : i32 to index
      %swap3A_193 = arith.constant 112 : index
      %swap3A_194 = tpu.vector_load %arg5[%swap3A_191, %swap3A_192, %swap3A_193] {strides = array<i32>} : memref<2x128x128xf32, #tpu.memory_space<vmem>>, vector<1x1x16xf32>,
      %swap3A_195 = vector.shape_cast %swap3A_194 : vector<1x1x16xf32> to vector<16xf32>
      %swap3A_196 = vector.shape_cast %broadcast_in_dim3A_189 : vector<16xf32> to vector<1x1x16xf32>
      tpu.vector_store %arg5[%swap3A_191, %swap3A_192, %swap3A_193], %swap3A_196 {strides = array<i32>} : memref<2x128x128xf32, #tpu.memory_space<vmem>>, vector<1x1x16xf32>,
      %scan3A_197 = arith.constant 0 : i32
      scf.yield %scan3A_197 : i32
    }
    %scan3A_6 = arith.constant 128 : i32
    %mul3A_7 = arith.constant 640 : i32
    %mul3A_8 = arith.muli %arg1, %mul3A_7 : i32
    %add3A_9 = arith.constant 0 : i32
    %add3A_10 = arith.addi %mul3A_8, %add3A_9 : i32
    %run_scoped3A = arith.constant 0 : i32
    "tpu.region"() ({
      %run_scoped3A_53 = tpu.sem_alloc : memref<!tpu.dma_semaphore, #tpu.memory_space<semaphore_mem>>
      %dma_start3A = arith.constant 0 : i32
      %dma_start3A_54 = arith.constant 0 : i32
      %dma_start3A_55 = tpu.memref_slice %arg5[%run_scoped3A, %dma_start3A, %dma_start3A_54] : memref<2x128x128xf32, #tpu.memory_space<vmem>> -> memref<1x128x128xf32, #tpu.memory_space<vmem>>
      %dma_start3A_56 = tpu.memref_squeeze %dma_start3A_55 : memref<1x128x128xf32, #tpu.memory_space<vmem>> -> memref<128x128xf32, #tpu.memory_space<vmem>>
      %dma_start3A_57 = arith.constant 0 : i32
      %dma_start3A_58 = tpu.memref_slice %arg6[%add3A_10, %dma_start3A_57] : memref<10240x128xf32, #tpu.memory_space<vmem_shared>> -> memref<128x128xf32, #tpu.memory_space<vmem_shared>>
      %dma_start3A_59 = arith.constant 0 : i32
      %dma_start3A_60 = tpu.memref_slice %arg6[%add3A_10, %dma_start3A_59] : memref<10240x128xf32, #tpu.memory_space<vmem_shared>> -> memref<128x128xf32, #tpu.memory_space<vmem_shared>>
      %dma_start3A_61 = arith.constant 0 : i32
      %dma_start3A_62 = arith.constant 0 : i32
      %dma_start3A_63 = tpu.memref_slice %arg5[%run_scoped3A, %dma_start3A_61, %dma_start3A_62] : memref<2x128x128xf32, #tpu.memory_space<vmem>> -> memref<1x128x128xf32, #tpu.memory_space<vmem>>
      %dma_start3A_64 = tpu.memref_squeeze %dma_start3A_63 : memref<1x128x128xf32, #tpu.memory_space<vmem>> -> memref<128x128xf32, #tpu.memory_space<vmem>>
      tpu.enqueue_dma source(%dma_start3A_64 : memref<128x128xf32, #tpu.memory_space<vmem>>) target(%dma_start3A_60 : memref<128x128xf32, #tpu.memory_space<vmem_shared>>) target_semaphore(%run_scoped3A_53 : memref<!tpu.dma_semaphore, #tpu.memory_space<semaphore_mem>>)
      %dma_wait3A = arith.constant 0 : i32
      %dma_wait3A_65 = arith.constant 0 : i32
      %dma_wait3A_66 = tpu.memref_slice %arg5[%run_scoped3A, %dma_wait3A, %dma_wait3A_65] : memref<2x128x128xf32, #tpu.memory_space<vmem>> -> memref<1x128x128xf32, #tpu.memory_space<vmem>>
      %dma_wait3A_67 = tpu.memref_squeeze %dma_wait3A_66 : memref<1x128x128xf32, #tpu.memory_space<vmem>> -> memref<128x128xf32, #tpu.memory_space<vmem>>
      %dma_wait3A_68 = arith.constant 0 : i32
      %dma_wait3A_69 = tpu.memref_slice %arg6[%add3A_10, %dma_wait3A_68] : memref<10240x128xf32, #tpu.memory_space<vmem_shared>> -> memref<128x128xf32, #tpu.memory_space<vmem_shared>>
      %dma_wait3A_70 = arith.constant 0 : i32
      %dma_wait3A_71 = tpu.memref_slice %arg6[%add3A_10, %dma_wait3A_70] : memref<10240x128xf32, #tpu.memory_space<vmem_shared>> -> memref<128x128xf32, #tpu.memory_space<vmem_shared>>
      %dma_wait3A_72 = arith.constant 0 : i32
      %dma_wait3A_73 = arith.constant 0 : i32
      %dma_wait3A_74 = tpu.memref_slice %arg5[%run_scoped3A, %dma_wait3A_72, %dma_wait3A_73] : memref<2x128x128xf32, #tpu.memory_space<vmem>> -> memref<1x128x128xf32, #tpu.memory_space<vmem>>
      %dma_wait3A_75 = tpu.memref_squeeze %dma_wait3A_74 : memref<1x128x128xf32, #tpu.memory_space<vmem>> -> memref<128x128xf32, #tpu.memory_space<vmem>>
      tpu.wait_dma2 semaphore(%run_scoped3A_53 : memref<!tpu.dma_semaphore, #tpu.memory_space<semaphore_mem>>) src(%dma_wait3A_75 : memref<128x128xf32, #tpu.memory_space<vmem>>) dst(%dma_wait3A_71 : memref<128x128xf32, #tpu.memory_space<vmem_shared>>)
      tpu.yield
    }) : () -> ()
    %mul3A_11 = arith.constant 640 : i32
    %mul3A_12 = arith.muli %arg1, %mul3A_11 : i32
    %add3A_13 = arith.constant 128 : i32
    %add3A_14 = arith.addi %mul3A_12, %add3A_13 : i32
    %run_scoped3A_15 = arith.constant 0 : i32
    "tpu.region"() ({
      %run_scoped3A_53 = tpu.sem_alloc : memref<!tpu.dma_semaphore, #tpu.memory_space<semaphore_mem>>
      %dma_start3A = arith.constant 0 : i32
      %dma_start3A_54 = arith.constant 0 : i32
      %dma_start3A_55 = tpu.memref_slice %arg5[%run_scoped3A_15, %dma_start3A, %dma_start3A_54] : memref<2x128x128xf32, #tpu.memory_space<vmem>> -> memref<1x128x128xf32, #tpu.memory_space<vmem>>
      %dma_start3A_56 = tpu.memref_squeeze %dma_start3A_55 : memref<1x128x128xf32, #tpu.memory_space<vmem>> -> memref<128x128xf32, #tpu.memory_space<vmem>>
      %dma_start3A_57 = arith.constant 0 : i32
      %dma_start3A_58 = tpu.memref_slice %arg6[%add3A_14, %dma_start3A_57] : memref<10240x128xf32, #tpu.memory_space<vmem_shared>> -> memref<128x128xf32, #tpu.memory_space<vmem_shared>>
      %dma_start3A_59 = arith.constant 0 : i32
      %dma_start3A_60 = tpu.memref_slice %arg6[%add3A_14, %dma_start3A_59] : memref<10240x128xf32, #tpu.memory_space<vmem_shared>> -> memref<128x128xf32, #tpu.memory_space<vmem_shared>>
      %dma_start3A_61 = arith.constant 0 : i32
      %dma_start3A_62 = arith.constant 0 : i32
      %dma_start3A_63 = tpu.memref_slice %arg5[%run_scoped3A_15, %dma_start3A_61, %dma_start3A_62] : memref<2x128x128xf32, #tpu.memory_space<vmem>> -> memref<1x128x128xf32, #tpu.memory_space<vmem>>
      %dma_start3A_64 = tpu.memref_squeeze %dma_start3A_63 : memref<1x128x128xf32, #tpu.memory_space<vmem>> -> memref<128x128xf32, #tpu.memory_space<vmem>>
      tpu.enqueue_dma source(%dma_start3A_64 : memref<128x128xf32, #tpu.memory_space<vmem>>) target(%dma_start3A_60 : memref<128x128xf32, #tpu.memory_space<vmem_shared>>) target_semaphore(%run_scoped3A_53 : memref<!tpu.dma_semaphore, #tpu.memory_space<semaphore_mem>>)
      %dma_wait3A = arith.constant 0 : i32
      %dma_wait3A_65 = arith.constant 0 : i32
      %dma_wait3A_66 = tpu.memref_slice %arg5[%run_scoped3A_15, %dma_wait3A, %dma_wait3A_65] : memref<2x128x128xf32, #tpu.memory_space<vmem>> -> memref<1x128x128xf32, #tpu.memory_space<vmem>>
      %dma_wait3A_67 = tpu.memref_squeeze %dma_wait3A_66 : memref<1x128x128xf32, #tpu.memory_space<vmem>> -> memref<128x128xf32, #tpu.memory_space<vmem>>
      %dma_wait3A_68 = arith.constant 0 : i32
      %dma_wait3A_69 = tpu.memref_slice %arg6[%add3A_14, %dma_wait3A_68] : memref<10240x128xf32, #tpu.memory_space<vmem_shared>> -> memref<128x128xf32, #tpu.memory_space<vmem_shared>>
      %dma_wait3A_70 = arith.constant 0 : i32
      %dma_wait3A_71 = tpu.memref_slice %arg6[%add3A_14, %dma_wait3A_70] : memref<10240x128xf32, #tpu.memory_space<vmem_shared>> -> memref<128x128xf32, #tpu.memory_space<vmem_shared>>
      %dma_wait3A_72 = arith.constant 0 : i32
      %dma_wait3A_73 = arith.constant 0 : i32
      %dma_wait3A_74 = tpu.memref_slice %arg5[%run_scoped3A_15, %dma_wait3A_72, %dma_wait3A_73] : memref<2x128x128xf32, #tpu.memory_space<vmem>> -> memref<1x128x128xf32, #tpu.memory_space<vmem>>
      %dma_wait3A_75 = tpu.memref_squeeze %dma_wait3A_74 : memref<1x128x128xf32, #tpu.memory_space<vmem>> -> memref<128x128xf32, #tpu.memory_space<vmem>>
      tpu.wait_dma2 semaphore(%run_scoped3A_53 : memref<!tpu.dma_semaphore, #tpu.memory_space<semaphore_mem>>) src(%dma_wait3A_75 : memref<128x128xf32, #tpu.memory_space<vmem>>) dst(%dma_wait3A_71 : memref<128x128xf32, #tpu.memory_space<vmem_shared>>)
      tpu.yield
    }) : () -> ()
    %mul3A_16 = arith.constant 640 : i32
    %mul3A_17 = arith.muli %arg1, %mul3A_16 : i32
    %add3A_18 = arith.constant 256 : i32
    %add3A_19 = arith.addi %mul3A_17, %add3A_18 : i32
    %run_scoped3A_20 = arith.constant 0 : i32
    "tpu.region"() ({
      %run_scoped3A_53 = tpu.sem_alloc : memref<!tpu.dma_semaphore, #tpu.memory_space<semaphore_mem>>
      %dma_start3A = arith.constant 0 : i32
      %dma_start3A_54 = arith.constant 0 : i32
      %dma_start3A_55 = tpu.memref_slice %arg5[%run_scoped3A_20, %dma_start3A, %dma_start3A_54] : memref<2x128x128xf32, #tpu.memory_space<vmem>> -> memref<1x128x128xf32, #tpu.memory_space<vmem>>
      %dma_start3A_56 = tpu.memref_squeeze %dma_start3A_55 : memref<1x128x128xf32, #tpu.memory_space<vmem>> -> memref<128x128xf32, #tpu.memory_space<vmem>>
      %dma_start3A_57 = arith.constant 0 : i32
      %dma_start3A_58 = tpu.memref_slice %arg6[%add3A_19, %dma_start3A_57] : memref<10240x128xf32, #tpu.memory_space<vmem_shared>> -> memref<128x128xf32, #tpu.memory_space<vmem_shared>>
      %dma_start3A_59 = arith.constant 0 : i32
      %dma_start3A_60 = tpu.memref_slice %arg6[%add3A_19, %dma_start3A_59] : memref<10240x128xf32, #tpu.memory_space<vmem_shared>> -> memref<128x128xf32, #tpu.memory_space<vmem_shared>>
      %dma_start3A_61 = arith.constant 0 : i32
      %dma_start3A_62 = arith.constant 0 : i32
      %dma_start3A_63 = tpu.memref_slice %arg5[%run_scoped3A_20, %dma_start3A_61, %dma_start3A_62] : memref<2x128x128xf32, #tpu.memory_space<vmem>> -> memref<1x128x128xf32, #tpu.memory_space<vmem>>
      %dma_start3A_64 = tpu.memref_squeeze %dma_start3A_63 : memref<1x128x128xf32, #tpu.memory_space<vmem>> -> memref<128x128xf32, #tpu.memory_space<vmem>>
      tpu.enqueue_dma source(%dma_start3A_64 : memref<128x128xf32, #tpu.memory_space<vmem>>) target(%dma_start3A_60 : memref<128x128xf32, #tpu.memory_space<vmem_shared>>) target_semaphore(%run_scoped3A_53 : memref<!tpu.dma_semaphore, #tpu.memory_space<semaphore_mem>>)
      %dma_wait3A = arith.constant 0 : i32
      %dma_wait3A_65 = arith.constant 0 : i32
      %dma_wait3A_66 = tpu.memref_slice %arg5[%run_scoped3A_20, %dma_wait3A, %dma_wait3A_65] : memref<2x128x128xf32, #tpu.memory_space<vmem>> -> memref<1x128x128xf32, #tpu.memory_space<vmem>>
      %dma_wait3A_67 = tpu.memref_squeeze %dma_wait3A_66 : memref<1x128x128xf32, #tpu.memory_space<vmem>> -> memref<128x128xf32, #tpu.memory_space<vmem>>
      %dma_wait3A_68 = arith.constant 0 : i32
      %dma_wait3A_69 = tpu.memref_slice %arg6[%add3A_19, %dma_wait3A_68] : memref<10240x128xf32, #tpu.memory_space<vmem_shared>> -> memref<128x128xf32, #tpu.memory_space<vmem_shared>>
      %dma_wait3A_70 = arith.constant 0 : i32
      %dma_wait3A_71 = tpu.memref_slice %arg6[%add3A_19, %dma_wait3A_70] : memref<10240x128xf32, #tpu.memory_space<vmem_shared>> -> memref<128x128xf32, #tpu.memory_space<vmem_shared>>
      %dma_wait3A_72 = arith.constant 0 : i32
      %dma_wait3A_73 = arith.constant 0 : i32
      %dma_wait3A_74 = tpu.memref_slice %arg5[%run_scoped3A_20, %dma_wait3A_72, %dma_wait3A_73] : memref<2x128x128xf32, #tpu.memory_space<vmem>> -> memref<1x128x128xf32, #tpu.memory_space<vmem>>
      %dma_wait3A_75 = tpu.memref_squeeze %dma_wait3A_74 : memref<1x128x128xf32, #tpu.memory_space<vmem>> -> memref<128x128xf32, #tpu.memory_space<vmem>>
      tpu.wait_dma2 semaphore(%run_scoped3A_53 : memref<!tpu.dma_semaphore, #tpu.memory_space<semaphore_mem>>) src(%dma_wait3A_75 : memref<128x128xf32, #tpu.memory_space<vmem>>) dst(%dma_wait3A_71 : memref<128x128xf32, #tpu.memory_space<vmem_shared>>)
      tpu.yield
    }) : () -> ()
    %mul3A_21 = arith.constant 640 : i32
    %mul3A_22 = arith.muli %arg1, %mul3A_21 : i32
    %add3A_23 = arith.constant 384 : i32
    %add3A_24 = arith.addi %mul3A_22, %add3A_23 : i32
    %run_scoped3A_25 = arith.constant 0 : i32
    "tpu.region"() ({
      %run_scoped3A_53 = tpu.sem_alloc : memref<!tpu.dma_semaphore, #tpu.memory_space<semaphore_mem>>
      %dma_start3A = arith.constant 0 : i32
      %dma_start3A_54 = arith.constant 0 : i32
      %dma_start3A_55 = tpu.memref_slice %arg5[%run_scoped3A_25, %dma_start3A, %dma_start3A_54] : memref<2x128x128xf32, #tpu.memory_space<vmem>> -> memref<1x128x128xf32, #tpu.memory_space<vmem>>
      %dma_start3A_56 = tpu.memref_squeeze %dma_start3A_55 : memref<1x128x128xf32, #tpu.memory_space<vmem>> -> memref<128x128xf32, #tpu.memory_space<vmem>>
      %dma_start3A_57 = arith.constant 0 : i32
      %dma_start3A_58 = tpu.memref_slice %arg6[%add3A_24, %dma_start3A_57] : memref<10240x128xf32, #tpu.memory_space<vmem_shared>> -> memref<128x128xf32, #tpu.memory_space<vmem_shared>>
      %dma_start3A_59 = arith.constant 0 : i32
      %dma_start3A_60 = tpu.memref_slice %arg6[%add3A_24, %dma_start3A_59] : memref<10240x128xf32, #tpu.memory_space<vmem_shared>> -> memref<128x128xf32, #tpu.memory_space<vmem_shared>>
      %dma_start3A_61 = arith.constant 0 : i32
      %dma_start3A_62 = arith.constant 0 : i32
      %dma_start3A_63 = tpu.memref_slice %arg5[%run_scoped3A_25, %dma_start3A_61, %dma_start3A_62] : memref<2x128x128xf32, #tpu.memory_space<vmem>> -> memref<1x128x128xf32, #tpu.memory_space<vmem>>
      %dma_start3A_64 = tpu.memref_squeeze %dma_start3A_63 : memref<1x128x128xf32, #tpu.memory_space<vmem>> -> memref<128x128xf32, #tpu.memory_space<vmem>>
      tpu.enqueue_dma source(%dma_start3A_64 : memref<128x128xf32, #tpu.memory_space<vmem>>) target(%dma_start3A_60 : memref<128x128xf32, #tpu.memory_space<vmem_shared>>) target_semaphore(%run_scoped3A_53 : memref<!tpu.dma_semaphore, #tpu.memory_space<semaphore_mem>>)
      %dma_wait3A = arith.constant 0 : i32
      %dma_wait3A_65 = arith.constant 0 : i32
      %dma_wait3A_66 = tpu.memref_slice %arg5[%run_scoped3A_25, %dma_wait3A, %dma_wait3A_65] : memref<2x128x128xf32, #tpu.memory_space<vmem>> -> memref<1x128x128xf32, #tpu.memory_space<vmem>>
      %dma_wait3A_67 = tpu.memref_squeeze %dma_wait3A_66 : memref<1x128x128xf32, #tpu.memory_space<vmem>> -> memref<128x128xf32, #tpu.memory_space<vmem>>
      %dma_wait3A_68 = arith.constant 0 : i32
      %dma_wait3A_69 = tpu.memref_slice %arg6[%add3A_24, %dma_wait3A_68] : memref<10240x128xf32, #tpu.memory_space<vmem_shared>> -> memref<128x128xf32, #tpu.memory_space<vmem_shared>>
      %dma_wait3A_70 = arith.constant 0 : i32
      %dma_wait3A_71 = tpu.memref_slice %arg6[%add3A_24, %dma_wait3A_70] : memref<10240x128xf32, #tpu.memory_space<vmem_shared>> -> memref<128x128xf32, #tpu.memory_space<vmem_shared>>
      %dma_wait3A_72 = arith.constant 0 : i32
      %dma_wait3A_73 = arith.constant 0 : i32
      %dma_wait3A_74 = tpu.memref_slice %arg5[%run_scoped3A_25, %dma_wait3A_72, %dma_wait3A_73] : memref<2x128x128xf32, #tpu.memory_space<vmem>> -> memref<1x128x128xf32, #tpu.memory_space<vmem>>
      %dma_wait3A_75 = tpu.memref_squeeze %dma_wait3A_74 : memref<1x128x128xf32, #tpu.memory_space<vmem>> -> memref<128x128xf32, #tpu.memory_space<vmem>>
      tpu.wait_dma2 semaphore(%run_scoped3A_53 : memref<!tpu.dma_semaphore, #tpu.memory_space<semaphore_mem>>) src(%dma_wait3A_75 : memref<128x128xf32, #tpu.memory_space<vmem>>) dst(%dma_wait3A_71 : memref<128x128xf32, #tpu.memory_space<vmem_shared>>)
      tpu.yield
    }) : () -> ()
    %mul3A_26 = arith.constant 640 : i32
    %mul3A_27 = arith.muli %arg1, %mul3A_26 : i32
    %add3A_28 = arith.constant 512 : i32
    %add3A_29 = arith.addi %mul3A_27, %add3A_28 : i32
    %run_scoped3A_30 = arith.constant 0 : i32
    "tpu.region"() ({
      %run_scoped3A_53 = tpu.sem_alloc : memref<!tpu.dma_semaphore, #tpu.memory_space<semaphore_mem>>
      %dma_start3A = arith.constant 0 : i32
      %dma_start3A_54 = arith.constant 0 : i32
      %dma_start3A_55 = tpu.memref_slice %arg5[%run_scoped3A_30, %dma_start3A, %dma_start3A_54] : memref<2x128x128xf32, #tpu.memory_space<vmem>> -> memref<1x128x128xf32, #tpu.memory_space<vmem>>
      %dma_start3A_56 = tpu.memref_squeeze %dma_start3A_55 : memref<1x128x128xf32, #tpu.memory_space<vmem>> -> memref<128x128xf32, #tpu.memory_space<vmem>>
      %dma_start3A_57 = arith.constant 0 : i32
      %dma_start3A_58 = tpu.memref_slice %arg6[%add3A_29, %dma_start3A_57] : memref<10240x128xf32, #tpu.memory_space<vmem_shared>> -> memref<128x128xf32, #tpu.memory_space<vmem_shared>>
      %dma_start3A_59 = arith.constant 0 : i32
      %dma_start3A_60 = tpu.memref_slice %arg6[%add3A_29, %dma_start3A_59] : memref<10240x128xf32, #tpu.memory_space<vmem_shared>> -> memref<128x128xf32, #tpu.memory_space<vmem_shared>>
      %dma_start3A_61 = arith.constant 0 : i32
      %dma_start3A_62 = arith.constant 0 : i32
      %dma_start3A_63 = tpu.memref_slice %arg5[%run_scoped3A_30, %dma_start3A_61, %dma_start3A_62] : memref<2x128x128xf32, #tpu.memory_space<vmem>> -> memref<1x128x128xf32, #tpu.memory_space<vmem>>
      %dma_start3A_64 = tpu.memref_squeeze %dma_start3A_63 : memref<1x128x128xf32, #tpu.memory_space<vmem>> -> memref<128x128xf32, #tpu.memory_space<vmem>>
      tpu.enqueue_dma source(%dma_start3A_64 : memref<128x128xf32, #tpu.memory_space<vmem>>) target(%dma_start3A_60 : memref<128x128xf32, #tpu.memory_space<vmem_shared>>) target_semaphore(%run_scoped3A_53 : memref<!tpu.dma_semaphore, #tpu.memory_space<semaphore_mem>>)
      %dma_wait3A = arith.constant 0 : i32
      %dma_wait3A_65 = arith.constant 0 : i32
      %dma_wait3A_66 = tpu.memref_slice %arg5[%run_scoped3A_30, %dma_wait3A, %dma_wait3A_65] : memref<2x128x128xf32, #tpu.memory_space<vmem>> -> memref<1x128x128xf32, #tpu.memory_space<vmem>>
      %dma_wait3A_67 = tpu.memref_squeeze %dma_wait3A_66 : memref<1x128x128xf32, #tpu.memory_space<vmem>> -> memref<128x128xf32, #tpu.memory_space<vmem>>
      %dma_wait3A_68 = arith.constant 0 : i32
      %dma_wait3A_69 = tpu.memref_slice %arg6[%add3A_29, %dma_wait3A_68] : memref<10240x128xf32, #tpu.memory_space<vmem_shared>> -> memref<128x128xf32, #tpu.memory_space<vmem_shared>>
      %dma_wait3A_70 = arith.constant 0 : i32
      %dma_wait3A_71 = tpu.memref_slice %arg6[%add3A_29, %dma_wait3A_70] : memref<10240x128xf32, #tpu.memory_space<vmem_shared>> -> memref<128x128xf32, #tpu.memory_space<vmem_shared>>
      %dma_wait3A_72 = arith.constant 0 : i32
      %dma_wait3A_73 = arith.constant 0 : i32
      %dma_wait3A_74 = tpu.memref_slice %arg5[%run_scoped3A_30, %dma_wait3A_72, %dma_wait3A_73] : memref<2x128x128xf32, #tpu.memory_space<vmem>> -> memref<1x128x128xf32, #tpu.memory_space<vmem>>
      %dma_wait3A_75 = tpu.memref_squeeze %dma_wait3A_74 : memref<1x128x128xf32, #tpu.memory_space<vmem>> -> memref<128x128xf32, #tpu.memory_space<vmem>>
      tpu.wait_dma2 semaphore(%run_scoped3A_53 : memref<!tpu.dma_semaphore, #tpu.memory_space<semaphore_mem>>) src(%dma_wait3A_75 : memref<128x128xf32, #tpu.memory_space<vmem>>) dst(%dma_wait3A_71 : memref<128x128xf32, #tpu.memory_space<vmem_shared>>)
      tpu.yield
    }) : () -> ()
    %barrier3A = arith.constant 0 : index
    tpu.barrier barrier_id(%barrier3A)
    %mul3A_31 = arith.constant 10240 : i32
    %mul3A_32 = arith.muli %add3A, %mul3A_31 : i32
    %add3A_33 = arith.constant 0 : i32
    %add3A_34 = arith.addi %mul3A_32, %add3A_33 : i32
    %run_scoped3A_35 = arith.constant 0 : i32
    "tpu.region"() ({
      %run_scoped3A_53 = tpu.sem_alloc : memref<!tpu.dma_semaphore, #tpu.memory_space<semaphore_mem>>
      %dma_start3A = arith.constant 0 : i32
      %dma_start3A_54 = tpu.memref_slice %arg4[%run_scoped3A_35, %dma_start3A] : memref<2x128xi32, #tpu.memory_space<vmem>> -> memref<1x128xi32, #tpu.memory_space<vmem>>
      %dma_start3A_55 = tpu.memref_squeeze %dma_start3A_54 : memref<1x128xi32, #tpu.memory_space<vmem>> -> memref<128xi32, #tpu.memory_space<vmem>>
      %dma_start3A_56 = tpu.memref_slice %arg2[%add3A_34] : memref<327680xi32, #tpu.memory_space<hbm>> -> memref<128xi32, #tpu.memory_space<hbm>>
      %dma_start3A_57 = arith.constant 0 : i32
      %dma_start3A_58 = tpu.memref_slice %arg4[%run_scoped3A_35, %dma_start3A_57] : memref<2x128xi32, #tpu.memory_space<vmem>> -> memref<1x128xi32, #tpu.memory_space<vmem>>
      %dma_start3A_59 = tpu.memref_squeeze %dma_start3A_58 : memref<1x128xi32, #tpu.memory_space<vmem>> -> memref<128xi32, #tpu.memory_space<vmem>>
      %dma_start3A_60 = tpu.memref_slice %arg2[%add3A_34] : memref<327680xi32, #tpu.memory_space<hbm>> -> memref<128xi32, #tpu.memory_space<hbm>>
      tpu.enqueue_dma source(%dma_start3A_60 : memref<128xi32, #tpu.memory_space<hbm>>) target(%dma_start3A_59 : memref<128xi32, #tpu.memory_space<vmem>>) target_semaphore(%run_scoped3A_53 : memref<!tpu.dma_semaphore, #tpu.memory_space<semaphore_mem>>)
      %dma_wait3A = arith.constant 0 : i32
      %dma_wait3A_61 = tpu.memref_slice %arg4[%run_scoped3A_35, %dma_wait3A] : memref<2x128xi32, #tpu.memory_space<vmem>> -> memref<1x128xi32, #tpu.memory_space<vmem>>
      %dma_wait3A_62 = tpu.memref_squeeze %dma_wait3A_61 : memref<1x128xi32, #tpu.memory_space<vmem>> -> memref<128xi32, #tpu.memory_space<vmem>>
      %dma_wait3A_63 = tpu.memref_slice %arg2[%add3A_34] : memref<327680xi32, #tpu.memory_space<hbm>> -> memref<128xi32, #tpu.memory_space<hbm>>
      %dma_wait3A_64 = arith.constant 0 : i32
      %dma_wait3A_65 = tpu.memref_slice %arg4[%run_scoped3A_35, %dma_wait3A_64] : memref<2x128xi32, #tpu.memory_space<vmem>> -> memref<1x128xi32, #tpu.memory_space<vmem>>
      %dma_wait3A_66 = tpu.memref_squeeze %dma_wait3A_65 : memref<1x128xi32, #tpu.memory_space<vmem>> -> memref<128xi32, #tpu.memory_space<vmem>>
      %dma_wait3A_67 = tpu.memref_slice %arg2[%add3A_34] : memref<327680xi32, #tpu.memory_space<hbm>> -> memref<128xi32, #tpu.memory_space<hbm>>
      tpu.wait_dma2 semaphore(%run_scoped3A_53 : memref<!tpu.dma_semaphore, #tpu.memory_space<semaphore_mem>>) src(%dma_wait3A_67 : memref<128xi32, #tpu.memory_space<hbm>>) dst(%dma_wait3A_66 : memref<128xi32, #tpu.memory_space<vmem>>)
      tpu.yield
    }) : () -> ()
    %mul3A_36 = arith.constant 10240 : i32
    %mul3A_37 = arith.muli %add3A, %mul3A_36 : i32
    %add3A_38 = arith.constant 128 : i32
    %add3A_39 = arith.addi %mul3A_37, %add3A_38 : i32
    %run_scoped3A_40 = arith.constant 1 : i32
    "tpu.region"() ({
      %run_scoped3A_53 = tpu.sem_alloc : memref<!tpu.dma_semaphore, #tpu.memory_space<semaphore_mem>>
      %dma_start3A = arith.constant 0 : i32
      %dma_start3A_54 = tpu.memref_slice %arg4[%run_scoped3A_40, %dma_start3A] : memref<2x128xi32, #tpu.memory_space<vmem>> -> memref<1x128xi32, #tpu.memory_space<vmem>>
      %dma_start3A_55 = tpu.memref_squeeze %dma_start3A_54 : memref<1x128xi32, #tpu.memory_space<vmem>> -> memref<128xi32, #tpu.memory_space<vmem>>
      %dma_start3A_56 = tpu.memref_slice %arg2[%add3A_39] : memref<327680xi32, #tpu.memory_space<hbm>> -> memref<128xi32, #tpu.memory_space<hbm>>
      %dma_start3A_57 = arith.constant 0 : i32
      %dma_start3A_58 = tpu.memref_slice %arg4[%run_scoped3A_40, %dma_start3A_57] : memref<2x128xi32, #tpu.memory_space<vmem>> -> memref<1x128xi32, #tpu.memory_space<vmem>>
      %dma_start3A_59 = tpu.memref_squeeze %dma_start3A_58 : memref<1x128xi32, #tpu.memory_space<vmem>> -> memref<128xi32, #tpu.memory_space<vmem>>
      %dma_start3A_60 = tpu.memref_slice %arg2[%add3A_39] : memref<327680xi32, #tpu.memory_space<hbm>> -> memref<128xi32, #tpu.memory_space<hbm>>
      tpu.enqueue_dma source(%dma_start3A_60 : memref<128xi32, #tpu.memory_space<hbm>>) target(%dma_start3A_59 : memref<128xi32, #tpu.memory_space<vmem>>) target_semaphore(%run_scoped3A_53 : memref<!tpu.dma_semaphore, #tpu.memory_space<semaphore_mem>>)
      %dma_wait3A = arith.constant 0 : i32
      %dma_wait3A_61 = tpu.memref_slice %arg4[%run_scoped3A_40, %dma_wait3A] : memref<2x128xi32, #tpu.memory_space<vmem>> -> memref<1x128xi32, #tpu.memory_space<vmem>>
      %dma_wait3A_62 = tpu.memref_squeeze %dma_wait3A_61 : memref<1x128xi32, #tpu.memory_space<vmem>> -> memref<128xi32, #tpu.memory_space<vmem>>
      %dma_wait3A_63 = tpu.memref_slice %arg2[%add3A_39] : memref<327680xi32, #tpu.memory_space<hbm>> -> memref<128xi32, #tpu.memory_space<hbm>>
      %dma_wait3A_64 = arith.constant 0 : i32
      %dma_wait3A_65 = tpu.memref_slice %arg4[%run_scoped3A_40, %dma_wait3A_64] : memref<2x128xi32, #tpu.memory_space<vmem>> -> memref<1x128xi32, #tpu.memory_space<vmem>>
      %dma_wait3A_66 = tpu.memref_squeeze %dma_wait3A_65 : memref<1x128xi32, #tpu.memory_space<vmem>> -> memref<128xi32, #tpu.memory_space<vmem>>
      %dma_wait3A_67 = tpu.memref_slice %arg2[%add3A_39] : memref<327680xi32, #tpu.memory_space<hbm>> -> memref<128xi32, #tpu.memory_space<hbm>>
      tpu.wait_dma2 semaphore(%run_scoped3A_53 : memref<!tpu.dma_semaphore, #tpu.memory_space<semaphore_mem>>) src(%dma_wait3A_67 : memref<128xi32, #tpu.memory_space<hbm>>) dst(%dma_wait3A_66 : memref<128xi32, #tpu.memory_space<vmem>>)
      tpu.yield
    }) : () -> ()
    %scan3A_41 = arith.constant 0 : i32
    %scan3A_42 = arith.constant 0 : i32
    %scan3A_43 = arith.constant 40 : i32
    %scan3A_44 = arith.addi %scan3A_42, %scan3A_43 : i32
    %scan3A_45 = arith.constant 1 : i32
    %scan3A_46 = scf.for %scan3A_53 = %scan3A_42 to %scan3A_44 step %scan3A_45 iter_args(%scan3A_54 = %scan3A_41) -> (i32)  : i32 {
      %mul3A_55 = arith.constant 2 : i32
      %mul3A_56 = arith.muli %scan3A_53, %mul3A_55 : i32
      %run_scoped3A_57 = arith.constant 1 : i32
      %run_scoped3A_58 = arith.constant 0 : i32
      "tpu.region"() ({
        %run_scoped3A_77 = tpu.sem_alloc : memref<!tpu.dma_semaphore, #tpu.memory_space<semaphore_mem>>
        %dma_start3A = arith.constant 0 : i32
        %dma_start3A_78 = arith.constant 0 : i32
        %dma_start3A_79 = tpu.memref_slice %arg5[%run_scoped3A_57, %dma_start3A, %dma_start3A_78] : memref<2x128x128xf32, #tpu.memory_space<vmem>> -> memref<1x128x128xf32, #tpu.memory_space<vmem>>
        %dma_start3A_80 = tpu.memref_squeeze %dma_start3A_79 : memref<1x128x128xf32, #tpu.memory_space<vmem>> -> memref<128x128xf32, #tpu.memory_space<vmem>>
        %dma_start3A_81 = arith.constant 0 : i32
        %dma_start3A_82 = tpu.memref_slice %arg4[%run_scoped3A_58, %dma_start3A_81] : memref<2x128xi32, #tpu.memory_space<vmem>> -> memref<1x128xi32, #tpu.memory_space<vmem>>
        %dma_start3A_83 = tpu.memref_squeeze %dma_start3A_82 : memref<1x128xi32, #tpu.memory_space<vmem>> -> memref<128xi32, #tpu.memory_space<vmem>>
        %dma_start3A_84 = arith.constant 0 : i32
        %dma_start3A_85 = arith.constant 0 : i32
        %dma_start3A_86 = tpu.memref_slice %arg6[%dma_start3A_84, %dma_start3A_85] : memref<10240x128xf32, #tpu.memory_space<vmem_shared>> -> memref<10240x128xf32, #tpu.memory_space<vmem_shared>>
        tpu.enqueue_indirect_dma source(%dma_start3A_80 : memref<128x128xf32, #tpu.memory_space<vmem>>) target(%dma_start3A_86 : memref<10240x128xf32, #tpu.memory_space<vmem_shared>>) offsets(%dma_start3A_83 : memref<128xi32, #tpu.memory_space<vmem>>) semaphore(%run_scoped3A_77 : memref<!tpu.dma_semaphore, #tpu.memory_space<semaphore_mem>>) {add = true}
        %dma_wait3A = arith.constant 0 : i32
        %dma_wait3A_87 = arith.constant 0 : i32
        %dma_wait3A_88 = tpu.memref_slice %arg5[%run_scoped3A_57, %dma_wait3A, %dma_wait3A_87] : memref<2x128x128xf32, #tpu.memory_space<vmem>> -> memref<1x128x128xf32, #tpu.memory_space<vmem>>
        %dma_wait3A_89 = tpu.memref_squeeze %dma_wait3A_88 : memref<1x128x128xf32, #tpu.memory_space<vmem>> -> memref<128x128xf32, #tpu.memory_space<vmem>>
        %dma_wait3A_90 = arith.constant 0 : i32
        %dma_wait3A_91 = tpu.memref_slice %arg4[%run_scoped3A_58, %dma_wait3A_90] : memref<2x128xi32, #tpu.memory_space<vmem>> -> memref<1x128xi32, #tpu.memory_space<vmem>>
        %dma_wait3A_92 = tpu.memref_squeeze %dma_wait3A_91 : memref<1x128xi32, #tpu.memory_space<vmem>> -> memref<128xi32, #tpu.memory_space<vmem>>
        %dma_wait3A_93 = arith.constant 0 : i32
        %dma_wait3A_94 = arith.constant 0 : i32
        %dma_wait3A_95 = tpu.memref_slice %arg6[%dma_wait3A_93, %dma_wait3A_94] : memref<10240x128xf32, #tpu.memory_space<vmem_shared>> -> memref<10240x128xf32, #tpu.memory_space<vmem_shared>>
        tpu.wait_indirect_dma semaphore(%run_scoped3A_77 : memref<!tpu.dma_semaphore, #tpu.memory_space<semaphore_mem>>) src(%dma_wait3A_89 : memref<128x128xf32, #tpu.memory_space<vmem>>) dst(%dma_wait3A_95 : memref<10240x128xf32, #tpu.memory_space<vmem_shared>>)
        tpu.yield
      }) : () -> ()
      %add3A_59 = arith.constant 2 : i32
      %add3A_60 = arith.addi %mul3A_56, %add3A_59 : i32
      %add3A_61 = arith.constant 0 : i32
      %add3A_62 = arith.addi %add3A_60, %add3A_61 : i32
      %lt3A = arith.constant 80 : i32
      %lt3A_63 = arith.cmpi slt, %add3A_62, %lt3A : i32
      %convert_element_type3A = arith.extui %lt3A_63 : i1 to i32
      %cond3A = arith.constant 0 : i32
      %cond3A_64 = arith.cmpi ne, %convert_element_type3A, %cond3A : i32
      scf.if %cond3A_64 {
        %mul3A_77 = arith.constant 10240 : i32
        %mul3A_78 = arith.muli %add3A, %mul3A_77 : i32
        %add3A_79 = arith.constant 2 : i32
        %add3A_80 = arith.addi %mul3A_56, %add3A_79 : i32
        %add3A_81 = arith.constant 0 : i32
        %add3A_82 = arith.addi %add3A_80, %add3A_81 : i32
        %mul3A_83 = arith.constant 128 : i32
        %mul3A_84 = arith.muli %add3A_82, %mul3A_83 : i32
        %add3A_85 = arith.addi %mul3A_78, %mul3A_84 : i32
        %run_scoped3A_86 = arith.constant 0 : i32
        "tpu.region"() ({
          %run_scoped3A_87 = tpu.sem_alloc : memref<!tpu.dma_semaphore, #tpu.memory_space<semaphore_mem>>
          %dma_start3A = arith.constant 0 : i32
          %dma_start3A_88 = tpu.memref_slice %arg4[%run_scoped3A_86, %dma_start3A] : memref<2x128xi32, #tpu.memory_space<vmem>> -> memref<1x128xi32, #tpu.memory_space<vmem>>
          %dma_start3A_89 = tpu.memref_squeeze %dma_start3A_88 : memref<1x128xi32, #tpu.memory_space<vmem>> -> memref<128xi32, #tpu.memory_space<vmem>>
          %dma_start3A_90 = tpu.memref_slice %arg2[%add3A_85] : memref<327680xi32, #tpu.memory_space<hbm>> -> memref<128xi32, #tpu.memory_space<hbm>>
          %dma_start3A_91 = arith.constant 0 : i32
          %dma_start3A_92 = tpu.memref_slice %arg4[%run_scoped3A_86, %dma_start3A_91] : memref<2x128xi32, #tpu.memory_space<vmem>> -> memref<1x128xi32, #tpu.memory_space<vmem>>
          %dma_start3A_93 = tpu.memref_squeeze %dma_start3A_92 : memref<1x128xi32, #tpu.memory_space<vmem>> -> memref<128xi32, #tpu.memory_space<vmem>>
          %dma_start3A_94 = tpu.memref_slice %arg2[%add3A_85] : memref<327680xi32, #tpu.memory_space<hbm>> -> memref<128xi32, #tpu.memory_space<hbm>>
          tpu.enqueue_dma source(%dma_start3A_94 : memref<128xi32, #tpu.memory_space<hbm>>) target(%dma_start3A_93 : memref<128xi32, #tpu.memory_space<vmem>>) target_semaphore(%run_scoped3A_87 : memref<!tpu.dma_semaphore, #tpu.memory_space<semaphore_mem>>)
          %dma_wait3A = arith.constant 0 : i32
          %dma_wait3A_95 = tpu.memref_slice %arg4[%run_scoped3A_86, %dma_wait3A] : memref<2x128xi32, #tpu.memory_space<vmem>> -> memref<1x128xi32, #tpu.memory_space<vmem>>
          %dma_wait3A_96 = tpu.memref_squeeze %dma_wait3A_95 : memref<1x128xi32, #tpu.memory_space<vmem>> -> memref<128xi32, #tpu.memory_space<vmem>>
          %dma_wait3A_97 = tpu.memref_slice %arg2[%add3A_85] : memref<327680xi32, #tpu.memory_space<hbm>> -> memref<128xi32, #tpu.memory_space<hbm>>
          %dma_wait3A_98 = arith.constant 0 : i32
          %dma_wait3A_99 = tpu.memref_slice %arg4[%run_scoped3A_86, %dma_wait3A_98] : memref<2x128xi32, #tpu.memory_space<vmem>> -> memref<1x128xi32, #tpu.memory_space<vmem>>
          %dma_wait3A_100 = tpu.memref_squeeze %dma_wait3A_99 : memref<1x128xi32, #tpu.memory_space<vmem>> -> memref<128xi32, #tpu.memory_space<vmem>>
          %dma_wait3A_101 = tpu.memref_slice %arg2[%add3A_85] : memref<327680xi32, #tpu.memory_space<hbm>> -> memref<128xi32, #tpu.memory_space<hbm>>
          tpu.wait_dma2 semaphore(%run_scoped3A_87 : memref<!tpu.dma_semaphore, #tpu.memory_space<semaphore_mem>>) src(%dma_wait3A_101 : memref<128xi32, #tpu.memory_space<hbm>>) dst(%dma_wait3A_100 : memref<128xi32, #tpu.memory_space<vmem>>)
          tpu.yield
        }) : () -> ()
      } else {
      }
      %run_scoped3A_65 = arith.constant 1 : i32
      %run_scoped3A_66 = arith.constant 1 : i32
      "tpu.region"() ({
        %run_scoped3A_77 = tpu.sem_alloc : memref<!tpu.dma_semaphore, #tpu.memory_space<semaphore_mem>>
        %dma_start3A = arith.constant 0 : i32
        %dma_start3A_78 = arith.constant 0 : i32
        %dma_start3A_79 = tpu.memref_slice %arg5[%run_scoped3A_65, %dma_start3A, %dma_start3A_78] : memref<2x128x128xf32, #tpu.memory_space<vmem>> -> memref<1x128x128xf32, #tpu.memory_space<vmem>>
        %dma_start3A_80 = tpu.memref_squeeze %dma_start3A_79 : memref<1x128x128xf32, #tpu.memory_space<vmem>> -> memref<128x128xf32, #tpu.memory_space<vmem>>
        %dma_start3A_81 = arith.constant 0 : i32
        %dma_start3A_82 = tpu.memref_slice %arg4[%run_scoped3A_66, %dma_start3A_81] : memref<2x128xi32, #tpu.memory_space<vmem>> -> memref<1x128xi32, #tpu.memory_space<vmem>>
        %dma_start3A_83 = tpu.memref_squeeze %dma_start3A_82 : memref<1x128xi32, #tpu.memory_space<vmem>> -> memref<128xi32, #tpu.memory_space<vmem>>
        %dma_start3A_84 = arith.constant 0 : i32
        %dma_start3A_85 = arith.constant 0 : i32
        %dma_start3A_86 = tpu.memref_slice %arg6[%dma_start3A_84, %dma_start3A_85] : memref<10240x128xf32, #tpu.memory_space<vmem_shared>> -> memref<10240x128xf32, #tpu.memory_space<vmem_shared>>
        tpu.enqueue_indirect_dma source(%dma_start3A_80 : memref<128x128xf32, #tpu.memory_space<vmem>>) target(%dma_start3A_86 : memref<10240x128xf32, #tpu.memory_space<vmem_shared>>) offsets(%dma_start3A_83 : memref<128xi32, #tpu.memory_space<vmem>>) semaphore(%run_scoped3A_77 : memref<!tpu.dma_semaphore, #tpu.memory_space<semaphore_mem>>) {add = true}
        %dma_wait3A = arith.constant 0 : i32
        %dma_wait3A_87 = arith.constant 0 : i32
        %dma_wait3A_88 = tpu.memref_slice %arg5[%run_scoped3A_65, %dma_wait3A, %dma_wait3A_87] : memref<2x128x128xf32, #tpu.memory_space<vmem>> -> memref<1x128x128xf32, #tpu.memory_space<vmem>>
        %dma_wait3A_89 = tpu.memref_squeeze %dma_wait3A_88 : memref<1x128x128xf32, #tpu.memory_space<vmem>> -> memref<128x128xf32, #tpu.memory_space<vmem>>
        %dma_wait3A_90 = arith.constant 0 : i32
        %dma_wait3A_91 = tpu.memref_slice %arg4[%run_scoped3A_66, %dma_wait3A_90] : memref<2x128xi32, #tpu.memory_space<vmem>> -> memref<1x128xi32, #tpu.memory_space<vmem>>
        %dma_wait3A_92 = tpu.memref_squeeze %dma_wait3A_91 : memref<1x128xi32, #tpu.memory_space<vmem>> -> memref<128xi32, #tpu.memory_space<vmem>>
        %dma_wait3A_93 = arith.constant 0 : i32
        %dma_wait3A_94 = arith.constant 0 : i32
        %dma_wait3A_95 = tpu.memref_slice %arg6[%dma_wait3A_93, %dma_wait3A_94] : memref<10240x128xf32, #tpu.memory_space<vmem_shared>> -> memref<10240x128xf32, #tpu.memory_space<vmem_shared>>
        tpu.wait_indirect_dma semaphore(%run_scoped3A_77 : memref<!tpu.dma_semaphore, #tpu.memory_space<semaphore_mem>>) src(%dma_wait3A_89 : memref<128x128xf32, #tpu.memory_space<vmem>>) dst(%dma_wait3A_95 : memref<10240x128xf32, #tpu.memory_space<vmem_shared>>)
        tpu.yield
      }) : () -> ()
      %add3A_67 = arith.constant 2 : i32
      %add3A_68 = arith.addi %mul3A_56, %add3A_67 : i32
      %add3A_69 = arith.constant 1 : i32
      %add3A_70 = arith.addi %add3A_68, %add3A_69 : i32
      %lt3A_71 = arith.constant 80 : i32
      %lt3A_72 = arith.cmpi slt, %add3A_70, %lt3A_71 : i32
      %convert_element_type3A_73 = arith.extui %lt3A_72 : i1 to i32
      %cond3A_74 = arith.constant 0 : i32
      %cond3A_75 = arith.cmpi ne, %convert_element_type3A_73, %cond3A_74 : i32
      scf.if %cond3A_75 {
        %mul3A_77 = arith.constant 10240 : i32
        %mul3A_78 = arith.muli %add3A, %mul3A_77 : i32
        %add3A_79 = arith.constant 2 : i32
        %add3A_80 = arith.addi %mul3A_56, %add3A_79 : i32
        %add3A_81 = arith.constant 1 : i32
        %add3A_82 = arith.addi %add3A_80, %add3A_81 : i32
        %mul3A_83 = arith.constant 128 : i32
        %mul3A_84 = arith.muli %add3A_82, %mul3A_83 : i32
        %add3A_85 = arith.addi %mul3A_78, %mul3A_84 : i32
        %run_scoped3A_86 = arith.constant 1 : i32
        "tpu.region"() ({
          %run_scoped3A_87 = tpu.sem_alloc : memref<!tpu.dma_semaphore, #tpu.memory_space<semaphore_mem>>
          %dma_start3A = arith.constant 0 : i32
          %dma_start3A_88 = tpu.memref_slice %arg4[%run_scoped3A_86, %dma_start3A] : memref<2x128xi32, #tpu.memory_space<vmem>> -> memref<1x128xi32, #tpu.memory_space<vmem>>
          %dma_start3A_89 = tpu.memref_squeeze %dma_start3A_88 : memref<1x128xi32, #tpu.memory_space<vmem>> -> memref<128xi32, #tpu.memory_space<vmem>>
          %dma_start3A_90 = tpu.memref_slice %arg2[%add3A_85] : memref<327680xi32, #tpu.memory_space<hbm>> -> memref<128xi32, #tpu.memory_space<hbm>>
          %dma_start3A_91 = arith.constant 0 : i32
          %dma_start3A_92 = tpu.memref_slice %arg4[%run_scoped3A_86, %dma_start3A_91] : memref<2x128xi32, #tpu.memory_space<vmem>> -> memref<1x128xi32, #tpu.memory_space<vmem>>
          %dma_start3A_93 = tpu.memref_squeeze %dma_start3A_92 : memref<1x128xi32, #tpu.memory_space<vmem>> -> memref<128xi32, #tpu.memory_space<vmem>>
          %dma_start3A_94 = tpu.memref_slice %arg2[%add3A_85] : memref<327680xi32, #tpu.memory_space<hbm>> -> memref<128xi32, #tpu.memory_space<hbm>>
          tpu.enqueue_dma source(%dma_start3A_94 : memref<128xi32, #tpu.memory_space<hbm>>) target(%dma_start3A_93 : memref<128xi32, #tpu.memory_space<vmem>>) target_semaphore(%run_scoped3A_87 : memref<!tpu.dma_semaphore, #tpu.memory_space<semaphore_mem>>)
          %dma_wait3A = arith.constant 0 : i32
          %dma_wait3A_95 = tpu.memref_slice %arg4[%run_scoped3A_86, %dma_wait3A] : memref<2x128xi32, #tpu.memory_space<vmem>> -> memref<1x128xi32, #tpu.memory_space<vmem>>
          %dma_wait3A_96 = tpu.memref_squeeze %dma_wait3A_95 : memref<1x128xi32, #tpu.memory_space<vmem>> -> memref<128xi32, #tpu.memory_space<vmem>>
          %dma_wait3A_97 = tpu.memref_slice %arg2[%add3A_85] : memref<327680xi32, #tpu.memory_space<hbm>> -> memref<128xi32, #tpu.memory_space<hbm>>
          %dma_wait3A_98 = arith.constant 0 : i32
          %dma_wait3A_99 = tpu.memref_slice %arg4[%run_scoped3A_86, %dma_wait3A_98] : memref<2x128xi32, #tpu.memory_space<vmem>> -> memref<1x128xi32, #tpu.memory_space<vmem>>
          %dma_wait3A_100 = tpu.memref_squeeze %dma_wait3A_99 : memref<1x128xi32, #tpu.memory_space<vmem>> -> memref<128xi32, #tpu.memory_space<vmem>>
          %dma_wait3A_101 = tpu.memref_slice %arg2[%add3A_85] : memref<327680xi32, #tpu.memory_space<hbm>> -> memref<128xi32, #tpu.memory_space<hbm>>
          tpu.wait_dma2 semaphore(%run_scoped3A_87 : memref<!tpu.dma_semaphore, #tpu.memory_space<semaphore_mem>>) src(%dma_wait3A_101 : memref<128xi32, #tpu.memory_space<hbm>>) dst(%dma_wait3A_100 : memref<128xi32, #tpu.memory_space<vmem>>)
          tpu.yield
        }) : () -> ()
      } else {
      }
      %scan3A_76 = arith.constant 0 : i32
      scf.yield %scan3A_76 : i32
    }
    %scan3A_47 = arith.constant 40 : i32
    %barrier3A_48 = arith.constant 0 : index
    tpu.barrier barrier_id(%barrier3A_48)
    %mul3A_49 = arith.constant 640 : i32
    %mul3A_50 = arith.muli %arg1, %mul3A_49 : i32
    %mul3A_51 = arith.constant 640 : i32
    %mul3A_52 = arith.muli %arg1, %mul3A_51 : i32
    "tpu.region"() ({
      %run_scoped3A_53 = tpu.sem_alloc : memref<!tpu.dma_semaphore, #tpu.memory_space<semaphore_mem>>
      %dma_start3A = arith.constant 0 : i32
      %dma_start3A_54 = tpu.memref_slice %arg3[%arg0, %mul3A_52, %dma_start3A] : memref<2x10240x128xf32, #tpu.memory_space<hbm>> -> memref<1x640x128xf32, #tpu.memory_space<hbm>>
      %dma_start3A_55 = tpu.memref_squeeze %dma_start3A_54 : memref<1x640x128xf32, #tpu.memory_space<hbm>> -> memref<640x128xf32, #tpu.memory_space<hbm>>
      %dma_start3A_56 = arith.constant 0 : i32
      %dma_start3A_57 = tpu.memref_slice %arg6[%mul3A_50, %dma_start3A_56] : memref<10240x128xf32, #tpu.memory_space<vmem_shared>> -> memref<640x128xf32, #tpu.memory_space<vmem_shared>>
      tpu.enqueue_dma source(%dma_start3A_57 : memref<640x128xf32, #tpu.memory_space<vmem_shared>>) target(%dma_start3A_55 : memref<640x128xf32, #tpu.memory_space<hbm>>) target_semaphore(%run_scoped3A_53 : memref<!tpu.dma_semaphore, #tpu.memory_space<semaphore_mem>>)
      %dma_wait3A = arith.constant 0 : i32
      %dma_wait3A_58 = tpu.memref_slice %arg3[%arg0, %mul3A_52, %dma_wait3A] : memref<2x10240x128xf32, #tpu.memory_space<hbm>> -> memref<1x640x128xf32, #tpu.memory_space<hbm>>
      %dma_wait3A_59 = tpu.memref_squeeze %dma_wait3A_58 : memref<1x640x128xf32, #tpu.memory_space<hbm>> -> memref<640x128xf32, #tpu.memory_space<hbm>>
      %dma_wait3A_60 = arith.constant 0 : i32
      %dma_wait3A_61 = tpu.memref_slice %arg6[%mul3A_50, %dma_wait3A_60] : memref<10240x128xf32, #tpu.memory_space<vmem_shared>> -> memref<640x128xf32, #tpu.memory_space<vmem_shared>>
      tpu.wait_dma2 semaphore(%run_scoped3A_53 : memref<!tpu.dma_semaphore, #tpu.memory_space<semaphore_mem>>) src(%dma_wait3A_61 : memref<640x128xf32, #tpu.memory_space<vmem_shared>>) dst(%dma_wait3A_59 : memref<640x128xf32, #tpu.memory_space<hbm>>)
      tpu.yield
    }) : () -> ()
    return
  }
}

#map = affine_map<(d0, d1) -> (0, 0)>
#map1 = affine_map<(d0, d1) -> (0)>
#map2 = affine_map<(d0, d1) -> (0, 0, 0)>
module attributes {stable_mosaic.version = 14 : i64} {
  func.func @_sc_pass_body(%arg0: i32, %arg1: i32, %arg2: memref<10000x128xf32, #tpu.memory_space<hbm>>, %arg3: memref<327680xi32, #tpu.memory_space<hbm>>, %arg4: memref<327680xi32, #tpu.memory_space<hbm>>, %arg5: memref<2x10240x128xf32, #tpu.memory_space<hbm>>, %arg6: memref<2x128xi32, #tpu.memory_space<vmem>>, %arg7: memref<2x128xi32, #tpu.memory_space<vmem>>, %arg8: memref<2x128x128xf32, #tpu.memory_space<vmem>>, %arg9: memref<2x!tpu.dma_semaphore, #tpu.memory_space<semaphore_mem>>, %arg10: memref<2x!tpu.dma_semaphore, #tpu.memory_space<semaphore_mem>>, %arg11: memref<10240x128xf32, #tpu.memory_space<vmem_shared>>) attributes {dimension_semantics = [#tpu.dimension_semantics<core_parallel>, #tpu.dimension_semantics<subcore_parallel>], iteration_bounds = array<i64: 2, 16>, scalar_prefetch = 0 : i64, scratch_operands = 6 : i64, tpu.core_type = #tpu.core_type<sc_vector_subcore>, window_params = [{transform_indices = #map}, {transform_indices = #map1}, {transform_indices = #map1}, {transform_indices = #map2}]} {
    %mul3A = arith.constant 2 : i32
    %mul3A_0 = arith.muli %arg1, %mul3A : i32
    %add3A = arith.addi %mul3A_0, %arg0 : i32
    %scan3A = arith.constant 0 : i32
    %scan3A_1 = arith.constant 0 : i32
    %scan3A_2 = arith.constant 128 : i32
    %scan3A_3 = arith.addi %scan3A_1, %scan3A_2 : i32
    %scan3A_4 = arith.constant 1 : i32
    %scan3A_5 = scf.for %scan3A_113 = %scan3A_1 to %scan3A_3 step %scan3A_4 iter_args(%scan3A_114 = %scan3A) -> (i32)  : i32 {
      %broadcast_in_dim3A = arith.constant 0.000000e+00 : f32
      %broadcast_in_dim3A_115 = vector.broadcast %broadcast_in_dim3A : f32 to vector<16xf32>
      %swap3A = arith.constant 0 : i32
      %swap3A_116 = arith.index_cast %swap3A : i32 to index
      %swap3A_117 = arith.index_cast %scan3A_113 : i32 to index
      %swap3A_118 = arith.constant 0 : index
      %swap3A_119 = tpu.vector_load %arg8[%swap3A_116, %swap3A_117, %swap3A_118] {strides = array<i32>} : memref<2x128x128xf32, #tpu.memory_space<vmem>>, vector<1x1x16xf32>,
      %swap3A_120 = vector.shape_cast %swap3A_119 : vector<1x1x16xf32> to vector<16xf32>
      %swap3A_121 = vector.shape_cast %broadcast_in_dim3A_115 : vector<16xf32> to vector<1x1x16xf32>
      tpu.vector_store %arg8[%swap3A_116, %swap3A_117, %swap3A_118], %swap3A_121 {strides = array<i32>} : memref<2x128x128xf32, #tpu.memory_space<vmem>>, vector<1x1x16xf32>,
      %broadcast_in_dim3A_122 = arith.constant 0.000000e+00 : f32
      %broadcast_in_dim3A_123 = vector.broadcast %broadcast_in_dim3A_122 : f32 to vector<16xf32>
      %swap3A_124 = arith.constant 0 : i32
      %swap3A_125 = arith.index_cast %swap3A_124 : i32 to index
      %swap3A_126 = arith.index_cast %scan3A_113 : i32 to index
      %swap3A_127 = arith.constant 16 : index
      %swap3A_128 = tpu.vector_load %arg8[%swap3A_125, %swap3A_126, %swap3A_127] {strides = array<i32>} : memref<2x128x128xf32, #tpu.memory_space<vmem>>, vector<1x1x16xf32>,
      %swap3A_129 = vector.shape_cast %swap3A_128 : vector<1x1x16xf32> to vector<16xf32>
      %swap3A_130 = vector.shape_cast %broadcast_in_dim3A_123 : vector<16xf32> to vector<1x1x16xf32>
      tpu.vector_store %arg8[%swap3A_125, %swap3A_126, %swap3A_127], %swap3A_130 {strides = array<i32>} : memref<2x128x128xf32, #tpu.memory_space<vmem>>, vector<1x1x16xf32>,
      %broadcast_in_dim3A_131 = arith.constant 0.000000e+00 : f32
      %broadcast_in_dim3A_132 = vector.broadcast %broadcast_in_dim3A_131 : f32 to vector<16xf32>
      %swap3A_133 = arith.constant 0 : i32
      %swap3A_134 = arith.index_cast %swap3A_133 : i32 to index
      %swap3A_135 = arith.index_cast %scan3A_113 : i32 to index
      %swap3A_136 = arith.constant 32 : index
      %swap3A_137 = tpu.vector_load %arg8[%swap3A_134, %swap3A_135, %swap3A_136] {strides = array<i32>} : memref<2x128x128xf32, #tpu.memory_space<vmem>>, vector<1x1x16xf32>,
      %swap3A_138 = vector.shape_cast %swap3A_137 : vector<1x1x16xf32> to vector<16xf32>
      %swap3A_139 = vector.shape_cast %broadcast_in_dim3A_132 : vector<16xf32> to vector<1x1x16xf32>
      tpu.vector_store %arg8[%swap3A_134, %swap3A_135, %swap3A_136], %swap3A_139 {strides = array<i32>} : memref<2x128x128xf32, #tpu.memory_space<vmem>>, vector<1x1x16xf32>,
      %broadcast_in_dim3A_140 = arith.constant 0.000000e+00 : f32
      %broadcast_in_dim3A_141 = vector.broadcast %broadcast_in_dim3A_140 : f32 to vector<16xf32>
      %swap3A_142 = arith.constant 0 : i32
      %swap3A_143 = arith.index_cast %swap3A_142 : i32 to index
      %swap3A_144 = arith.index_cast %scan3A_113 : i32 to index
      %swap3A_145 = arith.constant 48 : index
      %swap3A_146 = tpu.vector_load %arg8[%swap3A_143, %swap3A_144, %swap3A_145] {strides = array<i32>} : memref<2x128x128xf32, #tpu.memory_space<vmem>>, vector<1x1x16xf32>,
      %swap3A_147 = vector.shape_cast %swap3A_146 : vector<1x1x16xf32> to vector<16xf32>
      %swap3A_148 = vector.shape_cast %broadcast_in_dim3A_141 : vector<16xf32> to vector<1x1x16xf32>
      tpu.vector_store %arg8[%swap3A_143, %swap3A_144, %swap3A_145], %swap3A_148 {strides = array<i32>} : memref<2x128x128xf32, #tpu.memory_space<vmem>>, vector<1x1x16xf32>,
      %broadcast_in_dim3A_149 = arith.constant 0.000000e+00 : f32
      %broadcast_in_dim3A_150 = vector.broadcast %broadcast_in_dim3A_149 : f32 to vector<16xf32>
      %swap3A_151 = arith.constant 0 : i32
      %swap3A_152 = arith.index_cast %swap3A_151 : i32 to index
      %swap3A_153 = arith.index_cast %scan3A_113 : i32 to index
      %swap3A_154 = arith.constant 64 : index
      %swap3A_155 = tpu.vector_load %arg8[%swap3A_152, %swap3A_153, %swap3A_154] {strides = array<i32>} : memref<2x128x128xf32, #tpu.memory_space<vmem>>, vector<1x1x16xf32>,
      %swap3A_156 = vector.shape_cast %swap3A_155 : vector<1x1x16xf32> to vector<16xf32>
      %swap3A_157 = vector.shape_cast %broadcast_in_dim3A_150 : vector<16xf32> to vector<1x1x16xf32>
      tpu.vector_store %arg8[%swap3A_152, %swap3A_153, %swap3A_154], %swap3A_157 {strides = array<i32>} : memref<2x128x128xf32, #tpu.memory_space<vmem>>, vector<1x1x16xf32>,
      %broadcast_in_dim3A_158 = arith.constant 0.000000e+00 : f32
      %broadcast_in_dim3A_159 = vector.broadcast %broadcast_in_dim3A_158 : f32 to vector<16xf32>
      %swap3A_160 = arith.constant 0 : i32
      %swap3A_161 = arith.index_cast %swap3A_160 : i32 to index
      %swap3A_162 = arith.index_cast %scan3A_113 : i32 to index
      %swap3A_163 = arith.constant 80 : index
      %swap3A_164 = tpu.vector_load %arg8[%swap3A_161, %swap3A_162, %swap3A_163] {strides = array<i32>} : memref<2x128x128xf32, #tpu.memory_space<vmem>>, vector<1x1x16xf32>,
      %swap3A_165 = vector.shape_cast %swap3A_164 : vector<1x1x16xf32> to vector<16xf32>
      %swap3A_166 = vector.shape_cast %broadcast_in_dim3A_159 : vector<16xf32> to vector<1x1x16xf32>
      tpu.vector_store %arg8[%swap3A_161, %swap3A_162, %swap3A_163], %swap3A_166 {strides = array<i32>} : memref<2x128x128xf32, #tpu.memory_space<vmem>>, vector<1x1x16xf32>,
      %broadcast_in_dim3A_167 = arith.constant 0.000000e+00 : f32
      %broadcast_in_dim3A_168 = vector.broadcast %broadcast_in_dim3A_167 : f32 to vector<16xf32>
      %swap3A_169 = arith.constant 0 : i32
      %swap3A_170 = arith.index_cast %swap3A_169 : i32 to index
      %swap3A_171 = arith.index_cast %scan3A_113 : i32 to index
      %swap3A_172 = arith.constant 96 : index
      %swap3A_173 = tpu.vector_load %arg8[%swap3A_170, %swap3A_171, %swap3A_172] {strides = array<i32>} : memref<2x128x128xf32, #tpu.memory_space<vmem>>, vector<1x1x16xf32>,
      %swap3A_174 = vector.shape_cast %swap3A_173 : vector<1x1x16xf32> to vector<16xf32>
      %swap3A_175 = vector.shape_cast %broadcast_in_dim3A_168 : vector<16xf32> to vector<1x1x16xf32>
      tpu.vector_store %arg8[%swap3A_170, %swap3A_171, %swap3A_172], %swap3A_175 {strides = array<i32>} : memref<2x128x128xf32, #tpu.memory_space<vmem>>, vector<1x1x16xf32>,
      %broadcast_in_dim3A_176 = arith.constant 0.000000e+00 : f32
      %broadcast_in_dim3A_177 = vector.broadcast %broadcast_in_dim3A_176 : f32 to vector<16xf32>
      %swap3A_178 = arith.constant 0 : i32
      %swap3A_179 = arith.index_cast %swap3A_178 : i32 to index
      %swap3A_180 = arith.index_cast %scan3A_113 : i32 to index
      %swap3A_181 = arith.constant 112 : index
      %swap3A_182 = tpu.vector_load %arg8[%swap3A_179, %swap3A_180, %swap3A_181] {strides = array<i32>} : memref<2x128x128xf32, #tpu.memory_space<vmem>>, vector<1x1x16xf32>,
      %swap3A_183 = vector.shape_cast %swap3A_182 : vector<1x1x16xf32> to vector<16xf32>
      %swap3A_184 = vector.shape_cast %broadcast_in_dim3A_177 : vector<16xf32> to vector<1x1x16xf32>
      tpu.vector_store %arg8[%swap3A_179, %swap3A_180, %swap3A_181], %swap3A_184 {strides = array<i32>} : memref<2x128x128xf32, #tpu.memory_space<vmem>>, vector<1x1x16xf32>,
      %scan3A_185 = arith.constant 0 : i32
      scf.yield %scan3A_185 : i32
    }
    %scan3A_6 = arith.constant 128 : i32
    %mul3A_7 = arith.constant 640 : i32
    %mul3A_8 = arith.muli %arg1, %mul3A_7 : i32
    %add3A_9 = arith.constant 0 : i32
    %add3A_10 = arith.addi %mul3A_8, %add3A_9 : i32
    %run_scoped3A = arith.constant 0 : i32
    "tpu.region"() ({
      %run_scoped3A_113 = tpu.sem_alloc : memref<!tpu.dma_semaphore, #tpu.memory_space<semaphore_mem>>
      %dma_start3A_114 = arith.constant 0 : i32
      %dma_start3A_115 = arith.constant 0 : i32
      %dma_start3A_116 = tpu.memref_slice %arg8[%run_scoped3A, %dma_start3A_114, %dma_start3A_115] : memref<2x128x128xf32, #tpu.memory_space<vmem>> -> memref<1x128x128xf32, #tpu.memory_space<vmem>>
      %dma_start3A_117 = tpu.memref_squeeze %dma_start3A_116 : memref<1x128x128xf32, #tpu.memory_space<vmem>> -> memref<128x128xf32, #tpu.memory_space<vmem>>
      %dma_start3A_118 = arith.constant 0 : i32
      %dma_start3A_119 = tpu.memref_slice %arg11[%add3A_10, %dma_start3A_118] : memref<10240x128xf32, #tpu.memory_space<vmem_shared>> -> memref<128x128xf32, #tpu.memory_space<vmem_shared>>
      %dma_start3A_120 = arith.constant 0 : i32
      %dma_start3A_121 = tpu.memref_slice %arg11[%add3A_10, %dma_start3A_120] : memref<10240x128xf32, #tpu.memory_space<vmem_shared>> -> memref<128x128xf32, #tpu.memory_space<vmem_shared>>
      %dma_start3A_122 = arith.constant 0 : i32
      %dma_start3A_123 = arith.constant 0 : i32
      %dma_start3A_124 = tpu.memref_slice %arg8[%run_scoped3A, %dma_start3A_122, %dma_start3A_123] : memref<2x128x128xf32, #tpu.memory_space<vmem>> -> memref<1x128x128xf32, #tpu.memory_space<vmem>>
      %dma_start3A_125 = tpu.memref_squeeze %dma_start3A_124 : memref<1x128x128xf32, #tpu.memory_space<vmem>> -> memref<128x128xf32, #tpu.memory_space<vmem>>
      tpu.enqueue_dma source(%dma_start3A_125 : memref<128x128xf32, #tpu.memory_space<vmem>>) target(%dma_start3A_121 : memref<128x128xf32, #tpu.memory_space<vmem_shared>>) target_semaphore(%run_scoped3A_113 : memref<!tpu.dma_semaphore, #tpu.memory_space<semaphore_mem>>)
      %dma_wait3A_126 = arith.constant 0 : i32
      %dma_wait3A_127 = arith.constant 0 : i32
      %dma_wait3A_128 = tpu.memref_slice %arg8[%run_scoped3A, %dma_wait3A_126, %dma_wait3A_127] : memref<2x128x128xf32, #tpu.memory_space<vmem>> -> memref<1x128x128xf32, #tpu.memory_space<vmem>>
      %dma_wait3A_129 = tpu.memref_squeeze %dma_wait3A_128 : memref<1x128x128xf32, #tpu.memory_space<vmem>> -> memref<128x128xf32, #tpu.memory_space<vmem>>
      %dma_wait3A_130 = arith.constant 0 : i32
      %dma_wait3A_131 = tpu.memref_slice %arg11[%add3A_10, %dma_wait3A_130] : memref<10240x128xf32, #tpu.memory_space<vmem_shared>> -> memref<128x128xf32, #tpu.memory_space<vmem_shared>>
      %dma_wait3A_132 = arith.constant 0 : i32
      %dma_wait3A_133 = tpu.memref_slice %arg11[%add3A_10, %dma_wait3A_132] : memref<10240x128xf32, #tpu.memory_space<vmem_shared>> -> memref<128x128xf32, #tpu.memory_space<vmem_shared>>
      %dma_wait3A_134 = arith.constant 0 : i32
      %dma_wait3A_135 = arith.constant 0 : i32
      %dma_wait3A_136 = tpu.memref_slice %arg8[%run_scoped3A, %dma_wait3A_134, %dma_wait3A_135] : memref<2x128x128xf32, #tpu.memory_space<vmem>> -> memref<1x128x128xf32, #tpu.memory_space<vmem>>
      %dma_wait3A_137 = tpu.memref_squeeze %dma_wait3A_136 : memref<1x128x128xf32, #tpu.memory_space<vmem>> -> memref<128x128xf32, #tpu.memory_space<vmem>>
      tpu.wait_dma2 semaphore(%run_scoped3A_113 : memref<!tpu.dma_semaphore, #tpu.memory_space<semaphore_mem>>) src(%dma_wait3A_137 : memref<128x128xf32, #tpu.memory_space<vmem>>) dst(%dma_wait3A_133 : memref<128x128xf32, #tpu.memory_space<vmem_shared>>)
      tpu.yield
    }) : () -> ()
    %mul3A_11 = arith.constant 640 : i32
    %mul3A_12 = arith.muli %arg1, %mul3A_11 : i32
    %add3A_13 = arith.constant 128 : i32
    %add3A_14 = arith.addi %mul3A_12, %add3A_13 : i32
    %run_scoped3A_15 = arith.constant 0 : i32
    "tpu.region"() ({
      %run_scoped3A_113 = tpu.sem_alloc : memref<!tpu.dma_semaphore, #tpu.memory_space<semaphore_mem>>
      %dma_start3A_114 = arith.constant 0 : i32
      %dma_start3A_115 = arith.constant 0 : i32
      %dma_start3A_116 = tpu.memref_slice %arg8[%run_scoped3A_15, %dma_start3A_114, %dma_start3A_115] : memref<2x128x128xf32, #tpu.memory_space<vmem>> -> memref<1x128x128xf32, #tpu.memory_space<vmem>>
      %dma_start3A_117 = tpu.memref_squeeze %dma_start3A_116 : memref<1x128x128xf32, #tpu.memory_space<vmem>> -> memref<128x128xf32, #tpu.memory_space<vmem>>
      %dma_start3A_118 = arith.constant 0 : i32
      %dma_start3A_119 = tpu.memref_slice %arg11[%add3A_14, %dma_start3A_118] : memref<10240x128xf32, #tpu.memory_space<vmem_shared>> -> memref<128x128xf32, #tpu.memory_space<vmem_shared>>
      %dma_start3A_120 = arith.constant 0 : i32
      %dma_start3A_121 = tpu.memref_slice %arg11[%add3A_14, %dma_start3A_120] : memref<10240x128xf32, #tpu.memory_space<vmem_shared>> -> memref<128x128xf32, #tpu.memory_space<vmem_shared>>
      %dma_start3A_122 = arith.constant 0 : i32
      %dma_start3A_123 = arith.constant 0 : i32
      %dma_start3A_124 = tpu.memref_slice %arg8[%run_scoped3A_15, %dma_start3A_122, %dma_start3A_123] : memref<2x128x128xf32, #tpu.memory_space<vmem>> -> memref<1x128x128xf32, #tpu.memory_space<vmem>>
      %dma_start3A_125 = tpu.memref_squeeze %dma_start3A_124 : memref<1x128x128xf32, #tpu.memory_space<vmem>> -> memref<128x128xf32, #tpu.memory_space<vmem>>
      tpu.enqueue_dma source(%dma_start3A_125 : memref<128x128xf32, #tpu.memory_space<vmem>>) target(%dma_start3A_121 : memref<128x128xf32, #tpu.memory_space<vmem_shared>>) target_semaphore(%run_scoped3A_113 : memref<!tpu.dma_semaphore, #tpu.memory_space<semaphore_mem>>)
      %dma_wait3A_126 = arith.constant 0 : i32
      %dma_wait3A_127 = arith.constant 0 : i32
      %dma_wait3A_128 = tpu.memref_slice %arg8[%run_scoped3A_15, %dma_wait3A_126, %dma_wait3A_127] : memref<2x128x128xf32, #tpu.memory_space<vmem>> -> memref<1x128x128xf32, #tpu.memory_space<vmem>>
      %dma_wait3A_129 = tpu.memref_squeeze %dma_wait3A_128 : memref<1x128x128xf32, #tpu.memory_space<vmem>> -> memref<128x128xf32, #tpu.memory_space<vmem>>
      %dma_wait3A_130 = arith.constant 0 : i32
      %dma_wait3A_131 = tpu.memref_slice %arg11[%add3A_14, %dma_wait3A_130] : memref<10240x128xf32, #tpu.memory_space<vmem_shared>> -> memref<128x128xf32, #tpu.memory_space<vmem_shared>>
      %dma_wait3A_132 = arith.constant 0 : i32
      %dma_wait3A_133 = tpu.memref_slice %arg11[%add3A_14, %dma_wait3A_132] : memref<10240x128xf32, #tpu.memory_space<vmem_shared>> -> memref<128x128xf32, #tpu.memory_space<vmem_shared>>
      %dma_wait3A_134 = arith.constant 0 : i32
      %dma_wait3A_135 = arith.constant 0 : i32
      %dma_wait3A_136 = tpu.memref_slice %arg8[%run_scoped3A_15, %dma_wait3A_134, %dma_wait3A_135] : memref<2x128x128xf32, #tpu.memory_space<vmem>> -> memref<1x128x128xf32, #tpu.memory_space<vmem>>
      %dma_wait3A_137 = tpu.memref_squeeze %dma_wait3A_136 : memref<1x128x128xf32, #tpu.memory_space<vmem>> -> memref<128x128xf32, #tpu.memory_space<vmem>>
      tpu.wait_dma2 semaphore(%run_scoped3A_113 : memref<!tpu.dma_semaphore, #tpu.memory_space<semaphore_mem>>) src(%dma_wait3A_137 : memref<128x128xf32, #tpu.memory_space<vmem>>) dst(%dma_wait3A_133 : memref<128x128xf32, #tpu.memory_space<vmem_shared>>)
      tpu.yield
    }) : () -> ()
    %mul3A_16 = arith.constant 640 : i32
    %mul3A_17 = arith.muli %arg1, %mul3A_16 : i32
    %add3A_18 = arith.constant 256 : i32
    %add3A_19 = arith.addi %mul3A_17, %add3A_18 : i32
    %run_scoped3A_20 = arith.constant 0 : i32
    "tpu.region"() ({
      %run_scoped3A_113 = tpu.sem_alloc : memref<!tpu.dma_semaphore, #tpu.memory_space<semaphore_mem>>
      %dma_start3A_114 = arith.constant 0 : i32
      %dma_start3A_115 = arith.constant 0 : i32
      %dma_start3A_116 = tpu.memref_slice %arg8[%run_scoped3A_20, %dma_start3A_114, %dma_start3A_115] : memref<2x128x128xf32, #tpu.memory_space<vmem>> -> memref<1x128x128xf32, #tpu.memory_space<vmem>>
      %dma_start3A_117 = tpu.memref_squeeze %dma_start3A_116 : memref<1x128x128xf32, #tpu.memory_space<vmem>> -> memref<128x128xf32, #tpu.memory_space<vmem>>
      %dma_start3A_118 = arith.constant 0 : i32
      %dma_start3A_119 = tpu.memref_slice %arg11[%add3A_19, %dma_start3A_118] : memref<10240x128xf32, #tpu.memory_space<vmem_shared>> -> memref<128x128xf32, #tpu.memory_space<vmem_shared>>
      %dma_start3A_120 = arith.constant 0 : i32
      %dma_start3A_121 = tpu.memref_slice %arg11[%add3A_19, %dma_start3A_120] : memref<10240x128xf32, #tpu.memory_space<vmem_shared>> -> memref<128x128xf32, #tpu.memory_space<vmem_shared>>
      %dma_start3A_122 = arith.constant 0 : i32
      %dma_start3A_123 = arith.constant 0 : i32
      %dma_start3A_124 = tpu.memref_slice %arg8[%run_scoped3A_20, %dma_start3A_122, %dma_start3A_123] : memref<2x128x128xf32, #tpu.memory_space<vmem>> -> memref<1x128x128xf32, #tpu.memory_space<vmem>>
      %dma_start3A_125 = tpu.memref_squeeze %dma_start3A_124 : memref<1x128x128xf32, #tpu.memory_space<vmem>> -> memref<128x128xf32, #tpu.memory_space<vmem>>
      tpu.enqueue_dma source(%dma_start3A_125 : memref<128x128xf32, #tpu.memory_space<vmem>>) target(%dma_start3A_121 : memref<128x128xf32, #tpu.memory_space<vmem_shared>>) target_semaphore(%run_scoped3A_113 : memref<!tpu.dma_semaphore, #tpu.memory_space<semaphore_mem>>)
      %dma_wait3A_126 = arith.constant 0 : i32
      %dma_wait3A_127 = arith.constant 0 : i32
      %dma_wait3A_128 = tpu.memref_slice %arg8[%run_scoped3A_20, %dma_wait3A_126, %dma_wait3A_127] : memref<2x128x128xf32, #tpu.memory_space<vmem>> -> memref<1x128x128xf32, #tpu.memory_space<vmem>>
      %dma_wait3A_129 = tpu.memref_squeeze %dma_wait3A_128 : memref<1x128x128xf32, #tpu.memory_space<vmem>> -> memref<128x128xf32, #tpu.memory_space<vmem>>
      %dma_wait3A_130 = arith.constant 0 : i32
      %dma_wait3A_131 = tpu.memref_slice %arg11[%add3A_19, %dma_wait3A_130] : memref<10240x128xf32, #tpu.memory_space<vmem_shared>> -> memref<128x128xf32, #tpu.memory_space<vmem_shared>>
      %dma_wait3A_132 = arith.constant 0 : i32
      %dma_wait3A_133 = tpu.memref_slice %arg11[%add3A_19, %dma_wait3A_132] : memref<10240x128xf32, #tpu.memory_space<vmem_shared>> -> memref<128x128xf32, #tpu.memory_space<vmem_shared>>
      %dma_wait3A_134 = arith.constant 0 : i32
      %dma_wait3A_135 = arith.constant 0 : i32
      %dma_wait3A_136 = tpu.memref_slice %arg8[%run_scoped3A_20, %dma_wait3A_134, %dma_wait3A_135] : memref<2x128x128xf32, #tpu.memory_space<vmem>> -> memref<1x128x128xf32, #tpu.memory_space<vmem>>
      %dma_wait3A_137 = tpu.memref_squeeze %dma_wait3A_136 : memref<1x128x128xf32, #tpu.memory_space<vmem>> -> memref<128x128xf32, #tpu.memory_space<vmem>>
      tpu.wait_dma2 semaphore(%run_scoped3A_113 : memref<!tpu.dma_semaphore, #tpu.memory_space<semaphore_mem>>) src(%dma_wait3A_137 : memref<128x128xf32, #tpu.memory_space<vmem>>) dst(%dma_wait3A_133 : memref<128x128xf32, #tpu.memory_space<vmem_shared>>)
      tpu.yield
    }) : () -> ()
    %mul3A_21 = arith.constant 640 : i32
    %mul3A_22 = arith.muli %arg1, %mul3A_21 : i32
    %add3A_23 = arith.constant 384 : i32
    %add3A_24 = arith.addi %mul3A_22, %add3A_23 : i32
    %run_scoped3A_25 = arith.constant 0 : i32
    "tpu.region"() ({
      %run_scoped3A_113 = tpu.sem_alloc : memref<!tpu.dma_semaphore, #tpu.memory_space<semaphore_mem>>
      %dma_start3A_114 = arith.constant 0 : i32
      %dma_start3A_115 = arith.constant 0 : i32
      %dma_start3A_116 = tpu.memref_slice %arg8[%run_scoped3A_25, %dma_start3A_114, %dma_start3A_115] : memref<2x128x128xf32, #tpu.memory_space<vmem>> -> memref<1x128x128xf32, #tpu.memory_space<vmem>>
      %dma_start3A_117 = tpu.memref_squeeze %dma_start3A_116 : memref<1x128x128xf32, #tpu.memory_space<vmem>> -> memref<128x128xf32, #tpu.memory_space<vmem>>
      %dma_start3A_118 = arith.constant 0 : i32
      %dma_start3A_119 = tpu.memref_slice %arg11[%add3A_24, %dma_start3A_118] : memref<10240x128xf32, #tpu.memory_space<vmem_shared>> -> memref<128x128xf32, #tpu.memory_space<vmem_shared>>
      %dma_start3A_120 = arith.constant 0 : i32
      %dma_start3A_121 = tpu.memref_slice %arg11[%add3A_24, %dma_start3A_120] : memref<10240x128xf32, #tpu.memory_space<vmem_shared>> -> memref<128x128xf32, #tpu.memory_space<vmem_shared>>
      %dma_start3A_122 = arith.constant 0 : i32
      %dma_start3A_123 = arith.constant 0 : i32
      %dma_start3A_124 = tpu.memref_slice %arg8[%run_scoped3A_25, %dma_start3A_122, %dma_start3A_123] : memref<2x128x128xf32, #tpu.memory_space<vmem>> -> memref<1x128x128xf32, #tpu.memory_space<vmem>>
      %dma_start3A_125 = tpu.memref_squeeze %dma_start3A_124 : memref<1x128x128xf32, #tpu.memory_space<vmem>> -> memref<128x128xf32, #tpu.memory_space<vmem>>
      tpu.enqueue_dma source(%dma_start3A_125 : memref<128x128xf32, #tpu.memory_space<vmem>>) target(%dma_start3A_121 : memref<128x128xf32, #tpu.memory_space<vmem_shared>>) target_semaphore(%run_scoped3A_113 : memref<!tpu.dma_semaphore, #tpu.memory_space<semaphore_mem>>)
      %dma_wait3A_126 = arith.constant 0 : i32
      %dma_wait3A_127 = arith.constant 0 : i32
      %dma_wait3A_128 = tpu.memref_slice %arg8[%run_scoped3A_25, %dma_wait3A_126, %dma_wait3A_127] : memref<2x128x128xf32, #tpu.memory_space<vmem>> -> memref<1x128x128xf32, #tpu.memory_space<vmem>>
      %dma_wait3A_129 = tpu.memref_squeeze %dma_wait3A_128 : memref<1x128x128xf32, #tpu.memory_space<vmem>> -> memref<128x128xf32, #tpu.memory_space<vmem>>
      %dma_wait3A_130 = arith.constant 0 : i32
      %dma_wait3A_131 = tpu.memref_slice %arg11[%add3A_24, %dma_wait3A_130] : memref<10240x128xf32, #tpu.memory_space<vmem_shared>> -> memref<128x128xf32, #tpu.memory_space<vmem_shared>>
      %dma_wait3A_132 = arith.constant 0 : i32
      %dma_wait3A_133 = tpu.memref_slice %arg11[%add3A_24, %dma_wait3A_132] : memref<10240x128xf32, #tpu.memory_space<vmem_shared>> -> memref<128x128xf32, #tpu.memory_space<vmem_shared>>
      %dma_wait3A_134 = arith.constant 0 : i32
      %dma_wait3A_135 = arith.constant 0 : i32
      %dma_wait3A_136 = tpu.memref_slice %arg8[%run_scoped3A_25, %dma_wait3A_134, %dma_wait3A_135] : memref<2x128x128xf32, #tpu.memory_space<vmem>> -> memref<1x128x128xf32, #tpu.memory_space<vmem>>
      %dma_wait3A_137 = tpu.memref_squeeze %dma_wait3A_136 : memref<1x128x128xf32, #tpu.memory_space<vmem>> -> memref<128x128xf32, #tpu.memory_space<vmem>>
      tpu.wait_dma2 semaphore(%run_scoped3A_113 : memref<!tpu.dma_semaphore, #tpu.memory_space<semaphore_mem>>) src(%dma_wait3A_137 : memref<128x128xf32, #tpu.memory_space<vmem>>) dst(%dma_wait3A_133 : memref<128x128xf32, #tpu.memory_space<vmem_shared>>)
      tpu.yield
    }) : () -> ()
    %mul3A_26 = arith.constant 640 : i32
    %mul3A_27 = arith.muli %arg1, %mul3A_26 : i32
    %add3A_28 = arith.constant 512 : i32
    %add3A_29 = arith.addi %mul3A_27, %add3A_28 : i32
    %run_scoped3A_30 = arith.constant 0 : i32
    "tpu.region"() ({
      %run_scoped3A_113 = tpu.sem_alloc : memref<!tpu.dma_semaphore, #tpu.memory_space<semaphore_mem>>
      %dma_start3A_114 = arith.constant 0 : i32
      %dma_start3A_115 = arith.constant 0 : i32
      %dma_start3A_116 = tpu.memref_slice %arg8[%run_scoped3A_30, %dma_start3A_114, %dma_start3A_115] : memref<2x128x128xf32, #tpu.memory_space<vmem>> -> memref<1x128x128xf32, #tpu.memory_space<vmem>>
      %dma_start3A_117 = tpu.memref_squeeze %dma_start3A_116 : memref<1x128x128xf32, #tpu.memory_space<vmem>> -> memref<128x128xf32, #tpu.memory_space<vmem>>
      %dma_start3A_118 = arith.constant 0 : i32
      %dma_start3A_119 = tpu.memref_slice %arg11[%add3A_29, %dma_start3A_118] : memref<10240x128xf32, #tpu.memory_space<vmem_shared>> -> memref<128x128xf32, #tpu.memory_space<vmem_shared>>
      %dma_start3A_120 = arith.constant 0 : i32
      %dma_start3A_121 = tpu.memref_slice %arg11[%add3A_29, %dma_start3A_120] : memref<10240x128xf32, #tpu.memory_space<vmem_shared>> -> memref<128x128xf32, #tpu.memory_space<vmem_shared>>
      %dma_start3A_122 = arith.constant 0 : i32
      %dma_start3A_123 = arith.constant 0 : i32
      %dma_start3A_124 = tpu.memref_slice %arg8[%run_scoped3A_30, %dma_start3A_122, %dma_start3A_123] : memref<2x128x128xf32, #tpu.memory_space<vmem>> -> memref<1x128x128xf32, #tpu.memory_space<vmem>>
      %dma_start3A_125 = tpu.memref_squeeze %dma_start3A_124 : memref<1x128x128xf32, #tpu.memory_space<vmem>> -> memref<128x128xf32, #tpu.memory_space<vmem>>
      tpu.enqueue_dma source(%dma_start3A_125 : memref<128x128xf32, #tpu.memory_space<vmem>>) target(%dma_start3A_121 : memref<128x128xf32, #tpu.memory_space<vmem_shared>>) target_semaphore(%run_scoped3A_113 : memref<!tpu.dma_semaphore, #tpu.memory_space<semaphore_mem>>)
      %dma_wait3A_126 = arith.constant 0 : i32
      %dma_wait3A_127 = arith.constant 0 : i32
      %dma_wait3A_128 = tpu.memref_slice %arg8[%run_scoped3A_30, %dma_wait3A_126, %dma_wait3A_127] : memref<2x128x128xf32, #tpu.memory_space<vmem>> -> memref<1x128x128xf32, #tpu.memory_space<vmem>>
      %dma_wait3A_129 = tpu.memref_squeeze %dma_wait3A_128 : memref<1x128x128xf32, #tpu.memory_space<vmem>> -> memref<128x128xf32, #tpu.memory_space<vmem>>
      %dma_wait3A_130 = arith.constant 0 : i32
      %dma_wait3A_131 = tpu.memref_slice %arg11[%add3A_29, %dma_wait3A_130] : memref<10240x128xf32, #tpu.memory_space<vmem_shared>> -> memref<128x128xf32, #tpu.memory_space<vmem_shared>>
      %dma_wait3A_132 = arith.constant 0 : i32
      %dma_wait3A_133 = tpu.memref_slice %arg11[%add3A_29, %dma_wait3A_132] : memref<10240x128xf32, #tpu.memory_space<vmem_shared>> -> memref<128x128xf32, #tpu.memory_space<vmem_shared>>
      %dma_wait3A_134 = arith.constant 0 : i32
      %dma_wait3A_135 = arith.constant 0 : i32
      %dma_wait3A_136 = tpu.memref_slice %arg8[%run_scoped3A_30, %dma_wait3A_134, %dma_wait3A_135] : memref<2x128x128xf32, #tpu.memory_space<vmem>> -> memref<1x128x128xf32, #tpu.memory_space<vmem>>
      %dma_wait3A_137 = tpu.memref_squeeze %dma_wait3A_136 : memref<1x128x128xf32, #tpu.memory_space<vmem>> -> memref<128x128xf32, #tpu.memory_space<vmem>>
      tpu.wait_dma2 semaphore(%run_scoped3A_113 : memref<!tpu.dma_semaphore, #tpu.memory_space<semaphore_mem>>) src(%dma_wait3A_137 : memref<128x128xf32, #tpu.memory_space<vmem>>) dst(%dma_wait3A_133 : memref<128x128xf32, #tpu.memory_space<vmem_shared>>)
      tpu.yield
    }) : () -> ()
    %barrier3A = arith.constant 0 : index
    tpu.barrier barrier_id(%barrier3A)
    %mul3A_31 = arith.constant 10240 : i32
    %mul3A_32 = arith.muli %add3A, %mul3A_31 : i32
    %add3A_33 = arith.constant 0 : i32
    %add3A_34 = arith.addi %mul3A_32, %add3A_33 : i32
    %run_scoped3A_35 = arith.constant 0 : i32
    "tpu.region"() ({
      %run_scoped3A_113 = tpu.sem_alloc : memref<!tpu.dma_semaphore, #tpu.memory_space<semaphore_mem>>
      %dma_start3A_114 = arith.constant 0 : i32
      %dma_start3A_115 = tpu.memref_slice %arg6[%run_scoped3A_35, %dma_start3A_114] : memref<2x128xi32, #tpu.memory_space<vmem>> -> memref<1x128xi32, #tpu.memory_space<vmem>>
      %dma_start3A_116 = tpu.memref_squeeze %dma_start3A_115 : memref<1x128xi32, #tpu.memory_space<vmem>> -> memref<128xi32, #tpu.memory_space<vmem>>
      %dma_start3A_117 = tpu.memref_slice %arg3[%add3A_34] : memref<327680xi32, #tpu.memory_space<hbm>> -> memref<128xi32, #tpu.memory_space<hbm>>
      %dma_start3A_118 = arith.constant 0 : i32
      %dma_start3A_119 = tpu.memref_slice %arg6[%run_scoped3A_35, %dma_start3A_118] : memref<2x128xi32, #tpu.memory_space<vmem>> -> memref<1x128xi32, #tpu.memory_space<vmem>>
      %dma_start3A_120 = tpu.memref_squeeze %dma_start3A_119 : memref<1x128xi32, #tpu.memory_space<vmem>> -> memref<128xi32, #tpu.memory_space<vmem>>
      %dma_start3A_121 = tpu.memref_slice %arg3[%add3A_34] : memref<327680xi32, #tpu.memory_space<hbm>> -> memref<128xi32, #tpu.memory_space<hbm>>
      tpu.enqueue_dma source(%dma_start3A_121 : memref<128xi32, #tpu.memory_space<hbm>>) target(%dma_start3A_120 : memref<128xi32, #tpu.memory_space<vmem>>) target_semaphore(%run_scoped3A_113 : memref<!tpu.dma_semaphore, #tpu.memory_space<semaphore_mem>>)
      %dma_wait3A_122 = arith.constant 0 : i32
      %dma_wait3A_123 = tpu.memref_slice %arg6[%run_scoped3A_35, %dma_wait3A_122] : memref<2x128xi32, #tpu.memory_space<vmem>> -> memref<1x128xi32, #tpu.memory_space<vmem>>
      %dma_wait3A_124 = tpu.memref_squeeze %dma_wait3A_123 : memref<1x128xi32, #tpu.memory_space<vmem>> -> memref<128xi32, #tpu.memory_space<vmem>>
      %dma_wait3A_125 = tpu.memref_slice %arg3[%add3A_34] : memref<327680xi32, #tpu.memory_space<hbm>> -> memref<128xi32, #tpu.memory_space<hbm>>
      %dma_wait3A_126 = arith.constant 0 : i32
      %dma_wait3A_127 = tpu.memref_slice %arg6[%run_scoped3A_35, %dma_wait3A_126] : memref<2x128xi32, #tpu.memory_space<vmem>> -> memref<1x128xi32, #tpu.memory_space<vmem>>
      %dma_wait3A_128 = tpu.memref_squeeze %dma_wait3A_127 : memref<1x128xi32, #tpu.memory_space<vmem>> -> memref<128xi32, #tpu.memory_space<vmem>>
      %dma_wait3A_129 = tpu.memref_slice %arg3[%add3A_34] : memref<327680xi32, #tpu.memory_space<hbm>> -> memref<128xi32, #tpu.memory_space<hbm>>
      tpu.wait_dma2 semaphore(%run_scoped3A_113 : memref<!tpu.dma_semaphore, #tpu.memory_space<semaphore_mem>>) src(%dma_wait3A_129 : memref<128xi32, #tpu.memory_space<hbm>>) dst(%dma_wait3A_128 : memref<128xi32, #tpu.memory_space<vmem>>)
      tpu.yield
    }) : () -> ()
    %run_scoped3A_36 = arith.constant 0 : i32
    "tpu.region"() ({
      %run_scoped3A_113 = tpu.sem_alloc : memref<!tpu.dma_semaphore, #tpu.memory_space<semaphore_mem>>
      %dma_start3A_114 = arith.constant 0 : i32
      %dma_start3A_115 = tpu.memref_slice %arg7[%run_scoped3A_36, %dma_start3A_114] : memref<2x128xi32, #tpu.memory_space<vmem>> -> memref<1x128xi32, #tpu.memory_space<vmem>>
      %dma_start3A_116 = tpu.memref_squeeze %dma_start3A_115 : memref<1x128xi32, #tpu.memory_space<vmem>> -> memref<128xi32, #tpu.memory_space<vmem>>
      %dma_start3A_117 = tpu.memref_slice %arg4[%add3A_34] : memref<327680xi32, #tpu.memory_space<hbm>> -> memref<128xi32, #tpu.memory_space<hbm>>
      %dma_start3A_118 = arith.constant 0 : i32
      %dma_start3A_119 = tpu.memref_slice %arg7[%run_scoped3A_36, %dma_start3A_118] : memref<2x128xi32, #tpu.memory_space<vmem>> -> memref<1x128xi32, #tpu.memory_space<vmem>>
      %dma_start3A_120 = tpu.memref_squeeze %dma_start3A_119 : memref<1x128xi32, #tpu.memory_space<vmem>> -> memref<128xi32, #tpu.memory_space<vmem>>
      %dma_start3A_121 = tpu.memref_slice %arg4[%add3A_34] : memref<327680xi32, #tpu.memory_space<hbm>> -> memref<128xi32, #tpu.memory_space<hbm>>
      tpu.enqueue_dma source(%dma_start3A_121 : memref<128xi32, #tpu.memory_space<hbm>>) target(%dma_start3A_120 : memref<128xi32, #tpu.memory_space<vmem>>) target_semaphore(%run_scoped3A_113 : memref<!tpu.dma_semaphore, #tpu.memory_space<semaphore_mem>>)
      %dma_wait3A_122 = arith.constant 0 : i32
      %dma_wait3A_123 = tpu.memref_slice %arg7[%run_scoped3A_36, %dma_wait3A_122] : memref<2x128xi32, #tpu.memory_space<vmem>> -> memref<1x128xi32, #tpu.memory_space<vmem>>
      %dma_wait3A_124 = tpu.memref_squeeze %dma_wait3A_123 : memref<1x128xi32, #tpu.memory_space<vmem>> -> memref<128xi32, #tpu.memory_space<vmem>>
      %dma_wait3A_125 = tpu.memref_slice %arg4[%add3A_34] : memref<327680xi32, #tpu.memory_space<hbm>> -> memref<128xi32, #tpu.memory_space<hbm>>
      %dma_wait3A_126 = arith.constant 0 : i32
      %dma_wait3A_127 = tpu.memref_slice %arg7[%run_scoped3A_36, %dma_wait3A_126] : memref<2x128xi32, #tpu.memory_space<vmem>> -> memref<1x128xi32, #tpu.memory_space<vmem>>
      %dma_wait3A_128 = tpu.memref_squeeze %dma_wait3A_127 : memref<1x128xi32, #tpu.memory_space<vmem>> -> memref<128xi32, #tpu.memory_space<vmem>>
      %dma_wait3A_129 = tpu.memref_slice %arg4[%add3A_34] : memref<327680xi32, #tpu.memory_space<hbm>> -> memref<128xi32, #tpu.memory_space<hbm>>
      tpu.wait_dma2 semaphore(%run_scoped3A_113 : memref<!tpu.dma_semaphore, #tpu.memory_space<semaphore_mem>>) src(%dma_wait3A_129 : memref<128xi32, #tpu.memory_space<hbm>>) dst(%dma_wait3A_128 : memref<128xi32, #tpu.memory_space<vmem>>)
      tpu.yield
    }) : () -> ()
    %dma_start3A = arith.constant 0 : i32
    %dma_start3A_37 = arith.constant 0 : i32
    %dma_start3A_38 = arith.constant 0 : i32
    %dma_start3A_39 = arith.constant 0 : i32
    %dma_start3A_40 = arith.constant 0 : i32
    %dma_start3A_41 = tpu.memref_slice %arg8[%dma_start3A_37, %dma_start3A_39, %dma_start3A_40] : memref<2x128x128xf32, #tpu.memory_space<vmem>> -> memref<1x128x128xf32, #tpu.memory_space<vmem>>
    %dma_start3A_42 = tpu.memref_squeeze %dma_start3A_41 : memref<1x128x128xf32, #tpu.memory_space<vmem>> -> memref<128x128xf32, #tpu.memory_space<vmem>>
    %dma_start3A_43 = arith.constant 0 : i32
    %dma_start3A_44 = tpu.memref_slice %arg6[%dma_start3A, %dma_start3A_43] : memref<2x128xi32, #tpu.memory_space<vmem>> -> memref<1x128xi32, #tpu.memory_space<vmem>>
    %dma_start3A_45 = tpu.memref_squeeze %dma_start3A_44 : memref<1x128xi32, #tpu.memory_space<vmem>> -> memref<128xi32, #tpu.memory_space<vmem>>
    %dma_start3A_46 = arith.constant 0 : i32
    %dma_start3A_47 = arith.constant 0 : i32
    %dma_start3A_48 = tpu.memref_slice %arg2[%dma_start3A_46, %dma_start3A_47] : memref<10000x128xf32, #tpu.memory_space<hbm>> -> memref<10000x128xf32, #tpu.memory_space<hbm>>
    %dma_start3A_49 = tpu.memref_slice %arg9[%dma_start3A_38] : memref<2x!tpu.dma_semaphore, #tpu.memory_space<semaphore_mem>> -> memref<1x!tpu.dma_semaphore, #tpu.memory_space<semaphore_mem>>
    %dma_start3A_50 = tpu.memref_squeeze %dma_start3A_49 : memref<1x!tpu.dma_semaphore, #tpu.memory_space<semaphore_mem>> -> memref<!tpu.dma_semaphore, #tpu.memory_space<semaphore_mem>>
    tpu.enqueue_indirect_dma source(%dma_start3A_48 : memref<10000x128xf32, #tpu.memory_space<hbm>>) target(%dma_start3A_42 : memref<128x128xf32, #tpu.memory_space<vmem>>) offsets(%dma_start3A_45 : memref<128xi32, #tpu.memory_space<vmem>>) semaphore(%dma_start3A_50 : memref<!tpu.dma_semaphore, #tpu.memory_space<semaphore_mem>>)
    %mul3A_51 = arith.constant 10240 : i32
    %mul3A_52 = arith.muli %add3A, %mul3A_51 : i32
    %add3A_53 = arith.constant 128 : i32
    %add3A_54 = arith.addi %mul3A_52, %add3A_53 : i32
    %run_scoped3A_55 = arith.constant 1 : i32
    "tpu.region"() ({
      %run_scoped3A_113 = tpu.sem_alloc : memref<!tpu.dma_semaphore, #tpu.memory_space<semaphore_mem>>
      %dma_start3A_114 = arith.constant 0 : i32
      %dma_start3A_115 = tpu.memref_slice %arg6[%run_scoped3A_55, %dma_start3A_114] : memref<2x128xi32, #tpu.memory_space<vmem>> -> memref<1x128xi32, #tpu.memory_space<vmem>>
      %dma_start3A_116 = tpu.memref_squeeze %dma_start3A_115 : memref<1x128xi32, #tpu.memory_space<vmem>> -> memref<128xi32, #tpu.memory_space<vmem>>
      %dma_start3A_117 = tpu.memref_slice %arg3[%add3A_54] : memref<327680xi32, #tpu.memory_space<hbm>> -> memref<128xi32, #tpu.memory_space<hbm>>
      %dma_start3A_118 = arith.constant 0 : i32
      %dma_start3A_119 = tpu.memref_slice %arg6[%run_scoped3A_55, %dma_start3A_118] : memref<2x128xi32, #tpu.memory_space<vmem>> -> memref<1x128xi32, #tpu.memory_space<vmem>>
      %dma_start3A_120 = tpu.memref_squeeze %dma_start3A_119 : memref<1x128xi32, #tpu.memory_space<vmem>> -> memref<128xi32, #tpu.memory_space<vmem>>
      %dma_start3A_121 = tpu.memref_slice %arg3[%add3A_54] : memref<327680xi32, #tpu.memory_space<hbm>> -> memref<128xi32, #tpu.memory_space<hbm>>
      tpu.enqueue_dma source(%dma_start3A_121 : memref<128xi32, #tpu.memory_space<hbm>>) target(%dma_start3A_120 : memref<128xi32, #tpu.memory_space<vmem>>) target_semaphore(%run_scoped3A_113 : memref<!tpu.dma_semaphore, #tpu.memory_space<semaphore_mem>>)
      %dma_wait3A_122 = arith.constant 0 : i32
      %dma_wait3A_123 = tpu.memref_slice %arg6[%run_scoped3A_55, %dma_wait3A_122] : memref<2x128xi32, #tpu.memory_space<vmem>> -> memref<1x128xi32, #tpu.memory_space<vmem>>
      %dma_wait3A_124 = tpu.memref_squeeze %dma_wait3A_123 : memref<1x128xi32, #tpu.memory_space<vmem>> -> memref<128xi32, #tpu.memory_space<vmem>>
      %dma_wait3A_125 = tpu.memref_slice %arg3[%add3A_54] : memref<327680xi32, #tpu.memory_space<hbm>> -> memref<128xi32, #tpu.memory_space<hbm>>
      %dma_wait3A_126 = arith.constant 0 : i32
      %dma_wait3A_127 = tpu.memref_slice %arg6[%run_scoped3A_55, %dma_wait3A_126] : memref<2x128xi32, #tpu.memory_space<vmem>> -> memref<1x128xi32, #tpu.memory_space<vmem>>
      %dma_wait3A_128 = tpu.memref_squeeze %dma_wait3A_127 : memref<1x128xi32, #tpu.memory_space<vmem>> -> memref<128xi32, #tpu.memory_space<vmem>>
      %dma_wait3A_129 = tpu.memref_slice %arg3[%add3A_54] : memref<327680xi32, #tpu.memory_space<hbm>> -> memref<128xi32, #tpu.memory_space<hbm>>
      tpu.wait_dma2 semaphore(%run_scoped3A_113 : memref<!tpu.dma_semaphore, #tpu.memory_space<semaphore_mem>>) src(%dma_wait3A_129 : memref<128xi32, #tpu.memory_space<hbm>>) dst(%dma_wait3A_128 : memref<128xi32, #tpu.memory_space<vmem>>)
      tpu.yield
    }) : () -> ()
    %run_scoped3A_56 = arith.constant 1 : i32
    "tpu.region"() ({
      %run_scoped3A_113 = tpu.sem_alloc : memref<!tpu.dma_semaphore, #tpu.memory_space<semaphore_mem>>
      %dma_start3A_114 = arith.constant 0 : i32
      %dma_start3A_115 = tpu.memref_slice %arg7[%run_scoped3A_56, %dma_start3A_114] : memref<2x128xi32, #tpu.memory_space<vmem>> -> memref<1x128xi32, #tpu.memory_space<vmem>>
      %dma_start3A_116 = tpu.memref_squeeze %dma_start3A_115 : memref<1x128xi32, #tpu.memory_space<vmem>> -> memref<128xi32, #tpu.memory_space<vmem>>
      %dma_start3A_117 = tpu.memref_slice %arg4[%add3A_54] : memref<327680xi32, #tpu.memory_space<hbm>> -> memref<128xi32, #tpu.memory_space<hbm>>
      %dma_start3A_118 = arith.constant 0 : i32
      %dma_start3A_119 = tpu.memref_slice %arg7[%run_scoped3A_56, %dma_start3A_118] : memref<2x128xi32, #tpu.memory_space<vmem>> -> memref<1x128xi32, #tpu.memory_space<vmem>>
      %dma_start3A_120 = tpu.memref_squeeze %dma_start3A_119 : memref<1x128xi32, #tpu.memory_space<vmem>> -> memref<128xi32, #tpu.memory_space<vmem>>
      %dma_start3A_121 = tpu.memref_slice %arg4[%add3A_54] : memref<327680xi32, #tpu.memory_space<hbm>> -> memref<128xi32, #tpu.memory_space<hbm>>
      tpu.enqueue_dma source(%dma_start3A_121 : memref<128xi32, #tpu.memory_space<hbm>>) target(%dma_start3A_120 : memref<128xi32, #tpu.memory_space<vmem>>) target_semaphore(%run_scoped3A_113 : memref<!tpu.dma_semaphore, #tpu.memory_space<semaphore_mem>>)
      %dma_wait3A_122 = arith.constant 0 : i32
      %dma_wait3A_123 = tpu.memref_slice %arg7[%run_scoped3A_56, %dma_wait3A_122] : memref<2x128xi32, #tpu.memory_space<vmem>> -> memref<1x128xi32, #tpu.memory_space<vmem>>
      %dma_wait3A_124 = tpu.memref_squeeze %dma_wait3A_123 : memref<1x128xi32, #tpu.memory_space<vmem>> -> memref<128xi32, #tpu.memory_space<vmem>>
      %dma_wait3A_125 = tpu.memref_slice %arg4[%add3A_54] : memref<327680xi32, #tpu.memory_space<hbm>> -> memref<128xi32, #tpu.memory_space<hbm>>
      %dma_wait3A_126 = arith.constant 0 : i32
      %dma_wait3A_127 = tpu.memref_slice %arg7[%run_scoped3A_56, %dma_wait3A_126] : memref<2x128xi32, #tpu.memory_space<vmem>> -> memref<1x128xi32, #tpu.memory_space<vmem>>
      %dma_wait3A_128 = tpu.memref_squeeze %dma_wait3A_127 : memref<1x128xi32, #tpu.memory_space<vmem>> -> memref<128xi32, #tpu.memory_space<vmem>>
      %dma_wait3A_129 = tpu.memref_slice %arg4[%add3A_54] : memref<327680xi32, #tpu.memory_space<hbm>> -> memref<128xi32, #tpu.memory_space<hbm>>
      tpu.wait_dma2 semaphore(%run_scoped3A_113 : memref<!tpu.dma_semaphore, #tpu.memory_space<semaphore_mem>>) src(%dma_wait3A_129 : memref<128xi32, #tpu.memory_space<hbm>>) dst(%dma_wait3A_128 : memref<128xi32, #tpu.memory_space<vmem>>)
      tpu.yield
    }) : () -> ()
    %dma_start3A_57 = arith.constant 1 : i32
    %dma_start3A_58 = arith.constant 1 : i32
    %dma_start3A_59 = arith.constant 1 : i32
    %dma_start3A_60 = arith.constant 0 : i32
    %dma_start3A_61 = arith.constant 0 : i32
    %dma_start3A_62 = tpu.memref_slice %arg8[%dma_start3A_58, %dma_start3A_60, %dma_start3A_61] : memref<2x128x128xf32, #tpu.memory_space<vmem>> -> memref<1x128x128xf32, #tpu.memory_space<vmem>>
    %dma_start3A_63 = tpu.memref_squeeze %dma_start3A_62 : memref<1x128x128xf32, #tpu.memory_space<vmem>> -> memref<128x128xf32, #tpu.memory_space<vmem>>
    %dma_start3A_64 = arith.constant 0 : i32
    %dma_start3A_65 = tpu.memref_slice %arg6[%dma_start3A_57, %dma_start3A_64] : memref<2x128xi32, #tpu.memory_space<vmem>> -> memref<1x128xi32, #tpu.memory_space<vmem>>
    %dma_start3A_66 = tpu.memref_squeeze %dma_start3A_65 : memref<1x128xi32, #tpu.memory_space<vmem>> -> memref<128xi32, #tpu.memory_space<vmem>>
    %dma_start3A_67 = arith.constant 0 : i32
    %dma_start3A_68 = arith.constant 0 : i32
    %dma_start3A_69 = tpu.memref_slice %arg2[%dma_start3A_67, %dma_start3A_68] : memref<10000x128xf32, #tpu.memory_space<hbm>> -> memref<10000x128xf32, #tpu.memory_space<hbm>>
    %dma_start3A_70 = tpu.memref_slice %arg9[%dma_start3A_59] : memref<2x!tpu.dma_semaphore, #tpu.memory_space<semaphore_mem>> -> memref<1x!tpu.dma_semaphore, #tpu.memory_space<semaphore_mem>>
    %dma_start3A_71 = tpu.memref_squeeze %dma_start3A_70 : memref<1x!tpu.dma_semaphore, #tpu.memory_space<semaphore_mem>> -> memref<!tpu.dma_semaphore, #tpu.memory_space<semaphore_mem>>
    tpu.enqueue_indirect_dma source(%dma_start3A_69 : memref<10000x128xf32, #tpu.memory_space<hbm>>) target(%dma_start3A_63 : memref<128x128xf32, #tpu.memory_space<vmem>>) offsets(%dma_start3A_66 : memref<128xi32, #tpu.memory_space<vmem>>) semaphore(%dma_start3A_71 : memref<!tpu.dma_semaphore, #tpu.memory_space<semaphore_mem>>)
    %scan3A_72 = arith.constant 0 : i32
    %scan3A_73 = arith.constant 0 : i32
    %scan3A_74 = arith.constant 40 : i32
    %scan3A_75 = arith.addi %scan3A_73, %scan3A_74 : i32
    %scan3A_76 = arith.constant 1 : i32
    %scan3A_77 = scf.for %scan3A_113 = %scan3A_73 to %scan3A_75 step %scan3A_76 iter_args(%scan3A_114 = %scan3A_72) -> (i32)  : i32 {
      %mul3A_115 = arith.constant 2 : i32
      %mul3A_116 = arith.muli %scan3A_113, %mul3A_115 : i32
      %dma_wait3A_117 = arith.constant 0 : i32
      %dma_wait3A_118 = arith.constant 0 : i32
      %dma_wait3A_119 = arith.constant 0 : i32
      %dma_wait3A_120 = arith.constant 0 : i32
      %dma_wait3A_121 = arith.constant 0 : i32
      %dma_wait3A_122 = tpu.memref_slice %arg8[%dma_wait3A_118, %dma_wait3A_120, %dma_wait3A_121] : memref<2x128x128xf32, #tpu.memory_space<vmem>> -> memref<1x128x128xf32, #tpu.memory_space<vmem>>
      %dma_wait3A_123 = tpu.memref_squeeze %dma_wait3A_122 : memref<1x128x128xf32, #tpu.memory_space<vmem>> -> memref<128x128xf32, #tpu.memory_space<vmem>>
      %dma_wait3A_124 = arith.constant 0 : i32
      %dma_wait3A_125 = tpu.memref_slice %arg6[%dma_wait3A_117, %dma_wait3A_124] : memref<2x128xi32, #tpu.memory_space<vmem>> -> memref<1x128xi32, #tpu.memory_space<vmem>>
      %dma_wait3A_126 = tpu.memref_squeeze %dma_wait3A_125 : memref<1x128xi32, #tpu.memory_space<vmem>> -> memref<128xi32, #tpu.memory_space<vmem>>
      %dma_wait3A_127 = arith.constant 0 : i32
      %dma_wait3A_128 = arith.constant 0 : i32
      %dma_wait3A_129 = tpu.memref_slice %arg2[%dma_wait3A_127, %dma_wait3A_128] : memref<10000x128xf32, #tpu.memory_space<hbm>> -> memref<10000x128xf32, #tpu.memory_space<hbm>>
      %dma_wait3A_130 = tpu.memref_slice %arg9[%dma_wait3A_119] : memref<2x!tpu.dma_semaphore, #tpu.memory_space<semaphore_mem>> -> memref<1x!tpu.dma_semaphore, #tpu.memory_space<semaphore_mem>>
      %dma_wait3A_131 = tpu.memref_squeeze %dma_wait3A_130 : memref<1x!tpu.dma_semaphore, #tpu.memory_space<semaphore_mem>> -> memref<!tpu.dma_semaphore, #tpu.memory_space<semaphore_mem>>
      tpu.wait_indirect_dma semaphore(%dma_wait3A_131 : memref<!tpu.dma_semaphore, #tpu.memory_space<semaphore_mem>>) src(%dma_wait3A_129 : memref<10000x128xf32, #tpu.memory_space<hbm>>) dst(%dma_wait3A_123 : memref<128x128xf32, #tpu.memory_space<vmem>>)
      %dma_start3A_132 = arith.constant 0 : i32
      %dma_start3A_133 = arith.constant 0 : i32
      %dma_start3A_134 = arith.constant 0 : i32
      %dma_start3A_135 = arith.constant 0 : i32
      %dma_start3A_136 = arith.constant 0 : i32
      %dma_start3A_137 = tpu.memref_slice %arg8[%dma_start3A_132, %dma_start3A_135, %dma_start3A_136] : memref<2x128x128xf32, #tpu.memory_space<vmem>> -> memref<1x128x128xf32, #tpu.memory_space<vmem>>
      %dma_start3A_138 = tpu.memref_squeeze %dma_start3A_137 : memref<1x128x128xf32, #tpu.memory_space<vmem>> -> memref<128x128xf32, #tpu.memory_space<vmem>>
      %dma_start3A_139 = arith.constant 0 : i32
      %dma_start3A_140 = tpu.memref_slice %arg7[%dma_start3A_133, %dma_start3A_139] : memref<2x128xi32, #tpu.memory_space<vmem>> -> memref<1x128xi32, #tpu.memory_space<vmem>>
      %dma_start3A_141 = tpu.memref_squeeze %dma_start3A_140 : memref<1x128xi32, #tpu.memory_space<vmem>> -> memref<128xi32, #tpu.memory_space<vmem>>
      %dma_start3A_142 = arith.constant 0 : i32
      %dma_start3A_143 = arith.constant 0 : i32
      %dma_start3A_144 = tpu.memref_slice %arg11[%dma_start3A_142, %dma_start3A_143] : memref<10240x128xf32, #tpu.memory_space<vmem_shared>> -> memref<10240x128xf32, #tpu.memory_space<vmem_shared>>
      %dma_start3A_145 = tpu.memref_slice %arg10[%dma_start3A_134] : memref<2x!tpu.dma_semaphore, #tpu.memory_space<semaphore_mem>> -> memref<1x!tpu.dma_semaphore, #tpu.memory_space<semaphore_mem>>
      %dma_start3A_146 = tpu.memref_squeeze %dma_start3A_145 : memref<1x!tpu.dma_semaphore, #tpu.memory_space<semaphore_mem>> -> memref<!tpu.dma_semaphore, #tpu.memory_space<semaphore_mem>>
      tpu.enqueue_indirect_dma source(%dma_start3A_138 : memref<128x128xf32, #tpu.memory_space<vmem>>) target(%dma_start3A_144 : memref<10240x128xf32, #tpu.memory_space<vmem_shared>>) offsets(%dma_start3A_141 : memref<128xi32, #tpu.memory_space<vmem>>) semaphore(%dma_start3A_146 : memref<!tpu.dma_semaphore, #tpu.memory_space<semaphore_mem>>) {add = true}
      %dma_wait3A_147 = arith.constant 1 : i32
      %dma_wait3A_148 = arith.constant 1 : i32
      %dma_wait3A_149 = arith.constant 1 : i32
      %dma_wait3A_150 = arith.constant 0 : i32
      %dma_wait3A_151 = arith.constant 0 : i32
      %dma_wait3A_152 = tpu.memref_slice %arg8[%dma_wait3A_148, %dma_wait3A_150, %dma_wait3A_151] : memref<2x128x128xf32, #tpu.memory_space<vmem>> -> memref<1x128x128xf32, #tpu.memory_space<vmem>>
      %dma_wait3A_153 = tpu.memref_squeeze %dma_wait3A_152 : memref<1x128x128xf32, #tpu.memory_space<vmem>> -> memref<128x128xf32, #tpu.memory_space<vmem>>
      %dma_wait3A_154 = arith.constant 0 : i32
      %dma_wait3A_155 = tpu.memref_slice %arg6[%dma_wait3A_147, %dma_wait3A_154] : memref<2x128xi32, #tpu.memory_space<vmem>> -> memref<1x128xi32, #tpu.memory_space<vmem>>
      %dma_wait3A_156 = tpu.memref_squeeze %dma_wait3A_155 : memref<1x128xi32, #tpu.memory_space<vmem>> -> memref<128xi32, #tpu.memory_space<vmem>>
      %dma_wait3A_157 = arith.constant 0 : i32
      %dma_wait3A_158 = arith.constant 0 : i32
      %dma_wait3A_159 = tpu.memref_slice %arg2[%dma_wait3A_157, %dma_wait3A_158] : memref<10000x128xf32, #tpu.memory_space<hbm>> -> memref<10000x128xf32, #tpu.memory_space<hbm>>
      %dma_wait3A_160 = tpu.memref_slice %arg9[%dma_wait3A_149] : memref<2x!tpu.dma_semaphore, #tpu.memory_space<semaphore_mem>> -> memref<1x!tpu.dma_semaphore, #tpu.memory_space<semaphore_mem>>
      %dma_wait3A_161 = tpu.memref_squeeze %dma_wait3A_160 : memref<1x!tpu.dma_semaphore, #tpu.memory_space<semaphore_mem>> -> memref<!tpu.dma_semaphore, #tpu.memory_space<semaphore_mem>>
      tpu.wait_indirect_dma semaphore(%dma_wait3A_161 : memref<!tpu.dma_semaphore, #tpu.memory_space<semaphore_mem>>) src(%dma_wait3A_159 : memref<10000x128xf32, #tpu.memory_space<hbm>>) dst(%dma_wait3A_153 : memref<128x128xf32, #tpu.memory_space<vmem>>)
      %dma_start3A_162 = arith.constant 1 : i32
      %dma_start3A_163 = arith.constant 1 : i32
      %dma_start3A_164 = arith.constant 1 : i32
      %dma_start3A_165 = arith.constant 0 : i32
      %dma_start3A_166 = arith.constant 0 : i32
      %dma_start3A_167 = tpu.memref_slice %arg8[%dma_start3A_162, %dma_start3A_165, %dma_start3A_166] : memref<2x128x128xf32, #tpu.memory_space<vmem>> -> memref<1x128x128xf32, #tpu.memory_space<vmem>>
      %dma_start3A_168 = tpu.memref_squeeze %dma_start3A_167 : memref<1x128x128xf32, #tpu.memory_space<vmem>> -> memref<128x128xf32, #tpu.memory_space<vmem>>
      %dma_start3A_169 = arith.constant 0 : i32
      %dma_start3A_170 = tpu.memref_slice %arg7[%dma_start3A_163, %dma_start3A_169] : memref<2x128xi32, #tpu.memory_space<vmem>> -> memref<1x128xi32, #tpu.memory_space<vmem>>
      %dma_start3A_171 = tpu.memref_squeeze %dma_start3A_170 : memref<1x128xi32, #tpu.memory_space<vmem>> -> memref<128xi32, #tpu.memory_space<vmem>>
      %dma_start3A_172 = arith.constant 0 : i32
      %dma_start3A_173 = arith.constant 0 : i32
      %dma_start3A_174 = tpu.memref_slice %arg11[%dma_start3A_172, %dma_start3A_173] : memref<10240x128xf32, #tpu.memory_space<vmem_shared>> -> memref<10240x128xf32, #tpu.memory_space<vmem_shared>>
      %dma_start3A_175 = tpu.memref_slice %arg10[%dma_start3A_164] : memref<2x!tpu.dma_semaphore, #tpu.memory_space<semaphore_mem>> -> memref<1x!tpu.dma_semaphore, #tpu.memory_space<semaphore_mem>>
      %dma_start3A_176 = tpu.memref_squeeze %dma_start3A_175 : memref<1x!tpu.dma_semaphore, #tpu.memory_space<semaphore_mem>> -> memref<!tpu.dma_semaphore, #tpu.memory_space<semaphore_mem>>
      tpu.enqueue_indirect_dma source(%dma_start3A_168 : memref<128x128xf32, #tpu.memory_space<vmem>>) target(%dma_start3A_174 : memref<10240x128xf32, #tpu.memory_space<vmem_shared>>) offsets(%dma_start3A_171 : memref<128xi32, #tpu.memory_space<vmem>>) semaphore(%dma_start3A_176 : memref<!tpu.dma_semaphore, #tpu.memory_space<semaphore_mem>>) {add = true}
      %add3A_177 = arith.constant 2 : i32
      %add3A_178 = arith.addi %mul3A_116, %add3A_177 : i32
      %add3A_179 = arith.constant 0 : i32
      %add3A_180 = arith.addi %add3A_178, %add3A_179 : i32
      %lt3A = arith.constant 80 : i32
      %lt3A_181 = arith.cmpi slt, %add3A_180, %lt3A : i32
      %convert_element_type3A = arith.extui %lt3A_181 : i1 to i32
      %cond3A = arith.constant 0 : i32
      %cond3A_182 = arith.cmpi ne, %convert_element_type3A, %cond3A : i32
      scf.if %cond3A_182 {
        %dma_wait3A_193 = arith.constant 0 : i32
        %dma_wait3A_194 = arith.constant 0 : i32
        %dma_wait3A_195 = arith.constant 0 : i32
        %dma_wait3A_196 = arith.constant 0 : i32
        %dma_wait3A_197 = arith.constant 0 : i32
        %dma_wait3A_198 = tpu.memref_slice %arg8[%dma_wait3A_193, %dma_wait3A_196, %dma_wait3A_197] : memref<2x128x128xf32, #tpu.memory_space<vmem>> -> memref<1x128x128xf32, #tpu.memory_space<vmem>>
        %dma_wait3A_199 = tpu.memref_squeeze %dma_wait3A_198 : memref<1x128x128xf32, #tpu.memory_space<vmem>> -> memref<128x128xf32, #tpu.memory_space<vmem>>
        %dma_wait3A_200 = arith.constant 0 : i32
        %dma_wait3A_201 = tpu.memref_slice %arg7[%dma_wait3A_194, %dma_wait3A_200] : memref<2x128xi32, #tpu.memory_space<vmem>> -> memref<1x128xi32, #tpu.memory_space<vmem>>
        %dma_wait3A_202 = tpu.memref_squeeze %dma_wait3A_201 : memref<1x128xi32, #tpu.memory_space<vmem>> -> memref<128xi32, #tpu.memory_space<vmem>>
        %dma_wait3A_203 = arith.constant 0 : i32
        %dma_wait3A_204 = arith.constant 0 : i32
        %dma_wait3A_205 = tpu.memref_slice %arg11[%dma_wait3A_203, %dma_wait3A_204] : memref<10240x128xf32, #tpu.memory_space<vmem_shared>> -> memref<10240x128xf32, #tpu.memory_space<vmem_shared>>
        %dma_wait3A_206 = tpu.memref_slice %arg10[%dma_wait3A_195] : memref<2x!tpu.dma_semaphore, #tpu.memory_space<semaphore_mem>> -> memref<1x!tpu.dma_semaphore, #tpu.memory_space<semaphore_mem>>
        %dma_wait3A_207 = tpu.memref_squeeze %dma_wait3A_206 : memref<1x!tpu.dma_semaphore, #tpu.memory_space<semaphore_mem>> -> memref<!tpu.dma_semaphore, #tpu.memory_space<semaphore_mem>>
        tpu.wait_indirect_dma semaphore(%dma_wait3A_207 : memref<!tpu.dma_semaphore, #tpu.memory_space<semaphore_mem>>) src(%dma_wait3A_199 : memref<128x128xf32, #tpu.memory_space<vmem>>) dst(%dma_wait3A_205 : memref<10240x128xf32, #tpu.memory_space<vmem_shared>>)
        %mul3A_208 = arith.constant 10240 : i32
        %mul3A_209 = arith.muli %add3A, %mul3A_208 : i32
        %add3A_210 = arith.constant 2 : i32
        %add3A_211 = arith.addi %mul3A_116, %add3A_210 : i32
        %add3A_212 = arith.constant 0 : i32
        %add3A_213 = arith.addi %add3A_211, %add3A_212 : i32
        %mul3A_214 = arith.constant 128 : i32
        %mul3A_215 = arith.muli %add3A_213, %mul3A_214 : i32
        %add3A_216 = arith.addi %mul3A_209, %mul3A_215 : i32
        %run_scoped3A_217 = arith.constant 0 : i32
        "tpu.region"() ({
          %run_scoped3A_234 = tpu.sem_alloc : memref<!tpu.dma_semaphore, #tpu.memory_space<semaphore_mem>>
          %dma_start3A_235 = arith.constant 0 : i32
          %dma_start3A_236 = tpu.memref_slice %arg6[%run_scoped3A_217, %dma_start3A_235] : memref<2x128xi32, #tpu.memory_space<vmem>> -> memref<1x128xi32, #tpu.memory_space<vmem>>
          %dma_start3A_237 = tpu.memref_squeeze %dma_start3A_236 : memref<1x128xi32, #tpu.memory_space<vmem>> -> memref<128xi32, #tpu.memory_space<vmem>>
          %dma_start3A_238 = tpu.memref_slice %arg3[%add3A_216] : memref<327680xi32, #tpu.memory_space<hbm>> -> memref<128xi32, #tpu.memory_space<hbm>>
          %dma_start3A_239 = arith.constant 0 : i32
          %dma_start3A_240 = tpu.memref_slice %arg6[%run_scoped3A_217, %dma_start3A_239] : memref<2x128xi32, #tpu.memory_space<vmem>> -> memref<1x128xi32, #tpu.memory_space<vmem>>
          %dma_start3A_241 = tpu.memref_squeeze %dma_start3A_240 : memref<1x128xi32, #tpu.memory_space<vmem>> -> memref<128xi32, #tpu.memory_space<vmem>>
          %dma_start3A_242 = tpu.memref_slice %arg3[%add3A_216] : memref<327680xi32, #tpu.memory_space<hbm>> -> memref<128xi32, #tpu.memory_space<hbm>>
          tpu.enqueue_dma source(%dma_start3A_242 : memref<128xi32, #tpu.memory_space<hbm>>) target(%dma_start3A_241 : memref<128xi32, #tpu.memory_space<vmem>>) target_semaphore(%run_scoped3A_234 : memref<!tpu.dma_semaphore, #tpu.memory_space<semaphore_mem>>)
          %dma_wait3A_243 = arith.constant 0 : i32
          %dma_wait3A_244 = tpu.memref_slice %arg6[%run_scoped3A_217, %dma_wait3A_243] : memref<2x128xi32, #tpu.memory_space<vmem>> -> memref<1x128xi32, #tpu.memory_space<vmem>>
          %dma_wait3A_245 = tpu.memref_squeeze %dma_wait3A_244 : memref<1x128xi32, #tpu.memory_space<vmem>> -> memref<128xi32, #tpu.memory_space<vmem>>
          %dma_wait3A_246 = tpu.memref_slice %arg3[%add3A_216] : memref<327680xi32, #tpu.memory_space<hbm>> -> memref<128xi32, #tpu.memory_space<hbm>>
          %dma_wait3A_247 = arith.constant 0 : i32
          %dma_wait3A_248 = tpu.memref_slice %arg6[%run_scoped3A_217, %dma_wait3A_247] : memref<2x128xi32, #tpu.memory_space<vmem>> -> memref<1x128xi32, #tpu.memory_space<vmem>>
          %dma_wait3A_249 = tpu.memref_squeeze %dma_wait3A_248 : memref<1x128xi32, #tpu.memory_space<vmem>> -> memref<128xi32, #tpu.memory_space<vmem>>
          %dma_wait3A_250 = tpu.memref_slice %arg3[%add3A_216] : memref<327680xi32, #tpu.memory_space<hbm>> -> memref<128xi32, #tpu.memory_space<hbm>>
          tpu.wait_dma2 semaphore(%run_scoped3A_234 : memref<!tpu.dma_semaphore, #tpu.memory_space<semaphore_mem>>) src(%dma_wait3A_250 : memref<128xi32, #tpu.memory_space<hbm>>) dst(%dma_wait3A_249 : memref<128xi32, #tpu.memory_space<vmem>>)
          tpu.yield
        }) : () -> ()
        %run_scoped3A_218 = arith.constant 0 : i32
        "tpu.region"() ({
          %run_scoped3A_234 = tpu.sem_alloc : memref<!tpu.dma_semaphore, #tpu.memory_space<semaphore_mem>>
          %dma_start3A_235 = arith.constant 0 : i32
          %dma_start3A_236 = tpu.memref_slice %arg7[%run_scoped3A_218, %dma_start3A_235] : memref<2x128xi32, #tpu.memory_space<vmem>> -> memref<1x128xi32, #tpu.memory_space<vmem>>
          %dma_start3A_237 = tpu.memref_squeeze %dma_start3A_236 : memref<1x128xi32, #tpu.memory_space<vmem>> -> memref<128xi32, #tpu.memory_space<vmem>>
          %dma_start3A_238 = tpu.memref_slice %arg4[%add3A_216] : memref<327680xi32, #tpu.memory_space<hbm>> -> memref<128xi32, #tpu.memory_space<hbm>>
          %dma_start3A_239 = arith.constant 0 : i32
          %dma_start3A_240 = tpu.memref_slice %arg7[%run_scoped3A_218, %dma_start3A_239] : memref<2x128xi32, #tpu.memory_space<vmem>> -> memref<1x128xi32, #tpu.memory_space<vmem>>
          %dma_start3A_241 = tpu.memref_squeeze %dma_start3A_240 : memref<1x128xi32, #tpu.memory_space<vmem>> -> memref<128xi32, #tpu.memory_space<vmem>>
          %dma_start3A_242 = tpu.memref_slice %arg4[%add3A_216] : memref<327680xi32, #tpu.memory_space<hbm>> -> memref<128xi32, #tpu.memory_space<hbm>>
          tpu.enqueue_dma source(%dma_start3A_242 : memref<128xi32, #tpu.memory_space<hbm>>) target(%dma_start3A_241 : memref<128xi32, #tpu.memory_space<vmem>>) target_semaphore(%run_scoped3A_234 : memref<!tpu.dma_semaphore, #tpu.memory_space<semaphore_mem>>)
          %dma_wait3A_243 = arith.constant 0 : i32
          %dma_wait3A_244 = tpu.memref_slice %arg7[%run_scoped3A_218, %dma_wait3A_243] : memref<2x128xi32, #tpu.memory_space<vmem>> -> memref<1x128xi32, #tpu.memory_space<vmem>>
          %dma_wait3A_245 = tpu.memref_squeeze %dma_wait3A_244 : memref<1x128xi32, #tpu.memory_space<vmem>> -> memref<128xi32, #tpu.memory_space<vmem>>
          %dma_wait3A_246 = tpu.memref_slice %arg4[%add3A_216] : memref<327680xi32, #tpu.memory_space<hbm>> -> memref<128xi32, #tpu.memory_space<hbm>>
          %dma_wait3A_247 = arith.constant 0 : i32
          %dma_wait3A_248 = tpu.memref_slice %arg7[%run_scoped3A_218, %dma_wait3A_247] : memref<2x128xi32, #tpu.memory_space<vmem>> -> memref<1x128xi32, #tpu.memory_space<vmem>>
          %dma_wait3A_249 = tpu.memref_squeeze %dma_wait3A_248 : memref<1x128xi32, #tpu.memory_space<vmem>> -> memref<128xi32, #tpu.memory_space<vmem>>
          %dma_wait3A_250 = tpu.memref_slice %arg4[%add3A_216] : memref<327680xi32, #tpu.memory_space<hbm>> -> memref<128xi32, #tpu.memory_space<hbm>>
          tpu.wait_dma2 semaphore(%run_scoped3A_234 : memref<!tpu.dma_semaphore, #tpu.memory_space<semaphore_mem>>) src(%dma_wait3A_250 : memref<128xi32, #tpu.memory_space<hbm>>) dst(%dma_wait3A_249 : memref<128xi32, #tpu.memory_space<vmem>>)
          tpu.yield
        }) : () -> ()
        %dma_start3A_219 = arith.constant 0 : i32
        %dma_start3A_220 = arith.constant 0 : i32
        %dma_start3A_221 = arith.constant 0 : i32
        %dma_start3A_222 = arith.constant 0 : i32
        %dma_start3A_223 = arith.constant 0 : i32
        %dma_start3A_224 = tpu.memref_slice %arg8[%dma_start3A_220, %dma_start3A_222, %dma_start3A_223] : memref<2x128x128xf32, #tpu.memory_space<vmem>> -> memref<1x128x128xf32, #tpu.memory_space<vmem>>
        %dma_start3A_225 = tpu.memref_squeeze %dma_start3A_224 : memref<1x128x128xf32, #tpu.memory_space<vmem>> -> memref<128x128xf32, #tpu.memory_space<vmem>>
        %dma_start3A_226 = arith.constant 0 : i32
        %dma_start3A_227 = tpu.memref_slice %arg6[%dma_start3A_219, %dma_start3A_226] : memref<2x128xi32, #tpu.memory_space<vmem>> -> memref<1x128xi32, #tpu.memory_space<vmem>>
        %dma_start3A_228 = tpu.memref_squeeze %dma_start3A_227 : memref<1x128xi32, #tpu.memory_space<vmem>> -> memref<128xi32, #tpu.memory_space<vmem>>
        %dma_start3A_229 = arith.constant 0 : i32
        %dma_start3A_230 = arith.constant 0 : i32
        %dma_start3A_231 = tpu.memref_slice %arg2[%dma_start3A_229, %dma_start3A_230] : memref<10000x128xf32, #tpu.memory_space<hbm>> -> memref<10000x128xf32, #tpu.memory_space<hbm>>
        %dma_start3A_232 = tpu.memref_slice %arg9[%dma_start3A_221] : memref<2x!tpu.dma_semaphore, #tpu.memory_space<semaphore_mem>> -> memref<1x!tpu.dma_semaphore, #tpu.memory_space<semaphore_mem>>
        %dma_start3A_233 = tpu.memref_squeeze %dma_start3A_232 : memref<1x!tpu.dma_semaphore, #tpu.memory_space<semaphore_mem>> -> memref<!tpu.dma_semaphore, #tpu.memory_space<semaphore_mem>>
        tpu.enqueue_indirect_dma source(%dma_start3A_231 : memref<10000x128xf32, #tpu.memory_space<hbm>>) target(%dma_start3A_225 : memref<128x128xf32, #tpu.memory_space<vmem>>) offsets(%dma_start3A_228 : memref<128xi32, #tpu.memory_space<vmem>>) semaphore(%dma_start3A_233 : memref<!tpu.dma_semaphore, #tpu.memory_space<semaphore_mem>>)
      } else {
      }
      %add3A_183 = arith.constant 2 : i32
      %add3A_184 = arith.addi %mul3A_116, %add3A_183 : i32
      %add3A_185 = arith.constant 1 : i32
      %add3A_186 = arith.addi %add3A_184, %add3A_185 : i32
      %lt3A_187 = arith.constant 80 : i32
      %lt3A_188 = arith.cmpi slt, %add3A_186, %lt3A_187 : i32
      %convert_element_type3A_189 = arith.extui %lt3A_188 : i1 to i32
      %cond3A_190 = arith.constant 0 : i32
      %cond3A_191 = arith.cmpi ne, %convert_element_type3A_189, %cond3A_190 : i32
      scf.if %cond3A_191 {
        %dma_wait3A_193 = arith.constant 1 : i32
        %dma_wait3A_194 = arith.constant 1 : i32
        %dma_wait3A_195 = arith.constant 1 : i32
        %dma_wait3A_196 = arith.constant 0 : i32
        %dma_wait3A_197 = arith.constant 0 : i32
        %dma_wait3A_198 = tpu.memref_slice %arg8[%dma_wait3A_193, %dma_wait3A_196, %dma_wait3A_197] : memref<2x128x128xf32, #tpu.memory_space<vmem>> -> memref<1x128x128xf32, #tpu.memory_space<vmem>>
        %dma_wait3A_199 = tpu.memref_squeeze %dma_wait3A_198 : memref<1x128x128xf32, #tpu.memory_space<vmem>> -> memref<128x128xf32, #tpu.memory_space<vmem>>
        %dma_wait3A_200 = arith.constant 0 : i32
        %dma_wait3A_201 = tpu.memref_slice %arg7[%dma_wait3A_194, %dma_wait3A_200] : memref<2x128xi32, #tpu.memory_space<vmem>> -> memref<1x128xi32, #tpu.memory_space<vmem>>
        %dma_wait3A_202 = tpu.memref_squeeze %dma_wait3A_201 : memref<1x128xi32, #tpu.memory_space<vmem>> -> memref<128xi32, #tpu.memory_space<vmem>>
        %dma_wait3A_203 = arith.constant 0 : i32
        %dma_wait3A_204 = arith.constant 0 : i32
        %dma_wait3A_205 = tpu.memref_slice %arg11[%dma_wait3A_203, %dma_wait3A_204] : memref<10240x128xf32, #tpu.memory_space<vmem_shared>> -> memref<10240x128xf32, #tpu.memory_space<vmem_shared>>
        %dma_wait3A_206 = tpu.memref_slice %arg10[%dma_wait3A_195] : memref<2x!tpu.dma_semaphore, #tpu.memory_space<semaphore_mem>> -> memref<1x!tpu.dma_semaphore, #tpu.memory_space<semaphore_mem>>
        %dma_wait3A_207 = tpu.memref_squeeze %dma_wait3A_206 : memref<1x!tpu.dma_semaphore, #tpu.memory_space<semaphore_mem>> -> memref<!tpu.dma_semaphore, #tpu.memory_space<semaphore_mem>>
        tpu.wait_indirect_dma semaphore(%dma_wait3A_207 : memref<!tpu.dma_semaphore, #tpu.memory_space<semaphore_mem>>) src(%dma_wait3A_199 : memref<128x128xf32, #tpu.memory_space<vmem>>) dst(%dma_wait3A_205 : memref<10240x128xf32, #tpu.memory_space<vmem_shared>>)
        %mul3A_208 = arith.constant 10240 : i32
        %mul3A_209 = arith.muli %add3A, %mul3A_208 : i32
        %add3A_210 = arith.constant 2 : i32
        %add3A_211 = arith.addi %mul3A_116, %add3A_210 : i32
        %add3A_212 = arith.constant 1 : i32
        %add3A_213 = arith.addi %add3A_211, %add3A_212 : i32
        %mul3A_214 = arith.constant 128 : i32
        %mul3A_215 = arith.muli %add3A_213, %mul3A_214 : i32
        %add3A_216 = arith.addi %mul3A_209, %mul3A_215 : i32
        %run_scoped3A_217 = arith.constant 1 : i32
        "tpu.region"() ({
          %run_scoped3A_234 = tpu.sem_alloc : memref<!tpu.dma_semaphore, #tpu.memory_space<semaphore_mem>>
          %dma_start3A_235 = arith.constant 0 : i32
          %dma_start3A_236 = tpu.memref_slice %arg6[%run_scoped3A_217, %dma_start3A_235] : memref<2x128xi32, #tpu.memory_space<vmem>> -> memref<1x128xi32, #tpu.memory_space<vmem>>
          %dma_start3A_237 = tpu.memref_squeeze %dma_start3A_236 : memref<1x128xi32, #tpu.memory_space<vmem>> -> memref<128xi32, #tpu.memory_space<vmem>>
          %dma_start3A_238 = tpu.memref_slice %arg3[%add3A_216] : memref<327680xi32, #tpu.memory_space<hbm>> -> memref<128xi32, #tpu.memory_space<hbm>>
          %dma_start3A_239 = arith.constant 0 : i32
          %dma_start3A_240 = tpu.memref_slice %arg6[%run_scoped3A_217, %dma_start3A_239] : memref<2x128xi32, #tpu.memory_space<vmem>> -> memref<1x128xi32, #tpu.memory_space<vmem>>
          %dma_start3A_241 = tpu.memref_squeeze %dma_start3A_240 : memref<1x128xi32, #tpu.memory_space<vmem>> -> memref<128xi32, #tpu.memory_space<vmem>>
          %dma_start3A_242 = tpu.memref_slice %arg3[%add3A_216] : memref<327680xi32, #tpu.memory_space<hbm>> -> memref<128xi32, #tpu.memory_space<hbm>>
          tpu.enqueue_dma source(%dma_start3A_242 : memref<128xi32, #tpu.memory_space<hbm>>) target(%dma_start3A_241 : memref<128xi32, #tpu.memory_space<vmem>>) target_semaphore(%run_scoped3A_234 : memref<!tpu.dma_semaphore, #tpu.memory_space<semaphore_mem>>)
          %dma_wait3A_243 = arith.constant 0 : i32
          %dma_wait3A_244 = tpu.memref_slice %arg6[%run_scoped3A_217, %dma_wait3A_243] : memref<2x128xi32, #tpu.memory_space<vmem>> -> memref<1x128xi32, #tpu.memory_space<vmem>>
          %dma_wait3A_245 = tpu.memref_squeeze %dma_wait3A_244 : memref<1x128xi32, #tpu.memory_space<vmem>> -> memref<128xi32, #tpu.memory_space<vmem>>
          %dma_wait3A_246 = tpu.memref_slice %arg3[%add3A_216] : memref<327680xi32, #tpu.memory_space<hbm>> -> memref<128xi32, #tpu.memory_space<hbm>>
          %dma_wait3A_247 = arith.constant 0 : i32
          %dma_wait3A_248 = tpu.memref_slice %arg6[%run_scoped3A_217, %dma_wait3A_247] : memref<2x128xi32, #tpu.memory_space<vmem>> -> memref<1x128xi32, #tpu.memory_space<vmem>>
          %dma_wait3A_249 = tpu.memref_squeeze %dma_wait3A_248 : memref<1x128xi32, #tpu.memory_space<vmem>> -> memref<128xi32, #tpu.memory_space<vmem>>
          %dma_wait3A_250 = tpu.memref_slice %arg3[%add3A_216] : memref<327680xi32, #tpu.memory_space<hbm>> -> memref<128xi32, #tpu.memory_space<hbm>>
          tpu.wait_dma2 semaphore(%run_scoped3A_234 : memref<!tpu.dma_semaphore, #tpu.memory_space<semaphore_mem>>) src(%dma_wait3A_250 : memref<128xi32, #tpu.memory_space<hbm>>) dst(%dma_wait3A_249 : memref<128xi32, #tpu.memory_space<vmem>>)
          tpu.yield
        }) : () -> ()
        %run_scoped3A_218 = arith.constant 1 : i32
        "tpu.region"() ({
          %run_scoped3A_234 = tpu.sem_alloc : memref<!tpu.dma_semaphore, #tpu.memory_space<semaphore_mem>>
          %dma_start3A_235 = arith.constant 0 : i32
          %dma_start3A_236 = tpu.memref_slice %arg7[%run_scoped3A_218, %dma_start3A_235] : memref<2x128xi32, #tpu.memory_space<vmem>> -> memref<1x128xi32, #tpu.memory_space<vmem>>
          %dma_start3A_237 = tpu.memref_squeeze %dma_start3A_236 : memref<1x128xi32, #tpu.memory_space<vmem>> -> memref<128xi32, #tpu.memory_space<vmem>>
          %dma_start3A_238 = tpu.memref_slice %arg4[%add3A_216] : memref<327680xi32, #tpu.memory_space<hbm>> -> memref<128xi32, #tpu.memory_space<hbm>>
          %dma_start3A_239 = arith.constant 0 : i32
          %dma_start3A_240 = tpu.memref_slice %arg7[%run_scoped3A_218, %dma_start3A_239] : memref<2x128xi32, #tpu.memory_space<vmem>> -> memref<1x128xi32, #tpu.memory_space<vmem>>
          %dma_start3A_241 = tpu.memref_squeeze %dma_start3A_240 : memref<1x128xi32, #tpu.memory_space<vmem>> -> memref<128xi32, #tpu.memory_space<vmem>>
          %dma_start3A_242 = tpu.memref_slice %arg4[%add3A_216] : memref<327680xi32, #tpu.memory_space<hbm>> -> memref<128xi32, #tpu.memory_space<hbm>>
          tpu.enqueue_dma source(%dma_start3A_242 : memref<128xi32, #tpu.memory_space<hbm>>) target(%dma_start3A_241 : memref<128xi32, #tpu.memory_space<vmem>>) target_semaphore(%run_scoped3A_234 : memref<!tpu.dma_semaphore, #tpu.memory_space<semaphore_mem>>)
          %dma_wait3A_243 = arith.constant 0 : i32
          %dma_wait3A_244 = tpu.memref_slice %arg7[%run_scoped3A_218, %dma_wait3A_243] : memref<2x128xi32, #tpu.memory_space<vmem>> -> memref<1x128xi32, #tpu.memory_space<vmem>>
          %dma_wait3A_245 = tpu.memref_squeeze %dma_wait3A_244 : memref<1x128xi32, #tpu.memory_space<vmem>> -> memref<128xi32, #tpu.memory_space<vmem>>
          %dma_wait3A_246 = tpu.memref_slice %arg4[%add3A_216] : memref<327680xi32, #tpu.memory_space<hbm>> -> memref<128xi32, #tpu.memory_space<hbm>>
          %dma_wait3A_247 = arith.constant 0 : i32
          %dma_wait3A_248 = tpu.memref_slice %arg7[%run_scoped3A_218, %dma_wait3A_247] : memref<2x128xi32, #tpu.memory_space<vmem>> -> memref<1x128xi32, #tpu.memory_space<vmem>>
          %dma_wait3A_249 = tpu.memref_squeeze %dma_wait3A_248 : memref<1x128xi32, #tpu.memory_space<vmem>> -> memref<128xi32, #tpu.memory_space<vmem>>
          %dma_wait3A_250 = tpu.memref_slice %arg4[%add3A_216] : memref<327680xi32, #tpu.memory_space<hbm>> -> memref<128xi32, #tpu.memory_space<hbm>>
          tpu.wait_dma2 semaphore(%run_scoped3A_234 : memref<!tpu.dma_semaphore, #tpu.memory_space<semaphore_mem>>) src(%dma_wait3A_250 : memref<128xi32, #tpu.memory_space<hbm>>) dst(%dma_wait3A_249 : memref<128xi32, #tpu.memory_space<vmem>>)
          tpu.yield
        }) : () -> ()
        %dma_start3A_219 = arith.constant 1 : i32
        %dma_start3A_220 = arith.constant 1 : i32
        %dma_start3A_221 = arith.constant 1 : i32
        %dma_start3A_222 = arith.constant 0 : i32
        %dma_start3A_223 = arith.constant 0 : i32
        %dma_start3A_224 = tpu.memref_slice %arg8[%dma_start3A_220, %dma_start3A_222, %dma_start3A_223] : memref<2x128x128xf32, #tpu.memory_space<vmem>> -> memref<1x128x128xf32, #tpu.memory_space<vmem>>
        %dma_start3A_225 = tpu.memref_squeeze %dma_start3A_224 : memref<1x128x128xf32, #tpu.memory_space<vmem>> -> memref<128x128xf32, #tpu.memory_space<vmem>>
        %dma_start3A_226 = arith.constant 0 : i32
        %dma_start3A_227 = tpu.memref_slice %arg6[%dma_start3A_219, %dma_start3A_226] : memref<2x128xi32, #tpu.memory_space<vmem>> -> memref<1x128xi32, #tpu.memory_space<vmem>>
        %dma_start3A_228 = tpu.memref_squeeze %dma_start3A_227 : memref<1x128xi32, #tpu.memory_space<vmem>> -> memref<128xi32, #tpu.memory_space<vmem>>
        %dma_start3A_229 = arith.constant 0 : i32
        %dma_start3A_230 = arith.constant 0 : i32
        %dma_start3A_231 = tpu.memref_slice %arg2[%dma_start3A_229, %dma_start3A_230] : memref<10000x128xf32, #tpu.memory_space<hbm>> -> memref<10000x128xf32, #tpu.memory_space<hbm>>
        %dma_start3A_232 = tpu.memref_slice %arg9[%dma_start3A_221] : memref<2x!tpu.dma_semaphore, #tpu.memory_space<semaphore_mem>> -> memref<1x!tpu.dma_semaphore, #tpu.memory_space<semaphore_mem>>
        %dma_start3A_233 = tpu.memref_squeeze %dma_start3A_232 : memref<1x!tpu.dma_semaphore, #tpu.memory_space<semaphore_mem>> -> memref<!tpu.dma_semaphore, #tpu.memory_space<semaphore_mem>>
        tpu.enqueue_indirect_dma source(%dma_start3A_231 : memref<10000x128xf32, #tpu.memory_space<hbm>>) target(%dma_start3A_225 : memref<128x128xf32, #tpu.memory_space<vmem>>) offsets(%dma_start3A_228 : memref<128xi32, #tpu.memory_space<vmem>>) semaphore(%dma_start3A_233 : memref<!tpu.dma_semaphore, #tpu.memory_space<semaphore_mem>>)
      } else {
      }
      %scan3A_192 = arith.constant 0 : i32
      scf.yield %scan3A_192 : i32
    }
    %scan3A_78 = arith.constant 40 : i32
    %dma_wait3A = arith.constant 0 : i32
    %dma_wait3A_79 = arith.constant 0 : i32
    %dma_wait3A_80 = arith.constant 0 : i32
    %dma_wait3A_81 = arith.constant 0 : i32
    %dma_wait3A_82 = arith.constant 0 : i32
    %dma_wait3A_83 = tpu.memref_slice %arg8[%dma_wait3A, %dma_wait3A_81, %dma_wait3A_82] : memref<2x128x128xf32, #tpu.memory_space<vmem>> -> memref<1x128x128xf32, #tpu.memory_space<vmem>>
    %dma_wait3A_84 = tpu.memref_squeeze %dma_wait3A_83 : memref<1x128x128xf32, #tpu.memory_space<vmem>> -> memref<128x128xf32, #tpu.memory_space<vmem>>
    %dma_wait3A_85 = arith.constant 0 : i32
    %dma_wait3A_86 = tpu.memref_slice %arg7[%dma_wait3A_79, %dma_wait3A_85] : memref<2x128xi32, #tpu.memory_space<vmem>> -> memref<1x128xi32, #tpu.memory_space<vmem>>
    %dma_wait3A_87 = tpu.memref_squeeze %dma_wait3A_86 : memref<1x128xi32, #tpu.memory_space<vmem>> -> memref<128xi32, #tpu.memory_space<vmem>>
    %dma_wait3A_88 = arith.constant 0 : i32
    %dma_wait3A_89 = arith.constant 0 : i32
    %dma_wait3A_90 = tpu.memref_slice %arg11[%dma_wait3A_88, %dma_wait3A_89] : memref<10240x128xf32, #tpu.memory_space<vmem_shared>> -> memref<10240x128xf32, #tpu.memory_space<vmem_shared>>
    %dma_wait3A_91 = tpu.memref_slice %arg10[%dma_wait3A_80] : memref<2x!tpu.dma_semaphore, #tpu.memory_space<semaphore_mem>> -> memref<1x!tpu.dma_semaphore, #tpu.memory_space<semaphore_mem>>
    %dma_wait3A_92 = tpu.memref_squeeze %dma_wait3A_91 : memref<1x!tpu.dma_semaphore, #tpu.memory_space<semaphore_mem>> -> memref<!tpu.dma_semaphore, #tpu.memory_space<semaphore_mem>>
    tpu.wait_indirect_dma semaphore(%dma_wait3A_92 : memref<!tpu.dma_semaphore, #tpu.memory_space<semaphore_mem>>) src(%dma_wait3A_84 : memref<128x128xf32, #tpu.memory_space<vmem>>) dst(%dma_wait3A_90 : memref<10240x128xf32, #tpu.memory_space<vmem_shared>>)
    %dma_wait3A_93 = arith.constant 1 : i32
    %dma_wait3A_94 = arith.constant 1 : i32
    %dma_wait3A_95 = arith.constant 1 : i32
    %dma_wait3A_96 = arith.constant 0 : i32
    %dma_wait3A_97 = arith.constant 0 : i32
    %dma_wait3A_98 = tpu.memref_slice %arg8[%dma_wait3A_93, %dma_wait3A_96, %dma_wait3A_97] : memref<2x128x128xf32, #tpu.memory_space<vmem>> -> memref<1x128x128xf32, #tpu.memory_space<vmem>>
    %dma_wait3A_99 = tpu.memref_squeeze %dma_wait3A_98 : memref<1x128x128xf32, #tpu.memory_space<vmem>> -> memref<128x128xf32, #tpu.memory_space<vmem>>
    %dma_wait3A_100 = arith.constant 0 : i32
    %dma_wait3A_101 = tpu.memref_slice %arg7[%dma_wait3A_94, %dma_wait3A_100] : memref<2x128xi32, #tpu.memory_space<vmem>> -> memref<1x128xi32, #tpu.memory_space<vmem>>
    %dma_wait3A_102 = tpu.memref_squeeze %dma_wait3A_101 : memref<1x128xi32, #tpu.memory_space<vmem>> -> memref<128xi32, #tpu.memory_space<vmem>>
    %dma_wait3A_103 = arith.constant 0 : i32
    %dma_wait3A_104 = arith.constant 0 : i32
    %dma_wait3A_105 = tpu.memref_slice %arg11[%dma_wait3A_103, %dma_wait3A_104] : memref<10240x128xf32, #tpu.memory_space<vmem_shared>> -> memref<10240x128xf32, #tpu.memory_space<vmem_shared>>
    %dma_wait3A_106 = tpu.memref_slice %arg10[%dma_wait3A_95] : memref<2x!tpu.dma_semaphore, #tpu.memory_space<semaphore_mem>> -> memref<1x!tpu.dma_semaphore, #tpu.memory_space<semaphore_mem>>
    %dma_wait3A_107 = tpu.memref_squeeze %dma_wait3A_106 : memref<1x!tpu.dma_semaphore, #tpu.memory_space<semaphore_mem>> -> memref<!tpu.dma_semaphore, #tpu.memory_space<semaphore_mem>>
    tpu.wait_indirect_dma semaphore(%dma_wait3A_107 : memref<!tpu.dma_semaphore, #tpu.memory_space<semaphore_mem>>) src(%dma_wait3A_99 : memref<128x128xf32, #tpu.memory_space<vmem>>) dst(%dma_wait3A_105 : memref<10240x128xf32, #tpu.memory_space<vmem_shared>>)
    %barrier3A_108 = arith.constant 0 : index
    tpu.barrier barrier_id(%barrier3A_108)
    %mul3A_109 = arith.constant 640 : i32
    %mul3A_110 = arith.muli %arg1, %mul3A_109 : i32
    %mul3A_111 = arith.constant 640 : i32
    %mul3A_112 = arith.muli %arg1, %mul3A_111 : i32
    "tpu.region"() ({
      %run_scoped3A_113 = tpu.sem_alloc : memref<!tpu.dma_semaphore, #tpu.memory_space<semaphore_mem>>
      %dma_start3A_114 = arith.constant 0 : i32
      %dma_start3A_115 = tpu.memref_slice %arg5[%arg0, %mul3A_112, %dma_start3A_114] : memref<2x10240x128xf32, #tpu.memory_space<hbm>> -> memref<1x640x128xf32, #tpu.memory_space<hbm>>
      %dma_start3A_116 = tpu.memref_squeeze %dma_start3A_115 : memref<1x640x128xf32, #tpu.memory_space<hbm>> -> memref<640x128xf32, #tpu.memory_space<hbm>>
      %dma_start3A_117 = arith.constant 0 : i32
      %dma_start3A_118 = tpu.memref_slice %arg11[%mul3A_110, %dma_start3A_117] : memref<10240x128xf32, #tpu.memory_space<vmem_shared>> -> memref<640x128xf32, #tpu.memory_space<vmem_shared>>
      tpu.enqueue_dma source(%dma_start3A_118 : memref<640x128xf32, #tpu.memory_space<vmem_shared>>) target(%dma_start3A_116 : memref<640x128xf32, #tpu.memory_space<hbm>>) target_semaphore(%run_scoped3A_113 : memref<!tpu.dma_semaphore, #tpu.memory_space<semaphore_mem>>)
      %dma_wait3A_119 = arith.constant 0 : i32
      %dma_wait3A_120 = tpu.memref_slice %arg5[%arg0, %mul3A_112, %dma_wait3A_119] : memref<2x10240x128xf32, #tpu.memory_space<hbm>> -> memref<1x640x128xf32, #tpu.memory_space<hbm>>
      %dma_wait3A_121 = tpu.memref_squeeze %dma_wait3A_120 : memref<1x640x128xf32, #tpu.memory_space<hbm>> -> memref<640x128xf32, #tpu.memory_space<hbm>>
      %dma_wait3A_122 = arith.constant 0 : i32
      %dma_wait3A_123 = tpu.memref_slice %arg11[%mul3A_110, %dma_wait3A_122] : memref<10240x128xf32, #tpu.memory_space<vmem_shared>> -> memref<640x128xf32, #tpu.memory_space<vmem_shared>>
      tpu.wait_dma2 semaphore(%run_scoped3A_113 : memref<!tpu.dma_semaphore, #tpu.memory_space<semaphore_mem>>) src(%dma_wait3A_123 : memref<640x128xf32, #tpu.memory_space<vmem_shared>>) dst(%dma_wait3A_121 : memref<640x128xf32, #tpu.memory_space<hbm>>)
      tpu.yield
    }) : () -> ()
    return
  }
}

#map = affine_map<(d0, d1) -> (0, 0)>
#map1 = affine_map<(d0, d1) -> (0)>
#map2 = affine_map<(d0, d1) -> (0, 0, 0)>
module attributes {stable_mosaic.version = 14 : i64} {
  func.func @_sc_pass_body(%arg0: i32, %arg1: i32, %arg2: memref<10000x128xf32, #tpu.memory_space<hbm>>, %arg3: memref<327680xi32, #tpu.memory_space<hbm>>, %arg4: memref<327680xi32, #tpu.memory_space<hbm>>, %arg5: memref<2x10240x128xf32, #tpu.memory_space<hbm>>, %arg6: memref<2x128xi32, #tpu.memory_space<vmem>>, %arg7: memref<2x128xi32, #tpu.memory_space<vmem>>, %arg8: memref<2x128x128xf32, #tpu.memory_space<vmem>>, %arg9: memref<2x!tpu.dma_semaphore, #tpu.memory_space<semaphore_mem>>, %arg10: memref<2x!tpu.dma_semaphore, #tpu.memory_space<semaphore_mem>>, %arg11: memref<10240x128xf32, #tpu.memory_space<vmem_shared>>) attributes {dimension_semantics = [#tpu.dimension_semantics<core_parallel>, #tpu.dimension_semantics<subcore_parallel>], iteration_bounds = array<i64: 2, 16>, scalar_prefetch = 0 : i64, scratch_operands = 6 : i64, tpu.core_type = #tpu.core_type<sc_vector_subcore>, window_params = [{transform_indices = #map}, {transform_indices = #map1}, {transform_indices = #map1}, {transform_indices = #map2}]} {
    %mul3A = arith.constant 2 : i32
    %mul3A_0 = arith.muli %arg1, %mul3A : i32
    %add3A = arith.addi %mul3A_0, %arg0 : i32
    %scan3A = arith.constant 0 : i32
    %scan3A_1 = arith.constant 0 : i32
    %scan3A_2 = arith.constant 128 : i32
    %scan3A_3 = arith.addi %scan3A_1, %scan3A_2 : i32
    %scan3A_4 = arith.constant 1 : i32
    %scan3A_5 = scf.for %scan3A_113 = %scan3A_1 to %scan3A_3 step %scan3A_4 iter_args(%scan3A_114 = %scan3A) -> (i32)  : i32 {
      %broadcast_in_dim3A = arith.constant 0.000000e+00 : f32
      %broadcast_in_dim3A_115 = vector.broadcast %broadcast_in_dim3A : f32 to vector<16xf32>
      %swap3A = arith.constant 0 : i32
      %swap3A_116 = arith.index_cast %swap3A : i32 to index
      %swap3A_117 = arith.index_cast %scan3A_113 : i32 to index
      %swap3A_118 = arith.constant 0 : index
      %swap3A_119 = tpu.vector_load %arg8[%swap3A_116, %swap3A_117, %swap3A_118] {strides = array<i32>} : memref<2x128x128xf32, #tpu.memory_space<vmem>>, vector<1x1x16xf32>,
      %swap3A_120 = vector.shape_cast %swap3A_119 : vector<1x1x16xf32> to vector<16xf32>
      %swap3A_121 = vector.shape_cast %broadcast_in_dim3A_115 : vector<16xf32> to vector<1x1x16xf32>
      tpu.vector_store %arg8[%swap3A_116, %swap3A_117, %swap3A_118], %swap3A_121 {strides = array<i32>} : memref<2x128x128xf32, #tpu.memory_space<vmem>>, vector<1x1x16xf32>,
      %broadcast_in_dim3A_122 = arith.constant 0.000000e+00 : f32
      %broadcast_in_dim3A_123 = vector.broadcast %broadcast_in_dim3A_122 : f32 to vector<16xf32>
      %swap3A_124 = arith.constant 0 : i32
      %swap3A_125 = arith.index_cast %swap3A_124 : i32 to index
      %swap3A_126 = arith.index_cast %scan3A_113 : i32 to index
      %swap3A_127 = arith.constant 16 : index
      %swap3A_128 = tpu.vector_load %arg8[%swap3A_125, %swap3A_126, %swap3A_127] {strides = array<i32>} : memref<2x128x128xf32, #tpu.memory_space<vmem>>, vector<1x1x16xf32>,
      %swap3A_129 = vector.shape_cast %swap3A_128 : vector<1x1x16xf32> to vector<16xf32>
      %swap3A_130 = vector.shape_cast %broadcast_in_dim3A_123 : vector<16xf32> to vector<1x1x16xf32>
      tpu.vector_store %arg8[%swap3A_125, %swap3A_126, %swap3A_127], %swap3A_130 {strides = array<i32>} : memref<2x128x128xf32, #tpu.memory_space<vmem>>, vector<1x1x16xf32>,
      %broadcast_in_dim3A_131 = arith.constant 0.000000e+00 : f32
      %broadcast_in_dim3A_132 = vector.broadcast %broadcast_in_dim3A_131 : f32 to vector<16xf32>
      %swap3A_133 = arith.constant 0 : i32
      %swap3A_134 = arith.index_cast %swap3A_133 : i32 to index
      %swap3A_135 = arith.index_cast %scan3A_113 : i32 to index
      %swap3A_136 = arith.constant 32 : index
      %swap3A_137 = tpu.vector_load %arg8[%swap3A_134, %swap3A_135, %swap3A_136] {strides = array<i32>} : memref<2x128x128xf32, #tpu.memory_space<vmem>>, vector<1x1x16xf32>,
      %swap3A_138 = vector.shape_cast %swap3A_137 : vector<1x1x16xf32> to vector<16xf32>
      %swap3A_139 = vector.shape_cast %broadcast_in_dim3A_132 : vector<16xf32> to vector<1x1x16xf32>
      tpu.vector_store %arg8[%swap3A_134, %swap3A_135, %swap3A_136], %swap3A_139 {strides = array<i32>} : memref<2x128x128xf32, #tpu.memory_space<vmem>>, vector<1x1x16xf32>,
      %broadcast_in_dim3A_140 = arith.constant 0.000000e+00 : f32
      %broadcast_in_dim3A_141 = vector.broadcast %broadcast_in_dim3A_140 : f32 to vector<16xf32>
      %swap3A_142 = arith.constant 0 : i32
      %swap3A_143 = arith.index_cast %swap3A_142 : i32 to index
      %swap3A_144 = arith.index_cast %scan3A_113 : i32 to index
      %swap3A_145 = arith.constant 48 : index
      %swap3A_146 = tpu.vector_load %arg8[%swap3A_143, %swap3A_144, %swap3A_145] {strides = array<i32>} : memref<2x128x128xf32, #tpu.memory_space<vmem>>, vector<1x1x16xf32>,
      %swap3A_147 = vector.shape_cast %swap3A_146 : vector<1x1x16xf32> to vector<16xf32>
      %swap3A_148 = vector.shape_cast %broadcast_in_dim3A_141 : vector<16xf32> to vector<1x1x16xf32>
      tpu.vector_store %arg8[%swap3A_143, %swap3A_144, %swap3A_145], %swap3A_148 {strides = array<i32>} : memref<2x128x128xf32, #tpu.memory_space<vmem>>, vector<1x1x16xf32>,
      %broadcast_in_dim3A_149 = arith.constant 0.000000e+00 : f32
      %broadcast_in_dim3A_150 = vector.broadcast %broadcast_in_dim3A_149 : f32 to vector<16xf32>
      %swap3A_151 = arith.constant 0 : i32
      %swap3A_152 = arith.index_cast %swap3A_151 : i32 to index
      %swap3A_153 = arith.index_cast %scan3A_113 : i32 to index
      %swap3A_154 = arith.constant 64 : index
      %swap3A_155 = tpu.vector_load %arg8[%swap3A_152, %swap3A_153, %swap3A_154] {strides = array<i32>} : memref<2x128x128xf32, #tpu.memory_space<vmem>>, vector<1x1x16xf32>,
      %swap3A_156 = vector.shape_cast %swap3A_155 : vector<1x1x16xf32> to vector<16xf32>
      %swap3A_157 = vector.shape_cast %broadcast_in_dim3A_150 : vector<16xf32> to vector<1x1x16xf32>
      tpu.vector_store %arg8[%swap3A_152, %swap3A_153, %swap3A_154], %swap3A_157 {strides = array<i32>} : memref<2x128x128xf32, #tpu.memory_space<vmem>>, vector<1x1x16xf32>,
      %broadcast_in_dim3A_158 = arith.constant 0.000000e+00 : f32
      %broadcast_in_dim3A_159 = vector.broadcast %broadcast_in_dim3A_158 : f32 to vector<16xf32>
      %swap3A_160 = arith.constant 0 : i32
      %swap3A_161 = arith.index_cast %swap3A_160 : i32 to index
      %swap3A_162 = arith.index_cast %scan3A_113 : i32 to index
      %swap3A_163 = arith.constant 80 : index
      %swap3A_164 = tpu.vector_load %arg8[%swap3A_161, %swap3A_162, %swap3A_163] {strides = array<i32>} : memref<2x128x128xf32, #tpu.memory_space<vmem>>, vector<1x1x16xf32>,
      %swap3A_165 = vector.shape_cast %swap3A_164 : vector<1x1x16xf32> to vector<16xf32>
      %swap3A_166 = vector.shape_cast %broadcast_in_dim3A_159 : vector<16xf32> to vector<1x1x16xf32>
      tpu.vector_store %arg8[%swap3A_161, %swap3A_162, %swap3A_163], %swap3A_166 {strides = array<i32>} : memref<2x128x128xf32, #tpu.memory_space<vmem>>, vector<1x1x16xf32>,
      %broadcast_in_dim3A_167 = arith.constant 0.000000e+00 : f32
      %broadcast_in_dim3A_168 = vector.broadcast %broadcast_in_dim3A_167 : f32 to vector<16xf32>
      %swap3A_169 = arith.constant 0 : i32
      %swap3A_170 = arith.index_cast %swap3A_169 : i32 to index
      %swap3A_171 = arith.index_cast %scan3A_113 : i32 to index
      %swap3A_172 = arith.constant 96 : index
      %swap3A_173 = tpu.vector_load %arg8[%swap3A_170, %swap3A_171, %swap3A_172] {strides = array<i32>} : memref<2x128x128xf32, #tpu.memory_space<vmem>>, vector<1x1x16xf32>,
      %swap3A_174 = vector.shape_cast %swap3A_173 : vector<1x1x16xf32> to vector<16xf32>
      %swap3A_175 = vector.shape_cast %broadcast_in_dim3A_168 : vector<16xf32> to vector<1x1x16xf32>
      tpu.vector_store %arg8[%swap3A_170, %swap3A_171, %swap3A_172], %swap3A_175 {strides = array<i32>} : memref<2x128x128xf32, #tpu.memory_space<vmem>>, vector<1x1x16xf32>,
      %broadcast_in_dim3A_176 = arith.constant 0.000000e+00 : f32
      %broadcast_in_dim3A_177 = vector.broadcast %broadcast_in_dim3A_176 : f32 to vector<16xf32>
      %swap3A_178 = arith.constant 0 : i32
      %swap3A_179 = arith.index_cast %swap3A_178 : i32 to index
      %swap3A_180 = arith.index_cast %scan3A_113 : i32 to index
      %swap3A_181 = arith.constant 112 : index
      %swap3A_182 = tpu.vector_load %arg8[%swap3A_179, %swap3A_180, %swap3A_181] {strides = array<i32>} : memref<2x128x128xf32, #tpu.memory_space<vmem>>, vector<1x1x16xf32>,
      %swap3A_183 = vector.shape_cast %swap3A_182 : vector<1x1x16xf32> to vector<16xf32>
      %swap3A_184 = vector.shape_cast %broadcast_in_dim3A_177 : vector<16xf32> to vector<1x1x16xf32>
      tpu.vector_store %arg8[%swap3A_179, %swap3A_180, %swap3A_181], %swap3A_184 {strides = array<i32>} : memref<2x128x128xf32, #tpu.memory_space<vmem>>, vector<1x1x16xf32>,
      %scan3A_185 = arith.constant 0 : i32
      scf.yield %scan3A_185 : i32
    }
    %scan3A_6 = arith.constant 128 : i32
    %mul3A_7 = arith.constant 640 : i32
    %mul3A_8 = arith.muli %arg1, %mul3A_7 : i32
    %add3A_9 = arith.constant 0 : i32
    %add3A_10 = arith.addi %mul3A_8, %add3A_9 : i32
    %run_scoped3A = arith.constant 0 : i32
    "tpu.region"() ({
      %run_scoped3A_113 = tpu.sem_alloc : memref<!tpu.dma_semaphore, #tpu.memory_space<semaphore_mem>>
      %dma_start3A_114 = arith.constant 0 : i32
      %dma_start3A_115 = arith.constant 0 : i32
      %dma_start3A_116 = tpu.memref_slice %arg8[%run_scoped3A, %dma_start3A_114, %dma_start3A_115] : memref<2x128x128xf32, #tpu.memory_space<vmem>> -> memref<1x128x128xf32, #tpu.memory_space<vmem>>
      %dma_start3A_117 = tpu.memref_squeeze %dma_start3A_116 : memref<1x128x128xf32, #tpu.memory_space<vmem>> -> memref<128x128xf32, #tpu.memory_space<vmem>>
      %dma_start3A_118 = arith.constant 0 : i32
      %dma_start3A_119 = tpu.memref_slice %arg11[%add3A_10, %dma_start3A_118] : memref<10240x128xf32, #tpu.memory_space<vmem_shared>> -> memref<128x128xf32, #tpu.memory_space<vmem_shared>>
      %dma_start3A_120 = arith.constant 0 : i32
      %dma_start3A_121 = tpu.memref_slice %arg11[%add3A_10, %dma_start3A_120] : memref<10240x128xf32, #tpu.memory_space<vmem_shared>> -> memref<128x128xf32, #tpu.memory_space<vmem_shared>>
      %dma_start3A_122 = arith.constant 0 : i32
      %dma_start3A_123 = arith.constant 0 : i32
      %dma_start3A_124 = tpu.memref_slice %arg8[%run_scoped3A, %dma_start3A_122, %dma_start3A_123] : memref<2x128x128xf32, #tpu.memory_space<vmem>> -> memref<1x128x128xf32, #tpu.memory_space<vmem>>
      %dma_start3A_125 = tpu.memref_squeeze %dma_start3A_124 : memref<1x128x128xf32, #tpu.memory_space<vmem>> -> memref<128x128xf32, #tpu.memory_space<vmem>>
      tpu.enqueue_dma source(%dma_start3A_125 : memref<128x128xf32, #tpu.memory_space<vmem>>) target(%dma_start3A_121 : memref<128x128xf32, #tpu.memory_space<vmem_shared>>) target_semaphore(%run_scoped3A_113 : memref<!tpu.dma_semaphore, #tpu.memory_space<semaphore_mem>>)
      %dma_wait3A_126 = arith.constant 0 : i32
      %dma_wait3A_127 = arith.constant 0 : i32
      %dma_wait3A_128 = tpu.memref_slice %arg8[%run_scoped3A, %dma_wait3A_126, %dma_wait3A_127] : memref<2x128x128xf32, #tpu.memory_space<vmem>> -> memref<1x128x128xf32, #tpu.memory_space<vmem>>
      %dma_wait3A_129 = tpu.memref_squeeze %dma_wait3A_128 : memref<1x128x128xf32, #tpu.memory_space<vmem>> -> memref<128x128xf32, #tpu.memory_space<vmem>>
      %dma_wait3A_130 = arith.constant 0 : i32
      %dma_wait3A_131 = tpu.memref_slice %arg11[%add3A_10, %dma_wait3A_130] : memref<10240x128xf32, #tpu.memory_space<vmem_shared>> -> memref<128x128xf32, #tpu.memory_space<vmem_shared>>
      %dma_wait3A_132 = arith.constant 0 : i32
      %dma_wait3A_133 = tpu.memref_slice %arg11[%add3A_10, %dma_wait3A_132] : memref<10240x128xf32, #tpu.memory_space<vmem_shared>> -> memref<128x128xf32, #tpu.memory_space<vmem_shared>>
      %dma_wait3A_134 = arith.constant 0 : i32
      %dma_wait3A_135 = arith.constant 0 : i32
      %dma_wait3A_136 = tpu.memref_slice %arg8[%run_scoped3A, %dma_wait3A_134, %dma_wait3A_135] : memref<2x128x128xf32, #tpu.memory_space<vmem>> -> memref<1x128x128xf32, #tpu.memory_space<vmem>>
      %dma_wait3A_137 = tpu.memref_squeeze %dma_wait3A_136 : memref<1x128x128xf32, #tpu.memory_space<vmem>> -> memref<128x128xf32, #tpu.memory_space<vmem>>
      tpu.wait_dma2 semaphore(%run_scoped3A_113 : memref<!tpu.dma_semaphore, #tpu.memory_space<semaphore_mem>>) src(%dma_wait3A_137 : memref<128x128xf32, #tpu.memory_space<vmem>>) dst(%dma_wait3A_133 : memref<128x128xf32, #tpu.memory_space<vmem_shared>>)
      tpu.yield
    }) : () -> ()
    %mul3A_11 = arith.constant 640 : i32
    %mul3A_12 = arith.muli %arg1, %mul3A_11 : i32
    %add3A_13 = arith.constant 128 : i32
    %add3A_14 = arith.addi %mul3A_12, %add3A_13 : i32
    %run_scoped3A_15 = arith.constant 0 : i32
    "tpu.region"() ({
      %run_scoped3A_113 = tpu.sem_alloc : memref<!tpu.dma_semaphore, #tpu.memory_space<semaphore_mem>>
      %dma_start3A_114 = arith.constant 0 : i32
      %dma_start3A_115 = arith.constant 0 : i32
      %dma_start3A_116 = tpu.memref_slice %arg8[%run_scoped3A_15, %dma_start3A_114, %dma_start3A_115] : memref<2x128x128xf32, #tpu.memory_space<vmem>> -> memref<1x128x128xf32, #tpu.memory_space<vmem>>
      %dma_start3A_117 = tpu.memref_squeeze %dma_start3A_116 : memref<1x128x128xf32, #tpu.memory_space<vmem>> -> memref<128x128xf32, #tpu.memory_space<vmem>>
      %dma_start3A_118 = arith.constant 0 : i32
      %dma_start3A_119 = tpu.memref_slice %arg11[%add3A_14, %dma_start3A_118] : memref<10240x128xf32, #tpu.memory_space<vmem_shared>> -> memref<128x128xf32, #tpu.memory_space<vmem_shared>>
      %dma_start3A_120 = arith.constant 0 : i32
      %dma_start3A_121 = tpu.memref_slice %arg11[%add3A_14, %dma_start3A_120] : memref<10240x128xf32, #tpu.memory_space<vmem_shared>> -> memref<128x128xf32, #tpu.memory_space<vmem_shared>>
      %dma_start3A_122 = arith.constant 0 : i32
      %dma_start3A_123 = arith.constant 0 : i32
      %dma_start3A_124 = tpu.memref_slice %arg8[%run_scoped3A_15, %dma_start3A_122, %dma_start3A_123] : memref<2x128x128xf32, #tpu.memory_space<vmem>> -> memref<1x128x128xf32, #tpu.memory_space<vmem>>
      %dma_start3A_125 = tpu.memref_squeeze %dma_start3A_124 : memref<1x128x128xf32, #tpu.memory_space<vmem>> -> memref<128x128xf32, #tpu.memory_space<vmem>>
      tpu.enqueue_dma source(%dma_start3A_125 : memref<128x128xf32, #tpu.memory_space<vmem>>) target(%dma_start3A_121 : memref<128x128xf32, #tpu.memory_space<vmem_shared>>) target_semaphore(%run_scoped3A_113 : memref<!tpu.dma_semaphore, #tpu.memory_space<semaphore_mem>>)
      %dma_wait3A_126 = arith.constant 0 : i32
      %dma_wait3A_127 = arith.constant 0 : i32
      %dma_wait3A_128 = tpu.memref_slice %arg8[%run_scoped3A_15, %dma_wait3A_126, %dma_wait3A_127] : memref<2x128x128xf32, #tpu.memory_space<vmem>> -> memref<1x128x128xf32, #tpu.memory_space<vmem>>
      %dma_wait3A_129 = tpu.memref_squeeze %dma_wait3A_128 : memref<1x128x128xf32, #tpu.memory_space<vmem>> -> memref<128x128xf32, #tpu.memory_space<vmem>>
      %dma_wait3A_130 = arith.constant 0 : i32
      %dma_wait3A_131 = tpu.memref_slice %arg11[%add3A_14, %dma_wait3A_130] : memref<10240x128xf32, #tpu.memory_space<vmem_shared>> -> memref<128x128xf32, #tpu.memory_space<vmem_shared>>
      %dma_wait3A_132 = arith.constant 0 : i32
      %dma_wait3A_133 = tpu.memref_slice %arg11[%add3A_14, %dma_wait3A_132] : memref<10240x128xf32, #tpu.memory_space<vmem_shared>> -> memref<128x128xf32, #tpu.memory_space<vmem_shared>>
      %dma_wait3A_134 = arith.constant 0 : i32
      %dma_wait3A_135 = arith.constant 0 : i32
      %dma_wait3A_136 = tpu.memref_slice %arg8[%run_scoped3A_15, %dma_wait3A_134, %dma_wait3A_135] : memref<2x128x128xf32, #tpu.memory_space<vmem>> -> memref<1x128x128xf32, #tpu.memory_space<vmem>>
      %dma_wait3A_137 = tpu.memref_squeeze %dma_wait3A_136 : memref<1x128x128xf32, #tpu.memory_space<vmem>> -> memref<128x128xf32, #tpu.memory_space<vmem>>
      tpu.wait_dma2 semaphore(%run_scoped3A_113 : memref<!tpu.dma_semaphore, #tpu.memory_space<semaphore_mem>>) src(%dma_wait3A_137 : memref<128x128xf32, #tpu.memory_space<vmem>>) dst(%dma_wait3A_133 : memref<128x128xf32, #tpu.memory_space<vmem_shared>>)
      tpu.yield
    }) : () -> ()
    %mul3A_16 = arith.constant 640 : i32
    %mul3A_17 = arith.muli %arg1, %mul3A_16 : i32
    %add3A_18 = arith.constant 256 : i32
    %add3A_19 = arith.addi %mul3A_17, %add3A_18 : i32
    %run_scoped3A_20 = arith.constant 0 : i32
    "tpu.region"() ({
      %run_scoped3A_113 = tpu.sem_alloc : memref<!tpu.dma_semaphore, #tpu.memory_space<semaphore_mem>>
      %dma_start3A_114 = arith.constant 0 : i32
      %dma_start3A_115 = arith.constant 0 : i32
      %dma_start3A_116 = tpu.memref_slice %arg8[%run_scoped3A_20, %dma_start3A_114, %dma_start3A_115] : memref<2x128x128xf32, #tpu.memory_space<vmem>> -> memref<1x128x128xf32, #tpu.memory_space<vmem>>
      %dma_start3A_117 = tpu.memref_squeeze %dma_start3A_116 : memref<1x128x128xf32, #tpu.memory_space<vmem>> -> memref<128x128xf32, #tpu.memory_space<vmem>>
      %dma_start3A_118 = arith.constant 0 : i32
      %dma_start3A_119 = tpu.memref_slice %arg11[%add3A_19, %dma_start3A_118] : memref<10240x128xf32, #tpu.memory_space<vmem_shared>> -> memref<128x128xf32, #tpu.memory_space<vmem_shared>>
      %dma_start3A_120 = arith.constant 0 : i32
      %dma_start3A_121 = tpu.memref_slice %arg11[%add3A_19, %dma_start3A_120] : memref<10240x128xf32, #tpu.memory_space<vmem_shared>> -> memref<128x128xf32, #tpu.memory_space<vmem_shared>>
      %dma_start3A_122 = arith.constant 0 : i32
      %dma_start3A_123 = arith.constant 0 : i32
      %dma_start3A_124 = tpu.memref_slice %arg8[%run_scoped3A_20, %dma_start3A_122, %dma_start3A_123] : memref<2x128x128xf32, #tpu.memory_space<vmem>> -> memref<1x128x128xf32, #tpu.memory_space<vmem>>
      %dma_start3A_125 = tpu.memref_squeeze %dma_start3A_124 : memref<1x128x128xf32, #tpu.memory_space<vmem>> -> memref<128x128xf32, #tpu.memory_space<vmem>>
      tpu.enqueue_dma source(%dma_start3A_125 : memref<128x128xf32, #tpu.memory_space<vmem>>) target(%dma_start3A_121 : memref<128x128xf32, #tpu.memory_space<vmem_shared>>) target_semaphore(%run_scoped3A_113 : memref<!tpu.dma_semaphore, #tpu.memory_space<semaphore_mem>>)
      %dma_wait3A_126 = arith.constant 0 : i32
      %dma_wait3A_127 = arith.constant 0 : i32
      %dma_wait3A_128 = tpu.memref_slice %arg8[%run_scoped3A_20, %dma_wait3A_126, %dma_wait3A_127] : memref<2x128x128xf32, #tpu.memory_space<vmem>> -> memref<1x128x128xf32, #tpu.memory_space<vmem>>
      %dma_wait3A_129 = tpu.memref_squeeze %dma_wait3A_128 : memref<1x128x128xf32, #tpu.memory_space<vmem>> -> memref<128x128xf32, #tpu.memory_space<vmem>>
      %dma_wait3A_130 = arith.constant 0 : i32
      %dma_wait3A_131 = tpu.memref_slice %arg11[%add3A_19, %dma_wait3A_130] : memref<10240x128xf32, #tpu.memory_space<vmem_shared>> -> memref<128x128xf32, #tpu.memory_space<vmem_shared>>
      %dma_wait3A_132 = arith.constant 0 : i32
      %dma_wait3A_133 = tpu.memref_slice %arg11[%add3A_19, %dma_wait3A_132] : memref<10240x128xf32, #tpu.memory_space<vmem_shared>> -> memref<128x128xf32, #tpu.memory_space<vmem_shared>>
      %dma_wait3A_134 = arith.constant 0 : i32
      %dma_wait3A_135 = arith.constant 0 : i32
      %dma_wait3A_136 = tpu.memref_slice %arg8[%run_scoped3A_20, %dma_wait3A_134, %dma_wait3A_135] : memref<2x128x128xf32, #tpu.memory_space<vmem>> -> memref<1x128x128xf32, #tpu.memory_space<vmem>>
      %dma_wait3A_137 = tpu.memref_squeeze %dma_wait3A_136 : memref<1x128x128xf32, #tpu.memory_space<vmem>> -> memref<128x128xf32, #tpu.memory_space<vmem>>
      tpu.wait_dma2 semaphore(%run_scoped3A_113 : memref<!tpu.dma_semaphore, #tpu.memory_space<semaphore_mem>>) src(%dma_wait3A_137 : memref<128x128xf32, #tpu.memory_space<vmem>>) dst(%dma_wait3A_133 : memref<128x128xf32, #tpu.memory_space<vmem_shared>>)
      tpu.yield
    }) : () -> ()
    %mul3A_21 = arith.constant 640 : i32
    %mul3A_22 = arith.muli %arg1, %mul3A_21 : i32
    %add3A_23 = arith.constant 384 : i32
    %add3A_24 = arith.addi %mul3A_22, %add3A_23 : i32
    %run_scoped3A_25 = arith.constant 0 : i32
    "tpu.region"() ({
      %run_scoped3A_113 = tpu.sem_alloc : memref<!tpu.dma_semaphore, #tpu.memory_space<semaphore_mem>>
      %dma_start3A_114 = arith.constant 0 : i32
      %dma_start3A_115 = arith.constant 0 : i32
      %dma_start3A_116 = tpu.memref_slice %arg8[%run_scoped3A_25, %dma_start3A_114, %dma_start3A_115] : memref<2x128x128xf32, #tpu.memory_space<vmem>> -> memref<1x128x128xf32, #tpu.memory_space<vmem>>
      %dma_start3A_117 = tpu.memref_squeeze %dma_start3A_116 : memref<1x128x128xf32, #tpu.memory_space<vmem>> -> memref<128x128xf32, #tpu.memory_space<vmem>>
      %dma_start3A_118 = arith.constant 0 : i32
      %dma_start3A_119 = tpu.memref_slice %arg11[%add3A_24, %dma_start3A_118] : memref<10240x128xf32, #tpu.memory_space<vmem_shared>> -> memref<128x128xf32, #tpu.memory_space<vmem_shared>>
      %dma_start3A_120 = arith.constant 0 : i32
      %dma_start3A_121 = tpu.memref_slice %arg11[%add3A_24, %dma_start3A_120] : memref<10240x128xf32, #tpu.memory_space<vmem_shared>> -> memref<128x128xf32, #tpu.memory_space<vmem_shared>>
      %dma_start3A_122 = arith.constant 0 : i32
      %dma_start3A_123 = arith.constant 0 : i32
      %dma_start3A_124 = tpu.memref_slice %arg8[%run_scoped3A_25, %dma_start3A_122, %dma_start3A_123] : memref<2x128x128xf32, #tpu.memory_space<vmem>> -> memref<1x128x128xf32, #tpu.memory_space<vmem>>
      %dma_start3A_125 = tpu.memref_squeeze %dma_start3A_124 : memref<1x128x128xf32, #tpu.memory_space<vmem>> -> memref<128x128xf32, #tpu.memory_space<vmem>>
      tpu.enqueue_dma source(%dma_start3A_125 : memref<128x128xf32, #tpu.memory_space<vmem>>) target(%dma_start3A_121 : memref<128x128xf32, #tpu.memory_space<vmem_shared>>) target_semaphore(%run_scoped3A_113 : memref<!tpu.dma_semaphore, #tpu.memory_space<semaphore_mem>>)
      %dma_wait3A_126 = arith.constant 0 : i32
      %dma_wait3A_127 = arith.constant 0 : i32
      %dma_wait3A_128 = tpu.memref_slice %arg8[%run_scoped3A_25, %dma_wait3A_126, %dma_wait3A_127] : memref<2x128x128xf32, #tpu.memory_space<vmem>> -> memref<1x128x128xf32, #tpu.memory_space<vmem>>
      %dma_wait3A_129 = tpu.memref_squeeze %dma_wait3A_128 : memref<1x128x128xf32, #tpu.memory_space<vmem>> -> memref<128x128xf32, #tpu.memory_space<vmem>>
      %dma_wait3A_130 = arith.constant 0 : i32
      %dma_wait3A_131 = tpu.memref_slice %arg11[%add3A_24, %dma_wait3A_130] : memref<10240x128xf32, #tpu.memory_space<vmem_shared>> -> memref<128x128xf32, #tpu.memory_space<vmem_shared>>
      %dma_wait3A_132 = arith.constant 0 : i32
      %dma_wait3A_133 = tpu.memref_slice %arg11[%add3A_24, %dma_wait3A_132] : memref<10240x128xf32, #tpu.memory_space<vmem_shared>> -> memref<128x128xf32, #tpu.memory_space<vmem_shared>>
      %dma_wait3A_134 = arith.constant 0 : i32
      %dma_wait3A_135 = arith.constant 0 : i32
      %dma_wait3A_136 = tpu.memref_slice %arg8[%run_scoped3A_25, %dma_wait3A_134, %dma_wait3A_135] : memref<2x128x128xf32, #tpu.memory_space<vmem>> -> memref<1x128x128xf32, #tpu.memory_space<vmem>>
      %dma_wait3A_137 = tpu.memref_squeeze %dma_wait3A_136 : memref<1x128x128xf32, #tpu.memory_space<vmem>> -> memref<128x128xf32, #tpu.memory_space<vmem>>
      tpu.wait_dma2 semaphore(%run_scoped3A_113 : memref<!tpu.dma_semaphore, #tpu.memory_space<semaphore_mem>>) src(%dma_wait3A_137 : memref<128x128xf32, #tpu.memory_space<vmem>>) dst(%dma_wait3A_133 : memref<128x128xf32, #tpu.memory_space<vmem_shared>>)
      tpu.yield
    }) : () -> ()
    %mul3A_26 = arith.constant 640 : i32
    %mul3A_27 = arith.muli %arg1, %mul3A_26 : i32
    %add3A_28 = arith.constant 512 : i32
    %add3A_29 = arith.addi %mul3A_27, %add3A_28 : i32
    %run_scoped3A_30 = arith.constant 0 : i32
    "tpu.region"() ({
      %run_scoped3A_113 = tpu.sem_alloc : memref<!tpu.dma_semaphore, #tpu.memory_space<semaphore_mem>>
      %dma_start3A_114 = arith.constant 0 : i32
      %dma_start3A_115 = arith.constant 0 : i32
      %dma_start3A_116 = tpu.memref_slice %arg8[%run_scoped3A_30, %dma_start3A_114, %dma_start3A_115] : memref<2x128x128xf32, #tpu.memory_space<vmem>> -> memref<1x128x128xf32, #tpu.memory_space<vmem>>
      %dma_start3A_117 = tpu.memref_squeeze %dma_start3A_116 : memref<1x128x128xf32, #tpu.memory_space<vmem>> -> memref<128x128xf32, #tpu.memory_space<vmem>>
      %dma_start3A_118 = arith.constant 0 : i32
      %dma_start3A_119 = tpu.memref_slice %arg11[%add3A_29, %dma_start3A_118] : memref<10240x128xf32, #tpu.memory_space<vmem_shared>> -> memref<128x128xf32, #tpu.memory_space<vmem_shared>>
      %dma_start3A_120 = arith.constant 0 : i32
      %dma_start3A_121 = tpu.memref_slice %arg11[%add3A_29, %dma_start3A_120] : memref<10240x128xf32, #tpu.memory_space<vmem_shared>> -> memref<128x128xf32, #tpu.memory_space<vmem_shared>>
      %dma_start3A_122 = arith.constant 0 : i32
      %dma_start3A_123 = arith.constant 0 : i32
      %dma_start3A_124 = tpu.memref_slice %arg8[%run_scoped3A_30, %dma_start3A_122, %dma_start3A_123] : memref<2x128x128xf32, #tpu.memory_space<vmem>> -> memref<1x128x128xf32, #tpu.memory_space<vmem>>
      %dma_start3A_125 = tpu.memref_squeeze %dma_start3A_124 : memref<1x128x128xf32, #tpu.memory_space<vmem>> -> memref<128x128xf32, #tpu.memory_space<vmem>>
      tpu.enqueue_dma source(%dma_start3A_125 : memref<128x128xf32, #tpu.memory_space<vmem>>) target(%dma_start3A_121 : memref<128x128xf32, #tpu.memory_space<vmem_shared>>) target_semaphore(%run_scoped3A_113 : memref<!tpu.dma_semaphore, #tpu.memory_space<semaphore_mem>>)
      %dma_wait3A_126 = arith.constant 0 : i32
      %dma_wait3A_127 = arith.constant 0 : i32
      %dma_wait3A_128 = tpu.memref_slice %arg8[%run_scoped3A_30, %dma_wait3A_126, %dma_wait3A_127] : memref<2x128x128xf32, #tpu.memory_space<vmem>> -> memref<1x128x128xf32, #tpu.memory_space<vmem>>
      %dma_wait3A_129 = tpu.memref_squeeze %dma_wait3A_128 : memref<1x128x128xf32, #tpu.memory_space<vmem>> -> memref<128x128xf32, #tpu.memory_space<vmem>>
      %dma_wait3A_130 = arith.constant 0 : i32
      %dma_wait3A_131 = tpu.memref_slice %arg11[%add3A_29, %dma_wait3A_130] : memref<10240x128xf32, #tpu.memory_space<vmem_shared>> -> memref<128x128xf32, #tpu.memory_space<vmem_shared>>
      %dma_wait3A_132 = arith.constant 0 : i32
      %dma_wait3A_133 = tpu.memref_slice %arg11[%add3A_29, %dma_wait3A_132] : memref<10240x128xf32, #tpu.memory_space<vmem_shared>> -> memref<128x128xf32, #tpu.memory_space<vmem_shared>>
      %dma_wait3A_134 = arith.constant 0 : i32
      %dma_wait3A_135 = arith.constant 0 : i32
      %dma_wait3A_136 = tpu.memref_slice %arg8[%run_scoped3A_30, %dma_wait3A_134, %dma_wait3A_135] : memref<2x128x128xf32, #tpu.memory_space<vmem>> -> memref<1x128x128xf32, #tpu.memory_space<vmem>>
      %dma_wait3A_137 = tpu.memref_squeeze %dma_wait3A_136 : memref<1x128x128xf32, #tpu.memory_space<vmem>> -> memref<128x128xf32, #tpu.memory_space<vmem>>
      tpu.wait_dma2 semaphore(%run_scoped3A_113 : memref<!tpu.dma_semaphore, #tpu.memory_space<semaphore_mem>>) src(%dma_wait3A_137 : memref<128x128xf32, #tpu.memory_space<vmem>>) dst(%dma_wait3A_133 : memref<128x128xf32, #tpu.memory_space<vmem_shared>>)
      tpu.yield
    }) : () -> ()
    %barrier3A = arith.constant 0 : index
    tpu.barrier barrier_id(%barrier3A)
    %mul3A_31 = arith.constant 10240 : i32
    %mul3A_32 = arith.muli %add3A, %mul3A_31 : i32
    %add3A_33 = arith.constant 0 : i32
    %add3A_34 = arith.addi %mul3A_32, %add3A_33 : i32
    %run_scoped3A_35 = arith.constant 0 : i32
    "tpu.region"() ({
      %run_scoped3A_113 = tpu.sem_alloc : memref<!tpu.dma_semaphore, #tpu.memory_space<semaphore_mem>>
      %dma_start3A_114 = arith.constant 0 : i32
      %dma_start3A_115 = tpu.memref_slice %arg6[%run_scoped3A_35, %dma_start3A_114] : memref<2x128xi32, #tpu.memory_space<vmem>> -> memref<1x128xi32, #tpu.memory_space<vmem>>
      %dma_start3A_116 = tpu.memref_squeeze %dma_start3A_115 : memref<1x128xi32, #tpu.memory_space<vmem>> -> memref<128xi32, #tpu.memory_space<vmem>>
      %dma_start3A_117 = tpu.memref_slice %arg3[%add3A_34] : memref<327680xi32, #tpu.memory_space<hbm>> -> memref<128xi32, #tpu.memory_space<hbm>>
      %dma_start3A_118 = arith.constant 0 : i32
      %dma_start3A_119 = tpu.memref_slice %arg6[%run_scoped3A_35, %dma_start3A_118] : memref<2x128xi32, #tpu.memory_space<vmem>> -> memref<1x128xi32, #tpu.memory_space<vmem>>
      %dma_start3A_120 = tpu.memref_squeeze %dma_start3A_119 : memref<1x128xi32, #tpu.memory_space<vmem>> -> memref<128xi32, #tpu.memory_space<vmem>>
      %dma_start3A_121 = tpu.memref_slice %arg3[%add3A_34] : memref<327680xi32, #tpu.memory_space<hbm>> -> memref<128xi32, #tpu.memory_space<hbm>>
      tpu.enqueue_dma source(%dma_start3A_121 : memref<128xi32, #tpu.memory_space<hbm>>) target(%dma_start3A_120 : memref<128xi32, #tpu.memory_space<vmem>>) target_semaphore(%run_scoped3A_113 : memref<!tpu.dma_semaphore, #tpu.memory_space<semaphore_mem>>)
      %dma_wait3A_122 = arith.constant 0 : i32
      %dma_wait3A_123 = tpu.memref_slice %arg6[%run_scoped3A_35, %dma_wait3A_122] : memref<2x128xi32, #tpu.memory_space<vmem>> -> memref<1x128xi32, #tpu.memory_space<vmem>>
      %dma_wait3A_124 = tpu.memref_squeeze %dma_wait3A_123 : memref<1x128xi32, #tpu.memory_space<vmem>> -> memref<128xi32, #tpu.memory_space<vmem>>
      %dma_wait3A_125 = tpu.memref_slice %arg3[%add3A_34] : memref<327680xi32, #tpu.memory_space<hbm>> -> memref<128xi32, #tpu.memory_space<hbm>>
      %dma_wait3A_126 = arith.constant 0 : i32
      %dma_wait3A_127 = tpu.memref_slice %arg6[%run_scoped3A_35, %dma_wait3A_126] : memref<2x128xi32, #tpu.memory_space<vmem>> -> memref<1x128xi32, #tpu.memory_space<vmem>>
      %dma_wait3A_128 = tpu.memref_squeeze %dma_wait3A_127 : memref<1x128xi32, #tpu.memory_space<vmem>> -> memref<128xi32, #tpu.memory_space<vmem>>
      %dma_wait3A_129 = tpu.memref_slice %arg3[%add3A_34] : memref<327680xi32, #tpu.memory_space<hbm>> -> memref<128xi32, #tpu.memory_space<hbm>>
      tpu.wait_dma2 semaphore(%run_scoped3A_113 : memref<!tpu.dma_semaphore, #tpu.memory_space<semaphore_mem>>) src(%dma_wait3A_129 : memref<128xi32, #tpu.memory_space<hbm>>) dst(%dma_wait3A_128 : memref<128xi32, #tpu.memory_space<vmem>>)
      tpu.yield
    }) : () -> ()
    %run_scoped3A_36 = arith.constant 0 : i32
    "tpu.region"() ({
      %run_scoped3A_113 = tpu.sem_alloc : memref<!tpu.dma_semaphore, #tpu.memory_space<semaphore_mem>>
      %dma_start3A_114 = arith.constant 0 : i32
      %dma_start3A_115 = tpu.memref_slice %arg7[%run_scoped3A_36, %dma_start3A_114] : memref<2x128xi32, #tpu.memory_space<vmem>> -> memref<1x128xi32, #tpu.memory_space<vmem>>
      %dma_start3A_116 = tpu.memref_squeeze %dma_start3A_115 : memref<1x128xi32, #tpu.memory_space<vmem>> -> memref<128xi32, #tpu.memory_space<vmem>>
      %dma_start3A_117 = tpu.memref_slice %arg4[%add3A_34] : memref<327680xi32, #tpu.memory_space<hbm>> -> memref<128xi32, #tpu.memory_space<hbm>>
      %dma_start3A_118 = arith.constant 0 : i32
      %dma_start3A_119 = tpu.memref_slice %arg7[%run_scoped3A_36, %dma_start3A_118] : memref<2x128xi32, #tpu.memory_space<vmem>> -> memref<1x128xi32, #tpu.memory_space<vmem>>
      %dma_start3A_120 = tpu.memref_squeeze %dma_start3A_119 : memref<1x128xi32, #tpu.memory_space<vmem>> -> memref<128xi32, #tpu.memory_space<vmem>>
      %dma_start3A_121 = tpu.memref_slice %arg4[%add3A_34] : memref<327680xi32, #tpu.memory_space<hbm>> -> memref<128xi32, #tpu.memory_space<hbm>>
      tpu.enqueue_dma source(%dma_start3A_121 : memref<128xi32, #tpu.memory_space<hbm>>) target(%dma_start3A_120 : memref<128xi32, #tpu.memory_space<vmem>>) target_semaphore(%run_scoped3A_113 : memref<!tpu.dma_semaphore, #tpu.memory_space<semaphore_mem>>)
      %dma_wait3A_122 = arith.constant 0 : i32
      %dma_wait3A_123 = tpu.memref_slice %arg7[%run_scoped3A_36, %dma_wait3A_122] : memref<2x128xi32, #tpu.memory_space<vmem>> -> memref<1x128xi32, #tpu.memory_space<vmem>>
      %dma_wait3A_124 = tpu.memref_squeeze %dma_wait3A_123 : memref<1x128xi32, #tpu.memory_space<vmem>> -> memref<128xi32, #tpu.memory_space<vmem>>
      %dma_wait3A_125 = tpu.memref_slice %arg4[%add3A_34] : memref<327680xi32, #tpu.memory_space<hbm>> -> memref<128xi32, #tpu.memory_space<hbm>>
      %dma_wait3A_126 = arith.constant 0 : i32
      %dma_wait3A_127 = tpu.memref_slice %arg7[%run_scoped3A_36, %dma_wait3A_126] : memref<2x128xi32, #tpu.memory_space<vmem>> -> memref<1x128xi32, #tpu.memory_space<vmem>>
      %dma_wait3A_128 = tpu.memref_squeeze %dma_wait3A_127 : memref<1x128xi32, #tpu.memory_space<vmem>> -> memref<128xi32, #tpu.memory_space<vmem>>
      %dma_wait3A_129 = tpu.memref_slice %arg4[%add3A_34] : memref<327680xi32, #tpu.memory_space<hbm>> -> memref<128xi32, #tpu.memory_space<hbm>>
      tpu.wait_dma2 semaphore(%run_scoped3A_113 : memref<!tpu.dma_semaphore, #tpu.memory_space<semaphore_mem>>) src(%dma_wait3A_129 : memref<128xi32, #tpu.memory_space<hbm>>) dst(%dma_wait3A_128 : memref<128xi32, #tpu.memory_space<vmem>>)
      tpu.yield
    }) : () -> ()
    %dma_start3A = arith.constant 0 : i32
    %dma_start3A_37 = arith.constant 0 : i32
    %dma_start3A_38 = arith.constant 0 : i32
    %dma_start3A_39 = arith.constant 0 : i32
    %dma_start3A_40 = arith.constant 0 : i32
    %dma_start3A_41 = tpu.memref_slice %arg8[%dma_start3A_37, %dma_start3A_39, %dma_start3A_40] : memref<2x128x128xf32, #tpu.memory_space<vmem>> -> memref<1x128x128xf32, #tpu.memory_space<vmem>>
    %dma_start3A_42 = tpu.memref_squeeze %dma_start3A_41 : memref<1x128x128xf32, #tpu.memory_space<vmem>> -> memref<128x128xf32, #tpu.memory_space<vmem>>
    %dma_start3A_43 = arith.constant 0 : i32
    %dma_start3A_44 = tpu.memref_slice %arg6[%dma_start3A, %dma_start3A_43] : memref<2x128xi32, #tpu.memory_space<vmem>> -> memref<1x128xi32, #tpu.memory_space<vmem>>
    %dma_start3A_45 = tpu.memref_squeeze %dma_start3A_44 : memref<1x128xi32, #tpu.memory_space<vmem>> -> memref<128xi32, #tpu.memory_space<vmem>>
    %dma_start3A_46 = arith.constant 0 : i32
    %dma_start3A_47 = arith.constant 0 : i32
    %dma_start3A_48 = tpu.memref_slice %arg2[%dma_start3A_46, %dma_start3A_47] : memref<10000x128xf32, #tpu.memory_space<hbm>> -> memref<10000x128xf32, #tpu.memory_space<hbm>>
    %dma_start3A_49 = tpu.memref_slice %arg9[%dma_start3A_38] : memref<2x!tpu.dma_semaphore, #tpu.memory_space<semaphore_mem>> -> memref<1x!tpu.dma_semaphore, #tpu.memory_space<semaphore_mem>>
    %dma_start3A_50 = tpu.memref_squeeze %dma_start3A_49 : memref<1x!tpu.dma_semaphore, #tpu.memory_space<semaphore_mem>> -> memref<!tpu.dma_semaphore, #tpu.memory_space<semaphore_mem>>
    tpu.enqueue_indirect_dma source(%dma_start3A_48 : memref<10000x128xf32, #tpu.memory_space<hbm>>) target(%dma_start3A_42 : memref<128x128xf32, #tpu.memory_space<vmem>>) offsets(%dma_start3A_45 : memref<128xi32, #tpu.memory_space<vmem>>) semaphore(%dma_start3A_50 : memref<!tpu.dma_semaphore, #tpu.memory_space<semaphore_mem>>)
    %mul3A_51 = arith.constant 10240 : i32
    %mul3A_52 = arith.muli %add3A, %mul3A_51 : i32
    %add3A_53 = arith.constant 128 : i32
    %add3A_54 = arith.addi %mul3A_52, %add3A_53 : i32
    %run_scoped3A_55 = arith.constant 1 : i32
    "tpu.region"() ({
      %run_scoped3A_113 = tpu.sem_alloc : memref<!tpu.dma_semaphore, #tpu.memory_space<semaphore_mem>>
      %dma_start3A_114 = arith.constant 0 : i32
      %dma_start3A_115 = tpu.memref_slice %arg6[%run_scoped3A_55, %dma_start3A_114] : memref<2x128xi32, #tpu.memory_space<vmem>> -> memref<1x128xi32, #tpu.memory_space<vmem>>
      %dma_start3A_116 = tpu.memref_squeeze %dma_start3A_115 : memref<1x128xi32, #tpu.memory_space<vmem>> -> memref<128xi32, #tpu.memory_space<vmem>>
      %dma_start3A_117 = tpu.memref_slice %arg3[%add3A_54] : memref<327680xi32, #tpu.memory_space<hbm>> -> memref<128xi32, #tpu.memory_space<hbm>>
      %dma_start3A_118 = arith.constant 0 : i32
      %dma_start3A_119 = tpu.memref_slice %arg6[%run_scoped3A_55, %dma_start3A_118] : memref<2x128xi32, #tpu.memory_space<vmem>> -> memref<1x128xi32, #tpu.memory_space<vmem>>
      %dma_start3A_120 = tpu.memref_squeeze %dma_start3A_119 : memref<1x128xi32, #tpu.memory_space<vmem>> -> memref<128xi32, #tpu.memory_space<vmem>>
      %dma_start3A_121 = tpu.memref_slice %arg3[%add3A_54] : memref<327680xi32, #tpu.memory_space<hbm>> -> memref<128xi32, #tpu.memory_space<hbm>>
      tpu.enqueue_dma source(%dma_start3A_121 : memref<128xi32, #tpu.memory_space<hbm>>) target(%dma_start3A_120 : memref<128xi32, #tpu.memory_space<vmem>>) target_semaphore(%run_scoped3A_113 : memref<!tpu.dma_semaphore, #tpu.memory_space<semaphore_mem>>)
      %dma_wait3A_122 = arith.constant 0 : i32
      %dma_wait3A_123 = tpu.memref_slice %arg6[%run_scoped3A_55, %dma_wait3A_122] : memref<2x128xi32, #tpu.memory_space<vmem>> -> memref<1x128xi32, #tpu.memory_space<vmem>>
      %dma_wait3A_124 = tpu.memref_squeeze %dma_wait3A_123 : memref<1x128xi32, #tpu.memory_space<vmem>> -> memref<128xi32, #tpu.memory_space<vmem>>
      %dma_wait3A_125 = tpu.memref_slice %arg3[%add3A_54] : memref<327680xi32, #tpu.memory_space<hbm>> -> memref<128xi32, #tpu.memory_space<hbm>>
      %dma_wait3A_126 = arith.constant 0 : i32
      %dma_wait3A_127 = tpu.memref_slice %arg6[%run_scoped3A_55, %dma_wait3A_126] : memref<2x128xi32, #tpu.memory_space<vmem>> -> memref<1x128xi32, #tpu.memory_space<vmem>>
      %dma_wait3A_128 = tpu.memref_squeeze %dma_wait3A_127 : memref<1x128xi32, #tpu.memory_space<vmem>> -> memref<128xi32, #tpu.memory_space<vmem>>
      %dma_wait3A_129 = tpu.memref_slice %arg3[%add3A_54] : memref<327680xi32, #tpu.memory_space<hbm>> -> memref<128xi32, #tpu.memory_space<hbm>>
      tpu.wait_dma2 semaphore(%run_scoped3A_113 : memref<!tpu.dma_semaphore, #tpu.memory_space<semaphore_mem>>) src(%dma_wait3A_129 : memref<128xi32, #tpu.memory_space<hbm>>) dst(%dma_wait3A_128 : memref<128xi32, #tpu.memory_space<vmem>>)
      tpu.yield
    }) : () -> ()
    %run_scoped3A_56 = arith.constant 1 : i32
    "tpu.region"() ({
      %run_scoped3A_113 = tpu.sem_alloc : memref<!tpu.dma_semaphore, #tpu.memory_space<semaphore_mem>>
      %dma_start3A_114 = arith.constant 0 : i32
      %dma_start3A_115 = tpu.memref_slice %arg7[%run_scoped3A_56, %dma_start3A_114] : memref<2x128xi32, #tpu.memory_space<vmem>> -> memref<1x128xi32, #tpu.memory_space<vmem>>
      %dma_start3A_116 = tpu.memref_squeeze %dma_start3A_115 : memref<1x128xi32, #tpu.memory_space<vmem>> -> memref<128xi32, #tpu.memory_space<vmem>>
      %dma_start3A_117 = tpu.memref_slice %arg4[%add3A_54] : memref<327680xi32, #tpu.memory_space<hbm>> -> memref<128xi32, #tpu.memory_space<hbm>>
      %dma_start3A_118 = arith.constant 0 : i32
      %dma_start3A_119 = tpu.memref_slice %arg7[%run_scoped3A_56, %dma_start3A_118] : memref<2x128xi32, #tpu.memory_space<vmem>> -> memref<1x128xi32, #tpu.memory_space<vmem>>
      %dma_start3A_120 = tpu.memref_squeeze %dma_start3A_119 : memref<1x128xi32, #tpu.memory_space<vmem>> -> memref<128xi32, #tpu.memory_space<vmem>>
      %dma_start3A_121 = tpu.memref_slice %arg4[%add3A_54] : memref<327680xi32, #tpu.memory_space<hbm>> -> memref<128xi32, #tpu.memory_space<hbm>>
      tpu.enqueue_dma source(%dma_start3A_121 : memref<128xi32, #tpu.memory_space<hbm>>) target(%dma_start3A_120 : memref<128xi32, #tpu.memory_space<vmem>>) target_semaphore(%run_scoped3A_113 : memref<!tpu.dma_semaphore, #tpu.memory_space<semaphore_mem>>)
      %dma_wait3A_122 = arith.constant 0 : i32
      %dma_wait3A_123 = tpu.memref_slice %arg7[%run_scoped3A_56, %dma_wait3A_122] : memref<2x128xi32, #tpu.memory_space<vmem>> -> memref<1x128xi32, #tpu.memory_space<vmem>>
      %dma_wait3A_124 = tpu.memref_squeeze %dma_wait3A_123 : memref<1x128xi32, #tpu.memory_space<vmem>> -> memref<128xi32, #tpu.memory_space<vmem>>
      %dma_wait3A_125 = tpu.memref_slice %arg4[%add3A_54] : memref<327680xi32, #tpu.memory_space<hbm>> -> memref<128xi32, #tpu.memory_space<hbm>>
      %dma_wait3A_126 = arith.constant 0 : i32
      %dma_wait3A_127 = tpu.memref_slice %arg7[%run_scoped3A_56, %dma_wait3A_126] : memref<2x128xi32, #tpu.memory_space<vmem>> -> memref<1x128xi32, #tpu.memory_space<vmem>>
      %dma_wait3A_128 = tpu.memref_squeeze %dma_wait3A_127 : memref<1x128xi32, #tpu.memory_space<vmem>> -> memref<128xi32, #tpu.memory_space<vmem>>
      %dma_wait3A_129 = tpu.memref_slice %arg4[%add3A_54] : memref<327680xi32, #tpu.memory_space<hbm>> -> memref<128xi32, #tpu.memory_space<hbm>>
      tpu.wait_dma2 semaphore(%run_scoped3A_113 : memref<!tpu.dma_semaphore, #tpu.memory_space<semaphore_mem>>) src(%dma_wait3A_129 : memref<128xi32, #tpu.memory_space<hbm>>) dst(%dma_wait3A_128 : memref<128xi32, #tpu.memory_space<vmem>>)
      tpu.yield
    }) : () -> ()
    %dma_start3A_57 = arith.constant 1 : i32
    %dma_start3A_58 = arith.constant 1 : i32
    %dma_start3A_59 = arith.constant 1 : i32
    %dma_start3A_60 = arith.constant 0 : i32
    %dma_start3A_61 = arith.constant 0 : i32
    %dma_start3A_62 = tpu.memref_slice %arg8[%dma_start3A_58, %dma_start3A_60, %dma_start3A_61] : memref<2x128x128xf32, #tpu.memory_space<vmem>> -> memref<1x128x128xf32, #tpu.memory_space<vmem>>
    %dma_start3A_63 = tpu.memref_squeeze %dma_start3A_62 : memref<1x128x128xf32, #tpu.memory_space<vmem>> -> memref<128x128xf32, #tpu.memory_space<vmem>>
    %dma_start3A_64 = arith.constant 0 : i32
    %dma_start3A_65 = tpu.memref_slice %arg6[%dma_start3A_57, %dma_start3A_64] : memref<2x128xi32, #tpu.memory_space<vmem>> -> memref<1x128xi32, #tpu.memory_space<vmem>>
    %dma_start3A_66 = tpu.memref_squeeze %dma_start3A_65 : memref<1x128xi32, #tpu.memory_space<vmem>> -> memref<128xi32, #tpu.memory_space<vmem>>
    %dma_start3A_67 = arith.constant 0 : i32
    %dma_start3A_68 = arith.constant 0 : i32
    %dma_start3A_69 = tpu.memref_slice %arg2[%dma_start3A_67, %dma_start3A_68] : memref<10000x128xf32, #tpu.memory_space<hbm>> -> memref<10000x128xf32, #tpu.memory_space<hbm>>
    %dma_start3A_70 = tpu.memref_slice %arg9[%dma_start3A_59] : memref<2x!tpu.dma_semaphore, #tpu.memory_space<semaphore_mem>> -> memref<1x!tpu.dma_semaphore, #tpu.memory_space<semaphore_mem>>
    %dma_start3A_71 = tpu.memref_squeeze %dma_start3A_70 : memref<1x!tpu.dma_semaphore, #tpu.memory_space<semaphore_mem>> -> memref<!tpu.dma_semaphore, #tpu.memory_space<semaphore_mem>>
    tpu.enqueue_indirect_dma source(%dma_start3A_69 : memref<10000x128xf32, #tpu.memory_space<hbm>>) target(%dma_start3A_63 : memref<128x128xf32, #tpu.memory_space<vmem>>) offsets(%dma_start3A_66 : memref<128xi32, #tpu.memory_space<vmem>>) semaphore(%dma_start3A_71 : memref<!tpu.dma_semaphore, #tpu.memory_space<semaphore_mem>>)
    %scan3A_72 = arith.constant 0 : i32
    %scan3A_73 = arith.constant 0 : i32
    %scan3A_74 = arith.constant 40 : i32
    %scan3A_75 = arith.addi %scan3A_73, %scan3A_74 : i32
    %scan3A_76 = arith.constant 1 : i32
    %scan3A_77 = scf.for %scan3A_113 = %scan3A_73 to %scan3A_75 step %scan3A_76 iter_args(%scan3A_114 = %scan3A_72) -> (i32)  : i32 {
      %mul3A_115 = arith.constant 2 : i32
      %mul3A_116 = arith.muli %scan3A_113, %mul3A_115 : i32
      %dma_wait3A_117 = arith.constant 0 : i32
      %dma_wait3A_118 = arith.constant 0 : i32
      %dma_wait3A_119 = arith.constant 0 : i32
      %dma_wait3A_120 = arith.constant 0 : i32
      %dma_wait3A_121 = arith.constant 0 : i32
      %dma_wait3A_122 = tpu.memref_slice %arg8[%dma_wait3A_118, %dma_wait3A_120, %dma_wait3A_121] : memref<2x128x128xf32, #tpu.memory_space<vmem>> -> memref<1x128x128xf32, #tpu.memory_space<vmem>>
      %dma_wait3A_123 = tpu.memref_squeeze %dma_wait3A_122 : memref<1x128x128xf32, #tpu.memory_space<vmem>> -> memref<128x128xf32, #tpu.memory_space<vmem>>
      %dma_wait3A_124 = arith.constant 0 : i32
      %dma_wait3A_125 = tpu.memref_slice %arg6[%dma_wait3A_117, %dma_wait3A_124] : memref<2x128xi32, #tpu.memory_space<vmem>> -> memref<1x128xi32, #tpu.memory_space<vmem>>
      %dma_wait3A_126 = tpu.memref_squeeze %dma_wait3A_125 : memref<1x128xi32, #tpu.memory_space<vmem>> -> memref<128xi32, #tpu.memory_space<vmem>>
      %dma_wait3A_127 = arith.constant 0 : i32
      %dma_wait3A_128 = arith.constant 0 : i32
      %dma_wait3A_129 = tpu.memref_slice %arg2[%dma_wait3A_127, %dma_wait3A_128] : memref<10000x128xf32, #tpu.memory_space<hbm>> -> memref<10000x128xf32, #tpu.memory_space<hbm>>
      %dma_wait3A_130 = tpu.memref_slice %arg9[%dma_wait3A_119] : memref<2x!tpu.dma_semaphore, #tpu.memory_space<semaphore_mem>> -> memref<1x!tpu.dma_semaphore, #tpu.memory_space<semaphore_mem>>
      %dma_wait3A_131 = tpu.memref_squeeze %dma_wait3A_130 : memref<1x!tpu.dma_semaphore, #tpu.memory_space<semaphore_mem>> -> memref<!tpu.dma_semaphore, #tpu.memory_space<semaphore_mem>>
      tpu.wait_indirect_dma semaphore(%dma_wait3A_131 : memref<!tpu.dma_semaphore, #tpu.memory_space<semaphore_mem>>) src(%dma_wait3A_129 : memref<10000x128xf32, #tpu.memory_space<hbm>>) dst(%dma_wait3A_123 : memref<128x128xf32, #tpu.memory_space<vmem>>)
      %dma_start3A_132 = arith.constant 0 : i32
      %dma_start3A_133 = arith.constant 0 : i32
      %dma_start3A_134 = arith.constant 0 : i32
      %dma_start3A_135 = arith.constant 0 : i32
      %dma_start3A_136 = arith.constant 0 : i32
      %dma_start3A_137 = tpu.memref_slice %arg8[%dma_start3A_132, %dma_start3A_135, %dma_start3A_136] : memref<2x128x128xf32, #tpu.memory_space<vmem>> -> memref<1x128x128xf32, #tpu.memory_space<vmem>>
      %dma_start3A_138 = tpu.memref_squeeze %dma_start3A_137 : memref<1x128x128xf32, #tpu.memory_space<vmem>> -> memref<128x128xf32, #tpu.memory_space<vmem>>
      %dma_start3A_139 = arith.constant 0 : i32
      %dma_start3A_140 = tpu.memref_slice %arg7[%dma_start3A_133, %dma_start3A_139] : memref<2x128xi32, #tpu.memory_space<vmem>> -> memref<1x128xi32, #tpu.memory_space<vmem>>
      %dma_start3A_141 = tpu.memref_squeeze %dma_start3A_140 : memref<1x128xi32, #tpu.memory_space<vmem>> -> memref<128xi32, #tpu.memory_space<vmem>>
      %dma_start3A_142 = arith.constant 0 : i32
      %dma_start3A_143 = arith.constant 0 : i32
      %dma_start3A_144 = tpu.memref_slice %arg11[%dma_start3A_142, %dma_start3A_143] : memref<10240x128xf32, #tpu.memory_space<vmem_shared>> -> memref<10240x128xf32, #tpu.memory_space<vmem_shared>>
      %dma_start3A_145 = tpu.memref_slice %arg10[%dma_start3A_134] : memref<2x!tpu.dma_semaphore, #tpu.memory_space<semaphore_mem>> -> memref<1x!tpu.dma_semaphore, #tpu.memory_space<semaphore_mem>>
      %dma_start3A_146 = tpu.memref_squeeze %dma_start3A_145 : memref<1x!tpu.dma_semaphore, #tpu.memory_space<semaphore_mem>> -> memref<!tpu.dma_semaphore, #tpu.memory_space<semaphore_mem>>
      tpu.enqueue_indirect_dma source(%dma_start3A_138 : memref<128x128xf32, #tpu.memory_space<vmem>>) target(%dma_start3A_144 : memref<10240x128xf32, #tpu.memory_space<vmem_shared>>) offsets(%dma_start3A_141 : memref<128xi32, #tpu.memory_space<vmem>>) semaphore(%dma_start3A_146 : memref<!tpu.dma_semaphore, #tpu.memory_space<semaphore_mem>>) {add = true}
      %dma_wait3A_147 = arith.constant 1 : i32
      %dma_wait3A_148 = arith.constant 1 : i32
      %dma_wait3A_149 = arith.constant 1 : i32
      %dma_wait3A_150 = arith.constant 0 : i32
      %dma_wait3A_151 = arith.constant 0 : i32
      %dma_wait3A_152 = tpu.memref_slice %arg8[%dma_wait3A_148, %dma_wait3A_150, %dma_wait3A_151] : memref<2x128x128xf32, #tpu.memory_space<vmem>> -> memref<1x128x128xf32, #tpu.memory_space<vmem>>
      %dma_wait3A_153 = tpu.memref_squeeze %dma_wait3A_152 : memref<1x128x128xf32, #tpu.memory_space<vmem>> -> memref<128x128xf32, #tpu.memory_space<vmem>>
      %dma_wait3A_154 = arith.constant 0 : i32
      %dma_wait3A_155 = tpu.memref_slice %arg6[%dma_wait3A_147, %dma_wait3A_154] : memref<2x128xi32, #tpu.memory_space<vmem>> -> memref<1x128xi32, #tpu.memory_space<vmem>>
      %dma_wait3A_156 = tpu.memref_squeeze %dma_wait3A_155 : memref<1x128xi32, #tpu.memory_space<vmem>> -> memref<128xi32, #tpu.memory_space<vmem>>
      %dma_wait3A_157 = arith.constant 0 : i32
      %dma_wait3A_158 = arith.constant 0 : i32
      %dma_wait3A_159 = tpu.memref_slice %arg2[%dma_wait3A_157, %dma_wait3A_158] : memref<10000x128xf32, #tpu.memory_space<hbm>> -> memref<10000x128xf32, #tpu.memory_space<hbm>>
      %dma_wait3A_160 = tpu.memref_slice %arg9[%dma_wait3A_149] : memref<2x!tpu.dma_semaphore, #tpu.memory_space<semaphore_mem>> -> memref<1x!tpu.dma_semaphore, #tpu.memory_space<semaphore_mem>>
      %dma_wait3A_161 = tpu.memref_squeeze %dma_wait3A_160 : memref<1x!tpu.dma_semaphore, #tpu.memory_space<semaphore_mem>> -> memref<!tpu.dma_semaphore, #tpu.memory_space<semaphore_mem>>
      tpu.wait_indirect_dma semaphore(%dma_wait3A_161 : memref<!tpu.dma_semaphore, #tpu.memory_space<semaphore_mem>>) src(%dma_wait3A_159 : memref<10000x128xf32, #tpu.memory_space<hbm>>) dst(%dma_wait3A_153 : memref<128x128xf32, #tpu.memory_space<vmem>>)
      %dma_start3A_162 = arith.constant 1 : i32
      %dma_start3A_163 = arith.constant 1 : i32
      %dma_start3A_164 = arith.constant 1 : i32
      %dma_start3A_165 = arith.constant 0 : i32
      %dma_start3A_166 = arith.constant 0 : i32
      %dma_start3A_167 = tpu.memref_slice %arg8[%dma_start3A_162, %dma_start3A_165, %dma_start3A_166] : memref<2x128x128xf32, #tpu.memory_space<vmem>> -> memref<1x128x128xf32, #tpu.memory_space<vmem>>
      %dma_start3A_168 = tpu.memref_squeeze %dma_start3A_167 : memref<1x128x128xf32, #tpu.memory_space<vmem>> -> memref<128x128xf32, #tpu.memory_space<vmem>>
      %dma_start3A_169 = arith.constant 0 : i32
      %dma_start3A_170 = tpu.memref_slice %arg7[%dma_start3A_163, %dma_start3A_169] : memref<2x128xi32, #tpu.memory_space<vmem>> -> memref<1x128xi32, #tpu.memory_space<vmem>>
      %dma_start3A_171 = tpu.memref_squeeze %dma_start3A_170 : memref<1x128xi32, #tpu.memory_space<vmem>> -> memref<128xi32, #tpu.memory_space<vmem>>
      %dma_start3A_172 = arith.constant 0 : i32
      %dma_start3A_173 = arith.constant 0 : i32
      %dma_start3A_174 = tpu.memref_slice %arg11[%dma_start3A_172, %dma_start3A_173] : memref<10240x128xf32, #tpu.memory_space<vmem_shared>> -> memref<10240x128xf32, #tpu.memory_space<vmem_shared>>
      %dma_start3A_175 = tpu.memref_slice %arg10[%dma_start3A_164] : memref<2x!tpu.dma_semaphore, #tpu.memory_space<semaphore_mem>> -> memref<1x!tpu.dma_semaphore, #tpu.memory_space<semaphore_mem>>
      %dma_start3A_176 = tpu.memref_squeeze %dma_start3A_175 : memref<1x!tpu.dma_semaphore, #tpu.memory_space<semaphore_mem>> -> memref<!tpu.dma_semaphore, #tpu.memory_space<semaphore_mem>>
      tpu.enqueue_indirect_dma source(%dma_start3A_168 : memref<128x128xf32, #tpu.memory_space<vmem>>) target(%dma_start3A_174 : memref<10240x128xf32, #tpu.memory_space<vmem_shared>>) offsets(%dma_start3A_171 : memref<128xi32, #tpu.memory_space<vmem>>) semaphore(%dma_start3A_176 : memref<!tpu.dma_semaphore, #tpu.memory_space<semaphore_mem>>) {add = true}
      %add3A_177 = arith.constant 2 : i32
      %add3A_178 = arith.addi %mul3A_116, %add3A_177 : i32
      %add3A_179 = arith.constant 0 : i32
      %add3A_180 = arith.addi %add3A_178, %add3A_179 : i32
      %lt3A = arith.constant 80 : i32
      %lt3A_181 = arith.cmpi slt, %add3A_180, %lt3A : i32
      %convert_element_type3A = arith.extui %lt3A_181 : i1 to i32
      %cond3A = arith.constant 0 : i32
      %cond3A_182 = arith.cmpi ne, %convert_element_type3A, %cond3A : i32
      scf.if %cond3A_182 {
        %dma_wait3A_193 = arith.constant 0 : i32
        %dma_wait3A_194 = arith.constant 0 : i32
        %dma_wait3A_195 = arith.constant 0 : i32
        %dma_wait3A_196 = arith.constant 0 : i32
        %dma_wait3A_197 = arith.constant 0 : i32
        %dma_wait3A_198 = tpu.memref_slice %arg8[%dma_wait3A_193, %dma_wait3A_196, %dma_wait3A_197] : memref<2x128x128xf32, #tpu.memory_space<vmem>> -> memref<1x128x128xf32, #tpu.memory_space<vmem>>
        %dma_wait3A_199 = tpu.memref_squeeze %dma_wait3A_198 : memref<1x128x128xf32, #tpu.memory_space<vmem>> -> memref<128x128xf32, #tpu.memory_space<vmem>>
        %dma_wait3A_200 = arith.constant 0 : i32
        %dma_wait3A_201 = tpu.memref_slice %arg7[%dma_wait3A_194, %dma_wait3A_200] : memref<2x128xi32, #tpu.memory_space<vmem>> -> memref<1x128xi32, #tpu.memory_space<vmem>>
        %dma_wait3A_202 = tpu.memref_squeeze %dma_wait3A_201 : memref<1x128xi32, #tpu.memory_space<vmem>> -> memref<128xi32, #tpu.memory_space<vmem>>
        %dma_wait3A_203 = arith.constant 0 : i32
        %dma_wait3A_204 = arith.constant 0 : i32
        %dma_wait3A_205 = tpu.memref_slice %arg11[%dma_wait3A_203, %dma_wait3A_204] : memref<10240x128xf32, #tpu.memory_space<vmem_shared>> -> memref<10240x128xf32, #tpu.memory_space<vmem_shared>>
        %dma_wait3A_206 = tpu.memref_slice %arg10[%dma_wait3A_195] : memref<2x!tpu.dma_semaphore, #tpu.memory_space<semaphore_mem>> -> memref<1x!tpu.dma_semaphore, #tpu.memory_space<semaphore_mem>>
        %dma_wait3A_207 = tpu.memref_squeeze %dma_wait3A_206 : memref<1x!tpu.dma_semaphore, #tpu.memory_space<semaphore_mem>> -> memref<!tpu.dma_semaphore, #tpu.memory_space<semaphore_mem>>
        tpu.wait_indirect_dma semaphore(%dma_wait3A_207 : memref<!tpu.dma_semaphore, #tpu.memory_space<semaphore_mem>>) src(%dma_wait3A_199 : memref<128x128xf32, #tpu.memory_space<vmem>>) dst(%dma_wait3A_205 : memref<10240x128xf32, #tpu.memory_space<vmem_shared>>)
        %mul3A_208 = arith.constant 10240 : i32
        %mul3A_209 = arith.muli %add3A, %mul3A_208 : i32
        %add3A_210 = arith.constant 2 : i32
        %add3A_211 = arith.addi %mul3A_116, %add3A_210 : i32
        %add3A_212 = arith.constant 0 : i32
        %add3A_213 = arith.addi %add3A_211, %add3A_212 : i32
        %mul3A_214 = arith.constant 128 : i32
        %mul3A_215 = arith.muli %add3A_213, %mul3A_214 : i32
        %add3A_216 = arith.addi %mul3A_209, %mul3A_215 : i32
        %run_scoped3A_217 = arith.constant 0 : i32
        "tpu.region"() ({
          %run_scoped3A_234 = tpu.sem_alloc : memref<!tpu.dma_semaphore, #tpu.memory_space<semaphore_mem>>
          %dma_start3A_235 = arith.constant 0 : i32
          %dma_start3A_236 = tpu.memref_slice %arg6[%run_scoped3A_217, %dma_start3A_235] : memref<2x128xi32, #tpu.memory_space<vmem>> -> memref<1x128xi32, #tpu.memory_space<vmem>>
          %dma_start3A_237 = tpu.memref_squeeze %dma_start3A_236 : memref<1x128xi32, #tpu.memory_space<vmem>> -> memref<128xi32, #tpu.memory_space<vmem>>
          %dma_start3A_238 = tpu.memref_slice %arg3[%add3A_216] : memref<327680xi32, #tpu.memory_space<hbm>> -> memref<128xi32, #tpu.memory_space<hbm>>
          %dma_start3A_239 = arith.constant 0 : i32
          %dma_start3A_240 = tpu.memref_slice %arg6[%run_scoped3A_217, %dma_start3A_239] : memref<2x128xi32, #tpu.memory_space<vmem>> -> memref<1x128xi32, #tpu.memory_space<vmem>>
          %dma_start3A_241 = tpu.memref_squeeze %dma_start3A_240 : memref<1x128xi32, #tpu.memory_space<vmem>> -> memref<128xi32, #tpu.memory_space<vmem>>
          %dma_start3A_242 = tpu.memref_slice %arg3[%add3A_216] : memref<327680xi32, #tpu.memory_space<hbm>> -> memref<128xi32, #tpu.memory_space<hbm>>
          tpu.enqueue_dma source(%dma_start3A_242 : memref<128xi32, #tpu.memory_space<hbm>>) target(%dma_start3A_241 : memref<128xi32, #tpu.memory_space<vmem>>) target_semaphore(%run_scoped3A_234 : memref<!tpu.dma_semaphore, #tpu.memory_space<semaphore_mem>>)
          %dma_wait3A_243 = arith.constant 0 : i32
          %dma_wait3A_244 = tpu.memref_slice %arg6[%run_scoped3A_217, %dma_wait3A_243] : memref<2x128xi32, #tpu.memory_space<vmem>> -> memref<1x128xi32, #tpu.memory_space<vmem>>
          %dma_wait3A_245 = tpu.memref_squeeze %dma_wait3A_244 : memref<1x128xi32, #tpu.memory_space<vmem>> -> memref<128xi32, #tpu.memory_space<vmem>>
          %dma_wait3A_246 = tpu.memref_slice %arg3[%add3A_216] : memref<327680xi32, #tpu.memory_space<hbm>> -> memref<128xi32, #tpu.memory_space<hbm>>
          %dma_wait3A_247 = arith.constant 0 : i32
          %dma_wait3A_248 = tpu.memref_slice %arg6[%run_scoped3A_217, %dma_wait3A_247] : memref<2x128xi32, #tpu.memory_space<vmem>> -> memref<1x128xi32, #tpu.memory_space<vmem>>
          %dma_wait3A_249 = tpu.memref_squeeze %dma_wait3A_248 : memref<1x128xi32, #tpu.memory_space<vmem>> -> memref<128xi32, #tpu.memory_space<vmem>>
          %dma_wait3A_250 = tpu.memref_slice %arg3[%add3A_216] : memref<327680xi32, #tpu.memory_space<hbm>> -> memref<128xi32, #tpu.memory_space<hbm>>
          tpu.wait_dma2 semaphore(%run_scoped3A_234 : memref<!tpu.dma_semaphore, #tpu.memory_space<semaphore_mem>>) src(%dma_wait3A_250 : memref<128xi32, #tpu.memory_space<hbm>>) dst(%dma_wait3A_249 : memref<128xi32, #tpu.memory_space<vmem>>)
          tpu.yield
        }) : () -> ()
        %run_scoped3A_218 = arith.constant 0 : i32
        "tpu.region"() ({
          %run_scoped3A_234 = tpu.sem_alloc : memref<!tpu.dma_semaphore, #tpu.memory_space<semaphore_mem>>
          %dma_start3A_235 = arith.constant 0 : i32
          %dma_start3A_236 = tpu.memref_slice %arg7[%run_scoped3A_218, %dma_start3A_235] : memref<2x128xi32, #tpu.memory_space<vmem>> -> memref<1x128xi32, #tpu.memory_space<vmem>>
          %dma_start3A_237 = tpu.memref_squeeze %dma_start3A_236 : memref<1x128xi32, #tpu.memory_space<vmem>> -> memref<128xi32, #tpu.memory_space<vmem>>
          %dma_start3A_238 = tpu.memref_slice %arg4[%add3A_216] : memref<327680xi32, #tpu.memory_space<hbm>> -> memref<128xi32, #tpu.memory_space<hbm>>
          %dma_start3A_239 = arith.constant 0 : i32
          %dma_start3A_240 = tpu.memref_slice %arg7[%run_scoped3A_218, %dma_start3A_239] : memref<2x128xi32, #tpu.memory_space<vmem>> -> memref<1x128xi32, #tpu.memory_space<vmem>>
          %dma_start3A_241 = tpu.memref_squeeze %dma_start3A_240 : memref<1x128xi32, #tpu.memory_space<vmem>> -> memref<128xi32, #tpu.memory_space<vmem>>
          %dma_start3A_242 = tpu.memref_slice %arg4[%add3A_216] : memref<327680xi32, #tpu.memory_space<hbm>> -> memref<128xi32, #tpu.memory_space<hbm>>
          tpu.enqueue_dma source(%dma_start3A_242 : memref<128xi32, #tpu.memory_space<hbm>>) target(%dma_start3A_241 : memref<128xi32, #tpu.memory_space<vmem>>) target_semaphore(%run_scoped3A_234 : memref<!tpu.dma_semaphore, #tpu.memory_space<semaphore_mem>>)
          %dma_wait3A_243 = arith.constant 0 : i32
          %dma_wait3A_244 = tpu.memref_slice %arg7[%run_scoped3A_218, %dma_wait3A_243] : memref<2x128xi32, #tpu.memory_space<vmem>> -> memref<1x128xi32, #tpu.memory_space<vmem>>
          %dma_wait3A_245 = tpu.memref_squeeze %dma_wait3A_244 : memref<1x128xi32, #tpu.memory_space<vmem>> -> memref<128xi32, #tpu.memory_space<vmem>>
          %dma_wait3A_246 = tpu.memref_slice %arg4[%add3A_216] : memref<327680xi32, #tpu.memory_space<hbm>> -> memref<128xi32, #tpu.memory_space<hbm>>
          %dma_wait3A_247 = arith.constant 0 : i32
          %dma_wait3A_248 = tpu.memref_slice %arg7[%run_scoped3A_218, %dma_wait3A_247] : memref<2x128xi32, #tpu.memory_space<vmem>> -> memref<1x128xi32, #tpu.memory_space<vmem>>
          %dma_wait3A_249 = tpu.memref_squeeze %dma_wait3A_248 : memref<1x128xi32, #tpu.memory_space<vmem>> -> memref<128xi32, #tpu.memory_space<vmem>>
          %dma_wait3A_250 = tpu.memref_slice %arg4[%add3A_216] : memref<327680xi32, #tpu.memory_space<hbm>> -> memref<128xi32, #tpu.memory_space<hbm>>
          tpu.wait_dma2 semaphore(%run_scoped3A_234 : memref<!tpu.dma_semaphore, #tpu.memory_space<semaphore_mem>>) src(%dma_wait3A_250 : memref<128xi32, #tpu.memory_space<hbm>>) dst(%dma_wait3A_249 : memref<128xi32, #tpu.memory_space<vmem>>)
          tpu.yield
        }) : () -> ()
        %dma_start3A_219 = arith.constant 0 : i32
        %dma_start3A_220 = arith.constant 0 : i32
        %dma_start3A_221 = arith.constant 0 : i32
        %dma_start3A_222 = arith.constant 0 : i32
        %dma_start3A_223 = arith.constant 0 : i32
        %dma_start3A_224 = tpu.memref_slice %arg8[%dma_start3A_220, %dma_start3A_222, %dma_start3A_223] : memref<2x128x128xf32, #tpu.memory_space<vmem>> -> memref<1x128x128xf32, #tpu.memory_space<vmem>>
        %dma_start3A_225 = tpu.memref_squeeze %dma_start3A_224 : memref<1x128x128xf32, #tpu.memory_space<vmem>> -> memref<128x128xf32, #tpu.memory_space<vmem>>
        %dma_start3A_226 = arith.constant 0 : i32
        %dma_start3A_227 = tpu.memref_slice %arg6[%dma_start3A_219, %dma_start3A_226] : memref<2x128xi32, #tpu.memory_space<vmem>> -> memref<1x128xi32, #tpu.memory_space<vmem>>
        %dma_start3A_228 = tpu.memref_squeeze %dma_start3A_227 : memref<1x128xi32, #tpu.memory_space<vmem>> -> memref<128xi32, #tpu.memory_space<vmem>>
        %dma_start3A_229 = arith.constant 0 : i32
        %dma_start3A_230 = arith.constant 0 : i32
        %dma_start3A_231 = tpu.memref_slice %arg2[%dma_start3A_229, %dma_start3A_230] : memref<10000x128xf32, #tpu.memory_space<hbm>> -> memref<10000x128xf32, #tpu.memory_space<hbm>>
        %dma_start3A_232 = tpu.memref_slice %arg9[%dma_start3A_221] : memref<2x!tpu.dma_semaphore, #tpu.memory_space<semaphore_mem>> -> memref<1x!tpu.dma_semaphore, #tpu.memory_space<semaphore_mem>>
        %dma_start3A_233 = tpu.memref_squeeze %dma_start3A_232 : memref<1x!tpu.dma_semaphore, #tpu.memory_space<semaphore_mem>> -> memref<!tpu.dma_semaphore, #tpu.memory_space<semaphore_mem>>
        tpu.enqueue_indirect_dma source(%dma_start3A_231 : memref<10000x128xf32, #tpu.memory_space<hbm>>) target(%dma_start3A_225 : memref<128x128xf32, #tpu.memory_space<vmem>>) offsets(%dma_start3A_228 : memref<128xi32, #tpu.memory_space<vmem>>) semaphore(%dma_start3A_233 : memref<!tpu.dma_semaphore, #tpu.memory_space<semaphore_mem>>)
      } else {
      }
      %add3A_183 = arith.constant 2 : i32
      %add3A_184 = arith.addi %mul3A_116, %add3A_183 : i32
      %add3A_185 = arith.constant 1 : i32
      %add3A_186 = arith.addi %add3A_184, %add3A_185 : i32
      %lt3A_187 = arith.constant 80 : i32
      %lt3A_188 = arith.cmpi slt, %add3A_186, %lt3A_187 : i32
      %convert_element_type3A_189 = arith.extui %lt3A_188 : i1 to i32
      %cond3A_190 = arith.constant 0 : i32
      %cond3A_191 = arith.cmpi ne, %convert_element_type3A_189, %cond3A_190 : i32
      scf.if %cond3A_191 {
        %dma_wait3A_193 = arith.constant 1 : i32
        %dma_wait3A_194 = arith.constant 1 : i32
        %dma_wait3A_195 = arith.constant 1 : i32
        %dma_wait3A_196 = arith.constant 0 : i32
        %dma_wait3A_197 = arith.constant 0 : i32
        %dma_wait3A_198 = tpu.memref_slice %arg8[%dma_wait3A_193, %dma_wait3A_196, %dma_wait3A_197] : memref<2x128x128xf32, #tpu.memory_space<vmem>> -> memref<1x128x128xf32, #tpu.memory_space<vmem>>
        %dma_wait3A_199 = tpu.memref_squeeze %dma_wait3A_198 : memref<1x128x128xf32, #tpu.memory_space<vmem>> -> memref<128x128xf32, #tpu.memory_space<vmem>>
        %dma_wait3A_200 = arith.constant 0 : i32
        %dma_wait3A_201 = tpu.memref_slice %arg7[%dma_wait3A_194, %dma_wait3A_200] : memref<2x128xi32, #tpu.memory_space<vmem>> -> memref<1x128xi32, #tpu.memory_space<vmem>>
        %dma_wait3A_202 = tpu.memref_squeeze %dma_wait3A_201 : memref<1x128xi32, #tpu.memory_space<vmem>> -> memref<128xi32, #tpu.memory_space<vmem>>
        %dma_wait3A_203 = arith.constant 0 : i32
        %dma_wait3A_204 = arith.constant 0 : i32
        %dma_wait3A_205 = tpu.memref_slice %arg11[%dma_wait3A_203, %dma_wait3A_204] : memref<10240x128xf32, #tpu.memory_space<vmem_shared>> -> memref<10240x128xf32, #tpu.memory_space<vmem_shared>>
        %dma_wait3A_206 = tpu.memref_slice %arg10[%dma_wait3A_195] : memref<2x!tpu.dma_semaphore, #tpu.memory_space<semaphore_mem>> -> memref<1x!tpu.dma_semaphore, #tpu.memory_space<semaphore_mem>>
        %dma_wait3A_207 = tpu.memref_squeeze %dma_wait3A_206 : memref<1x!tpu.dma_semaphore, #tpu.memory_space<semaphore_mem>> -> memref<!tpu.dma_semaphore, #tpu.memory_space<semaphore_mem>>
        tpu.wait_indirect_dma semaphore(%dma_wait3A_207 : memref<!tpu.dma_semaphore, #tpu.memory_space<semaphore_mem>>) src(%dma_wait3A_199 : memref<128x128xf32, #tpu.memory_space<vmem>>) dst(%dma_wait3A_205 : memref<10240x128xf32, #tpu.memory_space<vmem_shared>>)
        %mul3A_208 = arith.constant 10240 : i32
        %mul3A_209 = arith.muli %add3A, %mul3A_208 : i32
        %add3A_210 = arith.constant 2 : i32
        %add3A_211 = arith.addi %mul3A_116, %add3A_210 : i32
        %add3A_212 = arith.constant 1 : i32
        %add3A_213 = arith.addi %add3A_211, %add3A_212 : i32
        %mul3A_214 = arith.constant 128 : i32
        %mul3A_215 = arith.muli %add3A_213, %mul3A_214 : i32
        %add3A_216 = arith.addi %mul3A_209, %mul3A_215 : i32
        %run_scoped3A_217 = arith.constant 1 : i32
        "tpu.region"() ({
          %run_scoped3A_234 = tpu.sem_alloc : memref<!tpu.dma_semaphore, #tpu.memory_space<semaphore_mem>>
          %dma_start3A_235 = arith.constant 0 : i32
          %dma_start3A_236 = tpu.memref_slice %arg6[%run_scoped3A_217, %dma_start3A_235] : memref<2x128xi32, #tpu.memory_space<vmem>> -> memref<1x128xi32, #tpu.memory_space<vmem>>
          %dma_start3A_237 = tpu.memref_squeeze %dma_start3A_236 : memref<1x128xi32, #tpu.memory_space<vmem>> -> memref<128xi32, #tpu.memory_space<vmem>>
          %dma_start3A_238 = tpu.memref_slice %arg3[%add3A_216] : memref<327680xi32, #tpu.memory_space<hbm>> -> memref<128xi32, #tpu.memory_space<hbm>>
          %dma_start3A_239 = arith.constant 0 : i32
          %dma_start3A_240 = tpu.memref_slice %arg6[%run_scoped3A_217, %dma_start3A_239] : memref<2x128xi32, #tpu.memory_space<vmem>> -> memref<1x128xi32, #tpu.memory_space<vmem>>
          %dma_start3A_241 = tpu.memref_squeeze %dma_start3A_240 : memref<1x128xi32, #tpu.memory_space<vmem>> -> memref<128xi32, #tpu.memory_space<vmem>>
          %dma_start3A_242 = tpu.memref_slice %arg3[%add3A_216] : memref<327680xi32, #tpu.memory_space<hbm>> -> memref<128xi32, #tpu.memory_space<hbm>>
          tpu.enqueue_dma source(%dma_start3A_242 : memref<128xi32, #tpu.memory_space<hbm>>) target(%dma_start3A_241 : memref<128xi32, #tpu.memory_space<vmem>>) target_semaphore(%run_scoped3A_234 : memref<!tpu.dma_semaphore, #tpu.memory_space<semaphore_mem>>)
          %dma_wait3A_243 = arith.constant 0 : i32
          %dma_wait3A_244 = tpu.memref_slice %arg6[%run_scoped3A_217, %dma_wait3A_243] : memref<2x128xi32, #tpu.memory_space<vmem>> -> memref<1x128xi32, #tpu.memory_space<vmem>>
          %dma_wait3A_245 = tpu.memref_squeeze %dma_wait3A_244 : memref<1x128xi32, #tpu.memory_space<vmem>> -> memref<128xi32, #tpu.memory_space<vmem>>
          %dma_wait3A_246 = tpu.memref_slice %arg3[%add3A_216] : memref<327680xi32, #tpu.memory_space<hbm>> -> memref<128xi32, #tpu.memory_space<hbm>>
          %dma_wait3A_247 = arith.constant 0 : i32
          %dma_wait3A_248 = tpu.memref_slice %arg6[%run_scoped3A_217, %dma_wait3A_247] : memref<2x128xi32, #tpu.memory_space<vmem>> -> memref<1x128xi32, #tpu.memory_space<vmem>>
          %dma_wait3A_249 = tpu.memref_squeeze %dma_wait3A_248 : memref<1x128xi32, #tpu.memory_space<vmem>> -> memref<128xi32, #tpu.memory_space<vmem>>
          %dma_wait3A_250 = tpu.memref_slice %arg3[%add3A_216] : memref<327680xi32, #tpu.memory_space<hbm>> -> memref<128xi32, #tpu.memory_space<hbm>>
          tpu.wait_dma2 semaphore(%run_scoped3A_234 : memref<!tpu.dma_semaphore, #tpu.memory_space<semaphore_mem>>) src(%dma_wait3A_250 : memref<128xi32, #tpu.memory_space<hbm>>) dst(%dma_wait3A_249 : memref<128xi32, #tpu.memory_space<vmem>>)
          tpu.yield
        }) : () -> ()
        %run_scoped3A_218 = arith.constant 1 : i32
        "tpu.region"() ({
          %run_scoped3A_234 = tpu.sem_alloc : memref<!tpu.dma_semaphore, #tpu.memory_space<semaphore_mem>>
          %dma_start3A_235 = arith.constant 0 : i32
          %dma_start3A_236 = tpu.memref_slice %arg7[%run_scoped3A_218, %dma_start3A_235] : memref<2x128xi32, #tpu.memory_space<vmem>> -> memref<1x128xi32, #tpu.memory_space<vmem>>
          %dma_start3A_237 = tpu.memref_squeeze %dma_start3A_236 : memref<1x128xi32, #tpu.memory_space<vmem>> -> memref<128xi32, #tpu.memory_space<vmem>>
          %dma_start3A_238 = tpu.memref_slice %arg4[%add3A_216] : memref<327680xi32, #tpu.memory_space<hbm>> -> memref<128xi32, #tpu.memory_space<hbm>>
          %dma_start3A_239 = arith.constant 0 : i32
          %dma_start3A_240 = tpu.memref_slice %arg7[%run_scoped3A_218, %dma_start3A_239] : memref<2x128xi32, #tpu.memory_space<vmem>> -> memref<1x128xi32, #tpu.memory_space<vmem>>
          %dma_start3A_241 = tpu.memref_squeeze %dma_start3A_240 : memref<1x128xi32, #tpu.memory_space<vmem>> -> memref<128xi32, #tpu.memory_space<vmem>>
          %dma_start3A_242 = tpu.memref_slice %arg4[%add3A_216] : memref<327680xi32, #tpu.memory_space<hbm>> -> memref<128xi32, #tpu.memory_space<hbm>>
          tpu.enqueue_dma source(%dma_start3A_242 : memref<128xi32, #tpu.memory_space<hbm>>) target(%dma_start3A_241 : memref<128xi32, #tpu.memory_space<vmem>>) target_semaphore(%run_scoped3A_234 : memref<!tpu.dma_semaphore, #tpu.memory_space<semaphore_mem>>)
          %dma_wait3A_243 = arith.constant 0 : i32
          %dma_wait3A_244 = tpu.memref_slice %arg7[%run_scoped3A_218, %dma_wait3A_243] : memref<2x128xi32, #tpu.memory_space<vmem>> -> memref<1x128xi32, #tpu.memory_space<vmem>>
          %dma_wait3A_245 = tpu.memref_squeeze %dma_wait3A_244 : memref<1x128xi32, #tpu.memory_space<vmem>> -> memref<128xi32, #tpu.memory_space<vmem>>
          %dma_wait3A_246 = tpu.memref_slice %arg4[%add3A_216] : memref<327680xi32, #tpu.memory_space<hbm>> -> memref<128xi32, #tpu.memory_space<hbm>>
          %dma_wait3A_247 = arith.constant 0 : i32
          %dma_wait3A_248 = tpu.memref_slice %arg7[%run_scoped3A_218, %dma_wait3A_247] : memref<2x128xi32, #tpu.memory_space<vmem>> -> memref<1x128xi32, #tpu.memory_space<vmem>>
          %dma_wait3A_249 = tpu.memref_squeeze %dma_wait3A_248 : memref<1x128xi32, #tpu.memory_space<vmem>> -> memref<128xi32, #tpu.memory_space<vmem>>
          %dma_wait3A_250 = tpu.memref_slice %arg4[%add3A_216] : memref<327680xi32, #tpu.memory_space<hbm>> -> memref<128xi32, #tpu.memory_space<hbm>>
          tpu.wait_dma2 semaphore(%run_scoped3A_234 : memref<!tpu.dma_semaphore, #tpu.memory_space<semaphore_mem>>) src(%dma_wait3A_250 : memref<128xi32, #tpu.memory_space<hbm>>) dst(%dma_wait3A_249 : memref<128xi32, #tpu.memory_space<vmem>>)
          tpu.yield
        }) : () -> ()
        %dma_start3A_219 = arith.constant 1 : i32
        %dma_start3A_220 = arith.constant 1 : i32
        %dma_start3A_221 = arith.constant 1 : i32
        %dma_start3A_222 = arith.constant 0 : i32
        %dma_start3A_223 = arith.constant 0 : i32
        %dma_start3A_224 = tpu.memref_slice %arg8[%dma_start3A_220, %dma_start3A_222, %dma_start3A_223] : memref<2x128x128xf32, #tpu.memory_space<vmem>> -> memref<1x128x128xf32, #tpu.memory_space<vmem>>
        %dma_start3A_225 = tpu.memref_squeeze %dma_start3A_224 : memref<1x128x128xf32, #tpu.memory_space<vmem>> -> memref<128x128xf32, #tpu.memory_space<vmem>>
        %dma_start3A_226 = arith.constant 0 : i32
        %dma_start3A_227 = tpu.memref_slice %arg6[%dma_start3A_219, %dma_start3A_226] : memref<2x128xi32, #tpu.memory_space<vmem>> -> memref<1x128xi32, #tpu.memory_space<vmem>>
        %dma_start3A_228 = tpu.memref_squeeze %dma_start3A_227 : memref<1x128xi32, #tpu.memory_space<vmem>> -> memref<128xi32, #tpu.memory_space<vmem>>
        %dma_start3A_229 = arith.constant 0 : i32
        %dma_start3A_230 = arith.constant 0 : i32
        %dma_start3A_231 = tpu.memref_slice %arg2[%dma_start3A_229, %dma_start3A_230] : memref<10000x128xf32, #tpu.memory_space<hbm>> -> memref<10000x128xf32, #tpu.memory_space<hbm>>
        %dma_start3A_232 = tpu.memref_slice %arg9[%dma_start3A_221] : memref<2x!tpu.dma_semaphore, #tpu.memory_space<semaphore_mem>> -> memref<1x!tpu.dma_semaphore, #tpu.memory_space<semaphore_mem>>
        %dma_start3A_233 = tpu.memref_squeeze %dma_start3A_232 : memref<1x!tpu.dma_semaphore, #tpu.memory_space<semaphore_mem>> -> memref<!tpu.dma_semaphore, #tpu.memory_space<semaphore_mem>>
        tpu.enqueue_indirect_dma source(%dma_start3A_231 : memref<10000x128xf32, #tpu.memory_space<hbm>>) target(%dma_start3A_225 : memref<128x128xf32, #tpu.memory_space<vmem>>) offsets(%dma_start3A_228 : memref<128xi32, #tpu.memory_space<vmem>>) semaphore(%dma_start3A_233 : memref<!tpu.dma_semaphore, #tpu.memory_space<semaphore_mem>>)
      } else {
      }
      %scan3A_192 = arith.constant 0 : i32
      scf.yield %scan3A_192 : i32
    }
    %scan3A_78 = arith.constant 40 : i32
    %dma_wait3A = arith.constant 0 : i32
    %dma_wait3A_79 = arith.constant 0 : i32
    %dma_wait3A_80 = arith.constant 0 : i32
    %dma_wait3A_81 = arith.constant 0 : i32
    %dma_wait3A_82 = arith.constant 0 : i32
    %dma_wait3A_83 = tpu.memref_slice %arg8[%dma_wait3A, %dma_wait3A_81, %dma_wait3A_82] : memref<2x128x128xf32, #tpu.memory_space<vmem>> -> memref<1x128x128xf32, #tpu.memory_space<vmem>>
    %dma_wait3A_84 = tpu.memref_squeeze %dma_wait3A_83 : memref<1x128x128xf32, #tpu.memory_space<vmem>> -> memref<128x128xf32, #tpu.memory_space<vmem>>
    %dma_wait3A_85 = arith.constant 0 : i32
    %dma_wait3A_86 = tpu.memref_slice %arg7[%dma_wait3A_79, %dma_wait3A_85] : memref<2x128xi32, #tpu.memory_space<vmem>> -> memref<1x128xi32, #tpu.memory_space<vmem>>
    %dma_wait3A_87 = tpu.memref_squeeze %dma_wait3A_86 : memref<1x128xi32, #tpu.memory_space<vmem>> -> memref<128xi32, #tpu.memory_space<vmem>>
    %dma_wait3A_88 = arith.constant 0 : i32
    %dma_wait3A_89 = arith.constant 0 : i32
    %dma_wait3A_90 = tpu.memref_slice %arg11[%dma_wait3A_88, %dma_wait3A_89] : memref<10240x128xf32, #tpu.memory_space<vmem_shared>> -> memref<10240x128xf32, #tpu.memory_space<vmem_shared>>
    %dma_wait3A_91 = tpu.memref_slice %arg10[%dma_wait3A_80] : memref<2x!tpu.dma_semaphore, #tpu.memory_space<semaphore_mem>> -> memref<1x!tpu.dma_semaphore, #tpu.memory_space<semaphore_mem>>
    %dma_wait3A_92 = tpu.memref_squeeze %dma_wait3A_91 : memref<1x!tpu.dma_semaphore, #tpu.memory_space<semaphore_mem>> -> memref<!tpu.dma_semaphore, #tpu.memory_space<semaphore_mem>>
    tpu.wait_indirect_dma semaphore(%dma_wait3A_92 : memref<!tpu.dma_semaphore, #tpu.memory_space<semaphore_mem>>) src(%dma_wait3A_84 : memref<128x128xf32, #tpu.memory_space<vmem>>) dst(%dma_wait3A_90 : memref<10240x128xf32, #tpu.memory_space<vmem_shared>>)
    %dma_wait3A_93 = arith.constant 1 : i32
    %dma_wait3A_94 = arith.constant 1 : i32
    %dma_wait3A_95 = arith.constant 1 : i32
    %dma_wait3A_96 = arith.constant 0 : i32
    %dma_wait3A_97 = arith.constant 0 : i32
    %dma_wait3A_98 = tpu.memref_slice %arg8[%dma_wait3A_93, %dma_wait3A_96, %dma_wait3A_97] : memref<2x128x128xf32, #tpu.memory_space<vmem>> -> memref<1x128x128xf32, #tpu.memory_space<vmem>>
    %dma_wait3A_99 = tpu.memref_squeeze %dma_wait3A_98 : memref<1x128x128xf32, #tpu.memory_space<vmem>> -> memref<128x128xf32, #tpu.memory_space<vmem>>
    %dma_wait3A_100 = arith.constant 0 : i32
    %dma_wait3A_101 = tpu.memref_slice %arg7[%dma_wait3A_94, %dma_wait3A_100] : memref<2x128xi32, #tpu.memory_space<vmem>> -> memref<1x128xi32, #tpu.memory_space<vmem>>
    %dma_wait3A_102 = tpu.memref_squeeze %dma_wait3A_101 : memref<1x128xi32, #tpu.memory_space<vmem>> -> memref<128xi32, #tpu.memory_space<vmem>>
    %dma_wait3A_103 = arith.constant 0 : i32
    %dma_wait3A_104 = arith.constant 0 : i32
    %dma_wait3A_105 = tpu.memref_slice %arg11[%dma_wait3A_103, %dma_wait3A_104] : memref<10240x128xf32, #tpu.memory_space<vmem_shared>> -> memref<10240x128xf32, #tpu.memory_space<vmem_shared>>
    %dma_wait3A_106 = tpu.memref_slice %arg10[%dma_wait3A_95] : memref<2x!tpu.dma_semaphore, #tpu.memory_space<semaphore_mem>> -> memref<1x!tpu.dma_semaphore, #tpu.memory_space<semaphore_mem>>
    %dma_wait3A_107 = tpu.memref_squeeze %dma_wait3A_106 : memref<1x!tpu.dma_semaphore, #tpu.memory_space<semaphore_mem>> -> memref<!tpu.dma_semaphore, #tpu.memory_space<semaphore_mem>>
    tpu.wait_indirect_dma semaphore(%dma_wait3A_107 : memref<!tpu.dma_semaphore, #tpu.memory_space<semaphore_mem>>) src(%dma_wait3A_99 : memref<128x128xf32, #tpu.memory_space<vmem>>) dst(%dma_wait3A_105 : memref<10240x128xf32, #tpu.memory_space<vmem_shared>>)
    %barrier3A_108 = arith.constant 0 : index
    tpu.barrier barrier_id(%barrier3A_108)
    %mul3A_109 = arith.constant 640 : i32
    %mul3A_110 = arith.muli %arg1, %mul3A_109 : i32
    %mul3A_111 = arith.constant 640 : i32
    %mul3A_112 = arith.muli %arg1, %mul3A_111 : i32
    "tpu.region"() ({
      %run_scoped3A_113 = tpu.sem_alloc : memref<!tpu.dma_semaphore, #tpu.memory_space<semaphore_mem>>
      %dma_start3A_114 = arith.constant 0 : i32
      %dma_start3A_115 = tpu.memref_slice %arg5[%arg0, %mul3A_112, %dma_start3A_114] : memref<2x10240x128xf32, #tpu.memory_space<hbm>> -> memref<1x640x128xf32, #tpu.memory_space<hbm>>
      %dma_start3A_116 = tpu.memref_squeeze %dma_start3A_115 : memref<1x640x128xf32, #tpu.memory_space<hbm>> -> memref<640x128xf32, #tpu.memory_space<hbm>>
      %dma_start3A_117 = arith.constant 0 : i32
      %dma_start3A_118 = tpu.memref_slice %arg11[%mul3A_110, %dma_start3A_117] : memref<10240x128xf32, #tpu.memory_space<vmem_shared>> -> memref<640x128xf32, #tpu.memory_space<vmem_shared>>
      tpu.enqueue_dma source(%dma_start3A_118 : memref<640x128xf32, #tpu.memory_space<vmem_shared>>) target(%dma_start3A_116 : memref<640x128xf32, #tpu.memory_space<hbm>>) target_semaphore(%run_scoped3A_113 : memref<!tpu.dma_semaphore, #tpu.memory_space<semaphore_mem>>)
      %dma_wait3A_119 = arith.constant 0 : i32
      %dma_wait3A_120 = tpu.memref_slice %arg5[%arg0, %mul3A_112, %dma_wait3A_119] : memref<2x10240x128xf32, #tpu.memory_space<hbm>> -> memref<1x640x128xf32, #tpu.memory_space<hbm>>
      %dma_wait3A_121 = tpu.memref_squeeze %dma_wait3A_120 : memref<1x640x128xf32, #tpu.memory_space<hbm>> -> memref<640x128xf32, #tpu.memory_space<hbm>>
      %dma_wait3A_122 = arith.constant 0 : i32
      %dma_wait3A_123 = tpu.memref_slice %arg11[%mul3A_110, %dma_wait3A_122] : memref<10240x128xf32, #tpu.memory_space<vmem_shared>> -> memref<640x128xf32, #tpu.memory_space<vmem_shared>>
      tpu.wait_dma2 semaphore(%run_scoped3A_113 : memref<!tpu.dma_semaphore, #tpu.memory_space<semaphore_mem>>) src(%dma_wait3A_123 : memref<640x128xf32, #tpu.memory_space<vmem_shared>>) dst(%dma_wait3A_121 : memref<640x128xf32, #tpu.memory_space<hbm>>)
      tpu.yield
    }) : () -> ()
    return
  }
}

#map = affine_map<(d0, d1) -> (0, 0)>
#map1 = affine_map<(d0, d1) -> (0)>
#map2 = affine_map<(d0, d1) -> (0, 0, 0)>
module attributes {stable_mosaic.version = 14 : i64} {
  func.func @_sc_pass_body(%arg0: i32, %arg1: i32, %arg2: memref<10000x128xf32, #tpu.memory_space<hbm>>, %arg3: memref<327680xi32, #tpu.memory_space<hbm>>, %arg4: memref<327680xi32, #tpu.memory_space<hbm>>, %arg5: memref<2x10240x128xf32, #tpu.memory_space<hbm>>, %arg6: memref<2x128xi32, #tpu.memory_space<vmem>>, %arg7: memref<2x128xi32, #tpu.memory_space<vmem>>, %arg8: memref<2x128x128xf32, #tpu.memory_space<vmem>>, %arg9: memref<2x!tpu.dma_semaphore, #tpu.memory_space<semaphore_mem>>, %arg10: memref<2x!tpu.dma_semaphore, #tpu.memory_space<semaphore_mem>>, %arg11: memref<10240x128xf32, #tpu.memory_space<vmem_shared>>) attributes {dimension_semantics = [#tpu.dimension_semantics<core_parallel>, #tpu.dimension_semantics<subcore_parallel>], iteration_bounds = array<i64: 2, 16>, scalar_prefetch = 0 : i64, scratch_operands = 6 : i64, tpu.core_type = #tpu.core_type<sc_vector_subcore>, window_params = [{transform_indices = #map}, {transform_indices = #map1}, {transform_indices = #map1}, {transform_indices = #map2}]} {
    %mul3A = arith.constant 2 : i32
    %mul3A_0 = arith.muli %arg1, %mul3A : i32
    %add3A = arith.addi %mul3A_0, %arg0 : i32
    %scan3A = arith.constant 0 : i32
    %scan3A_1 = arith.constant 0 : i32
    %scan3A_2 = arith.constant 128 : i32
    %scan3A_3 = arith.addi %scan3A_1, %scan3A_2 : i32
    %scan3A_4 = arith.constant 1 : i32
    %scan3A_5 = scf.for %scan3A_113 = %scan3A_1 to %scan3A_3 step %scan3A_4 iter_args(%scan3A_114 = %scan3A) -> (i32)  : i32 {
      %broadcast_in_dim3A = arith.constant 0.000000e+00 : f32
      %broadcast_in_dim3A_115 = vector.broadcast %broadcast_in_dim3A : f32 to vector<16xf32>
      %swap3A = arith.constant 0 : i32
      %swap3A_116 = arith.index_cast %swap3A : i32 to index
      %swap3A_117 = arith.index_cast %scan3A_113 : i32 to index
      %swap3A_118 = arith.constant 0 : index
      %swap3A_119 = tpu.vector_load %arg8[%swap3A_116, %swap3A_117, %swap3A_118] {strides = array<i32>} : memref<2x128x128xf32, #tpu.memory_space<vmem>>, vector<1x1x16xf32>,
      %swap3A_120 = vector.shape_cast %swap3A_119 : vector<1x1x16xf32> to vector<16xf32>
      %swap3A_121 = vector.shape_cast %broadcast_in_dim3A_115 : vector<16xf32> to vector<1x1x16xf32>
      tpu.vector_store %arg8[%swap3A_116, %swap3A_117, %swap3A_118], %swap3A_121 {strides = array<i32>} : memref<2x128x128xf32, #tpu.memory_space<vmem>>, vector<1x1x16xf32>,
      %broadcast_in_dim3A_122 = arith.constant 0.000000e+00 : f32
      %broadcast_in_dim3A_123 = vector.broadcast %broadcast_in_dim3A_122 : f32 to vector<16xf32>
      %swap3A_124 = arith.constant 0 : i32
      %swap3A_125 = arith.index_cast %swap3A_124 : i32 to index
      %swap3A_126 = arith.index_cast %scan3A_113 : i32 to index
      %swap3A_127 = arith.constant 16 : index
      %swap3A_128 = tpu.vector_load %arg8[%swap3A_125, %swap3A_126, %swap3A_127] {strides = array<i32>} : memref<2x128x128xf32, #tpu.memory_space<vmem>>, vector<1x1x16xf32>,
      %swap3A_129 = vector.shape_cast %swap3A_128 : vector<1x1x16xf32> to vector<16xf32>
      %swap3A_130 = vector.shape_cast %broadcast_in_dim3A_123 : vector<16xf32> to vector<1x1x16xf32>
      tpu.vector_store %arg8[%swap3A_125, %swap3A_126, %swap3A_127], %swap3A_130 {strides = array<i32>} : memref<2x128x128xf32, #tpu.memory_space<vmem>>, vector<1x1x16xf32>,
      %broadcast_in_dim3A_131 = arith.constant 0.000000e+00 : f32
      %broadcast_in_dim3A_132 = vector.broadcast %broadcast_in_dim3A_131 : f32 to vector<16xf32>
      %swap3A_133 = arith.constant 0 : i32
      %swap3A_134 = arith.index_cast %swap3A_133 : i32 to index
      %swap3A_135 = arith.index_cast %scan3A_113 : i32 to index
      %swap3A_136 = arith.constant 32 : index
      %swap3A_137 = tpu.vector_load %arg8[%swap3A_134, %swap3A_135, %swap3A_136] {strides = array<i32>} : memref<2x128x128xf32, #tpu.memory_space<vmem>>, vector<1x1x16xf32>,
      %swap3A_138 = vector.shape_cast %swap3A_137 : vector<1x1x16xf32> to vector<16xf32>
      %swap3A_139 = vector.shape_cast %broadcast_in_dim3A_132 : vector<16xf32> to vector<1x1x16xf32>
      tpu.vector_store %arg8[%swap3A_134, %swap3A_135, %swap3A_136], %swap3A_139 {strides = array<i32>} : memref<2x128x128xf32, #tpu.memory_space<vmem>>, vector<1x1x16xf32>,
      %broadcast_in_dim3A_140 = arith.constant 0.000000e+00 : f32
      %broadcast_in_dim3A_141 = vector.broadcast %broadcast_in_dim3A_140 : f32 to vector<16xf32>
      %swap3A_142 = arith.constant 0 : i32
      %swap3A_143 = arith.index_cast %swap3A_142 : i32 to index
      %swap3A_144 = arith.index_cast %scan3A_113 : i32 to index
      %swap3A_145 = arith.constant 48 : index
      %swap3A_146 = tpu.vector_load %arg8[%swap3A_143, %swap3A_144, %swap3A_145] {strides = array<i32>} : memref<2x128x128xf32, #tpu.memory_space<vmem>>, vector<1x1x16xf32>,
      %swap3A_147 = vector.shape_cast %swap3A_146 : vector<1x1x16xf32> to vector<16xf32>
      %swap3A_148 = vector.shape_cast %broadcast_in_dim3A_141 : vector<16xf32> to vector<1x1x16xf32>
      tpu.vector_store %arg8[%swap3A_143, %swap3A_144, %swap3A_145], %swap3A_148 {strides = array<i32>} : memref<2x128x128xf32, #tpu.memory_space<vmem>>, vector<1x1x16xf32>,
      %broadcast_in_dim3A_149 = arith.constant 0.000000e+00 : f32
      %broadcast_in_dim3A_150 = vector.broadcast %broadcast_in_dim3A_149 : f32 to vector<16xf32>
      %swap3A_151 = arith.constant 0 : i32
      %swap3A_152 = arith.index_cast %swap3A_151 : i32 to index
      %swap3A_153 = arith.index_cast %scan3A_113 : i32 to index
      %swap3A_154 = arith.constant 64 : index
      %swap3A_155 = tpu.vector_load %arg8[%swap3A_152, %swap3A_153, %swap3A_154] {strides = array<i32>} : memref<2x128x128xf32, #tpu.memory_space<vmem>>, vector<1x1x16xf32>,
      %swap3A_156 = vector.shape_cast %swap3A_155 : vector<1x1x16xf32> to vector<16xf32>
      %swap3A_157 = vector.shape_cast %broadcast_in_dim3A_150 : vector<16xf32> to vector<1x1x16xf32>
      tpu.vector_store %arg8[%swap3A_152, %swap3A_153, %swap3A_154], %swap3A_157 {strides = array<i32>} : memref<2x128x128xf32, #tpu.memory_space<vmem>>, vector<1x1x16xf32>,
      %broadcast_in_dim3A_158 = arith.constant 0.000000e+00 : f32
      %broadcast_in_dim3A_159 = vector.broadcast %broadcast_in_dim3A_158 : f32 to vector<16xf32>
      %swap3A_160 = arith.constant 0 : i32
      %swap3A_161 = arith.index_cast %swap3A_160 : i32 to index
      %swap3A_162 = arith.index_cast %scan3A_113 : i32 to index
      %swap3A_163 = arith.constant 80 : index
      %swap3A_164 = tpu.vector_load %arg8[%swap3A_161, %swap3A_162, %swap3A_163] {strides = array<i32>} : memref<2x128x128xf32, #tpu.memory_space<vmem>>, vector<1x1x16xf32>,
      %swap3A_165 = vector.shape_cast %swap3A_164 : vector<1x1x16xf32> to vector<16xf32>
      %swap3A_166 = vector.shape_cast %broadcast_in_dim3A_159 : vector<16xf32> to vector<1x1x16xf32>
      tpu.vector_store %arg8[%swap3A_161, %swap3A_162, %swap3A_163], %swap3A_166 {strides = array<i32>} : memref<2x128x128xf32, #tpu.memory_space<vmem>>, vector<1x1x16xf32>,
      %broadcast_in_dim3A_167 = arith.constant 0.000000e+00 : f32
      %broadcast_in_dim3A_168 = vector.broadcast %broadcast_in_dim3A_167 : f32 to vector<16xf32>
      %swap3A_169 = arith.constant 0 : i32
      %swap3A_170 = arith.index_cast %swap3A_169 : i32 to index
      %swap3A_171 = arith.index_cast %scan3A_113 : i32 to index
      %swap3A_172 = arith.constant 96 : index
      %swap3A_173 = tpu.vector_load %arg8[%swap3A_170, %swap3A_171, %swap3A_172] {strides = array<i32>} : memref<2x128x128xf32, #tpu.memory_space<vmem>>, vector<1x1x16xf32>,
      %swap3A_174 = vector.shape_cast %swap3A_173 : vector<1x1x16xf32> to vector<16xf32>
      %swap3A_175 = vector.shape_cast %broadcast_in_dim3A_168 : vector<16xf32> to vector<1x1x16xf32>
      tpu.vector_store %arg8[%swap3A_170, %swap3A_171, %swap3A_172], %swap3A_175 {strides = array<i32>} : memref<2x128x128xf32, #tpu.memory_space<vmem>>, vector<1x1x16xf32>,
      %broadcast_in_dim3A_176 = arith.constant 0.000000e+00 : f32
      %broadcast_in_dim3A_177 = vector.broadcast %broadcast_in_dim3A_176 : f32 to vector<16xf32>
      %swap3A_178 = arith.constant 0 : i32
      %swap3A_179 = arith.index_cast %swap3A_178 : i32 to index
      %swap3A_180 = arith.index_cast %scan3A_113 : i32 to index
      %swap3A_181 = arith.constant 112 : index
      %swap3A_182 = tpu.vector_load %arg8[%swap3A_179, %swap3A_180, %swap3A_181] {strides = array<i32>} : memref<2x128x128xf32, #tpu.memory_space<vmem>>, vector<1x1x16xf32>,
      %swap3A_183 = vector.shape_cast %swap3A_182 : vector<1x1x16xf32> to vector<16xf32>
      %swap3A_184 = vector.shape_cast %broadcast_in_dim3A_177 : vector<16xf32> to vector<1x1x16xf32>
      tpu.vector_store %arg8[%swap3A_179, %swap3A_180, %swap3A_181], %swap3A_184 {strides = array<i32>} : memref<2x128x128xf32, #tpu.memory_space<vmem>>, vector<1x1x16xf32>,
      %scan3A_185 = arith.constant 0 : i32
      scf.yield %scan3A_185 : i32
    }
    %scan3A_6 = arith.constant 128 : i32
    %mul3A_7 = arith.constant 640 : i32
    %mul3A_8 = arith.muli %arg1, %mul3A_7 : i32
    %add3A_9 = arith.constant 0 : i32
    %add3A_10 = arith.addi %mul3A_8, %add3A_9 : i32
    %run_scoped3A = arith.constant 0 : i32
    "tpu.region"() ({
      %run_scoped3A_113 = tpu.sem_alloc : memref<!tpu.dma_semaphore, #tpu.memory_space<semaphore_mem>>
      %dma_start3A_114 = arith.constant 0 : i32
      %dma_start3A_115 = arith.constant 0 : i32
      %dma_start3A_116 = tpu.memref_slice %arg8[%run_scoped3A, %dma_start3A_114, %dma_start3A_115] : memref<2x128x128xf32, #tpu.memory_space<vmem>> -> memref<1x128x128xf32, #tpu.memory_space<vmem>>
      %dma_start3A_117 = tpu.memref_squeeze %dma_start3A_116 : memref<1x128x128xf32, #tpu.memory_space<vmem>> -> memref<128x128xf32, #tpu.memory_space<vmem>>
      %dma_start3A_118 = arith.constant 0 : i32
      %dma_start3A_119 = tpu.memref_slice %arg11[%add3A_10, %dma_start3A_118] : memref<10240x128xf32, #tpu.memory_space<vmem_shared>> -> memref<128x128xf32, #tpu.memory_space<vmem_shared>>
      %dma_start3A_120 = arith.constant 0 : i32
      %dma_start3A_121 = tpu.memref_slice %arg11[%add3A_10, %dma_start3A_120] : memref<10240x128xf32, #tpu.memory_space<vmem_shared>> -> memref<128x128xf32, #tpu.memory_space<vmem_shared>>
      %dma_start3A_122 = arith.constant 0 : i32
      %dma_start3A_123 = arith.constant 0 : i32
      %dma_start3A_124 = tpu.memref_slice %arg8[%run_scoped3A, %dma_start3A_122, %dma_start3A_123] : memref<2x128x128xf32, #tpu.memory_space<vmem>> -> memref<1x128x128xf32, #tpu.memory_space<vmem>>
      %dma_start3A_125 = tpu.memref_squeeze %dma_start3A_124 : memref<1x128x128xf32, #tpu.memory_space<vmem>> -> memref<128x128xf32, #tpu.memory_space<vmem>>
      tpu.enqueue_dma source(%dma_start3A_125 : memref<128x128xf32, #tpu.memory_space<vmem>>) target(%dma_start3A_121 : memref<128x128xf32, #tpu.memory_space<vmem_shared>>) target_semaphore(%run_scoped3A_113 : memref<!tpu.dma_semaphore, #tpu.memory_space<semaphore_mem>>)
      %dma_wait3A_126 = arith.constant 0 : i32
      %dma_wait3A_127 = arith.constant 0 : i32
      %dma_wait3A_128 = tpu.memref_slice %arg8[%run_scoped3A, %dma_wait3A_126, %dma_wait3A_127] : memref<2x128x128xf32, #tpu.memory_space<vmem>> -> memref<1x128x128xf32, #tpu.memory_space<vmem>>
      %dma_wait3A_129 = tpu.memref_squeeze %dma_wait3A_128 : memref<1x128x128xf32, #tpu.memory_space<vmem>> -> memref<128x128xf32, #tpu.memory_space<vmem>>
      %dma_wait3A_130 = arith.constant 0 : i32
      %dma_wait3A_131 = tpu.memref_slice %arg11[%add3A_10, %dma_wait3A_130] : memref<10240x128xf32, #tpu.memory_space<vmem_shared>> -> memref<128x128xf32, #tpu.memory_space<vmem_shared>>
      %dma_wait3A_132 = arith.constant 0 : i32
      %dma_wait3A_133 = tpu.memref_slice %arg11[%add3A_10, %dma_wait3A_132] : memref<10240x128xf32, #tpu.memory_space<vmem_shared>> -> memref<128x128xf32, #tpu.memory_space<vmem_shared>>
      %dma_wait3A_134 = arith.constant 0 : i32
      %dma_wait3A_135 = arith.constant 0 : i32
      %dma_wait3A_136 = tpu.memref_slice %arg8[%run_scoped3A, %dma_wait3A_134, %dma_wait3A_135] : memref<2x128x128xf32, #tpu.memory_space<vmem>> -> memref<1x128x128xf32, #tpu.memory_space<vmem>>
      %dma_wait3A_137 = tpu.memref_squeeze %dma_wait3A_136 : memref<1x128x128xf32, #tpu.memory_space<vmem>> -> memref<128x128xf32, #tpu.memory_space<vmem>>
      tpu.wait_dma2 semaphore(%run_scoped3A_113 : memref<!tpu.dma_semaphore, #tpu.memory_space<semaphore_mem>>) src(%dma_wait3A_137 : memref<128x128xf32, #tpu.memory_space<vmem>>) dst(%dma_wait3A_133 : memref<128x128xf32, #tpu.memory_space<vmem_shared>>)
      tpu.yield
    }) : () -> ()
    %mul3A_11 = arith.constant 640 : i32
    %mul3A_12 = arith.muli %arg1, %mul3A_11 : i32
    %add3A_13 = arith.constant 128 : i32
    %add3A_14 = arith.addi %mul3A_12, %add3A_13 : i32
    %run_scoped3A_15 = arith.constant 0 : i32
    "tpu.region"() ({
      %run_scoped3A_113 = tpu.sem_alloc : memref<!tpu.dma_semaphore, #tpu.memory_space<semaphore_mem>>
      %dma_start3A_114 = arith.constant 0 : i32
      %dma_start3A_115 = arith.constant 0 : i32
      %dma_start3A_116 = tpu.memref_slice %arg8[%run_scoped3A_15, %dma_start3A_114, %dma_start3A_115] : memref<2x128x128xf32, #tpu.memory_space<vmem>> -> memref<1x128x128xf32, #tpu.memory_space<vmem>>
      %dma_start3A_117 = tpu.memref_squeeze %dma_start3A_116 : memref<1x128x128xf32, #tpu.memory_space<vmem>> -> memref<128x128xf32, #tpu.memory_space<vmem>>
      %dma_start3A_118 = arith.constant 0 : i32
      %dma_start3A_119 = tpu.memref_slice %arg11[%add3A_14, %dma_start3A_118] : memref<10240x128xf32, #tpu.memory_space<vmem_shared>> -> memref<128x128xf32, #tpu.memory_space<vmem_shared>>
      %dma_start3A_120 = arith.constant 0 : i32
      %dma_start3A_121 = tpu.memref_slice %arg11[%add3A_14, %dma_start3A_120] : memref<10240x128xf32, #tpu.memory_space<vmem_shared>> -> memref<128x128xf32, #tpu.memory_space<vmem_shared>>
      %dma_start3A_122 = arith.constant 0 : i32
      %dma_start3A_123 = arith.constant 0 : i32
      %dma_start3A_124 = tpu.memref_slice %arg8[%run_scoped3A_15, %dma_start3A_122, %dma_start3A_123] : memref<2x128x128xf32, #tpu.memory_space<vmem>> -> memref<1x128x128xf32, #tpu.memory_space<vmem>>
      %dma_start3A_125 = tpu.memref_squeeze %dma_start3A_124 : memref<1x128x128xf32, #tpu.memory_space<vmem>> -> memref<128x128xf32, #tpu.memory_space<vmem>>
      tpu.enqueue_dma source(%dma_start3A_125 : memref<128x128xf32, #tpu.memory_space<vmem>>) target(%dma_start3A_121 : memref<128x128xf32, #tpu.memory_space<vmem_shared>>) target_semaphore(%run_scoped3A_113 : memref<!tpu.dma_semaphore, #tpu.memory_space<semaphore_mem>>)
      %dma_wait3A_126 = arith.constant 0 : i32
      %dma_wait3A_127 = arith.constant 0 : i32
      %dma_wait3A_128 = tpu.memref_slice %arg8[%run_scoped3A_15, %dma_wait3A_126, %dma_wait3A_127] : memref<2x128x128xf32, #tpu.memory_space<vmem>> -> memref<1x128x128xf32, #tpu.memory_space<vmem>>
      %dma_wait3A_129 = tpu.memref_squeeze %dma_wait3A_128 : memref<1x128x128xf32, #tpu.memory_space<vmem>> -> memref<128x128xf32, #tpu.memory_space<vmem>>
      %dma_wait3A_130 = arith.constant 0 : i32
      %dma_wait3A_131 = tpu.memref_slice %arg11[%add3A_14, %dma_wait3A_130] : memref<10240x128xf32, #tpu.memory_space<vmem_shared>> -> memref<128x128xf32, #tpu.memory_space<vmem_shared>>
      %dma_wait3A_132 = arith.constant 0 : i32
      %dma_wait3A_133 = tpu.memref_slice %arg11[%add3A_14, %dma_wait3A_132] : memref<10240x128xf32, #tpu.memory_space<vmem_shared>> -> memref<128x128xf32, #tpu.memory_space<vmem_shared>>
      %dma_wait3A_134 = arith.constant 0 : i32
      %dma_wait3A_135 = arith.constant 0 : i32
      %dma_wait3A_136 = tpu.memref_slice %arg8[%run_scoped3A_15, %dma_wait3A_134, %dma_wait3A_135] : memref<2x128x128xf32, #tpu.memory_space<vmem>> -> memref<1x128x128xf32, #tpu.memory_space<vmem>>
      %dma_wait3A_137 = tpu.memref_squeeze %dma_wait3A_136 : memref<1x128x128xf32, #tpu.memory_space<vmem>> -> memref<128x128xf32, #tpu.memory_space<vmem>>
      tpu.wait_dma2 semaphore(%run_scoped3A_113 : memref<!tpu.dma_semaphore, #tpu.memory_space<semaphore_mem>>) src(%dma_wait3A_137 : memref<128x128xf32, #tpu.memory_space<vmem>>) dst(%dma_wait3A_133 : memref<128x128xf32, #tpu.memory_space<vmem_shared>>)
      tpu.yield
    }) : () -> ()
    %mul3A_16 = arith.constant 640 : i32
    %mul3A_17 = arith.muli %arg1, %mul3A_16 : i32
    %add3A_18 = arith.constant 256 : i32
    %add3A_19 = arith.addi %mul3A_17, %add3A_18 : i32
    %run_scoped3A_20 = arith.constant 0 : i32
    "tpu.region"() ({
      %run_scoped3A_113 = tpu.sem_alloc : memref<!tpu.dma_semaphore, #tpu.memory_space<semaphore_mem>>
      %dma_start3A_114 = arith.constant 0 : i32
      %dma_start3A_115 = arith.constant 0 : i32
      %dma_start3A_116 = tpu.memref_slice %arg8[%run_scoped3A_20, %dma_start3A_114, %dma_start3A_115] : memref<2x128x128xf32, #tpu.memory_space<vmem>> -> memref<1x128x128xf32, #tpu.memory_space<vmem>>
      %dma_start3A_117 = tpu.memref_squeeze %dma_start3A_116 : memref<1x128x128xf32, #tpu.memory_space<vmem>> -> memref<128x128xf32, #tpu.memory_space<vmem>>
      %dma_start3A_118 = arith.constant 0 : i32
      %dma_start3A_119 = tpu.memref_slice %arg11[%add3A_19, %dma_start3A_118] : memref<10240x128xf32, #tpu.memory_space<vmem_shared>> -> memref<128x128xf32, #tpu.memory_space<vmem_shared>>
      %dma_start3A_120 = arith.constant 0 : i32
      %dma_start3A_121 = tpu.memref_slice %arg11[%add3A_19, %dma_start3A_120] : memref<10240x128xf32, #tpu.memory_space<vmem_shared>> -> memref<128x128xf32, #tpu.memory_space<vmem_shared>>
      %dma_start3A_122 = arith.constant 0 : i32
      %dma_start3A_123 = arith.constant 0 : i32
      %dma_start3A_124 = tpu.memref_slice %arg8[%run_scoped3A_20, %dma_start3A_122, %dma_start3A_123] : memref<2x128x128xf32, #tpu.memory_space<vmem>> -> memref<1x128x128xf32, #tpu.memory_space<vmem>>
      %dma_start3A_125 = tpu.memref_squeeze %dma_start3A_124 : memref<1x128x128xf32, #tpu.memory_space<vmem>> -> memref<128x128xf32, #tpu.memory_space<vmem>>
      tpu.enqueue_dma source(%dma_start3A_125 : memref<128x128xf32, #tpu.memory_space<vmem>>) target(%dma_start3A_121 : memref<128x128xf32, #tpu.memory_space<vmem_shared>>) target_semaphore(%run_scoped3A_113 : memref<!tpu.dma_semaphore, #tpu.memory_space<semaphore_mem>>)
      %dma_wait3A_126 = arith.constant 0 : i32
      %dma_wait3A_127 = arith.constant 0 : i32
      %dma_wait3A_128 = tpu.memref_slice %arg8[%run_scoped3A_20, %dma_wait3A_126, %dma_wait3A_127] : memref<2x128x128xf32, #tpu.memory_space<vmem>> -> memref<1x128x128xf32, #tpu.memory_space<vmem>>
      %dma_wait3A_129 = tpu.memref_squeeze %dma_wait3A_128 : memref<1x128x128xf32, #tpu.memory_space<vmem>> -> memref<128x128xf32, #tpu.memory_space<vmem>>
      %dma_wait3A_130 = arith.constant 0 : i32
      %dma_wait3A_131 = tpu.memref_slice %arg11[%add3A_19, %dma_wait3A_130] : memref<10240x128xf32, #tpu.memory_space<vmem_shared>> -> memref<128x128xf32, #tpu.memory_space<vmem_shared>>
      %dma_wait3A_132 = arith.constant 0 : i32
      %dma_wait3A_133 = tpu.memref_slice %arg11[%add3A_19, %dma_wait3A_132] : memref<10240x128xf32, #tpu.memory_space<vmem_shared>> -> memref<128x128xf32, #tpu.memory_space<vmem_shared>>
      %dma_wait3A_134 = arith.constant 0 : i32
      %dma_wait3A_135 = arith.constant 0 : i32
      %dma_wait3A_136 = tpu.memref_slice %arg8[%run_scoped3A_20, %dma_wait3A_134, %dma_wait3A_135] : memref<2x128x128xf32, #tpu.memory_space<vmem>> -> memref<1x128x128xf32, #tpu.memory_space<vmem>>
      %dma_wait3A_137 = tpu.memref_squeeze %dma_wait3A_136 : memref<1x128x128xf32, #tpu.memory_space<vmem>> -> memref<128x128xf32, #tpu.memory_space<vmem>>
      tpu.wait_dma2 semaphore(%run_scoped3A_113 : memref<!tpu.dma_semaphore, #tpu.memory_space<semaphore_mem>>) src(%dma_wait3A_137 : memref<128x128xf32, #tpu.memory_space<vmem>>) dst(%dma_wait3A_133 : memref<128x128xf32, #tpu.memory_space<vmem_shared>>)
      tpu.yield
    }) : () -> ()
    %mul3A_21 = arith.constant 640 : i32
    %mul3A_22 = arith.muli %arg1, %mul3A_21 : i32
    %add3A_23 = arith.constant 384 : i32
    %add3A_24 = arith.addi %mul3A_22, %add3A_23 : i32
    %run_scoped3A_25 = arith.constant 0 : i32
    "tpu.region"() ({
      %run_scoped3A_113 = tpu.sem_alloc : memref<!tpu.dma_semaphore, #tpu.memory_space<semaphore_mem>>
      %dma_start3A_114 = arith.constant 0 : i32
      %dma_start3A_115 = arith.constant 0 : i32
      %dma_start3A_116 = tpu.memref_slice %arg8[%run_scoped3A_25, %dma_start3A_114, %dma_start3A_115] : memref<2x128x128xf32, #tpu.memory_space<vmem>> -> memref<1x128x128xf32, #tpu.memory_space<vmem>>
      %dma_start3A_117 = tpu.memref_squeeze %dma_start3A_116 : memref<1x128x128xf32, #tpu.memory_space<vmem>> -> memref<128x128xf32, #tpu.memory_space<vmem>>
      %dma_start3A_118 = arith.constant 0 : i32
      %dma_start3A_119 = tpu.memref_slice %arg11[%add3A_24, %dma_start3A_118] : memref<10240x128xf32, #tpu.memory_space<vmem_shared>> -> memref<128x128xf32, #tpu.memory_space<vmem_shared>>
      %dma_start3A_120 = arith.constant 0 : i32
      %dma_start3A_121 = tpu.memref_slice %arg11[%add3A_24, %dma_start3A_120] : memref<10240x128xf32, #tpu.memory_space<vmem_shared>> -> memref<128x128xf32, #tpu.memory_space<vmem_shared>>
      %dma_start3A_122 = arith.constant 0 : i32
      %dma_start3A_123 = arith.constant 0 : i32
      %dma_start3A_124 = tpu.memref_slice %arg8[%run_scoped3A_25, %dma_start3A_122, %dma_start3A_123] : memref<2x128x128xf32, #tpu.memory_space<vmem>> -> memref<1x128x128xf32, #tpu.memory_space<vmem>>
      %dma_start3A_125 = tpu.memref_squeeze %dma_start3A_124 : memref<1x128x128xf32, #tpu.memory_space<vmem>> -> memref<128x128xf32, #tpu.memory_space<vmem>>
      tpu.enqueue_dma source(%dma_start3A_125 : memref<128x128xf32, #tpu.memory_space<vmem>>) target(%dma_start3A_121 : memref<128x128xf32, #tpu.memory_space<vmem_shared>>) target_semaphore(%run_scoped3A_113 : memref<!tpu.dma_semaphore, #tpu.memory_space<semaphore_mem>>)
      %dma_wait3A_126 = arith.constant 0 : i32
      %dma_wait3A_127 = arith.constant 0 : i32
      %dma_wait3A_128 = tpu.memref_slice %arg8[%run_scoped3A_25, %dma_wait3A_126, %dma_wait3A_127] : memref<2x128x128xf32, #tpu.memory_space<vmem>> -> memref<1x128x128xf32, #tpu.memory_space<vmem>>
      %dma_wait3A_129 = tpu.memref_squeeze %dma_wait3A_128 : memref<1x128x128xf32, #tpu.memory_space<vmem>> -> memref<128x128xf32, #tpu.memory_space<vmem>>
      %dma_wait3A_130 = arith.constant 0 : i32
      %dma_wait3A_131 = tpu.memref_slice %arg11[%add3A_24, %dma_wait3A_130] : memref<10240x128xf32, #tpu.memory_space<vmem_shared>> -> memref<128x128xf32, #tpu.memory_space<vmem_shared>>
      %dma_wait3A_132 = arith.constant 0 : i32
      %dma_wait3A_133 = tpu.memref_slice %arg11[%add3A_24, %dma_wait3A_132] : memref<10240x128xf32, #tpu.memory_space<vmem_shared>> -> memref<128x128xf32, #tpu.memory_space<vmem_shared>>
      %dma_wait3A_134 = arith.constant 0 : i32
      %dma_wait3A_135 = arith.constant 0 : i32
      %dma_wait3A_136 = tpu.memref_slice %arg8[%run_scoped3A_25, %dma_wait3A_134, %dma_wait3A_135] : memref<2x128x128xf32, #tpu.memory_space<vmem>> -> memref<1x128x128xf32, #tpu.memory_space<vmem>>
      %dma_wait3A_137 = tpu.memref_squeeze %dma_wait3A_136 : memref<1x128x128xf32, #tpu.memory_space<vmem>> -> memref<128x128xf32, #tpu.memory_space<vmem>>
      tpu.wait_dma2 semaphore(%run_scoped3A_113 : memref<!tpu.dma_semaphore, #tpu.memory_space<semaphore_mem>>) src(%dma_wait3A_137 : memref<128x128xf32, #tpu.memory_space<vmem>>) dst(%dma_wait3A_133 : memref<128x128xf32, #tpu.memory_space<vmem_shared>>)
      tpu.yield
    }) : () -> ()
    %mul3A_26 = arith.constant 640 : i32
    %mul3A_27 = arith.muli %arg1, %mul3A_26 : i32
    %add3A_28 = arith.constant 512 : i32
    %add3A_29 = arith.addi %mul3A_27, %add3A_28 : i32
    %run_scoped3A_30 = arith.constant 0 : i32
    "tpu.region"() ({
      %run_scoped3A_113 = tpu.sem_alloc : memref<!tpu.dma_semaphore, #tpu.memory_space<semaphore_mem>>
      %dma_start3A_114 = arith.constant 0 : i32
      %dma_start3A_115 = arith.constant 0 : i32
      %dma_start3A_116 = tpu.memref_slice %arg8[%run_scoped3A_30, %dma_start3A_114, %dma_start3A_115] : memref<2x128x128xf32, #tpu.memory_space<vmem>> -> memref<1x128x128xf32, #tpu.memory_space<vmem>>
      %dma_start3A_117 = tpu.memref_squeeze %dma_start3A_116 : memref<1x128x128xf32, #tpu.memory_space<vmem>> -> memref<128x128xf32, #tpu.memory_space<vmem>>
      %dma_start3A_118 = arith.constant 0 : i32
      %dma_start3A_119 = tpu.memref_slice %arg11[%add3A_29, %dma_start3A_118] : memref<10240x128xf32, #tpu.memory_space<vmem_shared>> -> memref<128x128xf32, #tpu.memory_space<vmem_shared>>
      %dma_start3A_120 = arith.constant 0 : i32
      %dma_start3A_121 = tpu.memref_slice %arg11[%add3A_29, %dma_start3A_120] : memref<10240x128xf32, #tpu.memory_space<vmem_shared>> -> memref<128x128xf32, #tpu.memory_space<vmem_shared>>
      %dma_start3A_122 = arith.constant 0 : i32
      %dma_start3A_123 = arith.constant 0 : i32
      %dma_start3A_124 = tpu.memref_slice %arg8[%run_scoped3A_30, %dma_start3A_122, %dma_start3A_123] : memref<2x128x128xf32, #tpu.memory_space<vmem>> -> memref<1x128x128xf32, #tpu.memory_space<vmem>>
      %dma_start3A_125 = tpu.memref_squeeze %dma_start3A_124 : memref<1x128x128xf32, #tpu.memory_space<vmem>> -> memref<128x128xf32, #tpu.memory_space<vmem>>
      tpu.enqueue_dma source(%dma_start3A_125 : memref<128x128xf32, #tpu.memory_space<vmem>>) target(%dma_start3A_121 : memref<128x128xf32, #tpu.memory_space<vmem_shared>>) target_semaphore(%run_scoped3A_113 : memref<!tpu.dma_semaphore, #tpu.memory_space<semaphore_mem>>)
      %dma_wait3A_126 = arith.constant 0 : i32
      %dma_wait3A_127 = arith.constant 0 : i32
      %dma_wait3A_128 = tpu.memref_slice %arg8[%run_scoped3A_30, %dma_wait3A_126, %dma_wait3A_127] : memref<2x128x128xf32, #tpu.memory_space<vmem>> -> memref<1x128x128xf32, #tpu.memory_space<vmem>>
      %dma_wait3A_129 = tpu.memref_squeeze %dma_wait3A_128 : memref<1x128x128xf32, #tpu.memory_space<vmem>> -> memref<128x128xf32, #tpu.memory_space<vmem>>
      %dma_wait3A_130 = arith.constant 0 : i32
      %dma_wait3A_131 = tpu.memref_slice %arg11[%add3A_29, %dma_wait3A_130] : memref<10240x128xf32, #tpu.memory_space<vmem_shared>> -> memref<128x128xf32, #tpu.memory_space<vmem_shared>>
      %dma_wait3A_132 = arith.constant 0 : i32
      %dma_wait3A_133 = tpu.memref_slice %arg11[%add3A_29, %dma_wait3A_132] : memref<10240x128xf32, #tpu.memory_space<vmem_shared>> -> memref<128x128xf32, #tpu.memory_space<vmem_shared>>
      %dma_wait3A_134 = arith.constant 0 : i32
      %dma_wait3A_135 = arith.constant 0 : i32
      %dma_wait3A_136 = tpu.memref_slice %arg8[%run_scoped3A_30, %dma_wait3A_134, %dma_wait3A_135] : memref<2x128x128xf32, #tpu.memory_space<vmem>> -> memref<1x128x128xf32, #tpu.memory_space<vmem>>
      %dma_wait3A_137 = tpu.memref_squeeze %dma_wait3A_136 : memref<1x128x128xf32, #tpu.memory_space<vmem>> -> memref<128x128xf32, #tpu.memory_space<vmem>>
      tpu.wait_dma2 semaphore(%run_scoped3A_113 : memref<!tpu.dma_semaphore, #tpu.memory_space<semaphore_mem>>) src(%dma_wait3A_137 : memref<128x128xf32, #tpu.memory_space<vmem>>) dst(%dma_wait3A_133 : memref<128x128xf32, #tpu.memory_space<vmem_shared>>)
      tpu.yield
    }) : () -> ()
    %barrier3A = arith.constant 0 : index
    tpu.barrier barrier_id(%barrier3A)
    %mul3A_31 = arith.constant 10240 : i32
    %mul3A_32 = arith.muli %add3A, %mul3A_31 : i32
    %add3A_33 = arith.constant 0 : i32
    %add3A_34 = arith.addi %mul3A_32, %add3A_33 : i32
    %run_scoped3A_35 = arith.constant 0 : i32
    "tpu.region"() ({
      %run_scoped3A_113 = tpu.sem_alloc : memref<!tpu.dma_semaphore, #tpu.memory_space<semaphore_mem>>
      %dma_start3A_114 = arith.constant 0 : i32
      %dma_start3A_115 = tpu.memref_slice %arg6[%run_scoped3A_35, %dma_start3A_114] : memref<2x128xi32, #tpu.memory_space<vmem>> -> memref<1x128xi32, #tpu.memory_space<vmem>>
      %dma_start3A_116 = tpu.memref_squeeze %dma_start3A_115 : memref<1x128xi32, #tpu.memory_space<vmem>> -> memref<128xi32, #tpu.memory_space<vmem>>
      %dma_start3A_117 = tpu.memref_slice %arg3[%add3A_34] : memref<327680xi32, #tpu.memory_space<hbm>> -> memref<128xi32, #tpu.memory_space<hbm>>
      %dma_start3A_118 = arith.constant 0 : i32
      %dma_start3A_119 = tpu.memref_slice %arg6[%run_scoped3A_35, %dma_start3A_118] : memref<2x128xi32, #tpu.memory_space<vmem>> -> memref<1x128xi32, #tpu.memory_space<vmem>>
      %dma_start3A_120 = tpu.memref_squeeze %dma_start3A_119 : memref<1x128xi32, #tpu.memory_space<vmem>> -> memref<128xi32, #tpu.memory_space<vmem>>
      %dma_start3A_121 = tpu.memref_slice %arg3[%add3A_34] : memref<327680xi32, #tpu.memory_space<hbm>> -> memref<128xi32, #tpu.memory_space<hbm>>
      tpu.enqueue_dma source(%dma_start3A_121 : memref<128xi32, #tpu.memory_space<hbm>>) target(%dma_start3A_120 : memref<128xi32, #tpu.memory_space<vmem>>) target_semaphore(%run_scoped3A_113 : memref<!tpu.dma_semaphore, #tpu.memory_space<semaphore_mem>>)
      %dma_wait3A_122 = arith.constant 0 : i32
      %dma_wait3A_123 = tpu.memref_slice %arg6[%run_scoped3A_35, %dma_wait3A_122] : memref<2x128xi32, #tpu.memory_space<vmem>> -> memref<1x128xi32, #tpu.memory_space<vmem>>
      %dma_wait3A_124 = tpu.memref_squeeze %dma_wait3A_123 : memref<1x128xi32, #tpu.memory_space<vmem>> -> memref<128xi32, #tpu.memory_space<vmem>>
      %dma_wait3A_125 = tpu.memref_slice %arg3[%add3A_34] : memref<327680xi32, #tpu.memory_space<hbm>> -> memref<128xi32, #tpu.memory_space<hbm>>
      %dma_wait3A_126 = arith.constant 0 : i32
      %dma_wait3A_127 = tpu.memref_slice %arg6[%run_scoped3A_35, %dma_wait3A_126] : memref<2x128xi32, #tpu.memory_space<vmem>> -> memref<1x128xi32, #tpu.memory_space<vmem>>
      %dma_wait3A_128 = tpu.memref_squeeze %dma_wait3A_127 : memref<1x128xi32, #tpu.memory_space<vmem>> -> memref<128xi32, #tpu.memory_space<vmem>>
      %dma_wait3A_129 = tpu.memref_slice %arg3[%add3A_34] : memref<327680xi32, #tpu.memory_space<hbm>> -> memref<128xi32, #tpu.memory_space<hbm>>
      tpu.wait_dma2 semaphore(%run_scoped3A_113 : memref<!tpu.dma_semaphore, #tpu.memory_space<semaphore_mem>>) src(%dma_wait3A_129 : memref<128xi32, #tpu.memory_space<hbm>>) dst(%dma_wait3A_128 : memref<128xi32, #tpu.memory_space<vmem>>)
      tpu.yield
    }) : () -> ()
    %run_scoped3A_36 = arith.constant 0 : i32
    "tpu.region"() ({
      %run_scoped3A_113 = tpu.sem_alloc : memref<!tpu.dma_semaphore, #tpu.memory_space<semaphore_mem>>
      %dma_start3A_114 = arith.constant 0 : i32
      %dma_start3A_115 = tpu.memref_slice %arg7[%run_scoped3A_36, %dma_start3A_114] : memref<2x128xi32, #tpu.memory_space<vmem>> -> memref<1x128xi32, #tpu.memory_space<vmem>>
      %dma_start3A_116 = tpu.memref_squeeze %dma_start3A_115 : memref<1x128xi32, #tpu.memory_space<vmem>> -> memref<128xi32, #tpu.memory_space<vmem>>
      %dma_start3A_117 = tpu.memref_slice %arg4[%add3A_34] : memref<327680xi32, #tpu.memory_space<hbm>> -> memref<128xi32, #tpu.memory_space<hbm>>
      %dma_start3A_118 = arith.constant 0 : i32
      %dma_start3A_119 = tpu.memref_slice %arg7[%run_scoped3A_36, %dma_start3A_118] : memref<2x128xi32, #tpu.memory_space<vmem>> -> memref<1x128xi32, #tpu.memory_space<vmem>>
      %dma_start3A_120 = tpu.memref_squeeze %dma_start3A_119 : memref<1x128xi32, #tpu.memory_space<vmem>> -> memref<128xi32, #tpu.memory_space<vmem>>
      %dma_start3A_121 = tpu.memref_slice %arg4[%add3A_34] : memref<327680xi32, #tpu.memory_space<hbm>> -> memref<128xi32, #tpu.memory_space<hbm>>
      tpu.enqueue_dma source(%dma_start3A_121 : memref<128xi32, #tpu.memory_space<hbm>>) target(%dma_start3A_120 : memref<128xi32, #tpu.memory_space<vmem>>) target_semaphore(%run_scoped3A_113 : memref<!tpu.dma_semaphore, #tpu.memory_space<semaphore_mem>>)
      %dma_wait3A_122 = arith.constant 0 : i32
      %dma_wait3A_123 = tpu.memref_slice %arg7[%run_scoped3A_36, %dma_wait3A_122] : memref<2x128xi32, #tpu.memory_space<vmem>> -> memref<1x128xi32, #tpu.memory_space<vmem>>
      %dma_wait3A_124 = tpu.memref_squeeze %dma_wait3A_123 : memref<1x128xi32, #tpu.memory_space<vmem>> -> memref<128xi32, #tpu.memory_space<vmem>>
      %dma_wait3A_125 = tpu.memref_slice %arg4[%add3A_34] : memref<327680xi32, #tpu.memory_space<hbm>> -> memref<128xi32, #tpu.memory_space<hbm>>
      %dma_wait3A_126 = arith.constant 0 : i32
      %dma_wait3A_127 = tpu.memref_slice %arg7[%run_scoped3A_36, %dma_wait3A_126] : memref<2x128xi32, #tpu.memory_space<vmem>> -> memref<1x128xi32, #tpu.memory_space<vmem>>
      %dma_wait3A_128 = tpu.memref_squeeze %dma_wait3A_127 : memref<1x128xi32, #tpu.memory_space<vmem>> -> memref<128xi32, #tpu.memory_space<vmem>>
      %dma_wait3A_129 = tpu.memref_slice %arg4[%add3A_34] : memref<327680xi32, #tpu.memory_space<hbm>> -> memref<128xi32, #tpu.memory_space<hbm>>
      tpu.wait_dma2 semaphore(%run_scoped3A_113 : memref<!tpu.dma_semaphore, #tpu.memory_space<semaphore_mem>>) src(%dma_wait3A_129 : memref<128xi32, #tpu.memory_space<hbm>>) dst(%dma_wait3A_128 : memref<128xi32, #tpu.memory_space<vmem>>)
      tpu.yield
    }) : () -> ()
    %dma_start3A = arith.constant 0 : i32
    %dma_start3A_37 = arith.constant 0 : i32
    %dma_start3A_38 = arith.constant 0 : i32
    %dma_start3A_39 = arith.constant 0 : i32
    %dma_start3A_40 = arith.constant 0 : i32
    %dma_start3A_41 = tpu.memref_slice %arg8[%dma_start3A_37, %dma_start3A_39, %dma_start3A_40] : memref<2x128x128xf32, #tpu.memory_space<vmem>> -> memref<1x128x128xf32, #tpu.memory_space<vmem>>
    %dma_start3A_42 = tpu.memref_squeeze %dma_start3A_41 : memref<1x128x128xf32, #tpu.memory_space<vmem>> -> memref<128x128xf32, #tpu.memory_space<vmem>>
    %dma_start3A_43 = arith.constant 0 : i32
    %dma_start3A_44 = tpu.memref_slice %arg6[%dma_start3A, %dma_start3A_43] : memref<2x128xi32, #tpu.memory_space<vmem>> -> memref<1x128xi32, #tpu.memory_space<vmem>>
    %dma_start3A_45 = tpu.memref_squeeze %dma_start3A_44 : memref<1x128xi32, #tpu.memory_space<vmem>> -> memref<128xi32, #tpu.memory_space<vmem>>
    %dma_start3A_46 = arith.constant 0 : i32
    %dma_start3A_47 = arith.constant 0 : i32
    %dma_start3A_48 = tpu.memref_slice %arg2[%dma_start3A_46, %dma_start3A_47] : memref<10000x128xf32, #tpu.memory_space<hbm>> -> memref<10000x128xf32, #tpu.memory_space<hbm>>
    %dma_start3A_49 = tpu.memref_slice %arg9[%dma_start3A_38] : memref<2x!tpu.dma_semaphore, #tpu.memory_space<semaphore_mem>> -> memref<1x!tpu.dma_semaphore, #tpu.memory_space<semaphore_mem>>
    %dma_start3A_50 = tpu.memref_squeeze %dma_start3A_49 : memref<1x!tpu.dma_semaphore, #tpu.memory_space<semaphore_mem>> -> memref<!tpu.dma_semaphore, #tpu.memory_space<semaphore_mem>>
    tpu.enqueue_indirect_dma source(%dma_start3A_48 : memref<10000x128xf32, #tpu.memory_space<hbm>>) target(%dma_start3A_42 : memref<128x128xf32, #tpu.memory_space<vmem>>) offsets(%dma_start3A_45 : memref<128xi32, #tpu.memory_space<vmem>>) semaphore(%dma_start3A_50 : memref<!tpu.dma_semaphore, #tpu.memory_space<semaphore_mem>>)
    %mul3A_51 = arith.constant 10240 : i32
    %mul3A_52 = arith.muli %add3A, %mul3A_51 : i32
    %add3A_53 = arith.constant 128 : i32
    %add3A_54 = arith.addi %mul3A_52, %add3A_53 : i32
    %run_scoped3A_55 = arith.constant 1 : i32
    "tpu.region"() ({
      %run_scoped3A_113 = tpu.sem_alloc : memref<!tpu.dma_semaphore, #tpu.memory_space<semaphore_mem>>
      %dma_start3A_114 = arith.constant 0 : i32
      %dma_start3A_115 = tpu.memref_slice %arg6[%run_scoped3A_55, %dma_start3A_114] : memref<2x128xi32, #tpu.memory_space<vmem>> -> memref<1x128xi32, #tpu.memory_space<vmem>>
      %dma_start3A_116 = tpu.memref_squeeze %dma_start3A_115 : memref<1x128xi32, #tpu.memory_space<vmem>> -> memref<128xi32, #tpu.memory_space<vmem>>
      %dma_start3A_117 = tpu.memref_slice %arg3[%add3A_54] : memref<327680xi32, #tpu.memory_space<hbm>> -> memref<128xi32, #tpu.memory_space<hbm>>
      %dma_start3A_118 = arith.constant 0 : i32
      %dma_start3A_119 = tpu.memref_slice %arg6[%run_scoped3A_55, %dma_start3A_118] : memref<2x128xi32, #tpu.memory_space<vmem>> -> memref<1x128xi32, #tpu.memory_space<vmem>>
      %dma_start3A_120 = tpu.memref_squeeze %dma_start3A_119 : memref<1x128xi32, #tpu.memory_space<vmem>> -> memref<128xi32, #tpu.memory_space<vmem>>
      %dma_start3A_121 = tpu.memref_slice %arg3[%add3A_54] : memref<327680xi32, #tpu.memory_space<hbm>> -> memref<128xi32, #tpu.memory_space<hbm>>
      tpu.enqueue_dma source(%dma_start3A_121 : memref<128xi32, #tpu.memory_space<hbm>>) target(%dma_start3A_120 : memref<128xi32, #tpu.memory_space<vmem>>) target_semaphore(%run_scoped3A_113 : memref<!tpu.dma_semaphore, #tpu.memory_space<semaphore_mem>>)
      %dma_wait3A_122 = arith.constant 0 : i32
      %dma_wait3A_123 = tpu.memref_slice %arg6[%run_scoped3A_55, %dma_wait3A_122] : memref<2x128xi32, #tpu.memory_space<vmem>> -> memref<1x128xi32, #tpu.memory_space<vmem>>
      %dma_wait3A_124 = tpu.memref_squeeze %dma_wait3A_123 : memref<1x128xi32, #tpu.memory_space<vmem>> -> memref<128xi32, #tpu.memory_space<vmem>>
      %dma_wait3A_125 = tpu.memref_slice %arg3[%add3A_54] : memref<327680xi32, #tpu.memory_space<hbm>> -> memref<128xi32, #tpu.memory_space<hbm>>
      %dma_wait3A_126 = arith.constant 0 : i32
      %dma_wait3A_127 = tpu.memref_slice %arg6[%run_scoped3A_55, %dma_wait3A_126] : memref<2x128xi32, #tpu.memory_space<vmem>> -> memref<1x128xi32, #tpu.memory_space<vmem>>
      %dma_wait3A_128 = tpu.memref_squeeze %dma_wait3A_127 : memref<1x128xi32, #tpu.memory_space<vmem>> -> memref<128xi32, #tpu.memory_space<vmem>>
      %dma_wait3A_129 = tpu.memref_slice %arg3[%add3A_54] : memref<327680xi32, #tpu.memory_space<hbm>> -> memref<128xi32, #tpu.memory_space<hbm>>
      tpu.wait_dma2 semaphore(%run_scoped3A_113 : memref<!tpu.dma_semaphore, #tpu.memory_space<semaphore_mem>>) src(%dma_wait3A_129 : memref<128xi32, #tpu.memory_space<hbm>>) dst(%dma_wait3A_128 : memref<128xi32, #tpu.memory_space<vmem>>)
      tpu.yield
    }) : () -> ()
    %run_scoped3A_56 = arith.constant 1 : i32
    "tpu.region"() ({
      %run_scoped3A_113 = tpu.sem_alloc : memref<!tpu.dma_semaphore, #tpu.memory_space<semaphore_mem>>
      %dma_start3A_114 = arith.constant 0 : i32
      %dma_start3A_115 = tpu.memref_slice %arg7[%run_scoped3A_56, %dma_start3A_114] : memref<2x128xi32, #tpu.memory_space<vmem>> -> memref<1x128xi32, #tpu.memory_space<vmem>>
      %dma_start3A_116 = tpu.memref_squeeze %dma_start3A_115 : memref<1x128xi32, #tpu.memory_space<vmem>> -> memref<128xi32, #tpu.memory_space<vmem>>
      %dma_start3A_117 = tpu.memref_slice %arg4[%add3A_54] : memref<327680xi32, #tpu.memory_space<hbm>> -> memref<128xi32, #tpu.memory_space<hbm>>
      %dma_start3A_118 = arith.constant 0 : i32
      %dma_start3A_119 = tpu.memref_slice %arg7[%run_scoped3A_56, %dma_start3A_118] : memref<2x128xi32, #tpu.memory_space<vmem>> -> memref<1x128xi32, #tpu.memory_space<vmem>>
      %dma_start3A_120 = tpu.memref_squeeze %dma_start3A_119 : memref<1x128xi32, #tpu.memory_space<vmem>> -> memref<128xi32, #tpu.memory_space<vmem>>
      %dma_start3A_121 = tpu.memref_slice %arg4[%add3A_54] : memref<327680xi32, #tpu.memory_space<hbm>> -> memref<128xi32, #tpu.memory_space<hbm>>
      tpu.enqueue_dma source(%dma_start3A_121 : memref<128xi32, #tpu.memory_space<hbm>>) target(%dma_start3A_120 : memref<128xi32, #tpu.memory_space<vmem>>) target_semaphore(%run_scoped3A_113 : memref<!tpu.dma_semaphore, #tpu.memory_space<semaphore_mem>>)
      %dma_wait3A_122 = arith.constant 0 : i32
      %dma_wait3A_123 = tpu.memref_slice %arg7[%run_scoped3A_56, %dma_wait3A_122] : memref<2x128xi32, #tpu.memory_space<vmem>> -> memref<1x128xi32, #tpu.memory_space<vmem>>
      %dma_wait3A_124 = tpu.memref_squeeze %dma_wait3A_123 : memref<1x128xi32, #tpu.memory_space<vmem>> -> memref<128xi32, #tpu.memory_space<vmem>>
      %dma_wait3A_125 = tpu.memref_slice %arg4[%add3A_54] : memref<327680xi32, #tpu.memory_space<hbm>> -> memref<128xi32, #tpu.memory_space<hbm>>
      %dma_wait3A_126 = arith.constant 0 : i32
      %dma_wait3A_127 = tpu.memref_slice %arg7[%run_scoped3A_56, %dma_wait3A_126] : memref<2x128xi32, #tpu.memory_space<vmem>> -> memref<1x128xi32, #tpu.memory_space<vmem>>
      %dma_wait3A_128 = tpu.memref_squeeze %dma_wait3A_127 : memref<1x128xi32, #tpu.memory_space<vmem>> -> memref<128xi32, #tpu.memory_space<vmem>>
      %dma_wait3A_129 = tpu.memref_slice %arg4[%add3A_54] : memref<327680xi32, #tpu.memory_space<hbm>> -> memref<128xi32, #tpu.memory_space<hbm>>
      tpu.wait_dma2 semaphore(%run_scoped3A_113 : memref<!tpu.dma_semaphore, #tpu.memory_space<semaphore_mem>>) src(%dma_wait3A_129 : memref<128xi32, #tpu.memory_space<hbm>>) dst(%dma_wait3A_128 : memref<128xi32, #tpu.memory_space<vmem>>)
      tpu.yield
    }) : () -> ()
    %dma_start3A_57 = arith.constant 1 : i32
    %dma_start3A_58 = arith.constant 1 : i32
    %dma_start3A_59 = arith.constant 1 : i32
    %dma_start3A_60 = arith.constant 0 : i32
    %dma_start3A_61 = arith.constant 0 : i32
    %dma_start3A_62 = tpu.memref_slice %arg8[%dma_start3A_58, %dma_start3A_60, %dma_start3A_61] : memref<2x128x128xf32, #tpu.memory_space<vmem>> -> memref<1x128x128xf32, #tpu.memory_space<vmem>>
    %dma_start3A_63 = tpu.memref_squeeze %dma_start3A_62 : memref<1x128x128xf32, #tpu.memory_space<vmem>> -> memref<128x128xf32, #tpu.memory_space<vmem>>
    %dma_start3A_64 = arith.constant 0 : i32
    %dma_start3A_65 = tpu.memref_slice %arg6[%dma_start3A_57, %dma_start3A_64] : memref<2x128xi32, #tpu.memory_space<vmem>> -> memref<1x128xi32, #tpu.memory_space<vmem>>
    %dma_start3A_66 = tpu.memref_squeeze %dma_start3A_65 : memref<1x128xi32, #tpu.memory_space<vmem>> -> memref<128xi32, #tpu.memory_space<vmem>>
    %dma_start3A_67 = arith.constant 0 : i32
    %dma_start3A_68 = arith.constant 0 : i32
    %dma_start3A_69 = tpu.memref_slice %arg2[%dma_start3A_67, %dma_start3A_68] : memref<10000x128xf32, #tpu.memory_space<hbm>> -> memref<10000x128xf32, #tpu.memory_space<hbm>>
    %dma_start3A_70 = tpu.memref_slice %arg9[%dma_start3A_59] : memref<2x!tpu.dma_semaphore, #tpu.memory_space<semaphore_mem>> -> memref<1x!tpu.dma_semaphore, #tpu.memory_space<semaphore_mem>>
    %dma_start3A_71 = tpu.memref_squeeze %dma_start3A_70 : memref<1x!tpu.dma_semaphore, #tpu.memory_space<semaphore_mem>> -> memref<!tpu.dma_semaphore, #tpu.memory_space<semaphore_mem>>
    tpu.enqueue_indirect_dma source(%dma_start3A_69 : memref<10000x128xf32, #tpu.memory_space<hbm>>) target(%dma_start3A_63 : memref<128x128xf32, #tpu.memory_space<vmem>>) offsets(%dma_start3A_66 : memref<128xi32, #tpu.memory_space<vmem>>) semaphore(%dma_start3A_71 : memref<!tpu.dma_semaphore, #tpu.memory_space<semaphore_mem>>)
    %scan3A_72 = arith.constant 0 : i32
    %scan3A_73 = arith.constant 0 : i32
    %scan3A_74 = arith.constant 40 : i32
    %scan3A_75 = arith.addi %scan3A_73, %scan3A_74 : i32
    %scan3A_76 = arith.constant 1 : i32
    %scan3A_77 = scf.for %scan3A_113 = %scan3A_73 to %scan3A_75 step %scan3A_76 iter_args(%scan3A_114 = %scan3A_72) -> (i32)  : i32 {
      %mul3A_115 = arith.constant 2 : i32
      %mul3A_116 = arith.muli %scan3A_113, %mul3A_115 : i32
      %dma_wait3A_117 = arith.constant 0 : i32
      %dma_wait3A_118 = arith.constant 0 : i32
      %dma_wait3A_119 = arith.constant 0 : i32
      %dma_wait3A_120 = arith.constant 0 : i32
      %dma_wait3A_121 = arith.constant 0 : i32
      %dma_wait3A_122 = tpu.memref_slice %arg8[%dma_wait3A_118, %dma_wait3A_120, %dma_wait3A_121] : memref<2x128x128xf32, #tpu.memory_space<vmem>> -> memref<1x128x128xf32, #tpu.memory_space<vmem>>
      %dma_wait3A_123 = tpu.memref_squeeze %dma_wait3A_122 : memref<1x128x128xf32, #tpu.memory_space<vmem>> -> memref<128x128xf32, #tpu.memory_space<vmem>>
      %dma_wait3A_124 = arith.constant 0 : i32
      %dma_wait3A_125 = tpu.memref_slice %arg6[%dma_wait3A_117, %dma_wait3A_124] : memref<2x128xi32, #tpu.memory_space<vmem>> -> memref<1x128xi32, #tpu.memory_space<vmem>>
      %dma_wait3A_126 = tpu.memref_squeeze %dma_wait3A_125 : memref<1x128xi32, #tpu.memory_space<vmem>> -> memref<128xi32, #tpu.memory_space<vmem>>
      %dma_wait3A_127 = arith.constant 0 : i32
      %dma_wait3A_128 = arith.constant 0 : i32
      %dma_wait3A_129 = tpu.memref_slice %arg2[%dma_wait3A_127, %dma_wait3A_128] : memref<10000x128xf32, #tpu.memory_space<hbm>> -> memref<10000x128xf32, #tpu.memory_space<hbm>>
      %dma_wait3A_130 = tpu.memref_slice %arg9[%dma_wait3A_119] : memref<2x!tpu.dma_semaphore, #tpu.memory_space<semaphore_mem>> -> memref<1x!tpu.dma_semaphore, #tpu.memory_space<semaphore_mem>>
      %dma_wait3A_131 = tpu.memref_squeeze %dma_wait3A_130 : memref<1x!tpu.dma_semaphore, #tpu.memory_space<semaphore_mem>> -> memref<!tpu.dma_semaphore, #tpu.memory_space<semaphore_mem>>
      tpu.wait_indirect_dma semaphore(%dma_wait3A_131 : memref<!tpu.dma_semaphore, #tpu.memory_space<semaphore_mem>>) src(%dma_wait3A_129 : memref<10000x128xf32, #tpu.memory_space<hbm>>) dst(%dma_wait3A_123 : memref<128x128xf32, #tpu.memory_space<vmem>>)
      %dma_start3A_132 = arith.constant 0 : i32
      %dma_start3A_133 = arith.constant 0 : i32
      %dma_start3A_134 = arith.constant 0 : i32
      %dma_start3A_135 = arith.constant 0 : i32
      %dma_start3A_136 = arith.constant 0 : i32
      %dma_start3A_137 = tpu.memref_slice %arg8[%dma_start3A_132, %dma_start3A_135, %dma_start3A_136] : memref<2x128x128xf32, #tpu.memory_space<vmem>> -> memref<1x128x128xf32, #tpu.memory_space<vmem>>
      %dma_start3A_138 = tpu.memref_squeeze %dma_start3A_137 : memref<1x128x128xf32, #tpu.memory_space<vmem>> -> memref<128x128xf32, #tpu.memory_space<vmem>>
      %dma_start3A_139 = arith.constant 0 : i32
      %dma_start3A_140 = tpu.memref_slice %arg7[%dma_start3A_133, %dma_start3A_139] : memref<2x128xi32, #tpu.memory_space<vmem>> -> memref<1x128xi32, #tpu.memory_space<vmem>>
      %dma_start3A_141 = tpu.memref_squeeze %dma_start3A_140 : memref<1x128xi32, #tpu.memory_space<vmem>> -> memref<128xi32, #tpu.memory_space<vmem>>
      %dma_start3A_142 = arith.constant 0 : i32
      %dma_start3A_143 = arith.constant 0 : i32
      %dma_start3A_144 = tpu.memref_slice %arg11[%dma_start3A_142, %dma_start3A_143] : memref<10240x128xf32, #tpu.memory_space<vmem_shared>> -> memref<10240x128xf32, #tpu.memory_space<vmem_shared>>
      %dma_start3A_145 = tpu.memref_slice %arg10[%dma_start3A_134] : memref<2x!tpu.dma_semaphore, #tpu.memory_space<semaphore_mem>> -> memref<1x!tpu.dma_semaphore, #tpu.memory_space<semaphore_mem>>
      %dma_start3A_146 = tpu.memref_squeeze %dma_start3A_145 : memref<1x!tpu.dma_semaphore, #tpu.memory_space<semaphore_mem>> -> memref<!tpu.dma_semaphore, #tpu.memory_space<semaphore_mem>>
      tpu.enqueue_indirect_dma source(%dma_start3A_138 : memref<128x128xf32, #tpu.memory_space<vmem>>) target(%dma_start3A_144 : memref<10240x128xf32, #tpu.memory_space<vmem_shared>>) offsets(%dma_start3A_141 : memref<128xi32, #tpu.memory_space<vmem>>) semaphore(%dma_start3A_146 : memref<!tpu.dma_semaphore, #tpu.memory_space<semaphore_mem>>) {add = true}
      %dma_wait3A_147 = arith.constant 1 : i32
      %dma_wait3A_148 = arith.constant 1 : i32
      %dma_wait3A_149 = arith.constant 1 : i32
      %dma_wait3A_150 = arith.constant 0 : i32
      %dma_wait3A_151 = arith.constant 0 : i32
      %dma_wait3A_152 = tpu.memref_slice %arg8[%dma_wait3A_148, %dma_wait3A_150, %dma_wait3A_151] : memref<2x128x128xf32, #tpu.memory_space<vmem>> -> memref<1x128x128xf32, #tpu.memory_space<vmem>>
      %dma_wait3A_153 = tpu.memref_squeeze %dma_wait3A_152 : memref<1x128x128xf32, #tpu.memory_space<vmem>> -> memref<128x128xf32, #tpu.memory_space<vmem>>
      %dma_wait3A_154 = arith.constant 0 : i32
      %dma_wait3A_155 = tpu.memref_slice %arg6[%dma_wait3A_147, %dma_wait3A_154] : memref<2x128xi32, #tpu.memory_space<vmem>> -> memref<1x128xi32, #tpu.memory_space<vmem>>
      %dma_wait3A_156 = tpu.memref_squeeze %dma_wait3A_155 : memref<1x128xi32, #tpu.memory_space<vmem>> -> memref<128xi32, #tpu.memory_space<vmem>>
      %dma_wait3A_157 = arith.constant 0 : i32
      %dma_wait3A_158 = arith.constant 0 : i32
      %dma_wait3A_159 = tpu.memref_slice %arg2[%dma_wait3A_157, %dma_wait3A_158] : memref<10000x128xf32, #tpu.memory_space<hbm>> -> memref<10000x128xf32, #tpu.memory_space<hbm>>
      %dma_wait3A_160 = tpu.memref_slice %arg9[%dma_wait3A_149] : memref<2x!tpu.dma_semaphore, #tpu.memory_space<semaphore_mem>> -> memref<1x!tpu.dma_semaphore, #tpu.memory_space<semaphore_mem>>
      %dma_wait3A_161 = tpu.memref_squeeze %dma_wait3A_160 : memref<1x!tpu.dma_semaphore, #tpu.memory_space<semaphore_mem>> -> memref<!tpu.dma_semaphore, #tpu.memory_space<semaphore_mem>>
      tpu.wait_indirect_dma semaphore(%dma_wait3A_161 : memref<!tpu.dma_semaphore, #tpu.memory_space<semaphore_mem>>) src(%dma_wait3A_159 : memref<10000x128xf32, #tpu.memory_space<hbm>>) dst(%dma_wait3A_153 : memref<128x128xf32, #tpu.memory_space<vmem>>)
      %dma_start3A_162 = arith.constant 1 : i32
      %dma_start3A_163 = arith.constant 1 : i32
      %dma_start3A_164 = arith.constant 1 : i32
      %dma_start3A_165 = arith.constant 0 : i32
      %dma_start3A_166 = arith.constant 0 : i32
      %dma_start3A_167 = tpu.memref_slice %arg8[%dma_start3A_162, %dma_start3A_165, %dma_start3A_166] : memref<2x128x128xf32, #tpu.memory_space<vmem>> -> memref<1x128x128xf32, #tpu.memory_space<vmem>>
      %dma_start3A_168 = tpu.memref_squeeze %dma_start3A_167 : memref<1x128x128xf32, #tpu.memory_space<vmem>> -> memref<128x128xf32, #tpu.memory_space<vmem>>
      %dma_start3A_169 = arith.constant 0 : i32
      %dma_start3A_170 = tpu.memref_slice %arg7[%dma_start3A_163, %dma_start3A_169] : memref<2x128xi32, #tpu.memory_space<vmem>> -> memref<1x128xi32, #tpu.memory_space<vmem>>
      %dma_start3A_171 = tpu.memref_squeeze %dma_start3A_170 : memref<1x128xi32, #tpu.memory_space<vmem>> -> memref<128xi32, #tpu.memory_space<vmem>>
      %dma_start3A_172 = arith.constant 0 : i32
      %dma_start3A_173 = arith.constant 0 : i32
      %dma_start3A_174 = tpu.memref_slice %arg11[%dma_start3A_172, %dma_start3A_173] : memref<10240x128xf32, #tpu.memory_space<vmem_shared>> -> memref<10240x128xf32, #tpu.memory_space<vmem_shared>>
      %dma_start3A_175 = tpu.memref_slice %arg10[%dma_start3A_164] : memref<2x!tpu.dma_semaphore, #tpu.memory_space<semaphore_mem>> -> memref<1x!tpu.dma_semaphore, #tpu.memory_space<semaphore_mem>>
      %dma_start3A_176 = tpu.memref_squeeze %dma_start3A_175 : memref<1x!tpu.dma_semaphore, #tpu.memory_space<semaphore_mem>> -> memref<!tpu.dma_semaphore, #tpu.memory_space<semaphore_mem>>
      tpu.enqueue_indirect_dma source(%dma_start3A_168 : memref<128x128xf32, #tpu.memory_space<vmem>>) target(%dma_start3A_174 : memref<10240x128xf32, #tpu.memory_space<vmem_shared>>) offsets(%dma_start3A_171 : memref<128xi32, #tpu.memory_space<vmem>>) semaphore(%dma_start3A_176 : memref<!tpu.dma_semaphore, #tpu.memory_space<semaphore_mem>>) {add = true}
      %add3A_177 = arith.constant 2 : i32
      %add3A_178 = arith.addi %mul3A_116, %add3A_177 : i32
      %add3A_179 = arith.constant 0 : i32
      %add3A_180 = arith.addi %add3A_178, %add3A_179 : i32
      %lt3A = arith.constant 80 : i32
      %lt3A_181 = arith.cmpi slt, %add3A_180, %lt3A : i32
      %convert_element_type3A = arith.extui %lt3A_181 : i1 to i32
      %cond3A = arith.constant 0 : i32
      %cond3A_182 = arith.cmpi ne, %convert_element_type3A, %cond3A : i32
      scf.if %cond3A_182 {
        %dma_wait3A_193 = arith.constant 0 : i32
        %dma_wait3A_194 = arith.constant 0 : i32
        %dma_wait3A_195 = arith.constant 0 : i32
        %dma_wait3A_196 = arith.constant 0 : i32
        %dma_wait3A_197 = arith.constant 0 : i32
        %dma_wait3A_198 = tpu.memref_slice %arg8[%dma_wait3A_193, %dma_wait3A_196, %dma_wait3A_197] : memref<2x128x128xf32, #tpu.memory_space<vmem>> -> memref<1x128x128xf32, #tpu.memory_space<vmem>>
        %dma_wait3A_199 = tpu.memref_squeeze %dma_wait3A_198 : memref<1x128x128xf32, #tpu.memory_space<vmem>> -> memref<128x128xf32, #tpu.memory_space<vmem>>
        %dma_wait3A_200 = arith.constant 0 : i32
        %dma_wait3A_201 = tpu.memref_slice %arg7[%dma_wait3A_194, %dma_wait3A_200] : memref<2x128xi32, #tpu.memory_space<vmem>> -> memref<1x128xi32, #tpu.memory_space<vmem>>
        %dma_wait3A_202 = tpu.memref_squeeze %dma_wait3A_201 : memref<1x128xi32, #tpu.memory_space<vmem>> -> memref<128xi32, #tpu.memory_space<vmem>>
        %dma_wait3A_203 = arith.constant 0 : i32
        %dma_wait3A_204 = arith.constant 0 : i32
        %dma_wait3A_205 = tpu.memref_slice %arg11[%dma_wait3A_203, %dma_wait3A_204] : memref<10240x128xf32, #tpu.memory_space<vmem_shared>> -> memref<10240x128xf32, #tpu.memory_space<vmem_shared>>
        %dma_wait3A_206 = tpu.memref_slice %arg10[%dma_wait3A_195] : memref<2x!tpu.dma_semaphore, #tpu.memory_space<semaphore_mem>> -> memref<1x!tpu.dma_semaphore, #tpu.memory_space<semaphore_mem>>
        %dma_wait3A_207 = tpu.memref_squeeze %dma_wait3A_206 : memref<1x!tpu.dma_semaphore, #tpu.memory_space<semaphore_mem>> -> memref<!tpu.dma_semaphore, #tpu.memory_space<semaphore_mem>>
        tpu.wait_indirect_dma semaphore(%dma_wait3A_207 : memref<!tpu.dma_semaphore, #tpu.memory_space<semaphore_mem>>) src(%dma_wait3A_199 : memref<128x128xf32, #tpu.memory_space<vmem>>) dst(%dma_wait3A_205 : memref<10240x128xf32, #tpu.memory_space<vmem_shared>>)
        %mul3A_208 = arith.constant 10240 : i32
        %mul3A_209 = arith.muli %add3A, %mul3A_208 : i32
        %add3A_210 = arith.constant 2 : i32
        %add3A_211 = arith.addi %mul3A_116, %add3A_210 : i32
        %add3A_212 = arith.constant 0 : i32
        %add3A_213 = arith.addi %add3A_211, %add3A_212 : i32
        %mul3A_214 = arith.constant 128 : i32
        %mul3A_215 = arith.muli %add3A_213, %mul3A_214 : i32
        %add3A_216 = arith.addi %mul3A_209, %mul3A_215 : i32
        %run_scoped3A_217 = arith.constant 0 : i32
        "tpu.region"() ({
          %run_scoped3A_234 = tpu.sem_alloc : memref<!tpu.dma_semaphore, #tpu.memory_space<semaphore_mem>>
          %dma_start3A_235 = arith.constant 0 : i32
          %dma_start3A_236 = tpu.memref_slice %arg6[%run_scoped3A_217, %dma_start3A_235] : memref<2x128xi32, #tpu.memory_space<vmem>> -> memref<1x128xi32, #tpu.memory_space<vmem>>
          %dma_start3A_237 = tpu.memref_squeeze %dma_start3A_236 : memref<1x128xi32, #tpu.memory_space<vmem>> -> memref<128xi32, #tpu.memory_space<vmem>>
          %dma_start3A_238 = tpu.memref_slice %arg3[%add3A_216] : memref<327680xi32, #tpu.memory_space<hbm>> -> memref<128xi32, #tpu.memory_space<hbm>>
          %dma_start3A_239 = arith.constant 0 : i32
          %dma_start3A_240 = tpu.memref_slice %arg6[%run_scoped3A_217, %dma_start3A_239] : memref<2x128xi32, #tpu.memory_space<vmem>> -> memref<1x128xi32, #tpu.memory_space<vmem>>
          %dma_start3A_241 = tpu.memref_squeeze %dma_start3A_240 : memref<1x128xi32, #tpu.memory_space<vmem>> -> memref<128xi32, #tpu.memory_space<vmem>>
          %dma_start3A_242 = tpu.memref_slice %arg3[%add3A_216] : memref<327680xi32, #tpu.memory_space<hbm>> -> memref<128xi32, #tpu.memory_space<hbm>>
          tpu.enqueue_dma source(%dma_start3A_242 : memref<128xi32, #tpu.memory_space<hbm>>) target(%dma_start3A_241 : memref<128xi32, #tpu.memory_space<vmem>>) target_semaphore(%run_scoped3A_234 : memref<!tpu.dma_semaphore, #tpu.memory_space<semaphore_mem>>)
          %dma_wait3A_243 = arith.constant 0 : i32
          %dma_wait3A_244 = tpu.memref_slice %arg6[%run_scoped3A_217, %dma_wait3A_243] : memref<2x128xi32, #tpu.memory_space<vmem>> -> memref<1x128xi32, #tpu.memory_space<vmem>>
          %dma_wait3A_245 = tpu.memref_squeeze %dma_wait3A_244 : memref<1x128xi32, #tpu.memory_space<vmem>> -> memref<128xi32, #tpu.memory_space<vmem>>
          %dma_wait3A_246 = tpu.memref_slice %arg3[%add3A_216] : memref<327680xi32, #tpu.memory_space<hbm>> -> memref<128xi32, #tpu.memory_space<hbm>>
          %dma_wait3A_247 = arith.constant 0 : i32
          %dma_wait3A_248 = tpu.memref_slice %arg6[%run_scoped3A_217, %dma_wait3A_247] : memref<2x128xi32, #tpu.memory_space<vmem>> -> memref<1x128xi32, #tpu.memory_space<vmem>>
          %dma_wait3A_249 = tpu.memref_squeeze %dma_wait3A_248 : memref<1x128xi32, #tpu.memory_space<vmem>> -> memref<128xi32, #tpu.memory_space<vmem>>
          %dma_wait3A_250 = tpu.memref_slice %arg3[%add3A_216] : memref<327680xi32, #tpu.memory_space<hbm>> -> memref<128xi32, #tpu.memory_space<hbm>>
          tpu.wait_dma2 semaphore(%run_scoped3A_234 : memref<!tpu.dma_semaphore, #tpu.memory_space<semaphore_mem>>) src(%dma_wait3A_250 : memref<128xi32, #tpu.memory_space<hbm>>) dst(%dma_wait3A_249 : memref<128xi32, #tpu.memory_space<vmem>>)
          tpu.yield
        }) : () -> ()
        %run_scoped3A_218 = arith.constant 0 : i32
        "tpu.region"() ({
          %run_scoped3A_234 = tpu.sem_alloc : memref<!tpu.dma_semaphore, #tpu.memory_space<semaphore_mem>>
          %dma_start3A_235 = arith.constant 0 : i32
          %dma_start3A_236 = tpu.memref_slice %arg7[%run_scoped3A_218, %dma_start3A_235] : memref<2x128xi32, #tpu.memory_space<vmem>> -> memref<1x128xi32, #tpu.memory_space<vmem>>
          %dma_start3A_237 = tpu.memref_squeeze %dma_start3A_236 : memref<1x128xi32, #tpu.memory_space<vmem>> -> memref<128xi32, #tpu.memory_space<vmem>>
          %dma_start3A_238 = tpu.memref_slice %arg4[%add3A_216] : memref<327680xi32, #tpu.memory_space<hbm>> -> memref<128xi32, #tpu.memory_space<hbm>>
          %dma_start3A_239 = arith.constant 0 : i32
          %dma_start3A_240 = tpu.memref_slice %arg7[%run_scoped3A_218, %dma_start3A_239] : memref<2x128xi32, #tpu.memory_space<vmem>> -> memref<1x128xi32, #tpu.memory_space<vmem>>
          %dma_start3A_241 = tpu.memref_squeeze %dma_start3A_240 : memref<1x128xi32, #tpu.memory_space<vmem>> -> memref<128xi32, #tpu.memory_space<vmem>>
          %dma_start3A_242 = tpu.memref_slice %arg4[%add3A_216] : memref<327680xi32, #tpu.memory_space<hbm>> -> memref<128xi32, #tpu.memory_space<hbm>>
          tpu.enqueue_dma source(%dma_start3A_242 : memref<128xi32, #tpu.memory_space<hbm>>) target(%dma_start3A_241 : memref<128xi32, #tpu.memory_space<vmem>>) target_semaphore(%run_scoped3A_234 : memref<!tpu.dma_semaphore, #tpu.memory_space<semaphore_mem>>)
          %dma_wait3A_243 = arith.constant 0 : i32
          %dma_wait3A_244 = tpu.memref_slice %arg7[%run_scoped3A_218, %dma_wait3A_243] : memref<2x128xi32, #tpu.memory_space<vmem>> -> memref<1x128xi32, #tpu.memory_space<vmem>>
          %dma_wait3A_245 = tpu.memref_squeeze %dma_wait3A_244 : memref<1x128xi32, #tpu.memory_space<vmem>> -> memref<128xi32, #tpu.memory_space<vmem>>
          %dma_wait3A_246 = tpu.memref_slice %arg4[%add3A_216] : memref<327680xi32, #tpu.memory_space<hbm>> -> memref<128xi32, #tpu.memory_space<hbm>>
          %dma_wait3A_247 = arith.constant 0 : i32
          %dma_wait3A_248 = tpu.memref_slice %arg7[%run_scoped3A_218, %dma_wait3A_247] : memref<2x128xi32, #tpu.memory_space<vmem>> -> memref<1x128xi32, #tpu.memory_space<vmem>>
          %dma_wait3A_249 = tpu.memref_squeeze %dma_wait3A_248 : memref<1x128xi32, #tpu.memory_space<vmem>> -> memref<128xi32, #tpu.memory_space<vmem>>
          %dma_wait3A_250 = tpu.memref_slice %arg4[%add3A_216] : memref<327680xi32, #tpu.memory_space<hbm>> -> memref<128xi32, #tpu.memory_space<hbm>>
          tpu.wait_dma2 semaphore(%run_scoped3A_234 : memref<!tpu.dma_semaphore, #tpu.memory_space<semaphore_mem>>) src(%dma_wait3A_250 : memref<128xi32, #tpu.memory_space<hbm>>) dst(%dma_wait3A_249 : memref<128xi32, #tpu.memory_space<vmem>>)
          tpu.yield
        }) : () -> ()
        %dma_start3A_219 = arith.constant 0 : i32
        %dma_start3A_220 = arith.constant 0 : i32
        %dma_start3A_221 = arith.constant 0 : i32
        %dma_start3A_222 = arith.constant 0 : i32
        %dma_start3A_223 = arith.constant 0 : i32
        %dma_start3A_224 = tpu.memref_slice %arg8[%dma_start3A_220, %dma_start3A_222, %dma_start3A_223] : memref<2x128x128xf32, #tpu.memory_space<vmem>> -> memref<1x128x128xf32, #tpu.memory_space<vmem>>
        %dma_start3A_225 = tpu.memref_squeeze %dma_start3A_224 : memref<1x128x128xf32, #tpu.memory_space<vmem>> -> memref<128x128xf32, #tpu.memory_space<vmem>>
        %dma_start3A_226 = arith.constant 0 : i32
        %dma_start3A_227 = tpu.memref_slice %arg6[%dma_start3A_219, %dma_start3A_226] : memref<2x128xi32, #tpu.memory_space<vmem>> -> memref<1x128xi32, #tpu.memory_space<vmem>>
        %dma_start3A_228 = tpu.memref_squeeze %dma_start3A_227 : memref<1x128xi32, #tpu.memory_space<vmem>> -> memref<128xi32, #tpu.memory_space<vmem>>
        %dma_start3A_229 = arith.constant 0 : i32
        %dma_start3A_230 = arith.constant 0 : i32
        %dma_start3A_231 = tpu.memref_slice %arg2[%dma_start3A_229, %dma_start3A_230] : memref<10000x128xf32, #tpu.memory_space<hbm>> -> memref<10000x128xf32, #tpu.memory_space<hbm>>
        %dma_start3A_232 = tpu.memref_slice %arg9[%dma_start3A_221] : memref<2x!tpu.dma_semaphore, #tpu.memory_space<semaphore_mem>> -> memref<1x!tpu.dma_semaphore, #tpu.memory_space<semaphore_mem>>
        %dma_start3A_233 = tpu.memref_squeeze %dma_start3A_232 : memref<1x!tpu.dma_semaphore, #tpu.memory_space<semaphore_mem>> -> memref<!tpu.dma_semaphore, #tpu.memory_space<semaphore_mem>>
        tpu.enqueue_indirect_dma source(%dma_start3A_231 : memref<10000x128xf32, #tpu.memory_space<hbm>>) target(%dma_start3A_225 : memref<128x128xf32, #tpu.memory_space<vmem>>) offsets(%dma_start3A_228 : memref<128xi32, #tpu.memory_space<vmem>>) semaphore(%dma_start3A_233 : memref<!tpu.dma_semaphore, #tpu.memory_space<semaphore_mem>>)
      } else {
      }
      %add3A_183 = arith.constant 2 : i32
      %add3A_184 = arith.addi %mul3A_116, %add3A_183 : i32
      %add3A_185 = arith.constant 1 : i32
      %add3A_186 = arith.addi %add3A_184, %add3A_185 : i32
      %lt3A_187 = arith.constant 80 : i32
      %lt3A_188 = arith.cmpi slt, %add3A_186, %lt3A_187 : i32
      %convert_element_type3A_189 = arith.extui %lt3A_188 : i1 to i32
      %cond3A_190 = arith.constant 0 : i32
      %cond3A_191 = arith.cmpi ne, %convert_element_type3A_189, %cond3A_190 : i32
      scf.if %cond3A_191 {
        %dma_wait3A_193 = arith.constant 1 : i32
        %dma_wait3A_194 = arith.constant 1 : i32
        %dma_wait3A_195 = arith.constant 1 : i32
        %dma_wait3A_196 = arith.constant 0 : i32
        %dma_wait3A_197 = arith.constant 0 : i32
        %dma_wait3A_198 = tpu.memref_slice %arg8[%dma_wait3A_193, %dma_wait3A_196, %dma_wait3A_197] : memref<2x128x128xf32, #tpu.memory_space<vmem>> -> memref<1x128x128xf32, #tpu.memory_space<vmem>>
        %dma_wait3A_199 = tpu.memref_squeeze %dma_wait3A_198 : memref<1x128x128xf32, #tpu.memory_space<vmem>> -> memref<128x128xf32, #tpu.memory_space<vmem>>
        %dma_wait3A_200 = arith.constant 0 : i32
        %dma_wait3A_201 = tpu.memref_slice %arg7[%dma_wait3A_194, %dma_wait3A_200] : memref<2x128xi32, #tpu.memory_space<vmem>> -> memref<1x128xi32, #tpu.memory_space<vmem>>
        %dma_wait3A_202 = tpu.memref_squeeze %dma_wait3A_201 : memref<1x128xi32, #tpu.memory_space<vmem>> -> memref<128xi32, #tpu.memory_space<vmem>>
        %dma_wait3A_203 = arith.constant 0 : i32
        %dma_wait3A_204 = arith.constant 0 : i32
        %dma_wait3A_205 = tpu.memref_slice %arg11[%dma_wait3A_203, %dma_wait3A_204] : memref<10240x128xf32, #tpu.memory_space<vmem_shared>> -> memref<10240x128xf32, #tpu.memory_space<vmem_shared>>
        %dma_wait3A_206 = tpu.memref_slice %arg10[%dma_wait3A_195] : memref<2x!tpu.dma_semaphore, #tpu.memory_space<semaphore_mem>> -> memref<1x!tpu.dma_semaphore, #tpu.memory_space<semaphore_mem>>
        %dma_wait3A_207 = tpu.memref_squeeze %dma_wait3A_206 : memref<1x!tpu.dma_semaphore, #tpu.memory_space<semaphore_mem>> -> memref<!tpu.dma_semaphore, #tpu.memory_space<semaphore_mem>>
        tpu.wait_indirect_dma semaphore(%dma_wait3A_207 : memref<!tpu.dma_semaphore, #tpu.memory_space<semaphore_mem>>) src(%dma_wait3A_199 : memref<128x128xf32, #tpu.memory_space<vmem>>) dst(%dma_wait3A_205 : memref<10240x128xf32, #tpu.memory_space<vmem_shared>>)
        %mul3A_208 = arith.constant 10240 : i32
        %mul3A_209 = arith.muli %add3A, %mul3A_208 : i32
        %add3A_210 = arith.constant 2 : i32
        %add3A_211 = arith.addi %mul3A_116, %add3A_210 : i32
        %add3A_212 = arith.constant 1 : i32
        %add3A_213 = arith.addi %add3A_211, %add3A_212 : i32
        %mul3A_214 = arith.constant 128 : i32
        %mul3A_215 = arith.muli %add3A_213, %mul3A_214 : i32
        %add3A_216 = arith.addi %mul3A_209, %mul3A_215 : i32
        %run_scoped3A_217 = arith.constant 1 : i32
        "tpu.region"() ({
          %run_scoped3A_234 = tpu.sem_alloc : memref<!tpu.dma_semaphore, #tpu.memory_space<semaphore_mem>>
          %dma_start3A_235 = arith.constant 0 : i32
          %dma_start3A_236 = tpu.memref_slice %arg6[%run_scoped3A_217, %dma_start3A_235] : memref<2x128xi32, #tpu.memory_space<vmem>> -> memref<1x128xi32, #tpu.memory_space<vmem>>
          %dma_start3A_237 = tpu.memref_squeeze %dma_start3A_236 : memref<1x128xi32, #tpu.memory_space<vmem>> -> memref<128xi32, #tpu.memory_space<vmem>>
          %dma_start3A_238 = tpu.memref_slice %arg3[%add3A_216] : memref<327680xi32, #tpu.memory_space<hbm>> -> memref<128xi32, #tpu.memory_space<hbm>>
          %dma_start3A_239 = arith.constant 0 : i32
          %dma_start3A_240 = tpu.memref_slice %arg6[%run_scoped3A_217, %dma_start3A_239] : memref<2x128xi32, #tpu.memory_space<vmem>> -> memref<1x128xi32, #tpu.memory_space<vmem>>
          %dma_start3A_241 = tpu.memref_squeeze %dma_start3A_240 : memref<1x128xi32, #tpu.memory_space<vmem>> -> memref<128xi32, #tpu.memory_space<vmem>>
          %dma_start3A_242 = tpu.memref_slice %arg3[%add3A_216] : memref<327680xi32, #tpu.memory_space<hbm>> -> memref<128xi32, #tpu.memory_space<hbm>>
          tpu.enqueue_dma source(%dma_start3A_242 : memref<128xi32, #tpu.memory_space<hbm>>) target(%dma_start3A_241 : memref<128xi32, #tpu.memory_space<vmem>>) target_semaphore(%run_scoped3A_234 : memref<!tpu.dma_semaphore, #tpu.memory_space<semaphore_mem>>)
          %dma_wait3A_243 = arith.constant 0 : i32
          %dma_wait3A_244 = tpu.memref_slice %arg6[%run_scoped3A_217, %dma_wait3A_243] : memref<2x128xi32, #tpu.memory_space<vmem>> -> memref<1x128xi32, #tpu.memory_space<vmem>>
          %dma_wait3A_245 = tpu.memref_squeeze %dma_wait3A_244 : memref<1x128xi32, #tpu.memory_space<vmem>> -> memref<128xi32, #tpu.memory_space<vmem>>
          %dma_wait3A_246 = tpu.memref_slice %arg3[%add3A_216] : memref<327680xi32, #tpu.memory_space<hbm>> -> memref<128xi32, #tpu.memory_space<hbm>>
          %dma_wait3A_247 = arith.constant 0 : i32
          %dma_wait3A_248 = tpu.memref_slice %arg6[%run_scoped3A_217, %dma_wait3A_247] : memref<2x128xi32, #tpu.memory_space<vmem>> -> memref<1x128xi32, #tpu.memory_space<vmem>>
          %dma_wait3A_249 = tpu.memref_squeeze %dma_wait3A_248 : memref<1x128xi32, #tpu.memory_space<vmem>> -> memref<128xi32, #tpu.memory_space<vmem>>
          %dma_wait3A_250 = tpu.memref_slice %arg3[%add3A_216] : memref<327680xi32, #tpu.memory_space<hbm>> -> memref<128xi32, #tpu.memory_space<hbm>>
          tpu.wait_dma2 semaphore(%run_scoped3A_234 : memref<!tpu.dma_semaphore, #tpu.memory_space<semaphore_mem>>) src(%dma_wait3A_250 : memref<128xi32, #tpu.memory_space<hbm>>) dst(%dma_wait3A_249 : memref<128xi32, #tpu.memory_space<vmem>>)
          tpu.yield
        }) : () -> ()
        %run_scoped3A_218 = arith.constant 1 : i32
        "tpu.region"() ({
          %run_scoped3A_234 = tpu.sem_alloc : memref<!tpu.dma_semaphore, #tpu.memory_space<semaphore_mem>>
          %dma_start3A_235 = arith.constant 0 : i32
          %dma_start3A_236 = tpu.memref_slice %arg7[%run_scoped3A_218, %dma_start3A_235] : memref<2x128xi32, #tpu.memory_space<vmem>> -> memref<1x128xi32, #tpu.memory_space<vmem>>
          %dma_start3A_237 = tpu.memref_squeeze %dma_start3A_236 : memref<1x128xi32, #tpu.memory_space<vmem>> -> memref<128xi32, #tpu.memory_space<vmem>>
          %dma_start3A_238 = tpu.memref_slice %arg4[%add3A_216] : memref<327680xi32, #tpu.memory_space<hbm>> -> memref<128xi32, #tpu.memory_space<hbm>>
          %dma_start3A_239 = arith.constant 0 : i32
          %dma_start3A_240 = tpu.memref_slice %arg7[%run_scoped3A_218, %dma_start3A_239] : memref<2x128xi32, #tpu.memory_space<vmem>> -> memref<1x128xi32, #tpu.memory_space<vmem>>
          %dma_start3A_241 = tpu.memref_squeeze %dma_start3A_240 : memref<1x128xi32, #tpu.memory_space<vmem>> -> memref<128xi32, #tpu.memory_space<vmem>>
          %dma_start3A_242 = tpu.memref_slice %arg4[%add3A_216] : memref<327680xi32, #tpu.memory_space<hbm>> -> memref<128xi32, #tpu.memory_space<hbm>>
          tpu.enqueue_dma source(%dma_start3A_242 : memref<128xi32, #tpu.memory_space<hbm>>) target(%dma_start3A_241 : memref<128xi32, #tpu.memory_space<vmem>>) target_semaphore(%run_scoped3A_234 : memref<!tpu.dma_semaphore, #tpu.memory_space<semaphore_mem>>)
          %dma_wait3A_243 = arith.constant 0 : i32
          %dma_wait3A_244 = tpu.memref_slice %arg7[%run_scoped3A_218, %dma_wait3A_243] : memref<2x128xi32, #tpu.memory_space<vmem>> -> memref<1x128xi32, #tpu.memory_space<vmem>>
          %dma_wait3A_245 = tpu.memref_squeeze %dma_wait3A_244 : memref<1x128xi32, #tpu.memory_space<vmem>> -> memref<128xi32, #tpu.memory_space<vmem>>
          %dma_wait3A_246 = tpu.memref_slice %arg4[%add3A_216] : memref<327680xi32, #tpu.memory_space<hbm>> -> memref<128xi32, #tpu.memory_space<hbm>>
          %dma_wait3A_247 = arith.constant 0 : i32
          %dma_wait3A_248 = tpu.memref_slice %arg7[%run_scoped3A_218, %dma_wait3A_247] : memref<2x128xi32, #tpu.memory_space<vmem>> -> memref<1x128xi32, #tpu.memory_space<vmem>>
          %dma_wait3A_249 = tpu.memref_squeeze %dma_wait3A_248 : memref<1x128xi32, #tpu.memory_space<vmem>> -> memref<128xi32, #tpu.memory_space<vmem>>
          %dma_wait3A_250 = tpu.memref_slice %arg4[%add3A_216] : memref<327680xi32, #tpu.memory_space<hbm>> -> memref<128xi32, #tpu.memory_space<hbm>>
          tpu.wait_dma2 semaphore(%run_scoped3A_234 : memref<!tpu.dma_semaphore, #tpu.memory_space<semaphore_mem>>) src(%dma_wait3A_250 : memref<128xi32, #tpu.memory_space<hbm>>) dst(%dma_wait3A_249 : memref<128xi32, #tpu.memory_space<vmem>>)
          tpu.yield
        }) : () -> ()
        %dma_start3A_219 = arith.constant 1 : i32
        %dma_start3A_220 = arith.constant 1 : i32
        %dma_start3A_221 = arith.constant 1 : i32
        %dma_start3A_222 = arith.constant 0 : i32
        %dma_start3A_223 = arith.constant 0 : i32
        %dma_start3A_224 = tpu.memref_slice %arg8[%dma_start3A_220, %dma_start3A_222, %dma_start3A_223] : memref<2x128x128xf32, #tpu.memory_space<vmem>> -> memref<1x128x128xf32, #tpu.memory_space<vmem>>
        %dma_start3A_225 = tpu.memref_squeeze %dma_start3A_224 : memref<1x128x128xf32, #tpu.memory_space<vmem>> -> memref<128x128xf32, #tpu.memory_space<vmem>>
        %dma_start3A_226 = arith.constant 0 : i32
        %dma_start3A_227 = tpu.memref_slice %arg6[%dma_start3A_219, %dma_start3A_226] : memref<2x128xi32, #tpu.memory_space<vmem>> -> memref<1x128xi32, #tpu.memory_space<vmem>>
        %dma_start3A_228 = tpu.memref_squeeze %dma_start3A_227 : memref<1x128xi32, #tpu.memory_space<vmem>> -> memref<128xi32, #tpu.memory_space<vmem>>
        %dma_start3A_229 = arith.constant 0 : i32
        %dma_start3A_230 = arith.constant 0 : i32
        %dma_start3A_231 = tpu.memref_slice %arg2[%dma_start3A_229, %dma_start3A_230] : memref<10000x128xf32, #tpu.memory_space<hbm>> -> memref<10000x128xf32, #tpu.memory_space<hbm>>
        %dma_start3A_232 = tpu.memref_slice %arg9[%dma_start3A_221] : memref<2x!tpu.dma_semaphore, #tpu.memory_space<semaphore_mem>> -> memref<1x!tpu.dma_semaphore, #tpu.memory_space<semaphore_mem>>
        %dma_start3A_233 = tpu.memref_squeeze %dma_start3A_232 : memref<1x!tpu.dma_semaphore, #tpu.memory_space<semaphore_mem>> -> memref<!tpu.dma_semaphore, #tpu.memory_space<semaphore_mem>>
        tpu.enqueue_indirect_dma source(%dma_start3A_231 : memref<10000x128xf32, #tpu.memory_space<hbm>>) target(%dma_start3A_225 : memref<128x128xf32, #tpu.memory_space<vmem>>) offsets(%dma_start3A_228 : memref<128xi32, #tpu.memory_space<vmem>>) semaphore(%dma_start3A_233 : memref<!tpu.dma_semaphore, #tpu.memory_space<semaphore_mem>>)
      } else {
      }
      %scan3A_192 = arith.constant 0 : i32
      scf.yield %scan3A_192 : i32
    }
    %scan3A_78 = arith.constant 40 : i32
    %dma_wait3A = arith.constant 0 : i32
    %dma_wait3A_79 = arith.constant 0 : i32
    %dma_wait3A_80 = arith.constant 0 : i32
    %dma_wait3A_81 = arith.constant 0 : i32
    %dma_wait3A_82 = arith.constant 0 : i32
    %dma_wait3A_83 = tpu.memref_slice %arg8[%dma_wait3A, %dma_wait3A_81, %dma_wait3A_82] : memref<2x128x128xf32, #tpu.memory_space<vmem>> -> memref<1x128x128xf32, #tpu.memory_space<vmem>>
    %dma_wait3A_84 = tpu.memref_squeeze %dma_wait3A_83 : memref<1x128x128xf32, #tpu.memory_space<vmem>> -> memref<128x128xf32, #tpu.memory_space<vmem>>
    %dma_wait3A_85 = arith.constant 0 : i32
    %dma_wait3A_86 = tpu.memref_slice %arg7[%dma_wait3A_79, %dma_wait3A_85] : memref<2x128xi32, #tpu.memory_space<vmem>> -> memref<1x128xi32, #tpu.memory_space<vmem>>
    %dma_wait3A_87 = tpu.memref_squeeze %dma_wait3A_86 : memref<1x128xi32, #tpu.memory_space<vmem>> -> memref<128xi32, #tpu.memory_space<vmem>>
    %dma_wait3A_88 = arith.constant 0 : i32
    %dma_wait3A_89 = arith.constant 0 : i32
    %dma_wait3A_90 = tpu.memref_slice %arg11[%dma_wait3A_88, %dma_wait3A_89] : memref<10240x128xf32, #tpu.memory_space<vmem_shared>> -> memref<10240x128xf32, #tpu.memory_space<vmem_shared>>
    %dma_wait3A_91 = tpu.memref_slice %arg10[%dma_wait3A_80] : memref<2x!tpu.dma_semaphore, #tpu.memory_space<semaphore_mem>> -> memref<1x!tpu.dma_semaphore, #tpu.memory_space<semaphore_mem>>
    %dma_wait3A_92 = tpu.memref_squeeze %dma_wait3A_91 : memref<1x!tpu.dma_semaphore, #tpu.memory_space<semaphore_mem>> -> memref<!tpu.dma_semaphore, #tpu.memory_space<semaphore_mem>>
    tpu.wait_indirect_dma semaphore(%dma_wait3A_92 : memref<!tpu.dma_semaphore, #tpu.memory_space<semaphore_mem>>) src(%dma_wait3A_84 : memref<128x128xf32, #tpu.memory_space<vmem>>) dst(%dma_wait3A_90 : memref<10240x128xf32, #tpu.memory_space<vmem_shared>>)
    %dma_wait3A_93 = arith.constant 1 : i32
    %dma_wait3A_94 = arith.constant 1 : i32
    %dma_wait3A_95 = arith.constant 1 : i32
    %dma_wait3A_96 = arith.constant 0 : i32
    %dma_wait3A_97 = arith.constant 0 : i32
    %dma_wait3A_98 = tpu.memref_slice %arg8[%dma_wait3A_93, %dma_wait3A_96, %dma_wait3A_97] : memref<2x128x128xf32, #tpu.memory_space<vmem>> -> memref<1x128x128xf32, #tpu.memory_space<vmem>>
    %dma_wait3A_99 = tpu.memref_squeeze %dma_wait3A_98 : memref<1x128x128xf32, #tpu.memory_space<vmem>> -> memref<128x128xf32, #tpu.memory_space<vmem>>
    %dma_wait3A_100 = arith.constant 0 : i32
    %dma_wait3A_101 = tpu.memref_slice %arg7[%dma_wait3A_94, %dma_wait3A_100] : memref<2x128xi32, #tpu.memory_space<vmem>> -> memref<1x128xi32, #tpu.memory_space<vmem>>
    %dma_wait3A_102 = tpu.memref_squeeze %dma_wait3A_101 : memref<1x128xi32, #tpu.memory_space<vmem>> -> memref<128xi32, #tpu.memory_space<vmem>>
    %dma_wait3A_103 = arith.constant 0 : i32
    %dma_wait3A_104 = arith.constant 0 : i32
    %dma_wait3A_105 = tpu.memref_slice %arg11[%dma_wait3A_103, %dma_wait3A_104] : memref<10240x128xf32, #tpu.memory_space<vmem_shared>> -> memref<10240x128xf32, #tpu.memory_space<vmem_shared>>
    %dma_wait3A_106 = tpu.memref_slice %arg10[%dma_wait3A_95] : memref<2x!tpu.dma_semaphore, #tpu.memory_space<semaphore_mem>> -> memref<1x!tpu.dma_semaphore, #tpu.memory_space<semaphore_mem>>
    %dma_wait3A_107 = tpu.memref_squeeze %dma_wait3A_106 : memref<1x!tpu.dma_semaphore, #tpu.memory_space<semaphore_mem>> -> memref<!tpu.dma_semaphore, #tpu.memory_space<semaphore_mem>>
    tpu.wait_indirect_dma semaphore(%dma_wait3A_107 : memref<!tpu.dma_semaphore, #tpu.memory_space<semaphore_mem>>) src(%dma_wait3A_99 : memref<128x128xf32, #tpu.memory_space<vmem>>) dst(%dma_wait3A_105 : memref<10240x128xf32, #tpu.memory_space<vmem_shared>>)
    %barrier3A_108 = arith.constant 0 : index
    tpu.barrier barrier_id(%barrier3A_108)
    %mul3A_109 = arith.constant 640 : i32
    %mul3A_110 = arith.muli %arg1, %mul3A_109 : i32
    %mul3A_111 = arith.constant 640 : i32
    %mul3A_112 = arith.muli %arg1, %mul3A_111 : i32
    "tpu.region"() ({
      %run_scoped3A_113 = tpu.sem_alloc : memref<!tpu.dma_semaphore, #tpu.memory_space<semaphore_mem>>
      %dma_start3A_114 = arith.constant 0 : i32
      %dma_start3A_115 = tpu.memref_slice %arg5[%arg0, %mul3A_112, %dma_start3A_114] : memref<2x10240x128xf32, #tpu.memory_space<hbm>> -> memref<1x640x128xf32, #tpu.memory_space<hbm>>
      %dma_start3A_116 = tpu.memref_squeeze %dma_start3A_115 : memref<1x640x128xf32, #tpu.memory_space<hbm>> -> memref<640x128xf32, #tpu.memory_space<hbm>>
      %dma_start3A_117 = arith.constant 0 : i32
      %dma_start3A_118 = tpu.memref_slice %arg11[%mul3A_110, %dma_start3A_117] : memref<10240x128xf32, #tpu.memory_space<vmem_shared>> -> memref<640x128xf32, #tpu.memory_space<vmem_shared>>
      tpu.enqueue_dma source(%dma_start3A_118 : memref<640x128xf32, #tpu.memory_space<vmem_shared>>) target(%dma_start3A_116 : memref<640x128xf32, #tpu.memory_space<hbm>>) target_semaphore(%run_scoped3A_113 : memref<!tpu.dma_semaphore, #tpu.memory_space<semaphore_mem>>)
      %dma_wait3A_119 = arith.constant 0 : i32
      %dma_wait3A_120 = tpu.memref_slice %arg5[%arg0, %mul3A_112, %dma_wait3A_119] : memref<2x10240x128xf32, #tpu.memory_space<hbm>> -> memref<1x640x128xf32, #tpu.memory_space<hbm>>
      %dma_wait3A_121 = tpu.memref_squeeze %dma_wait3A_120 : memref<1x640x128xf32, #tpu.memory_space<hbm>> -> memref<640x128xf32, #tpu.memory_space<hbm>>
      %dma_wait3A_122 = arith.constant 0 : i32
      %dma_wait3A_123 = tpu.memref_slice %arg11[%mul3A_110, %dma_wait3A_122] : memref<10240x128xf32, #tpu.memory_space<vmem_shared>> -> memref<640x128xf32, #tpu.memory_space<vmem_shared>>
      tpu.wait_dma2 semaphore(%run_scoped3A_113 : memref<!tpu.dma_semaphore, #tpu.memory_space<semaphore_mem>>) src(%dma_wait3A_123 : memref<640x128xf32, #tpu.memory_space<vmem_shared>>) dst(%dma_wait3A_121 : memref<640x128xf32, #tpu.memory_space<hbm>>)
      tpu.yield
    }) : () -> ()
    return
  }
}

module attributes {stable_mosaic.version = 14 : i64} {
  func.func @_tc_mid_body(%arg0: i32, %arg1: memref<2x1000x128xf32, #tpu.memory_space<vmem>>, %arg2: memref<1000x1xf32, #tpu.memory_space<vmem>>, %arg3: memref<1000x128xf32, #tpu.memory_space<vmem>>, %arg4: memref<1000x128xf32, #tpu.memory_space<vmem>>) attributes {dimension_semantics = [#tpu.dimension_semantics<arbitrary>], iteration_bounds = array<i64: 10>, scalar_prefetch = 0 : i64, scratch_operands = 0 : i64, tpu.core_type = #tpu.core_type<tc>, window_params = [{transform_indices = @transform_0, window_bounds = array<i64: 2, 1000, 128>}, {transform_indices = @transform_1, window_bounds = array<i64: 1000, 1>}, {transform_indices = @transform_2, window_bounds = array<i64: 1000, 128>}, {transform_indices = @transform_3, window_bounds = array<i64: 1000, 128>}]} {
    %get3A = arith.constant 0 : index
    %get3A_0 = arith.constant 0 : index
    %get3A_1 = arith.constant 0 : index
    %get3A_2 = vector.load %arg1[%get3A, %get3A_0, %get3A_1] : memref<2x1000x128xf32, #tpu.memory_space<vmem>>, vector<1x1000x128xf32>
    %get3A_3 = vector.shape_cast %get3A_2 : vector<1x1000x128xf32> to vector<1000x128xf32>
    %get3A_4 = arith.constant 1 : index
    %get3A_5 = arith.constant 0 : index
    %get3A_6 = arith.constant 0 : index
    %get3A_7 = vector.load %arg1[%get3A_4, %get3A_5, %get3A_6] : memref<2x1000x128xf32, #tpu.memory_space<vmem>>, vector<1x1000x128xf32>
    %get3A_8 = vector.shape_cast %get3A_7 : vector<1x1000x128xf32> to vector<1000x128xf32>
    %add3A = arith.addf %get3A_3, %get3A_8 : vector<1000x128xf32>
    %get3A_9 = arith.constant 0 : index
    %get3A_10 = arith.constant 0 : index
    %get3A_11 = vector.load %arg2[%get3A_9, %get3A_10] : memref<1000x1xf32, #tpu.memory_space<vmem>>, vector<1000x1xf32>
    %mul3A = vector.broadcast %get3A_11 : vector<1000x1xf32> to vector<1000x128xf32>
    %mul3A_12 = arith.mulf %add3A, %mul3A : vector<1000x128xf32>
    %swap3A = arith.constant 0 : index
    %swap3A_13 = arith.constant 0 : index
    %swap3A_14 = vector.load %arg3[%swap3A, %swap3A_13] : memref<1000x128xf32, #tpu.memory_space<vmem>>, vector<1000x128xf32>
    tpu.vector_store %arg3[%swap3A, %swap3A_13], %mul3A_12 {strides = array<i32>} : memref<1000x128xf32, #tpu.memory_space<vmem>>, vector<1000x128xf32>,
    %mul3A_15 = vector.broadcast %get3A_11 : vector<1000x1xf32> to vector<1000x128xf32>
    %mul3A_16 = arith.mulf %mul3A_12, %mul3A_15 : vector<1000x128xf32>
    %swap3A_17 = arith.constant 0 : index
    %swap3A_18 = arith.constant 0 : index
    %swap3A_19 = vector.load %arg4[%swap3A_17, %swap3A_18] : memref<1000x128xf32, #tpu.memory_space<vmem>>, vector<1000x128xf32>
    tpu.vector_store %arg4[%swap3A_17, %swap3A_18], %mul3A_16 {strides = array<i32>} : memref<1000x128xf32, #tpu.memory_space<vmem>>, vector<1000x128xf32>,
    return
  }
  func.func @transform_0(%arg0: i32) -> (i32, i32, i32) {
    %c0_i32 = arith.constant 0 : i32
    %c0_i32_0 = arith.constant 0 : i32
    %c0_i32_1 = arith.constant 0 : i32
    return %c0_i32, %arg0, %c0_i32_0 : i32, i32, i32
  }
  func.func @transform_1(%arg0: i32) -> (i32, i32) {
    %c0_i32 = arith.constant 0 : i32
    %c0_i32_0 = arith.constant 0 : i32
    return %arg0, %c0_i32 : i32, i32
  }
  func.func @transform_2(%arg0: i32) -> (i32, i32) {
    %c0_i32 = arith.constant 0 : i32
    %c0_i32_0 = arith.constant 0 : i32
    return %arg0, %c0_i32 : i32, i32
  }
  func.func @transform_3(%arg0: i32) -> (i32, i32) {
    %c0_i32 = arith.constant 0 : i32
    %c0_i32_0 = arith.constant 0 : i32
    return %arg0, %c0_i32 : i32, i32
  }
}

module attributes {stable_mosaic.version = 14 : i64} {
  func.func @_tc_norm_body(%arg0: i32, %arg1: memref<2x1000x128xf32, #tpu.memory_space<vmem>>, %arg2: memref<1000x128xf32, #tpu.memory_space<vmem>>, %arg3: memref<1000x1xf32, #tpu.memory_space<vmem>>, %arg4: memref<1000x128xf32, #tpu.memory_space<vmem>>) attributes {dimension_semantics = [#tpu.dimension_semantics<arbitrary>], iteration_bounds = array<i64: 10>, scalar_prefetch = 0 : i64, scratch_operands = 0 : i64, tpu.core_type = #tpu.core_type<tc>, window_params = [{transform_indices = @transform_0, window_bounds = array<i64: 2, 1000, 128>}, {transform_indices = @transform_1, window_bounds = array<i64: 1000, 128>}, {transform_indices = @transform_2, window_bounds = array<i64: 1000, 1>}, {transform_indices = @transform_3, window_bounds = array<i64: 1000, 128>}]} {
    %get3A = arith.constant 0 : index
    %get3A_0 = arith.constant 0 : index
    %get3A_1 = arith.constant 0 : index
    %get3A_2 = vector.load %arg1[%get3A, %get3A_0, %get3A_1] : memref<2x1000x128xf32, #tpu.memory_space<vmem>>, vector<1x1000x128xf32>
    %get3A_3 = vector.shape_cast %get3A_2 : vector<1x1000x128xf32> to vector<1000x128xf32>
    %get3A_4 = arith.constant 1 : index
    %get3A_5 = arith.constant 0 : index
    %get3A_6 = arith.constant 0 : index
    %get3A_7 = vector.load %arg1[%get3A_4, %get3A_5, %get3A_6] : memref<2x1000x128xf32, #tpu.memory_space<vmem>>, vector<1x1000x128xf32>
    %get3A_8 = vector.shape_cast %get3A_7 : vector<1x1000x128xf32> to vector<1000x128xf32>
    %add3A = arith.addf %get3A_3, %get3A_8 : vector<1000x128xf32>
    %slice3A = vector.extract_strided_slice %add3A {offsets = [0, 0], sizes = [1000, 1], strides = [1, 1]} : vector<1000x128xf32> to vector<1000x1xf32>
    %gt3A = arith.constant 0.000000e+00 : f32
    %gt3A_9 = vector.broadcast %gt3A : f32 to vector<1000x1xf32>
    %gt3A_10 = arith.cmpf ogt, %slice3A, %gt3A_9 : vector<1000x1xf32>
    %jit3A = arith.constant 1.000000e+00 : f32
    %broadcast_in_dim3A = vector.broadcast %jit3A : f32 to vector<1000x1xf32>
    %select_n3A = arith.select %gt3A_10, %slice3A, %broadcast_in_dim3A : vector<1000x1xi1>, vector<1000x1xf32>
    %rsqrt3A = math.rsqrt %select_n3A : vector<1000x1xf32>
    %swap3A = arith.constant 0 : index
    %swap3A_11 = arith.constant 0 : index
    %swap3A_12 = vector.load %arg3[%swap3A, %swap3A_11] : memref<1000x1xf32, #tpu.memory_space<vmem>>, vector<1000x1xf32>
    tpu.vector_store %arg3[%swap3A, %swap3A_11], %rsqrt3A {strides = array<i32>} : memref<1000x1xf32, #tpu.memory_space<vmem>>, vector<1000x1xf32>,
    %get3A_13 = arith.constant 0 : index
    %get3A_14 = arith.constant 0 : index
    %get3A_15 = vector.load %arg2[%get3A_13, %get3A_14] : memref<1000x128xf32, #tpu.memory_space<vmem>>, vector<1000x128xf32>
    %mul3A = vector.broadcast %rsqrt3A : vector<1000x1xf32> to vector<1000x128xf32>
    %mul3A_16 = arith.mulf %get3A_15, %mul3A : vector<1000x128xf32>
    %swap3A_17 = arith.constant 0 : index
    %swap3A_18 = arith.constant 0 : index
    %swap3A_19 = vector.load %arg4[%swap3A_17, %swap3A_18] : memref<1000x128xf32, #tpu.memory_space<vmem>>, vector<1000x128xf32>
    tpu.vector_store %arg4[%swap3A_17, %swap3A_18], %mul3A_16 {strides = array<i32>} : memref<1000x128xf32, #tpu.memory_space<vmem>>, vector<1000x128xf32>,
    return
  }
  func.func @transform_0(%arg0: i32) -> (i32, i32, i32) {
    %c0_i32 = arith.constant 0 : i32
    %c0_i32_0 = arith.constant 0 : i32
    %c0_i32_1 = arith.constant 0 : i32
    return %c0_i32, %arg0, %c0_i32_0 : i32, i32, i32
  }
  func.func @transform_1(%arg0: i32) -> (i32, i32) {
    %c0_i32 = arith.constant 0 : i32
    %c0_i32_0 = arith.constant 0 : i32
    return %arg0, %c0_i32 : i32, i32
  }
  func.func @transform_2(%arg0: i32) -> (i32, i32) {
    %c0_i32 = arith.constant 0 : i32
    %c0_i32_0 = arith.constant 0 : i32
    return %arg0, %c0_i32 : i32, i32
  }
  func.func @transform_3(%arg0: i32) -> (i32, i32) {
    %c0_i32 = arith.constant 0 : i32
    %c0_i32_0 = arith.constant 0 : i32
    return %arg0, %c0_i32 : i32, i32
  }
}

module attributes {stable_mosaic.version = 14 : i64} {
  func.func @_tc_mid_body(%arg0: i32, %arg1: memref<2x1000x128xf32, #tpu.memory_space<vmem>>, %arg2: memref<1000x1xf32, #tpu.memory_space<vmem>>, %arg3: memref<1000x128xf32, #tpu.memory_space<vmem>>, %arg4: memref<1000x128xf32, #tpu.memory_space<vmem>>) attributes {dimension_semantics = [#tpu.dimension_semantics<arbitrary>], iteration_bounds = array<i64: 10>, scalar_prefetch = 0 : i64, scratch_operands = 0 : i64, tpu.core_type = #tpu.core_type<tc>, window_params = [{transform_indices = @transform_0, window_bounds = array<i64: 2, 1000, 128>}, {transform_indices = @transform_1, window_bounds = array<i64: 1000, 1>}, {transform_indices = @transform_2, window_bounds = array<i64: 1000, 128>}, {transform_indices = @transform_3, window_bounds = array<i64: 1000, 128>}]} {
    %get3A = arith.constant 0 : index
    %get3A_0 = arith.constant 0 : index
    %get3A_1 = arith.constant 0 : index
    %get3A_2 = vector.load %arg1[%get3A, %get3A_0, %get3A_1] : memref<2x1000x128xf32, #tpu.memory_space<vmem>>, vector<1x1000x128xf32>
    %get3A_3 = vector.shape_cast %get3A_2 : vector<1x1000x128xf32> to vector<1000x128xf32>
    %get3A_4 = arith.constant 1 : index
    %get3A_5 = arith.constant 0 : index
    %get3A_6 = arith.constant 0 : index
    %get3A_7 = vector.load %arg1[%get3A_4, %get3A_5, %get3A_6] : memref<2x1000x128xf32, #tpu.memory_space<vmem>>, vector<1x1000x128xf32>
    %get3A_8 = vector.shape_cast %get3A_7 : vector<1x1000x128xf32> to vector<1000x128xf32>
    %add3A = arith.addf %get3A_3, %get3A_8 : vector<1000x128xf32>
    %get3A_9 = arith.constant 0 : index
    %get3A_10 = arith.constant 0 : index
    %get3A_11 = vector.load %arg2[%get3A_9, %get3A_10] : memref<1000x1xf32, #tpu.memory_space<vmem>>, vector<1000x1xf32>
    %mul3A = vector.broadcast %get3A_11 : vector<1000x1xf32> to vector<1000x128xf32>
    %mul3A_12 = arith.mulf %add3A, %mul3A : vector<1000x128xf32>
    %swap3A = arith.constant 0 : index
    %swap3A_13 = arith.constant 0 : index
    %swap3A_14 = vector.load %arg3[%swap3A, %swap3A_13] : memref<1000x128xf32, #tpu.memory_space<vmem>>, vector<1000x128xf32>
    tpu.vector_store %arg3[%swap3A, %swap3A_13], %mul3A_12 {strides = array<i32>} : memref<1000x128xf32, #tpu.memory_space<vmem>>, vector<1000x128xf32>,
    %mul3A_15 = vector.broadcast %get3A_11 : vector<1000x1xf32> to vector<1000x128xf32>
    %mul3A_16 = arith.mulf %mul3A_12, %mul3A_15 : vector<1000x128xf32>
    %swap3A_17 = arith.constant 0 : index
    %swap3A_18 = arith.constant 0 : index
    %swap3A_19 = vector.load %arg4[%swap3A_17, %swap3A_18] : memref<1000x128xf32, #tpu.memory_space<vmem>>, vector<1000x128xf32>
    tpu.vector_store %arg4[%swap3A_17, %swap3A_18], %mul3A_16 {strides = array<i32>} : memref<1000x128xf32, #tpu.memory_space<vmem>>, vector<1000x128xf32>,
    return
  }
  func.func @transform_0(%arg0: i32) -> (i32, i32, i32) {
    %c0_i32 = arith.constant 0 : i32
    %c0_i32_0 = arith.constant 0 : i32
    %c0_i32_1 = arith.constant 0 : i32
    return %c0_i32, %arg0, %c0_i32_0 : i32, i32, i32
  }
  func.func @transform_1(%arg0: i32) -> (i32, i32) {
    %c0_i32 = arith.constant 0 : i32
    %c0_i32_0 = arith.constant 0 : i32
    return %arg0, %c0_i32 : i32, i32
  }
  func.func @transform_2(%arg0: i32) -> (i32, i32) {
    %c0_i32 = arith.constant 0 : i32
    %c0_i32_0 = arith.constant 0 : i32
    return %arg0, %c0_i32 : i32, i32
  }
  func.func @transform_3(%arg0: i32) -> (i32, i32) {
    %c0_i32 = arith.constant 0 : i32
    %c0_i32_0 = arith.constant 0 : i32
    return %arg0, %c0_i32 : i32, i32
  }
}

module attributes {stable_mosaic.version = 14 : i64} {
  func.func @_tc_layer1_body(%arg0: i32, %arg1: memref<1000x128xf32, #tpu.memory_space<vmem>>, %arg2: memref<1000x128xf32, #tpu.memory_space<vmem>>, %arg3: memref<1000x128xf32, #tpu.memory_space<vmem>>, %arg4: memref<384x128xf32, #tpu.memory_space<vmem>>, %arg5: memref<1x128xf32, #tpu.memory_space<vmem>>, %arg6: memref<1000x1xf32, #tpu.memory_space<vmem>>, %arg7: memref<1000x128xf32, #tpu.memory_space<vmem>>, %arg8: memref<1000x128xf32, #tpu.memory_space<vmem>>) attributes {dimension_semantics = [#tpu.dimension_semantics<arbitrary>], iteration_bounds = array<i64: 10>, scalar_prefetch = 0 : i64, scratch_operands = 0 : i64, tpu.core_type = #tpu.core_type<tc>, window_params = [{transform_indices = @transform_0, window_bounds = array<i64: 1000, 128>}, {transform_indices = @transform_1, window_bounds = array<i64: 1000, 128>}, {transform_indices = @transform_2, window_bounds = array<i64: 1000, 128>}, {pipeline_mode = #tpu.pipeline_mode<synchronous>, transform_indices = @transform_3, window_bounds = array<i64: 384, 128>}, {pipeline_mode = #tpu.pipeline_mode<synchronous>, transform_indices = @transform_4, window_bounds = array<i64: 1, 128>}, {transform_indices = @transform_5, window_bounds = array<i64: 1000, 1>}, {transform_indices = @transform_6, window_bounds = array<i64: 1000, 128>}, {transform_indices = @transform_7, window_bounds = array<i64: 1000, 128>}]} {
    %get3A = arith.constant 0 : index
    %get3A_0 = arith.constant 0 : index
    %get3A_1 = vector.load %arg1[%get3A, %get3A_0] : memref<1000x128xf32, #tpu.memory_space<vmem>>, vector<1000x128xf32>
    %get3A_2 = arith.constant 0 : index
    %get3A_3 = arith.constant 0 : index
    %get3A_4 = vector.load %arg4[%get3A_2, %get3A_3] : memref<384x128xf32, #tpu.memory_space<vmem>>, vector<128x128xf32>
    %dot_general3A = arith.constant dense<0.000000e+00> : vector<1000x128xf32>
    %dot_general3A_5 = tpu.matmul %get3A_1, %get3A_4, %dot_general3A {dimension_numbers = #tpu.dot_dimension_numbers<[1], [0], [0], [1], [0, 0, 1, 1], [], []>, transpose_lhs_hint = false} : vector<1000x128xf32>, vector<128x128xf32>, vector<1000x128xf32> -> vector<1000x128xf32>
    %get3A_6 = arith.constant 0 : index
    %get3A_7 = arith.constant 0 : index
    %get3A_8 = vector.load %arg2[%get3A_6, %get3A_7] : memref<1000x128xf32, #tpu.memory_space<vmem>>, vector<1000x128xf32>
    %get3A_9 = arith.constant 128 : index
    %get3A_10 = arith.constant 0 : index
    %get3A_11 = vector.load %arg4[%get3A_9, %get3A_10] : memref<384x128xf32, #tpu.memory_space<vmem>>, vector<128x128xf32>
    %dot_general3A_12 = arith.constant dense<0.000000e+00> : vector<1000x128xf32>
    %dot_general3A_13 = tpu.matmul %get3A_8, %get3A_11, %dot_general3A_12 {dimension_numbers = #tpu.dot_dimension_numbers<[1], [0], [0], [1], [0, 0, 1, 1], [], []>, transpose_lhs_hint = false} : vector<1000x128xf32>, vector<128x128xf32>, vector<1000x128xf32> -> vector<1000x128xf32>
    %add3A = arith.addf %dot_general3A_5, %dot_general3A_13 : vector<1000x128xf32>
    %get3A_14 = arith.constant 0 : index
    %get3A_15 = arith.constant 0 : index
    %get3A_16 = vector.load %arg3[%get3A_14, %get3A_15] : memref<1000x128xf32, #tpu.memory_space<vmem>>, vector<1000x128xf32>
    %get3A_17 = arith.constant 256 : index
    %get3A_18 = arith.constant 0 : index
    %get3A_19 = vector.load %arg4[%get3A_17, %get3A_18] : memref<384x128xf32, #tpu.memory_space<vmem>>, vector<128x128xf32>
    %dot_general3A_20 = arith.constant dense<0.000000e+00> : vector<1000x128xf32>
    %dot_general3A_21 = tpu.matmul %get3A_16, %get3A_19, %dot_general3A_20 {dimension_numbers = #tpu.dot_dimension_numbers<[1], [0], [0], [1], [0, 0, 1, 1], [], []>, transpose_lhs_hint = false} : vector<1000x128xf32>, vector<128x128xf32>, vector<1000x128xf32> -> vector<1000x128xf32>
    %add3A_22 = arith.addf %add3A, %dot_general3A_21 : vector<1000x128xf32>
    %get3A_23 = arith.constant 0 : index
    %get3A_24 = arith.constant 0 : index
    %get3A_25 = vector.load %arg5[%get3A_23, %get3A_24] : memref<1x128xf32, #tpu.memory_space<vmem>>, vector<1x128xf32>
    %add3A_26 = vector.broadcast %get3A_25 : vector<1x128xf32> to vector<1000x128xf32>
    %add3A_27 = arith.addf %add3A_22, %add3A_26 : vector<1000x128xf32>
    %max3A = arith.constant 0.000000e+00 : f32
    %max3A_28 = vector.broadcast %max3A : f32 to vector<1000x128xf32>
    %max3A_29 = arith.maximumf %add3A_27, %max3A_28 : vector<1000x128xf32>
    %swap3A = arith.constant 0 : index
    %swap3A_30 = arith.constant 0 : index
    %swap3A_31 = vector.load %arg7[%swap3A, %swap3A_30] : memref<1000x128xf32, #tpu.memory_space<vmem>>, vector<1000x128xf32>
    tpu.vector_store %arg7[%swap3A, %swap3A_30], %max3A_29 {strides = array<i32>} : memref<1000x128xf32, #tpu.memory_space<vmem>>, vector<1000x128xf32>,
    %get3A_32 = arith.constant 0 : index
    %get3A_33 = arith.constant 0 : index
    %get3A_34 = vector.load %arg6[%get3A_32, %get3A_33] : memref<1000x1xf32, #tpu.memory_space<vmem>>, vector<1000x1xf32>
    %mul3A = vector.broadcast %get3A_34 : vector<1000x1xf32> to vector<1000x128xf32>
    %mul3A_35 = arith.mulf %max3A_29, %mul3A : vector<1000x128xf32>
    %swap3A_36 = arith.constant 0 : index
    %swap3A_37 = arith.constant 0 : index
    %swap3A_38 = vector.load %arg8[%swap3A_36, %swap3A_37] : memref<1000x128xf32, #tpu.memory_space<vmem>>, vector<1000x128xf32>
    tpu.vector_store %arg8[%swap3A_36, %swap3A_37], %mul3A_35 {strides = array<i32>} : memref<1000x128xf32, #tpu.memory_space<vmem>>, vector<1000x128xf32>,
    return
  }
  func.func @transform_0(%arg0: i32) -> (i32, i32) {
    %c0_i32 = arith.constant 0 : i32
    %c0_i32_0 = arith.constant 0 : i32
    return %arg0, %c0_i32 : i32, i32
  }
  func.func @transform_1(%arg0: i32) -> (i32, i32) {
    %c0_i32 = arith.constant 0 : i32
    %c0_i32_0 = arith.constant 0 : i32
    return %arg0, %c0_i32 : i32, i32
  }
  func.func @transform_2(%arg0: i32) -> (i32, i32) {
    %c0_i32 = arith.constant 0 : i32
    %c0_i32_0 = arith.constant 0 : i32
    return %arg0, %c0_i32 : i32, i32
  }
  func.func @transform_3(%arg0: i32) -> (i32, i32) {
    %c0_i32 = arith.constant 0 : i32
    %c0_i32_0 = arith.constant 0 : i32
    %c0_i32_1 = arith.constant 0 : i32
    return %c0_i32, %c0_i32_0 : i32, i32
  }
  func.func @transform_4(%arg0: i32) -> (i32, i32) {
    %c0_i32 = arith.constant 0 : i32
    %c0_i32_0 = arith.constant 0 : i32
    %c0_i32_1 = arith.constant 0 : i32
    return %c0_i32, %c0_i32_0 : i32, i32
  }
  func.func @transform_5(%arg0: i32) -> (i32, i32) {
    %c0_i32 = arith.constant 0 : i32
    %c0_i32_0 = arith.constant 0 : i32
    return %arg0, %c0_i32 : i32, i32
  }
  func.func @transform_6(%arg0: i32) -> (i32, i32) {
    %c0_i32 = arith.constant 0 : i32
    %c0_i32_0 = arith.constant 0 : i32
    return %arg0, %c0_i32 : i32, i32
  }
  func.func @transform_7(%arg0: i32) -> (i32, i32) {
    %c0_i32 = arith.constant 0 : i32
    %c0_i32_0 = arith.constant 0 : i32
    return %arg0, %c0_i32 : i32, i32
  }
}

module attributes {stable_mosaic.version = 14 : i64} {
  func.func @_tc_layer2_body(%arg0: i32, %arg1: memref<1000x128xf32, #tpu.memory_space<vmem>>, %arg2: memref<1000x128xf32, #tpu.memory_space<vmem>>, %arg3: memref<1000x128xf32, #tpu.memory_space<vmem>>, %arg4: memref<384x128xf32, #tpu.memory_space<vmem>>, %arg5: memref<1x128xf32, #tpu.memory_space<vmem>>, %arg6: memref<128x10xf32, #tpu.memory_space<vmem>>, %arg7: memref<1x10xf32, #tpu.memory_space<vmem>>, %arg8: memref<1x10xf32, #tpu.memory_space<vmem>>, %arg9: memref<8x128xf32, #tpu.memory_space<vmem>>) attributes {dimension_semantics = [#tpu.dimension_semantics<arbitrary>], iteration_bounds = array<i64: 10>, scalar_prefetch = 0 : i64, scratch_operands = 1 : i64, tpu.core_type = #tpu.core_type<tc>, window_params = [{transform_indices = @transform_0, window_bounds = array<i64: 1000, 128>}, {transform_indices = @transform_1, window_bounds = array<i64: 1000, 128>}, {transform_indices = @transform_2, window_bounds = array<i64: 1000, 128>}, {pipeline_mode = #tpu.pipeline_mode<synchronous>, transform_indices = @transform_3, window_bounds = array<i64: 384, 128>}, {pipeline_mode = #tpu.pipeline_mode<synchronous>, transform_indices = @transform_4, window_bounds = array<i64: 1, 128>}, {pipeline_mode = #tpu.pipeline_mode<synchronous>, transform_indices = @transform_5, window_bounds = array<i64: 128, 10>}, {pipeline_mode = #tpu.pipeline_mode<synchronous>, transform_indices = @transform_6, window_bounds = array<i64: 1, 10>}, {pipeline_mode = #tpu.pipeline_mode<synchronous>, transform_indices = @transform_7, window_bounds = array<i64: 1, 10>}]} {
    %get3A = arith.constant 0 : index
    %get3A_0 = arith.constant 0 : index
    %get3A_1 = vector.load %arg1[%get3A, %get3A_0] : memref<1000x128xf32, #tpu.memory_space<vmem>>, vector<1000x128xf32>
    %get3A_2 = arith.constant 0 : index
    %get3A_3 = arith.constant 0 : index
    %get3A_4 = vector.load %arg4[%get3A_2, %get3A_3] : memref<384x128xf32, #tpu.memory_space<vmem>>, vector<128x128xf32>
    %dot_general3A = arith.constant dense<0.000000e+00> : vector<1000x128xf32>
    %dot_general3A_5 = tpu.matmul %get3A_1, %get3A_4, %dot_general3A {dimension_numbers = #tpu.dot_dimension_numbers<[1], [0], [0], [1], [0, 0, 1, 1], [], []>, transpose_lhs_hint = false} : vector<1000x128xf32>, vector<128x128xf32>, vector<1000x128xf32> -> vector<1000x128xf32>
    %get3A_6 = arith.constant 0 : index
    %get3A_7 = arith.constant 0 : index
    %get3A_8 = vector.load %arg2[%get3A_6, %get3A_7] : memref<1000x128xf32, #tpu.memory_space<vmem>>, vector<1000x128xf32>
    %get3A_9 = arith.constant 128 : index
    %get3A_10 = arith.constant 0 : index
    %get3A_11 = vector.load %arg4[%get3A_9, %get3A_10] : memref<384x128xf32, #tpu.memory_space<vmem>>, vector<128x128xf32>
    %dot_general3A_12 = arith.constant dense<0.000000e+00> : vector<1000x128xf32>
    %dot_general3A_13 = tpu.matmul %get3A_8, %get3A_11, %dot_general3A_12 {dimension_numbers = #tpu.dot_dimension_numbers<[1], [0], [0], [1], [0, 0, 1, 1], [], []>, transpose_lhs_hint = false} : vector<1000x128xf32>, vector<128x128xf32>, vector<1000x128xf32> -> vector<1000x128xf32>
    %add3A = arith.addf %dot_general3A_5, %dot_general3A_13 : vector<1000x128xf32>
    %get3A_14 = arith.constant 0 : index
    %get3A_15 = arith.constant 0 : index
    %get3A_16 = vector.load %arg3[%get3A_14, %get3A_15] : memref<1000x128xf32, #tpu.memory_space<vmem>>, vector<1000x128xf32>
    %get3A_17 = arith.constant 256 : index
    %get3A_18 = arith.constant 0 : index
    %get3A_19 = vector.load %arg4[%get3A_17, %get3A_18] : memref<384x128xf32, #tpu.memory_space<vmem>>, vector<128x128xf32>
    %dot_general3A_20 = arith.constant dense<0.000000e+00> : vector<1000x128xf32>
    %dot_general3A_21 = tpu.matmul %get3A_16, %get3A_19, %dot_general3A_20 {dimension_numbers = #tpu.dot_dimension_numbers<[1], [0], [0], [1], [0, 0, 1, 1], [], []>, transpose_lhs_hint = false} : vector<1000x128xf32>, vector<128x128xf32>, vector<1000x128xf32> -> vector<1000x128xf32>
    %add3A_22 = arith.addf %add3A, %dot_general3A_21 : vector<1000x128xf32>
    %get3A_23 = arith.constant 0 : index
    %get3A_24 = arith.constant 0 : index
    %get3A_25 = vector.load %arg5[%get3A_23, %get3A_24] : memref<1x128xf32, #tpu.memory_space<vmem>>, vector<1x128xf32>
    %add3A_26 = vector.broadcast %get3A_25 : vector<1x128xf32> to vector<1000x128xf32>
    %add3A_27 = arith.addf %add3A_22, %add3A_26 : vector<1000x128xf32>
    %max3A = arith.constant 0.000000e+00 : f32
    %max3A_28 = vector.broadcast %max3A : f32 to vector<1000x128xf32>
    %max3A_29 = arith.maximumf %add3A_27, %max3A_28 : vector<1000x128xf32>
    %reduce_max3A = arith.constant dense<0xFF800000> : vector<128xf32>
    %reduce_max3A_30 = vector.multi_reduction <maximumf>, %max3A_29, %reduce_max3A [0] : vector<1000x128xf32> to vector<128xf32>
    %broadcast_in_dim3A = vector.shape_cast %reduce_max3A_30 : vector<128xf32> to vector<1x128xf32>
    %eq3A = arith.constant 0 : i32
    %eq3A_31 = arith.cmpi eq, %arg0, %eq3A : i32
    %convert_element_type3A = arith.extui %eq3A_31 : i1 to i32
    %cond3A = arith.constant 0 : i32
    %cond3A_32 = arith.cmpi ne, %convert_element_type3A, %cond3A : i32
    scf.if %cond3A_32 {
      %broadcast_in_dim3A_42 = vector.shape_cast %broadcast_in_dim3A : vector<1x128xf32> to vector<1x128xf32>
      %broadcast_in_dim3A_43 = vector.broadcast %broadcast_in_dim3A_42 : vector<1x128xf32> to vector<8x128xf32>
      %swap3A = arith.constant 0 : index
      %swap3A_44 = arith.constant 0 : index
      %swap3A_45 = vector.load %arg9[%swap3A, %swap3A_44] : memref<8x128xf32, #tpu.memory_space<vmem>>, vector<8x128xf32>
      tpu.vector_store %arg9[%swap3A, %swap3A_44], %broadcast_in_dim3A_43 {strides = array<i32>} : memref<8x128xf32, #tpu.memory_space<vmem>>, vector<8x128xf32>,
    } else {
    }
    %gt3A = arith.constant 0 : i32
    %gt3A_33 = arith.cmpi sgt, %arg0, %gt3A : i32
    %convert_element_type3A_34 = arith.extui %gt3A_33 : i1 to i32
    %cond3A_35 = arith.constant 0 : i32
    %cond3A_36 = arith.cmpi ne, %convert_element_type3A_34, %cond3A_35 : i32
    scf.if %cond3A_36 {
      %get3A_42 = arith.constant 0 : index
      %get3A_43 = arith.constant 0 : index
      %get3A_44 = vector.load %arg9[%get3A_42, %get3A_43] : memref<8x128xf32, #tpu.memory_space<vmem>>, vector<8x128xf32>
      %max3A_45 = vector.broadcast %broadcast_in_dim3A : vector<1x128xf32> to vector<8x128xf32>
      %max3A_46 = arith.maximumf %get3A_44, %max3A_45 : vector<8x128xf32>
      %swap3A = arith.constant 0 : index
      %swap3A_47 = arith.constant 0 : index
      %swap3A_48 = vector.load %arg9[%swap3A, %swap3A_47] : memref<8x128xf32, #tpu.memory_space<vmem>>, vector<8x128xf32>
      tpu.vector_store %arg9[%swap3A, %swap3A_47], %max3A_46 {strides = array<i32>} : memref<8x128xf32, #tpu.memory_space<vmem>>, vector<8x128xf32>,
    } else {
    }
    %eq3A_37 = arith.constant 9 : i32
    %eq3A_38 = arith.cmpi eq, %arg0, %eq3A_37 : i32
    %convert_element_type3A_39 = arith.extui %eq3A_38 : i1 to i32
    %cond3A_40 = arith.constant 0 : i32
    %cond3A_41 = arith.cmpi ne, %convert_element_type3A_39, %cond3A_40 : i32
    scf.if %cond3A_41 {
      %get3A_42 = arith.constant 0 : index
      %get3A_43 = arith.constant 0 : index
      %get3A_44 = vector.load %arg9[%get3A_42, %get3A_43] : memref<8x128xf32, #tpu.memory_space<vmem>>, vector<8x128xf32>
      %reduce_max3A_45 = arith.constant dense<0xFF800000> : vector<128xf32>
      %reduce_max3A_46 = vector.multi_reduction <maximumf>, %get3A_44, %reduce_max3A_45 [0] : vector<8x128xf32> to vector<128xf32>
      %broadcast_in_dim3A_47 = vector.shape_cast %reduce_max3A_46 : vector<128xf32> to vector<1x128xf32>
      %get3A_48 = arith.constant 0 : index
      %get3A_49 = arith.constant 0 : index
      %get3A_50 = vector.load %arg6[%get3A_48, %get3A_49] : memref<128x10xf32, #tpu.memory_space<vmem>>, vector<128x10xf32>
      %dot_general3A_51 = arith.constant dense<0.000000e+00> : vector<1x10xf32>
      %dot_general3A_52 = tpu.matmul %broadcast_in_dim3A_47, %get3A_50, %dot_general3A_51 {dimension_numbers = #tpu.dot_dimension_numbers<[1], [0], [0], [1], [0, 0, 1, 1], [], []>, transpose_lhs_hint = false} : vector<1x128xf32>, vector<128x10xf32>, vector<1x10xf32> -> vector<1x10xf32>
      %get3A_53 = arith.constant 0 : index
      %get3A_54 = arith.constant 0 : index
      %get3A_55 = vector.load %arg7[%get3A_53, %get3A_54] : memref<1x10xf32, #tpu.memory_space<vmem>>, vector<1x10xf32>
      %add3A_56 = arith.addf %dot_general3A_52, %get3A_55 : vector<1x10xf32>
      %swap3A = arith.constant 0 : index
      %swap3A_57 = arith.constant 0 : index
      %swap3A_58 = vector.load %arg8[%swap3A, %swap3A_57] : memref<1x10xf32, #tpu.memory_space<vmem>>, vector<1x10xf32>
      tpu.vector_store %arg8[%swap3A, %swap3A_57], %add3A_56 {strides = array<i32>} : memref<1x10xf32, #tpu.memory_space<vmem>>, vector<1x10xf32>,
    } else {
    }
    return
  }
  func.func @transform_0(%arg0: i32) -> (i32, i32) {
    %c0_i32 = arith.constant 0 : i32
    %c0_i32_0 = arith.constant 0 : i32
    return %arg0, %c0_i32 : i32, i32
  }
  func.func @transform_1(%arg0: i32) -> (i32, i32) {
    %c0_i32 = arith.constant 0 : i32
    %c0_i32_0 = arith.constant 0 : i32
    return %arg0, %c0_i32 : i32, i32
  }
  func.func @transform_2(%arg0: i32) -> (i32, i32) {
    %c0_i32 = arith.constant 0 : i32
    %c0_i32_0 = arith.constant 0 : i32
    return %arg0, %c0_i32 : i32, i32
  }
  func.func @transform_3(%arg0: i32) -> (i32, i32) {
    %c0_i32 = arith.constant 0 : i32
    %c0_i32_0 = arith.constant 0 : i32
    %c0_i32_1 = arith.constant 0 : i32
    return %c0_i32, %c0_i32_0 : i32, i32
  }
  func.func @transform_4(%arg0: i32) -> (i32, i32) {
    %c0_i32 = arith.constant 0 : i32
    %c0_i32_0 = arith.constant 0 : i32
    %c0_i32_1 = arith.constant 0 : i32
    return %c0_i32, %c0_i32_0 : i32, i32
  }
  func.func @transform_5(%arg0: i32) -> (i32, i32) {
    %c0_i32 = arith.constant 0 : i32
    %c0_i32_0 = arith.constant 0 : i32
    %c0_i32_1 = arith.constant 0 : i32
    return %c0_i32, %c0_i32_0 : i32, i32
  }
  func.func @transform_6(%arg0: i32) -> (i32, i32) {
    %c0_i32 = arith.constant 0 : i32
    %c0_i32_0 = arith.constant 0 : i32
    %c0_i32_1 = arith.constant 0 : i32
    return %c0_i32, %c0_i32_0 : i32, i32
  }
  func.func @transform_7(%arg0: i32) -> (i32, i32) {
    %c0_i32 = arith.constant 0 : i32
    %c0_i32_0 = arith.constant 0 : i32
    %c0_i32_1 = arith.constant 0 : i32
    return %c0_i32, %c0_i32_0 : i32, i32
  }
}

</mosaic_0001>

<sc_bundles>
// kernel: kernel.14.cloned.1.call-start
scs
__scs_entry_jumppad:
0x0: {  	(pc) =	sbr.rel $0x88, $3  }
0x1: {  	(tag) =	ssettag $0x0;
	lr =	simm.s32 $0x1  }
0x2: {  	[smem:$0x3F99] =	sst lr;
	_ =	strace $0xD0000000  }
0x3: {  	_ = 	snop  }
0x4: {  	_ = 	snop  }
0x5: {  	_ = 	snop  }
0x6: {  	_ = 	snop  }
0x7: {  	_ = 	snop  }
__scs_overlays_trampoline_lowered:
0x8: {  	[smem:$0x3FA8] =	sst s0  }
0x9: {  	[smem:$0x3FA9] =	sst s1  }
0xa: {  	[smem:$0x3FAA] =	sst s2  }
0xb: {  	[smem:$0x3FAB] =	sst s3  }
0xc: {  	[smem:$0x3FAC] =	sst s4  }
0xd: {  	[smem:$0x3FAD] =	sst s5  }
0xe: {  	[smem:$0x3FAE] =	sst s6  }
0xf: {  	[smem:$0x3FAF] =	sst s7  }
0x10: {  	[smem:$0x3FB0] =	sst s8  }
0x11: {  	[smem:$0x3FB1] =	sst s9;
	s0 =	simm.s32 @!p0 $0x0  }
0x12: {  	s1 =	sld [smem:$0x3F97];
	s0 =	simm.s32 @p0 $0x1  }
0x13: {  	[smem:$0x3FB2] =	sst s0;
	s0 =	simm.s32 @!p1 $0x0  }
0x14: {  	s2 =	sld [smem:$0x3F96];
	s0 =	simm.s32 @p1 $0x1  }
0x15: {  	[smem:$0x3FB3] =	sst s0;
	s0 =	simm.s32 @!p2 $0x0  }
0x16: {  	s3 =	sld [smem:$0x3FDB];
	s0 =	simm.s32 @p2 $0x1  }
0x17: {  	s4 =	simm.s32 $0x1BF5;
	[smem:$0x3FB5] =	sst s0  }
0x18: {  	s0 =	sld [smem:$0x3F98];
	_ =	swait.ge [sflag:s4], $0x0  }
0x19: {  	s7 =	sld [smem:$0x3F99]  }
0x1a: {  	s8 =	sadd.s32 $0xFFFFE003, lr  }
0x1b: {  	s9 =	sadd.s32 $0xFFFFFEF7, lr;
	s5 =	simm.s32 $0xFFFFFFFF;
	p2 =	slt.u32 s8, $0xFFFFF086  }
0x1c: {  	p1 =	slt.u32 s9, $0xF7A;
	s5 =	simm.s32 @!p2 $0x0  }
0x1d: {  	s5 =	simm.s32 @p1 $0x1;
	p0 =	seq.s32 s7, s2  }
0x1e: {  	s7 =	smul.u32 @!p0 $0xF7A, s2;
	p2 =	seq.s32 @!p0 s5, $0x0  }
0x1f: {  	s9 =	smul.u32 $0xF7A, s1;
	s8 =	simm.s32 @!p0 $0x1BF5;
	p2 =	por !p2, p0  }
0x20: {  	[sflag:s8] =	ssyncset.s32 @!p0 $0xFFFFF086;
	s6 =	sadd.s32 @!p0 s3, s7;
	s7 =	simm.s32 @!p0 $0x108  }
0x21: {  	s3 =	sadd.s32 s3, s9;
	s6 =	sadd.s32 @!p0 $0x88, s6;
	s7 =	simm.s32 @p2 $0x1082  }
0x22: {  	[simem:s7], [sflag:s8] =	dma.local @!p0 [hbm:s6], $0xF7A  }
0x23: {  	s9 =	sor.u32 $0xD0000000, s2;
	s6 =	simm.s32 $0x108;
	_ =	swait.ge @!p0 [sflag:s8], $0x0  }
0x24: {  	s3 =	sadd.s32 $0x88, s3;
	s6 =	simm.s32 @!p1 $0x1082;
	[sflag:s4] =	ssyncset.s32 $0xFFFFF086  }
0x25: {  	[simem:s6], [sflag:s4] =	dma.local [hbm:s3], $0xF7A  }
0x26: {  	[smem:$0x3F99] =	sst s1;
	(tag) =	ssettag s2;
	_ =	strace s9  }
0x27: {  	s1 =	sld [smem:$0x3FA9]  }
0x28: {  	s2 =	sld [smem:$0x3FAA]  }
0x29: {  	s4 =	sld [smem:$0x3FAC]  }
0x2a: {  	p0 =	seq.s32 s5, $0x0;
	s5 =	sld [smem:$0x3FAD]  }
0x2b: {  	s6 =	sld [smem:$0x3FAE]  }
0x2c: {  	s7 =	sld [smem:$0x3FAF]  }
0x2d: {  	s3 =	simm.s32 $0x108;
	s8 =	sld [smem:$0x3FB0]  }
0x2e: {  	s3 =	simm.s32 @!p0 $0x1082;
	s9 =	sld [smem:$0x3FB1]  }
0x2f: {  	lr =	sadd.s32 s0, s3;
	s0 =	sld [smem:$0x3FA8]  }
0x30: {  	s3 =	sld [smem:$0x3FAB]  }
0x31: {  	[smem:$0x3FB4] =	sst s10  }
0x32: {  	s10 =	sld [smem:$0x3FB2];
	_ =	sdelay $0x3  }
0x33: {  	p0 =	seq.s32 s10, $0x1;
	s10 =	sld [smem:$0x3FB4];
	_ =	sdelay $0x3  }
0x34: {  	[smem:$0x3FB4] =	sst s10  }
0x35: {  	s10 =	sld [smem:$0x3FB3];
	_ =	sdelay $0x3  }
0x36: {  	p1 =	seq.s32 s10, $0x1;
	s10 =	sld [smem:$0x3FB4];
	_ =	sdelay $0x3  }
0x37: {  	[smem:$0x3FB4] =	sst s10  }
0x38: {  	s10 =	sld [smem:$0x3FB5]  }
0x39: {  	_ = 	snop;
	(pc) =	sbr.ind lr, $3  }
0x3a: {  	_ = 	snop  }
0x3b: {  	_ = 	snop  }
0x3c: {  	p2 =	seq.s32 s10, $0x1;
	s10 =	sld [smem:$0x3FB4]  }
0x3d: {  	_ =	shalt  }
0x3e: {  	_ =	shalt  }
0x3f: {  	_ =	shalt  }
0x40: {  	_ =	shalt  }
0x41: {  	_ =	shalt  }
0x42: {  	_ =	shalt  }
0x43: {  	_ =	shalt  }
0x44: {  	_ =	shalt  }
0x45: {  	_ =	shalt  }
0x46: {  	_ =	shalt  }
0x47: {  	_ =	shalt  }
0x48: {  	_ =	shalt  }
0x49: {  	_ =	shalt  }
0x4a: {  	_ =	shalt  }
0x4b: {  	_ =	shalt  }
0x4c: {  	_ =	shalt  }
0x4d: {  	_ =	shalt  }
0x4e: {  	_ =	shalt  }
0x4f: {  	_ =	shalt  }
0x50: {  	_ =	shalt  }
0x51: {  	_ =	shalt  }
0x52: {  	_ =	shalt  }
0x53: {  	_ =	shalt  }
0x54: {  	_ =	shalt  }
0x55: {  	_ =	shalt  }
0x56: {  	_ =	shalt  }
0x57: {  	_ =	shalt  }
0x58: {  	_ =	shalt  }
0x59: {  	_ =	shalt  }
0x5a: {  	_ =	shalt  }
0x5b: {  	_ =	shalt  }
0x5c: {  	_ =	shalt  }
0x5d: {  	_ =	shalt  }
0x5e: {  	_ =	shalt  }
0x5f: {  	_ =	shalt  }
0x60: {  	_ =	shalt  }
0x61: {  	_ =	shalt  }
0x62: {  	_ =	shalt  }
0x63: {  	_ =	shalt  }
0x64: {  	_ =	shalt  }
0x65: {  	_ =	shalt  }
0x66: {  	_ =	shalt  }
0x67: {  	_ =	shalt  }
0x68: {  	_ =	shalt  }
0x69: {  	_ =	shalt  }
0x6a: {  	_ =	shalt  }
0x6b: {  	_ =	shalt  }
0x6c: {  	_ =	shalt  }
0x6d: {  	_ =	shalt  }
0x6e: {  	_ =	shalt  }
0x6f: {  	_ =	shalt  }
0x70: {  	_ =	shalt  }
0x71: {  	_ =	shalt  }
0x72: {  	_ =	shalt  }
0x73: {  	_ =	shalt  }
0x74: {  	_ =	shalt  }
0x75: {  	_ =	shalt  }
0x76: {  	_ =	shalt  }
0x77: {  	_ =	shalt  }
0x78: {  	_ =	shalt  }
0x79: {  	_ =	shalt  }
0x7a: {  	_ =	shalt  }
0x7b: {  	_ =	shalt  }
0x7c: {  	_ =	shalt  }
0x7d: {  	_ =	shalt  }
0x7e: {  	_ =	shalt  }
0x7f: {  	_ =	shalt  }
0x80: {  	_ =	shalt  }
0x81: {  	_ =	shalt  }
0x82: {  	_ =	shalt  }
0x83: {  	_ =	shalt  }
0x84: {  	_ =	shalt  }
0x85: {  	_ =	shalt  }
0x86: {  	_ =	shalt  }
0x87: {  	_ =	shalt  }
.Lfunc_end0:
.L_simem_size_0:
called_computation_lowered:
.L_overlay_start_0:
0x88: {  	s2 =	sld [smem:$0x3FD9]  }
0x89: {  	s3 =	sld [smem:$0x3FFE];
	_ =	sdelay $0x1  }
0x8a: {  	s1 =	srdreg.scid  }
0x8b: {  	s0 =	sand.u32 $0x1, s1  }
0x8c: {  	s16 =	sshll.u32 s0, $0xA;
	s2 =	sadd.s32 s3, s2  }
0x8d: {  	s2 =	sadd.s32 s2, s16  }
0x8e: {  	[smem:$0x3FC0] =	sst s2  }
0x8f: {  	_ = 	snop  }
0x90: {  	(tm) =	ssettm $0x1  }
0x91: {  	s17 =	sld [smem:$0x3FFB];
	_ =	sdelay $0x3  }
0x92: {  	_ =	strace s17  }
0x93: {  	s2 =	sld [smem:$0x3FFC];
	_ =	sdelay $0x3  }
0x94: {  	_ =	strace s2  }
0x95: {  	s2 =	sld [smem:$0x3FFD];
	_ =	sdelay $0x3  }
0x96: {  	_ =	strace s2  }
0x97: {  	_ =	strace $0x8FFFFFFF  }
0x98: {  	s18 =	sld [smem:$0x3FDB];
	_ =	sdelay $0x1  }
0x99: {  	s19 =	simm.s32 $_scs_section_size  }
0x9a: {  	s4 =	simm.s32 $_size__tile_overlayer_lowered;
	s5 =	simm.s32 $_tile_overlayer_lowered  }
0x9b: {  	s22 =	simm.s32 $0x1BFF;
	s21 =	sshll.u32 s5, $0x1;
	s2 =	sadd.s32 s19, s18  }
0x9c: {  	s6 =	simm.s32 $0x0;
	s20 =	sshll.u32 s4, $0x1;
	s4 =	sadd.s32 s21, s2  }
0x9d: {  	[timem:s6], [sflag:s22] =	dma.local [hbm:s4], s20  }
0x9e: {  	_ =	swait.ge [sflag:s22], s20  }
0x9f: {  	s3 =	ssub.s32 $0x0, s20;
	[sflag:s22] =	ssyncset.done $0x0  }
0xa0: {  	[sflag:s22] =	ssyncadd.s32 s3;
	_ =	sdelay $0x1  }
0xa1: {  	s23 =	simm.s32 $0x1B8B  }
0xa2: {  	_ =	swait.ge [sflag:s23], $0x1  }
0xa3: {  	[sflag:s23] =	ssyncset.done $0x0  }
0xa4: {  	s25 =	simm.s32 $0x1B8E;
	s24 =	sld [smem:$0x3FFE];
	[sflag:s23] =	ssyncadd.s32 $0xFFFFFFFF  }
0xa5: {  	s26 =	simm.s32 $execute0_lowered;
	[smem:$0x3FD2] =	sst s25  }
0xa6: {  	s4 =	sshll.u32 s26, $0x1;
	_ =	strace $0x80000046;
	[dreg:$0x1] =	wrdreg $0xFFFFFFFF  }
0xa7: {  	s28 =	simm.s32 $_size_execute0_lowered;
	s2 =	sadd.s32 s2, s4;
	[dreg:$0x0] =	wrdreg $0x0  }
0xa8: {  	s4 =	sshll.u32 s28, $0x1;
	[dreg:$0x2] =	wrdreg s2  }
0xa9: {  	[dreg:$0x3] =	wrdreg s4  }
0xaa: {  	[dreg:$0x4] =	wrdreg $0xC0  }
0xab: {  	_ =	task [dreg:s6], $0x5FFFF  }
0xac: {  	[dreg:$0x1] =	wrdreg $0xFFFFFFFF  }
0xad: {  	[dreg:$0x0] =	wrdreg $0x60  }
0xae: {  	[dreg:$0x2] =	wrdreg s24  }
0xaf: {  	[dreg:$0x3] =	wrdreg $0x81000  }
0xb0: {  	[dreg:$0x4] =	wrdreg $0x9  }
0xb1: {  	_ =	task.clear_ibuf [dreg:s6], $0x5FFFF;
	_ =	strace $0x90000046  }
0xb2: {  	s29 =	simm.s32 $0x9;
	_ =	strace $0x80000048  }
0xb3: {  	_ =	swait.ge [sflag:s29], $0x1  }
0xb4: {  	[sflag:s29] =	ssyncadd.s32 $0xFFFFFFFF  }
0xb5: {  	_ =	strace $0x90000048  }
0xb6: {  	_ =	sfence  }
0xb7: {  	s30 =	sld [smem:$0x0];
	_ =	sdelay $0x2  }
0xb8: {  	s31 =	sshll.u32 s1, $0xD;
	s1 =	sshrl.u32 s1, $0x2  }
0xb9: {  	s3 =	sand.u32 $0x4000, s31;
	s1 =	sadd.s32 s1, s30  }
0xba: {  	s0 =	sor.u32 s3, s0;
	s1 =	sshll.u32 s1, $0x11  }
0xbb: {  	s0 =	sor.u32 s1, s0  }
0xbc: {  	s0 =	sadd.s32 $0x8F2B, s0  }
0xbd: {  	[sflag:s0] =	ssyncadd.remote.s32 $0x1  }
0xbe: {  	_ =	sfence.sel $0xFFFF  }
0xbf: {  	[dreg:$0x0] =	wrdreg $0xFFFFFFFF;
	(pc) =	sbr.abs _section_cstart, $3  }
0xc0: {  	[dreg:$0x1] =	wrdreg $0xFFFFFFFF  }
0xc1: {  	_ =	task.clear_ibuf [dreg:s6], $0x2FFFF;
	_ =	strace $0x9FFFFFFF  }
0xc2: {  	(tm) =	ssettm $0x7FFFFFFF  }
0xc3: {  	_ =	shalt  }
tec
execute0_lowered:
.L_overlay_start_1:
0x0: {  	(tag) =	ssettag $0x1  }
0x1: {  	s4 =	rddreg [dreg:$0x0]  }
0x2: {  	s1 =	rddreg [dreg:$0x1]  }
0x3: {  	s2 =	srdreg.scid;
	s0 =	rddreg [dreg:$0x2];
	s3 =	simm.s32 $0x0  }
0x4: {  	s17 =	simm.s32 $0x80;
	s18 =	simm.s32 $0x4100;
	s5 =	sand.u32 $0x1, s2  }
0x5: {  	s19 =	simm.s32 $0x2;
	s2 =	stileid.u32;
	s6 =	smul.u32 $0x140000, s5  }
0x6: {  	s21 =	simm.s32 $0x0;
	[smem:$0x7FF] =	sst s3;
	s7 =	smul.u32 $0x14000, s2  }
0x7: {  	s14 =	sadd.s32 $0x5600, s4;
	_ =	strace $0x80000047;
	s8 =	smul.u32 $0x50000, s2  }
0x8: {  	s26 =	sshll.u32 s2, $0x1;
	s28 =	ssub.s32 $0x2, s5;
	s9 =	smul.u32 $0x5000, s2  }
0x9: {  	s10 =	smul.u32 $0x2800, s5;
	s20 =	sshll.u32 s2, $0x6;
	s29 =	sshrl.u32 s28, $0x1  }
0xa: {  	s20 =	sor.u32 $0x1C01, s20;
	s6 =	sadd.s32 s7, s6;
	s7 =	sor.u32 s5, s26  }
0xb: {  	s8 =	sshrl.u32 s8, $0x2;
	s12 =	ssub.s32 s28, s29;
	s13 =	sadd.s32 s10, s9  }
0xc: {  	s6 =	sshrl.u32 s6, $0x3;
	s7 =	smul.u32 $0x2800, s7;
	s15 =	sor.u32 $0x180, s13  }
0xd: {  	s16 =	sor.u32 $0x100, s13;
	s12 =	smax.u32 s12, $0x1;
	s11 =	sadd.s32 s6, s4  }
0xe: {  	s4 =	sadd.s32 s8, s1;
	s15 =	sshrl.u32 s15, $0x3;
	s31 =	sshrl.u32 s16, $0x3  }
0xf: {  	s16 =	simm.s32 $0x1;
	s5 =	sadd.s32 $0x4000, s4;
	s6 =	sadd.s32 $0x8000, s4  }
0x10: {  	s30 =	sshrl.u32 s7, $0x3;
	s7 =	sadd.s32 $0xC000, s4;
	s9 =	sadd.s32 $0x10000, s4  }
0x11: {  	s11 =	sadd.s32 $0x19600, s11;
	s13 =	sadd.s32 s15, s14;
	s8 =	sadd.s32 s14, s30  }
0x12: {  	v0 =	vimm.f32 $0.0e+00;
	v1 =	vimm.f32 $1.000000000e+00;
	s15 =	simm.s32 $0x100;
	s14 =	sadd.s32 s31, s14;
	s10 =	sadd.s32 $0x10, s8  }
.LBB2_1:
0x13: {  	s22 =	simm.s32 $0x0;
	s23 =	simm.s32 $0x200  }
.LBB2_2:
0x14: {  	p0 =	sne.s32 s23, $0xFE00;
	[tilespmem:s22+$0x4170] =	vst v1  }
0x15: {  	[tilespmem:s22+$0x100] =	vst v0  }
0x16: {  	[tilespmem:s22+$0x4100] =	vst v1  }
0x17: {  	[tilespmem:s22+$0x110] =	vst v0  }
0x18: {  	[tilespmem:s22+$0x4110] =	vst v1  }
0x19: {  	[tilespmem:s22+$0x120] =	vst v0  }
0x1a: {  	[tilespmem:s22+$0x4120] =	vst v1  }
0x1b: {  	[tilespmem:s22+$0x130] =	vst v0  }
0x1c: {  	[tilespmem:s22+$0x4130] =	vst v1  }
0x1d: {  	[tilespmem:s22+$0x140] =	vst v0  }
0x1e: {  	[tilespmem:s22+$0x4140] =	vst v1  }
.Ltmp0:
0x1f: {  	[tilespmem:s22+$0x150] =	vst v0;
	(pc) =	sbr.rel @p0 .LBB2_2-.Ltmp0, $4  }
0x20: {  	[tilespmem:s22+$0x4150] =	vst v1  }
0x21: {  	[tilespmem:s22+$0x160] =	vst v0  }
0x22: {  	[tilespmem:s22+$0x4160] =	vst v1  }
0x23: {  	[tilespmem:s22+$0x170] =	vst v0;
	s22 =	sshra.s32 s23, $0x2;
	s23 =	sadd.s32 $0x200, s23  }
0x24: {  	[tilespmem:s22+$0x4170] =	vst v1  }
0x25: {  	[tilespmem:s22+$0x100] =	vst v0  }
0x26: {  	[tilespmem:s22+$0x4100] =	vst v1  }
0x27: {  	[tilespmem:s22+$0x110] =	vst v0  }
0x28: {  	[tilespmem:s22+$0x4110] =	vst v1  }
0x29: {  	[tilespmem:s22+$0x120] =	vst v0  }
0x2a: {  	[tilespmem:s22+$0x4120] =	vst v1  }
0x2b: {  	[tilespmem:s22+$0x130] =	vst v0  }
0x2c: {  	[tilespmem:s22+$0x4130] =	vst v1  }
0x2d: {  	[tilespmem:s22+$0x140] =	vst v0  }
0x2e: {  	[tilespmem:s22+$0x4140] =	vst v1  }
0x2f: {  	[tilespmem:s22+$0x150] =	vst v0  }
0x30: {  	[tilespmem:s22+$0x4150] =	vst v1  }
0x31: {  	[tilespmem:s22+$0x160] =	vst v0  }
0x32: {  	[tilespmem:s22+$0x4160] =	vst v1  }
0x33: {  	[tilespmem:s22+$0x170] =	vst v0  }
0x34: {  	[spmem:s4] =	stream.linear.scatter [tilespmem:s15], [sflag:$0x1], $0x4000, $0x38;
	[tilespmem:$0x1C100] =	vst v63  }
0x35: {  	_ =	swait.ge [sflag:s16], $0x4000  }
0x36: {  	[sflag:s16] =	ssyncset.done $0x0  }
0x37: {  	[sflag:s16] =	ssyncadd.s32 $0xFFFFC000  }
0x38: {  	[spmem:s5] =	stream.linear.scatter [tilespmem:s15], [sflag:$0x1], $0x4000, $0x38;
	[tilespmem:$0x1C100] =	vst v63  }
0x39: {  	_ =	swait.ge [sflag:s16], $0x4000  }
0x3a: {  	[sflag:s16] =	ssyncset.done $0x0  }
0x3b: {  	[sflag:s16] =	ssyncadd.s32 $0xFFFFC000  }
0x3c: {  	[spmem:s6] =	stream.linear.scatter [tilespmem:s15], [sflag:$0x1], $0x4000, $0x38;
	[tilespmem:$0x1C100] =	vst v63  }
0x3d: {  	_ =	swait.ge [sflag:s16], $0x4000  }
0x3e: {  	[sflag:s16] =	ssyncset.done $0x0  }
0x3f: {  	[sflag:s16] =	ssyncadd.s32 $0xFFFFC000  }
0x40: {  	[spmem:s7] =	stream.linear.scatter [tilespmem:s15], [sflag:$0x1], $0x4000, $0x38;
	[tilespmem:$0x1C100] =	vst v63  }
0x41: {  	_ =	swait.ge [sflag:s16], $0x4000  }
0x42: {  	[sflag:s16] =	ssyncset.done $0x0  }
0x43: {  	[sflag:s16] =	ssyncadd.s32 $0xFFFFC000  }
0x44: {  	[spmem:s9] =	stream.linear.scatter [tilespmem:s15], [sflag:$0x1], $0x4000, $0x38;
	[tilespmem:$0x1C100] =	vst v63  }
0x45: {  	_ =	swait.ge [sflag:s16], $0x4000  }
0x46: {  	[sflag:s16] =	ssyncset.done $0x0  }
0x47: {  	[sflag:s16] =	ssyncadd.s32 $0xFFFFC000  }
0x48: {  	s29 =	simm.s32 $0x0;
	[bflag:$0x0] =	sbarrier.arrive $0xFFFF  }
0x49: {  	[tilespmem:s29], [sflag:$0x1] =	stream.linear.gather [hbm4b:s8+s29], $0x80, $0x38;
	[tilespmem:$0x1C100] =	vst v63  }
0x4a: {  	_ =	swait.ge [sflag:s16], $0x80  }
0x4b: {  	[sflag:s16] =	ssyncset.done $0x0  }
0x4c: {  	[sflag:s16] =	ssyncadd.s32 $0xFFFFFF80  }
0x4d: {  	[tilespmem:s17], [sflag:$0x1] =	stream.linear.gather [hbm4b:s10+s29], $0x80, $0x38;
	[tilespmem:$0x1C100] =	vst v63  }
0x4e: {  	_ =	swait.ge [sflag:s16], $0x80  }
0x4f: {  	[sflag:s16] =	ssyncset.done $0x0  }
0x50: {  	[sflag:s16] =	ssyncadd.s32 $0xFFFFFF80  }
0x51: {  	[spmem:s1] =	stream.indirect.scatter.add.f32 [tilespmem:s18], [sflag:$0x2], $0x80, s3, s17, $0xb8;
	[tilespmem:$0x1C100] =	vst v63  }
0x52: {  	_ =	swait.ge [sflag:s19], $0x4000  }
0x53: {  	[sflag:s19] =	ssyncset.done $0x0  }
0x54: {  	s30 =	sadd.s32 $0x0, s14;
	[sflag:s19] =	ssyncadd.s32 $0xFFFFC000  }
0x55: {  	[tilespmem:s3], [sflag:$0x2] =	stream.linear.gather [hbm4b:s30+s3], $0x80, $0x38;
	[tilespmem:$0x1C100] =	vst v63  }
0x56: {  	_ =	swait.ge [sflag:s19], $0x80  }
0x57: {  	[sflag:s19] =	ssyncset.done $0x0  }
0x58: {  	[sflag:s19] =	ssyncadd.s32 $0xFFFFFF80  }
0x59: {  	[spmem:s1] =	stream.indirect.scatter.add.f32 [tilespmem:s18], [sflag:$0x2], $0x80, s17, s17, $0xb8;
	[tilespmem:$0x1C100] =	vst v63  }
0x5a: {  	_ =	swait.ge [sflag:s19], $0x4000  }
0x5b: {  	[sflag:s19] =	ssyncset.done $0x0  }
0x5c: {  	s31 =	sadd.s32 $0x0, s13;
	[sflag:s19] =	ssyncadd.s32 $0xFFFFC000  }
0x5d: {  	[tilespmem:s17], [sflag:$0x1] =	stream.linear.gather [hbm4b:s31+s3], $0x80, $0x38;
	[tilespmem:$0x1C100] =	vst v63  }
0x5e: {  	_ =	swait.ge [sflag:s16], $0x80  }
0x5f: {  	s22 =	simm.s32 $0x20;
	[sflag:s16] =	ssyncset.done $0x0  }
.LBB2_4:
0x60: {  	p0 =	sne.s32 s22, $0x4C0  }
0x61: {  	[sflag:s16] =	ssyncadd.s32 $0xFFFFFF80;
	s23 =	smov.u32 s22;
	s22 =	sadd.s32 $0x20, s22  }
0x62: {  	[spmem:s1] =	stream.indirect.scatter.add.f32 [tilespmem:s18], [sflag:$0x2], $0x80, s3, s17, $0xb8;
	[tilespmem:$0x1C100] =	vst v63  }
0x63: {  	_ =	swait.ge [sflag:s19], $0x4000  }
0x64: {  	[sflag:s19] =	ssyncset.done $0x0  }
0x65: {  	s24 =	sadd.s32 s23, s14;
	[sflag:s19] =	ssyncadd.s32 $0xFFFFC000  }
0x66: {  	[tilespmem:s3], [sflag:$0x2] =	stream.linear.gather [hbm4b:s24+s3], $0x80, $0x38;
	[tilespmem:$0x1C100] =	vst v63  }
0x67: {  	_ =	swait.ge [sflag:s19], $0x80  }
0x68: {  	[sflag:s19] =	ssyncset.done $0x0  }
0x69: {  	[sflag:s19] =	ssyncadd.s32 $0xFFFFFF80  }
0x6a: {  	[spmem:s1] =	stream.indirect.scatter.add.f32 [tilespmem:s18], [sflag:$0x2], $0x80, s17, s17, $0xb8;
	[tilespmem:$0x1C100] =	vst v63  }
0x6b: {  	_ =	swait.ge [sflag:s19], $0x4000  }
.Ltmp1:
0x6c: {  	[sflag:s19] =	ssyncset.done $0x0;
	(pc) =	sbr.rel @p0 .LBB2_4-.Ltmp1, $4  }
0x6d: {  	s23 =	sadd.s32 s23, s13;
	[sflag:s19] =	ssyncadd.s32 $0xFFFFC000  }
0x6e: {  	[tilespmem:s17], [sflag:$0x1] =	stream.linear.gather [hbm4b:s23+s3], $0x80, $0x38;
	[tilespmem:$0x1C100] =	vst v63  }
0x6f: {  	_ =	swait.ge [sflag:s16], $0x80  }
0x70: {  	[sflag:s16] =	ssyncset.done $0x0  }
0x71: {  	[sflag:s16] =	ssyncadd.s32 $0xFFFFFF80  }
0x72: {  	[spmem:s1] =	stream.indirect.scatter.add.f32 [tilespmem:s18], [sflag:$0x2], $0x80, s3, s17, $0xb8;
	[tilespmem:$0x1C100] =	vst v63  }
0x73: {  	_ =	swait.ge [sflag:s19], $0x4000  }
0x74: {  	[sflag:s19] =	ssyncset.done $0x0  }
0x75: {  	[sflag:s19] =	ssyncadd.s32 $0xFFFFC000  }
0x76: {  	[spmem:s1] =	stream.indirect.scatter.add.f32 [tilespmem:s18], [sflag:$0x2], $0x80, s17, s17, $0xb8;
	[tilespmem:$0x1C100] =	vst v63  }
0x77: {  	_ =	swait.ge [sflag:s19], $0x4000  }
0x78: {  	s21 =	sadd.s32 $0x1, s21;
	[sflag:s19] =	ssyncset.done $0x0  }
0x79: {  	p0 =	sne.s32 s21, s12;
	[sflag:s19] =	ssyncadd.s32 $0xFFFFC000  }
.Ltmp2:
0x7a: {  	s22 =	sshrl.u32 s4, $0x3;
	[bflag:$0x0] =	sbarrier.arrive $0xFFFF;
	(pc) =	sbr.rel @p0 .LBB2_1-.Ltmp2, $4  }
0x7b: {  	[hbm:s11], [sflag:s20] =	dma.local [spmem:s22], $0x2800  }
0x7c: {  	_ =	swait.ge [sflag:s16], $0x2800  }
0x7d: {  	[sflag:s16] =	ssyncset.done $0x0  }
0x7e: {  	[sflag:s16] =	ssyncadd.s32 $0xFFFFD800  }
0x7f: {  	_ =	sfence.sel $0x180000  }
0x80: {  	[bflag:$0x0] =	sbarrier.arrive $0xFFFF  }
0x81: {  	p0 =	sne.s32 s2, $0x0;
	_ =	strace $0x90000047  }
0x82: {  	s0 =	sadd.s32 @!p0 $0x100000, s0;
	[bflag:$0x2] =	sbarrier.arrive $0xFFFF  }
0x83: {  	[sflag:s0] =	ssyncadd.tile.s32 @!p0 $0x1;
	_ =	shalt  }
.Lfunc_end2:
_tile_overlayer_lowered:
.L_overlay_start_2:
0x84: {  	(tag) =	ssettag $0x2  }
0x85: {  	s0 =	rddreg [dreg:$0x0];
	s2 =	stileid.u32  }
0x86: {  	s1 =	rddreg [dreg:$0x1];
	p0 =	sne.s32 s2, $0x0  }
0x87: {  	s3 =	rddreg [dreg:$0x2];
	[bflag:$0x3] =	sbarrier.arrive $0xFFFF;
	s2 =	simm.s32 @!p0 $0x1C01  }
0x88: {  	[timem:s3], [sflag:s2] =	dma.local @!p0 [hbm:s0], s1  }
0x89: {  	s0 =	simm.s32 @!p0 $0x1  }
0x8a: {  	_ =	swait.ge @!p0 [sflag:s0], s1  }
0x8b: {  	s1 =	ssub.s32 @!p0 $0x0, s1;
	[sflag:s0] =	ssyncset.done @!p0 $0x0  }
0x8c: {  	[sflag:s0] =	ssyncadd.s32 @!p0 s1  }
0x8d: {  	[bflag:$0x3] =	sbarrier.arrive $0xFFFF  }
0x8e: {  	_ =	shalt  }

// kernel: kernel.17.cloned.1.call-start
scs
__scs_entry_jumppad:
0x0: {  	(pc) =	sbr.rel $0x88, $3  }
0x1: {  	(tag) =	ssettag $0x0;
	lr =	simm.s32 $0x1  }
0x2: {  	[smem:$0x3F99] =	sst lr;
	_ =	strace $0xD0000000  }
0x3: {  	_ = 	snop  }
0x4: {  	_ = 	snop  }
0x5: {  	_ = 	snop  }
0x6: {  	_ = 	snop  }
0x7: {  	_ = 	snop  }
__scs_overlays_trampoline_lowered:
0x8: {  	[smem:$0x3FA8] =	sst s0  }
0x9: {  	[smem:$0x3FA9] =	sst s1  }
0xa: {  	[smem:$0x3FAA] =	sst s2  }
0xb: {  	[smem:$0x3FAB] =	sst s3  }
0xc: {  	[smem:$0x3FAC] =	sst s4  }
0xd: {  	[smem:$0x3FAD] =	sst s5  }
0xe: {  	[smem:$0x3FAE] =	sst s6  }
0xf: {  	[smem:$0x3FAF] =	sst s7  }
0x10: {  	[smem:$0x3FB0] =	sst s8  }
0x11: {  	[smem:$0x3FB1] =	sst s9;
	s0 =	simm.s32 @!p0 $0x0  }
0x12: {  	s1 =	sld [smem:$0x3F97];
	s0 =	simm.s32 @p0 $0x1  }
0x13: {  	[smem:$0x3FB2] =	sst s0;
	s0 =	simm.s32 @!p1 $0x0  }
0x14: {  	s2 =	sld [smem:$0x3F96];
	s0 =	simm.s32 @p1 $0x1  }
0x15: {  	[smem:$0x3FB3] =	sst s0;
	s0 =	simm.s32 @!p2 $0x0  }
0x16: {  	s3 =	sld [smem:$0x3FDB];
	s0 =	simm.s32 @p2 $0x1  }
0x17: {  	s4 =	simm.s32 $0x1BF5;
	[smem:$0x3FB5] =	sst s0  }
0x18: {  	s0 =	sld [smem:$0x3F98];
	_ =	swait.ge [sflag:s4], $0x0  }
0x19: {  	s7 =	sld [smem:$0x3F99]  }
0x1a: {  	s8 =	sadd.s32 $0xFFFFE003, lr  }
0x1b: {  	s9 =	sadd.s32 $0xFFFFFEF7, lr;
	s5 =	simm.s32 $0xFFFFFFFF;
	p2 =	slt.u32 s8, $0xFFFFF086  }
0x1c: {  	p1 =	slt.u32 s9, $0xF7A;
	s5 =	simm.s32 @!p2 $0x0  }
0x1d: {  	s5 =	simm.s32 @p1 $0x1;
	p0 =	seq.s32 s7, s2  }
0x1e: {  	s7 =	smul.u32 @!p0 $0xF7A, s2;
	p2 =	seq.s32 @!p0 s5, $0x0  }
0x1f: {  	s9 =	smul.u32 $0xF7A, s1;
	s8 =	simm.s32 @!p0 $0x1BF5;
	p2 =	por !p2, p0  }
0x20: {  	[sflag:s8] =	ssyncset.s32 @!p0 $0xFFFFF086;
	s6 =	sadd.s32 @!p0 s3, s7;
	s7 =	simm.s32 @!p0 $0x108  }
0x21: {  	s3 =	sadd.s32 s3, s9;
	s6 =	sadd.s32 @!p0 $0x88, s6;
	s7 =	simm.s32 @p2 $0x1082  }
0x22: {  	[simem:s7], [sflag:s8] =	dma.local @!p0 [hbm:s6], $0xF7A  }
0x23: {  	s9 =	sor.u32 $0xD0000000, s2;
	s6 =	simm.s32 $0x108;
	_ =	swait.ge @!p0 [sflag:s8], $0x0  }
0x24: {  	s3 =	sadd.s32 $0x88, s3;
	s6 =	simm.s32 @!p1 $0x1082;
	[sflag:s4] =	ssyncset.s32 $0xFFFFF086  }
0x25: {  	[simem:s6], [sflag:s4] =	dma.local [hbm:s3], $0xF7A  }
0x26: {  	[smem:$0x3F99] =	sst s1;
	(tag) =	ssettag s2;
	_ =	strace s9  }
0x27: {  	s1 =	sld [smem:$0x3FA9]  }
0x28: {  	s2 =	sld [smem:$0x3FAA]  }
0x29: {  	s4 =	sld [smem:$0x3FAC]  }
0x2a: {  	p0 =	seq.s32 s5, $0x0;
	s5 =	sld [smem:$0x3FAD]  }
0x2b: {  	s6 =	sld [smem:$0x3FAE]  }
0x2c: {  	s7 =	sld [smem:$0x3FAF]  }
0x2d: {  	s3 =	simm.s32 $0x108;
	s8 =	sld [smem:$0x3FB0]  }
0x2e: {  	s3 =	simm.s32 @!p0 $0x1082;
	s9 =	sld [smem:$0x3FB1]  }
0x2f: {  	lr =	sadd.s32 s0, s3;
	s0 =	sld [smem:$0x3FA8]  }
0x30: {  	s3 =	sld [smem:$0x3FAB]  }
0x31: {  	[smem:$0x3FB4] =	sst s10  }
0x32: {  	s10 =	sld [smem:$0x3FB2];
	_ =	sdelay $0x3  }
0x33: {  	p0 =	seq.s32 s10, $0x1;
	s10 =	sld [smem:$0x3FB4];
	_ =	sdelay $0x3  }
0x34: {  	[smem:$0x3FB4] =	sst s10  }
0x35: {  	s10 =	sld [smem:$0x3FB3];
	_ =	sdelay $0x3  }
0x36: {  	p1 =	seq.s32 s10, $0x1;
	s10 =	sld [smem:$0x3FB4];
	_ =	sdelay $0x3  }
0x37: {  	[smem:$0x3FB4] =	sst s10  }
0x38: {  	s10 =	sld [smem:$0x3FB5]  }
0x39: {  	_ = 	snop;
	(pc) =	sbr.ind lr, $3  }
0x3a: {  	_ = 	snop  }
0x3b: {  	_ = 	snop  }
0x3c: {  	p2 =	seq.s32 s10, $0x1;
	s10 =	sld [smem:$0x3FB4]  }
0x3d: {  	_ =	shalt  }
0x3e: {  	_ =	shalt  }
0x3f: {  	_ =	shalt  }
0x40: {  	_ =	shalt  }
0x41: {  	_ =	shalt  }
0x42: {  	_ =	shalt  }
0x43: {  	_ =	shalt  }
0x44: {  	_ =	shalt  }
0x45: {  	_ =	shalt  }
0x46: {  	_ =	shalt  }
0x47: {  	_ =	shalt  }
0x48: {  	_ =	shalt  }
0x49: {  	_ =	shalt  }
0x4a: {  	_ =	shalt  }
0x4b: {  	_ =	shalt  }
0x4c: {  	_ =	shalt  }
0x4d: {  	_ =	shalt  }
0x4e: {  	_ =	shalt  }
0x4f: {  	_ =	shalt  }
0x50: {  	_ =	shalt  }
0x51: {  	_ =	shalt  }
0x52: {  	_ =	shalt  }
0x53: {  	_ =	shalt  }
0x54: {  	_ =	shalt  }
0x55: {  	_ =	shalt  }
0x56: {  	_ =	shalt  }
0x57: {  	_ =	shalt  }
0x58: {  	_ =	shalt  }
0x59: {  	_ =	shalt  }
0x5a: {  	_ =	shalt  }
0x5b: {  	_ =	shalt  }
0x5c: {  	_ =	shalt  }
0x5d: {  	_ =	shalt  }
0x5e: {  	_ =	shalt  }
0x5f: {  	_ =	shalt  }
0x60: {  	_ =	shalt  }
0x61: {  	_ =	shalt  }
0x62: {  	_ =	shalt  }
0x63: {  	_ =	shalt  }
0x64: {  	_ =	shalt  }
0x65: {  	_ =	shalt  }
0x66: {  	_ =	shalt  }
0x67: {  	_ =	shalt  }
0x68: {  	_ =	shalt  }
0x69: {  	_ =	shalt  }
0x6a: {  	_ =	shalt  }
0x6b: {  	_ =	shalt  }
0x6c: {  	_ =	shalt  }
0x6d: {  	_ =	shalt  }
0x6e: {  	_ =	shalt  }
0x6f: {  	_ =	shalt  }
0x70: {  	_ =	shalt  }
0x71: {  	_ =	shalt  }
0x72: {  	_ =	shalt  }
0x73: {  	_ =	shalt  }
0x74: {  	_ =	shalt  }
0x75: {  	_ =	shalt  }
0x76: {  	_ =	shalt  }
0x77: {  	_ =	shalt  }
0x78: {  	_ =	shalt  }
0x79: {  	_ =	shalt  }
0x7a: {  	_ =	shalt  }
0x7b: {  	_ =	shalt  }
0x7c: {  	_ =	shalt  }
0x7d: {  	_ =	shalt  }
0x7e: {  	_ =	shalt  }
0x7f: {  	_ =	shalt  }
0x80: {  	_ =	shalt  }
0x81: {  	_ =	shalt  }
0x82: {  	_ =	shalt  }
0x83: {  	_ =	shalt  }
0x84: {  	_ =	shalt  }
0x85: {  	_ =	shalt  }
0x86: {  	_ =	shalt  }
0x87: {  	_ =	shalt  }
.Lfunc_end0:
.L_simem_size_0:
called_computation.1_lowered:
.L_overlay_start_0:
0x88: {  	s2 =	sld [smem:$0x3FD9]  }
0x89: {  	s3 =	sld [smem:$0x3FFE];
	_ =	sdelay $0x1  }
0x8a: {  	s1 =	srdreg.scid  }
0x8b: {  	s0 =	sand.u32 $0x1, s1  }
0x8c: {  	s16 =	sshll.u32 s0, $0xA;
	s2 =	sadd.s32 s3, s2  }
0x8d: {  	s2 =	sadd.s32 s2, s16  }
0x8e: {  	[smem:$0x3FC0] =	sst s2  }
0x8f: {  	_ = 	snop  }
0x90: {  	(tm) =	ssettm $0x1  }
0x91: {  	s17 =	sld [smem:$0x3FFB];
	_ =	sdelay $0x3  }
0x92: {  	_ =	strace s17  }
0x93: {  	s2 =	sld [smem:$0x3FFC];
	_ =	sdelay $0x3  }
0x94: {  	_ =	strace s2  }
0x95: {  	s2 =	sld [smem:$0x3FFD];
	_ =	sdelay $0x3  }
0x96: {  	_ =	strace s2  }
0x97: {  	_ =	strace $0x8FFFFFFF  }
0x98: {  	s18 =	sld [smem:$0x3FDB];
	_ =	sdelay $0x1  }
0x99: {  	s19 =	simm.s32 $_scs_section_size  }
0x9a: {  	s4 =	simm.s32 $_size__tile_overlayer_lowered;
	s5 =	simm.s32 $_tile_overlayer_lowered  }
0x9b: {  	s22 =	simm.s32 $0x1BFF;
	s21 =	sshll.u32 s5, $0x1;
	s2 =	sadd.s32 s19, s18  }
0x9c: {  	s6 =	simm.s32 $0x0;
	s20 =	sshll.u32 s4, $0x1;
	s4 =	sadd.s32 s21, s2  }
0x9d: {  	[timem:s6], [sflag:s22] =	dma.local [hbm:s4], s20  }
0x9e: {  	_ =	swait.ge [sflag:s22], s20  }
0x9f: {  	s3 =	ssub.s32 $0x0, s20;
	[sflag:s22] =	ssyncset.done $0x0  }
0xa0: {  	[sflag:s22] =	ssyncadd.s32 s3;
	_ =	sdelay $0x1  }
0xa1: {  	s23 =	simm.s32 $0x1B8B  }
0xa2: {  	_ =	swait.ge [sflag:s23], $0x1  }
0xa3: {  	[sflag:s23] =	ssyncset.done $0x0  }
0xa4: {  	s25 =	simm.s32 $0x1B8E;
	s24 =	sld [smem:$0x3FFE];
	[sflag:s23] =	ssyncadd.s32 $0xFFFFFFFF  }
0xa5: {  	s26 =	simm.s32 $execute0_lowered;
	[smem:$0x3FD2] =	sst s25  }
0xa6: {  	s4 =	sshll.u32 s26, $0x1;
	_ =	strace $0x80000049;
	[dreg:$0x1] =	wrdreg $0xFFFFFFFF  }
0xa7: {  	s28 =	simm.s32 $_size_execute0_lowered;
	s2 =	sadd.s32 s2, s4;
	[dreg:$0x0] =	wrdreg $0x0  }
0xa8: {  	s4 =	sshll.u32 s28, $0x1;
	[dreg:$0x2] =	wrdreg s2  }
0xa9: {  	[dreg:$0x3] =	wrdreg s4  }
0xaa: {  	[dreg:$0x4] =	wrdreg $0xC0  }
0xab: {  	_ =	task [dreg:s6], $0x5FFFF  }
0xac: {  	[dreg:$0x1] =	wrdreg $0xFFFFFFFF  }
0xad: {  	[dreg:$0x0] =	wrdreg $0x60  }
0xae: {  	[dreg:$0x2] =	wrdreg s24  }
0xaf: {  	[dreg:$0x3] =	wrdreg $0x82000  }
0xb0: {  	[dreg:$0x4] =	wrdreg $0x9  }
0xb1: {  	_ =	task.clear_ibuf [dreg:s6], $0x5FFFF;
	_ =	strace $0x90000049  }
0xb2: {  	s29 =	simm.s32 $0x9;
	_ =	strace $0x8000004B  }
0xb3: {  	_ =	swait.ge [sflag:s29], $0x1  }
0xb4: {  	[sflag:s29] =	ssyncadd.s32 $0xFFFFFFFF  }
0xb5: {  	_ =	strace $0x9000004B  }
0xb6: {  	_ =	sfence  }
0xb7: {  	s30 =	sld [smem:$0x0];
	_ =	sdelay $0x2  }
0xb8: {  	s31 =	sshll.u32 s1, $0xD;
	s1 =	sshrl.u32 s1, $0x2  }
0xb9: {  	s3 =	sand.u32 $0x4000, s31;
	s1 =	sadd.s32 s1, s30  }
0xba: {  	s0 =	sor.u32 s3, s0;
	s1 =	sshll.u32 s1, $0x11  }
0xbb: {  	s0 =	sor.u32 s1, s0  }
0xbc: {  	s0 =	sadd.s32 $0x8F2B, s0  }
0xbd: {  	[sflag:s0] =	ssyncadd.remote.s32 $0x1  }
0xbe: {  	_ =	sfence.sel $0xFFFF  }
0xbf: {  	[dreg:$0x0] =	wrdreg $0xFFFFFFFF;
	(pc) =	sbr.abs _section_cstart, $3  }
0xc0: {  	[dreg:$0x1] =	wrdreg $0xFFFFFFFF  }
0xc1: {  	_ =	task.clear_ibuf [dreg:s6], $0x2FFFF;
	_ =	strace $0x9FFFFFFF  }
0xc2: {  	(tm) =	ssettm $0x7FFFFFFF  }
0xc3: {  	_ =	shalt  }
tec
execute0_lowered:
.L_overlay_start_1:
0x0: {  	(tag) =	ssettag $0x1  }
0x1: {  	s0 =	rddreg [dreg:$0x0]  }
0x2: {  	s1 =	srdreg.scid;
	s2 =	rddreg [dreg:$0x1]  }
0x3: {  	s11 =	stileid.u32;
	s3 =	simm.s32 $0x0;
	s20 =	simm.s32 $0x200  }
0x4: {  	s21 =	simm.s32 $0x5;
	s22 =	simm.s32 $0x100;
	s23 =	simm.s32 $0x80  }
0x5: {  	s24 =	simm.s32 $0x180;
	s28 =	simm.s32 $0x2;
	s29 =	simm.s32 $0x3  }
0x6: {  	s30 =	simm.s32 $0x4;
	s31 =	simm.s32 $0x0;
	s5 =	smul.u32 $0x14000, s11  }
0x7: {  	s1 =	sand.u32 $0x1, s1;
	[smem:$0x7FF] =	sst s3;
	s6 =	smul.u32 $0x50000, s11  }
0x8: {  	s19 =	sadd.s32 $0xF600, s0;
	s18 =	sadd.s32 $0x5600, s0;
	s14 =	smul.u32 $0x5000, s11  }
0x9: {  	s25 =	sshll.u32 s11, $0x1;
	s4 =	smul.u32 $0x140000, s1;
	_ =	strace $0x8000004A  }
0xa: {  	s7 =	ssub.s32 $0x2, s1;
	s9 =	sor.u32 s1, s25;
	s1 =	smul.u32 $0x2800, s1  }
0xb: {  	s25 =	simm.s32 $0x4200;
	s6 =	sshrl.u32 s6, $0x2;
	s8 =	sshrl.u32 s7, $0x1  }
0xc: {  	s10 =	smul.u32 $0x2800, s9;
	s5 =	sadd.s32 s5, s4;
	s4 =	sadd.s32 $0x19600, s0  }
0xd: {  	s15 =	ssub.s32 s7, s8;
	s1 =	sadd.s32 s1, s14;
	s5 =	sshrl.u32 s5, $0x3  }
0xe: {  	s12 =	sshrl.u32 s10, $0x3;
	s26 =	sor.u32 $0x180, s1;
	s1 =	sor.u32 $0x100, s1  }
0xf: {  	s15 =	smax.u32 s15, $0x1;
	s0 =	sadd.s32 s5, s0;
	s5 =	sadd.s32 s6, s2  }
0x10: {  	s10 =	sadd.s32 s19, s12;
	s11 =	sadd.s32 s18, s12;
	s13 =	sor.u32 $0x10, s12  }
0x11: {  	s1 =	sshrl.u32 s1, $0x3;
	s6 =	sadd.s32 $0x4000, s5;
	s7 =	sadd.s32 $0x8000, s5  }
0x12: {  	s8 =	sadd.s32 $0xC000, s5;
	s9 =	sadd.s32 $0x10000, s5;
	s12 =	sadd.s32 s19, s13  }
0x13: {  	s13 =	sadd.s32 s18, s13;
	s14 =	sadd.s32 $0x67A00, s0;
	s0 =	sshrl.u32 s26, $0x3  }
0x14: {  	s26 =	simm.s32 $0x1;
	[dreg:$0x3] =	wrdreg s6;
	s16 =	sadd.s32 s0, s18  }
0x15: {  	v0 =	vimm.f32 $0.0e+00;
	s17 =	sadd.s32 s0, s19;
	s18 =	sadd.s32 s1, s18;
	s19 =	sadd.s32 s1, s19  }
.LBB2_1:
0x16: {  	s0 =	simm.s32 $0x0;
	s1 =	simm.s32 $0x200  }
.LBB2_2:
0x17: {  	p0 =	sne.s32 s1, $0xFE00;
	[tilespmem:s0+$0x270] =	vst v0  }
0x18: {  	[tilespmem:s0+$0x200] =	vst v0  }
0x19: {  	[tilespmem:s0+$0x210] =	vst v0  }
.Ltmp0:
0x1a: {  	[tilespmem:s0+$0x220] =	vst v0;
	(pc) =	sbr.rel @p0 .LBB2_2-.Ltmp0, $4  }
0x1b: {  	[tilespmem:s0+$0x230] =	vst v0  }
0x1c: {  	[tilespmem:s0+$0x240] =	vst v0  }
0x1d: {  	[tilespmem:s0+$0x250] =	vst v0  }
0x1e: {  	[tilespmem:s0+$0x260] =	vst v0;
	s0 =	sshra.s32 s1, $0x2;
	s1 =	sadd.s32 $0x200, s1  }
0x1f: {  	[tilespmem:s0+$0x270] =	vst v0  }
0x20: {  	[tilespmem:s0+$0x200] =	vst v0  }
0x21: {  	[tilespmem:s0+$0x210] =	vst v0  }
0x22: {  	[tilespmem:s0+$0x220] =	vst v0  }
0x23: {  	[tilespmem:s0+$0x230] =	vst v0  }
0x24: {  	[tilespmem:s0+$0x240] =	vst v0  }
0x25: {  	[tilespmem:s0+$0x250] =	vst v0  }
0x26: {  	[tilespmem:s0+$0x260] =	vst v0  }
0x27: {  	[spmem:s5] =	stream.linear.scatter [tilespmem:s20], [sflag:$0x5], $0x4000, $0x38;
	[tilespmem:$0x1C200] =	vst v63  }
0x28: {  	_ =	swait.ge [sflag:s21], $0x4000  }
0x29: {  	[sflag:s21] =	ssyncset.done $0x0  }
0x2a: {  	s1 =	rddreg [dreg:$0x3];
	[sflag:s21] =	ssyncadd.s32 $0xFFFFC000  }
0x2b: {  	[spmem:s1] =	stream.linear.scatter [tilespmem:s20], [sflag:$0x5], $0x4000, $0x38;
	[tilespmem:$0x1C200] =	vst v63  }
0x2c: {  	_ =	swait.ge [sflag:s21], $0x4000  }
0x2d: {  	[sflag:s21] =	ssyncset.done $0x0  }
0x2e: {  	[sflag:s21] =	ssyncadd.s32 $0xFFFFC000  }
0x2f: {  	[spmem:s7] =	stream.linear.scatter [tilespmem:s20], [sflag:$0x5], $0x4000, $0x38;
	[tilespmem:$0x1C200] =	vst v63  }
0x30: {  	_ =	swait.ge [sflag:s21], $0x4000  }
0x31: {  	[sflag:s21] =	ssyncset.done $0x0  }
0x32: {  	[sflag:s21] =	ssyncadd.s32 $0xFFFFC000  }
0x33: {  	[spmem:s8] =	stream.linear.scatter [tilespmem:s20], [sflag:$0x5], $0x4000, $0x38;
	[tilespmem:$0x1C200] =	vst v63  }
0x34: {  	_ =	swait.ge [sflag:s21], $0x4000  }
0x35: {  	[sflag:s21] =	ssyncset.done $0x0  }
0x36: {  	[sflag:s21] =	ssyncadd.s32 $0xFFFFC000  }
0x37: {  	[spmem:s9] =	stream.linear.scatter [tilespmem:s20], [sflag:$0x5], $0x4000, $0x38;
	[tilespmem:$0x1C200] =	vst v63  }
0x38: {  	_ =	swait.ge [sflag:s21], $0x4000  }
0x39: {  	[sflag:s21] =	ssyncset.done $0x0  }
0x3a: {  	[sflag:s21] =	ssyncadd.s32 $0xFFFFC000  }
0x3b: {  	s6 =	simm.s32 $0x0;
	[bflag:$0x0] =	sbarrier.arrive $0xFFFF  }
0x3c: {  	[tilespmem:s6], [sflag:$0x5] =	stream.linear.gather [hbm4b:s10+s6], $0x80, $0x38;
	[tilespmem:$0x1C200] =	vst v63  }
0x3d: {  	_ =	swait.ge [sflag:s21], $0x80  }
0x3e: {  	[sflag:s21] =	ssyncset.done $0x0  }
0x3f: {  	[sflag:s21] =	ssyncadd.s32 $0xFFFFFF80  }
0x40: {  	[tilespmem:s22], [sflag:$0x5] =	stream.linear.gather [hbm4b:s11+s6], $0x80, $0x38;
	[tilespmem:$0x1C200] =	vst v63  }
0x41: {  	_ =	swait.ge [sflag:s21], $0x80  }
0x42: {  	[sflag:s21] =	ssyncset.done $0x0  }
0x43: {  	[sflag:s21] =	ssyncadd.s32 $0xFFFFFF80  }
0x44: {  	[tilespmem:s20], [sflag:$0x1] =	stream.indirect.gather [hbm4b:s4+s23], $0x80, s6, s23, $0xb8;
	[tilespmem:$0x1C200] =	vst v63  }
0x45: {  	_ = 	snop  }
0x46: {  	[tilespmem:s23], [sflag:$0x5] =	stream.linear.gather [hbm4b:s12+s6], $0x80, $0x38;
	[tilespmem:$0x1C200] =	vst v63  }
0x47: {  	_ =	swait.ge [sflag:s21], $0x80  }
0x48: {  	[sflag:s21] =	ssyncset.done $0x0  }
0x49: {  	[sflag:s21] =	ssyncadd.s32 $0xFFFFFF80  }
0x4a: {  	[tilespmem:s24], [sflag:$0x5] =	stream.linear.gather [hbm4b:s13+s6], $0x80, $0x38;
	[tilespmem:$0x1C200] =	vst v63  }
0x4b: {  	_ =	swait.ge [sflag:s21], $0x80  }
0x4c: {  	[sflag:s21] =	ssyncset.done $0x0  }
0x4d: {  	[sflag:s21] =	ssyncadd.s32 $0xFFFFFF80  }
0x4e: {  	[tilespmem:s25], [sflag:$0x2] =	stream.indirect.gather [hbm4b:s4+s23], $0x80, s23, s23, $0xb8;
	[tilespmem:$0x1C200] =	vst v63  }
0x4f: {  	_ =	swait.ge [sflag:s26], $0x4000  }
0x50: {  	[sflag:s26] =	ssyncset.done $0x0  }
0x51: {  	[sflag:s26] =	ssyncadd.s32 $0xFFFFC000  }
0x52: {  	[spmem:s2] =	stream.indirect.scatter.add.f32 [tilespmem:s20], [sflag:$0x3], $0x80, s22, s23, $0xb8;
	[tilespmem:$0x1C200] =	vst v63  }
0x53: {  	_ =	swait.ge [sflag:s28], $0x4000  }
0x54: {  	[sflag:s28] =	ssyncset.done $0x0  }
0x55: {  	[sflag:s28] =	ssyncadd.s32 $0xFFFFC000  }
0x56: {  	[spmem:s2] =	stream.indirect.scatter.add.f32 [tilespmem:s25], [sflag:$0x4], $0x80, s24, s23, $0xb8;
	[tilespmem:$0x1C200] =	vst v63  }
0x57: {  	_ =	swait.ge [sflag:s29], $0x4000  }
0x58: {  	[sflag:s29] =	ssyncset.done $0x0  }
0x59: {  	s1 =	sadd.s32 $0x0, s19;
	[sflag:s29] =	ssyncadd.s32 $0xFFFFC000  }
0x5a: {  	[tilespmem:s3], [sflag:$0x5] =	stream.linear.gather [hbm4b:s1+s3], $0x80, $0x38;
	[tilespmem:$0x1C200] =	vst v63  }
0x5b: {  	_ =	swait.ge [sflag:s21], $0x80  }
0x5c: {  	[sflag:s21] =	ssyncset.done $0x0  }
0x5d: {  	s6 =	sadd.s32 $0x0, s18;
	[sflag:s21] =	ssyncadd.s32 $0xFFFFFF80  }
0x5e: {  	[tilespmem:s22], [sflag:$0x5] =	stream.linear.gather [hbm4b:s6+s3], $0x80, $0x38;
	[tilespmem:$0x1C200] =	vst v63  }
0x5f: {  	_ =	swait.ge [sflag:s21], $0x80  }
0x60: {  	[sflag:s21] =	ssyncset.done $0x0  }
0x61: {  	[sflag:s21] =	ssyncadd.s32 $0xFFFFFF80  }
0x62: {  	[tilespmem:s20], [sflag:$0x1] =	stream.indirect.gather [hbm4b:s4+s23], $0x80, s3, s23, $0xb8;
	[tilespmem:$0x1C200] =	vst v63  }
0x63: {  	_ =	swait.ge [sflag:s30], $0x4000  }
0x64: {  	[sflag:s30] =	ssyncset.done $0x0  }
0x65: {  	s1 =	sadd.s32 $0x0, s17;
	[sflag:s30] =	ssyncadd.s32 $0xFFFFC000  }
0x66: {  	[tilespmem:s23], [sflag:$0x5] =	stream.linear.gather [hbm4b:s1+s3], $0x80, $0x38;
	[tilespmem:$0x1C200] =	vst v63  }
0x67: {  	_ =	swait.ge [sflag:s21], $0x80  }
0x68: {  	[sflag:s21] =	ssyncset.done $0x0  }
0x69: {  	s6 =	sadd.s32 $0x0, s16;
	[sflag:s21] =	ssyncadd.s32 $0xFFFFFF80  }
0x6a: {  	[tilespmem:s24], [sflag:$0x5] =	stream.linear.gather [hbm4b:s6+s3], $0x80, $0x38;
	[tilespmem:$0x1C200] =	vst v63  }
0x6b: {  	_ =	swait.ge [sflag:s21], $0x80  }
0x6c: {  	[sflag:s21] =	ssyncset.done $0x0  }
0x6d: {  	s0 =	simm.s32 $0x20;
	[sflag:s21] =	ssyncadd.s32 $0xFFFFFF80  }
.LBB2_4:
0x6e: {  	[tilespmem:s25], [sflag:$0x2] =	stream.indirect.gather [hbm4b:s4+s23], $0x80, s23, s23, $0xb8;
	[tilespmem:$0x1C200] =	vst v63  }
0x6f: {  	s1 =	smov.u32 s0  }
0x70: {  	p0 =	sne.s32 s0, $0x4C0;
	s0 =	sadd.s32 $0x20, s0;
	_ =	swait.ge [sflag:s26], $0x4000  }
0x71: {  	[sflag:s26] =	ssyncset.done $0x0  }
0x72: {  	[sflag:s26] =	ssyncadd.s32 $0xFFFFC000  }
0x73: {  	[spmem:s2] =	stream.indirect.scatter.add.f32 [tilespmem:s20], [sflag:$0x3], $0x80, s22, s23, $0xb8;
	[tilespmem:$0x1C200] =	vst v63  }
0x74: {  	_ =	swait.ge [sflag:s28], $0x4000  }
0x75: {  	[sflag:s28] =	ssyncset.done $0x0  }
0x76: {  	[sflag:s28] =	ssyncadd.s32 $0xFFFFC000  }
0x77: {  	[spmem:s2] =	stream.indirect.scatter.add.f32 [tilespmem:s25], [sflag:$0x4], $0x80, s24, s23, $0xb8;
	[tilespmem:$0x1C200] =	vst v63  }
0x78: {  	_ =	swait.ge [sflag:s29], $0x4000  }
0x79: {  	[sflag:s29] =	ssyncset.done $0x0  }
0x7a: {  	s6 =	sadd.s32 s1, s19;
	[sflag:s29] =	ssyncadd.s32 $0xFFFFC000  }
0x7b: {  	[tilespmem:s3], [sflag:$0x5] =	stream.linear.gather [hbm4b:s6+s3], $0x80, $0x38;
	[tilespmem:$0x1C200] =	vst v63  }
0x7c: {  	_ =	swait.ge [sflag:s21], $0x80  }
0x7d: {  	[sflag:s21] =	ssyncset.done $0x0  }
0x7e: {  	s6 =	sadd.s32 s1, s18;
	[sflag:s21] =	ssyncadd.s32 $0xFFFFFF80  }
0x7f: {  	[tilespmem:s22], [sflag:$0x5] =	stream.linear.gather [hbm4b:s6+s3], $0x80, $0x38;
	[tilespmem:$0x1C200] =	vst v63  }
0x80: {  	_ =	swait.ge [sflag:s21], $0x80  }
0x81: {  	[sflag:s21] =	ssyncset.done $0x0  }
0x82: {  	[sflag:s21] =	ssyncadd.s32 $0xFFFFFF80  }
0x83: {  	[tilespmem:s20], [sflag:$0x1] =	stream.indirect.gather [hbm4b:s4+s23], $0x80, s3, s23, $0xb8;
	[tilespmem:$0x1C200] =	vst v63  }
0x84: {  	_ =	swait.ge [sflag:s30], $0x4000  }
0x85: {  	[sflag:s30] =	ssyncset.done $0x0  }
0x86: {  	s6 =	sadd.s32 s1, s17;
	[sflag:s30] =	ssyncadd.s32 $0xFFFFC000  }
0x87: {  	[tilespmem:s23], [sflag:$0x5] =	stream.linear.gather [hbm4b:s6+s3], $0x80, $0x38;
	[tilespmem:$0x1C200] =	vst v63  }
0x88: {  	_ =	swait.ge [sflag:s21], $0x80  }
0x89: {  	[sflag:s21] =	ssyncset.done $0x0  }
.Ltmp1:
0x8a: {  	s1 =	sadd.s32 s1, s16;
	[sflag:s21] =	ssyncadd.s32 $0xFFFFFF80;
	(pc) =	sbr.rel @p0 .LBB2_4-.Ltmp1, $4  }
0x8b: {  	[tilespmem:s24], [sflag:$0x5] =	stream.linear.gather [hbm4b:s1+s3], $0x80, $0x38;
	[tilespmem:$0x1C200] =	vst v63  }
0x8c: {  	_ =	swait.ge [sflag:s21], $0x80  }
0x8d: {  	[sflag:s21] =	ssyncset.done $0x0  }
0x8e: {  	[sflag:s21] =	ssyncadd.s32 $0xFFFFFF80  }
0x8f: {  	[tilespmem:s25], [sflag:$0x2] =	stream.indirect.gather [hbm4b:s4+s23], $0x80, s23, s23, $0xb8;
	[tilespmem:$0x1C200] =	vst v63  }
0x90: {  	_ =	swait.ge [sflag:s26], $0x4000  }
0x91: {  	[sflag:s26] =	ssyncset.done $0x0  }
0x92: {  	[sflag:s26] =	ssyncadd.s32 $0xFFFFC000  }
0x93: {  	[spmem:s2] =	stream.indirect.scatter.add.f32 [tilespmem:s20], [sflag:$0x3], $0x80, s22, s23, $0xb8;
	[tilespmem:$0x1C200] =	vst v63  }
0x94: {  	_ =	swait.ge [sflag:s28], $0x4000  }
0x95: {  	[sflag:s28] =	ssyncset.done $0x0  }
0x96: {  	[sflag:s28] =	ssyncadd.s32 $0xFFFFC000  }
0x97: {  	[spmem:s2] =	stream.indirect.scatter.add.f32 [tilespmem:s25], [sflag:$0x4], $0x80, s24, s23, $0xb8;
	[tilespmem:$0x1C200] =	vst v63  }
0x98: {  	_ =	swait.ge [sflag:s29], $0x4000  }
0x99: {  	[sflag:s29] =	ssyncset.done $0x0  }
0x9a: {  	[sflag:s29] =	ssyncadd.s32 $0xFFFFC000  }
0x9b: {  	s0 =	stileid.u32;
	_ =	swait.ge [sflag:s30], $0x4000  }
0x9c: {  	s1 =	sshrl.u32 s5, $0x3;
	s31 =	sadd.s32 $0x1, s31;
	[sflag:s30] =	ssyncset.done $0x0  }
0x9d: {  	s0 =	sshll.u32 s0, $0x6;
	p0 =	sne.s32 s31, s15;
	[sflag:s30] =	ssyncadd.s32 $0xFFFFC000  }
.Ltmp2:
0x9e: {  	s0 =	sor.u32 $0x1C05, s0;
	[bflag:$0x0] =	sbarrier.arrive $0xFFFF;
	(pc) =	sbr.rel @p0 .LBB2_1-.Ltmp2, $4  }
0x9f: {  	[hbm:s14], [sflag:s0] =	dma.local [spmem:s1], $0x2800  }
0xa0: {  	_ =	swait.ge [sflag:s21], $0x2800  }
0xa1: {  	[sflag:s21] =	ssyncset.done $0x0  }
0xa2: {  	[sflag:s21] =	ssyncadd.s32 $0xFFFFD800  }
0xa3: {  	_ =	sfence.sel $0x180000  }
0xa4: {  	[bflag:$0x0] =	sbarrier.arrive $0xFFFF  }
0xa5: {  	_ =	strace $0x9000004A  }
0xa6: {  	s0 =	stileid.u32;
	[bflag:$0x2] =	sbarrier.arrive $0xFFFF  }
0xa7: {  	p0 =	sne.s32 s0, $0x0;
	s0 =	rddreg [dreg:$0x2]  }
0xa8: {  	s0 =	sadd.s32 @!p0 $0x100000, s0  }
0xa9: {  	[sflag:s0] =	ssyncadd.tile.s32 @!p0 $0x1;
	_ =	shalt  }
.Lfunc_end2:
_tile_overlayer_lowered:
.L_overlay_start_2:
0xaa: {  	(tag) =	ssettag $0x2  }
0xab: {  	s0 =	rddreg [dreg:$0x0];
	s2 =	stileid.u32  }
0xac: {  	s1 =	rddreg [dreg:$0x1];
	p0 =	sne.s32 s2, $0x0  }
0xad: {  	s3 =	rddreg [dreg:$0x2];
	[bflag:$0x3] =	sbarrier.arrive $0xFFFF;
	s2 =	simm.s32 @!p0 $0x1C05  }
0xae: {  	[timem:s3], [sflag:s2] =	dma.local @!p0 [hbm:s0], s1  }
0xaf: {  	s0 =	simm.s32 @!p0 $0x5  }
0xb0: {  	_ =	swait.ge @!p0 [sflag:s0], s1  }
0xb1: {  	s1 =	ssub.s32 @!p0 $0x0, s1;
	[sflag:s0] =	ssyncset.done @!p0 $0x0  }
0xb2: {  	[sflag:s0] =	ssyncadd.s32 @!p0 s1  }
0xb3: {  	[bflag:$0x3] =	sbarrier.arrive $0xFFFF  }
0xb4: {  	_ =	shalt  }

// kernel: kernel.20.cloned.1.call-start
scs
__scs_entry_jumppad:
0x0: {  	(pc) =	sbr.rel $0x88, $3  }
0x1: {  	(tag) =	ssettag $0x0;
	lr =	simm.s32 $0x1  }
0x2: {  	[smem:$0x3F99] =	sst lr;
	_ =	strace $0xD0000000  }
0x3: {  	_ = 	snop  }
0x4: {  	_ = 	snop  }
0x5: {  	_ = 	snop  }
0x6: {  	_ = 	snop  }
0x7: {  	_ = 	snop  }
__scs_overlays_trampoline_lowered:
0x8: {  	[smem:$0x3FA8] =	sst s0  }
0x9: {  	[smem:$0x3FA9] =	sst s1  }
0xa: {  	[smem:$0x3FAA] =	sst s2  }
0xb: {  	[smem:$0x3FAB] =	sst s3  }
0xc: {  	[smem:$0x3FAC] =	sst s4  }
0xd: {  	[smem:$0x3FAD] =	sst s5  }
0xe: {  	[smem:$0x3FAE] =	sst s6  }
0xf: {  	[smem:$0x3FAF] =	sst s7  }
0x10: {  	[smem:$0x3FB0] =	sst s8  }
0x11: {  	[smem:$0x3FB1] =	sst s9;
	s0 =	simm.s32 @!p0 $0x0  }
0x12: {  	s1 =	sld [smem:$0x3F97];
	s0 =	simm.s32 @p0 $0x1  }
0x13: {  	[smem:$0x3FB2] =	sst s0;
	s0 =	simm.s32 @!p1 $0x0  }
0x14: {  	s2 =	sld [smem:$0x3F96];
	s0 =	simm.s32 @p1 $0x1  }
0x15: {  	[smem:$0x3FB3] =	sst s0;
	s0 =	simm.s32 @!p2 $0x0  }
0x16: {  	s3 =	sld [smem:$0x3FDB];
	s0 =	simm.s32 @p2 $0x1  }
0x17: {  	s4 =	simm.s32 $0x1BF5;
	[smem:$0x3FB5] =	sst s0  }
0x18: {  	s0 =	sld [smem:$0x3F98];
	_ =	swait.ge [sflag:s4], $0x0  }
0x19: {  	s7 =	sld [smem:$0x3F99]  }
0x1a: {  	s8 =	sadd.s32 $0xFFFFE003, lr  }
0x1b: {  	s9 =	sadd.s32 $0xFFFFFEF7, lr;
	s5 =	simm.s32 $0xFFFFFFFF;
	p2 =	slt.u32 s8, $0xFFFFF086  }
0x1c: {  	p1 =	slt.u32 s9, $0xF7A;
	s5 =	simm.s32 @!p2 $0x0  }
0x1d: {  	s5 =	simm.s32 @p1 $0x1;
	p0 =	seq.s32 s7, s2  }
0x1e: {  	s7 =	smul.u32 @!p0 $0xF7A, s2;
	p2 =	seq.s32 @!p0 s5, $0x0  }
0x1f: {  	s9 =	smul.u32 $0xF7A, s1;
	s8 =	simm.s32 @!p0 $0x1BF5;
	p2 =	por !p2, p0  }
0x20: {  	[sflag:s8] =	ssyncset.s32 @!p0 $0xFFFFF086;
	s6 =	sadd.s32 @!p0 s3, s7;
	s7 =	simm.s32 @!p0 $0x108  }
0x21: {  	s3 =	sadd.s32 s3, s9;
	s6 =	sadd.s32 @!p0 $0x88, s6;
	s7 =	simm.s32 @p2 $0x1082  }
0x22: {  	[simem:s7], [sflag:s8] =	dma.local @!p0 [hbm:s6], $0xF7A  }
0x23: {  	s9 =	sor.u32 $0xD0000000, s2;
	s6 =	simm.s32 $0x108;
	_ =	swait.ge @!p0 [sflag:s8], $0x0  }
0x24: {  	s3 =	sadd.s32 $0x88, s3;
	s6 =	simm.s32 @!p1 $0x1082;
	[sflag:s4] =	ssyncset.s32 $0xFFFFF086  }
0x25: {  	[simem:s6], [sflag:s4] =	dma.local [hbm:s3], $0xF7A  }
0x26: {  	[smem:$0x3F99] =	sst s1;
	(tag) =	ssettag s2;
	_ =	strace s9  }
0x27: {  	s1 =	sld [smem:$0x3FA9]  }
0x28: {  	s2 =	sld [smem:$0x3FAA]  }
0x29: {  	s4 =	sld [smem:$0x3FAC]  }
0x2a: {  	p0 =	seq.s32 s5, $0x0;
	s5 =	sld [smem:$0x3FAD]  }
0x2b: {  	s6 =	sld [smem:$0x3FAE]  }
0x2c: {  	s7 =	sld [smem:$0x3FAF]  }
0x2d: {  	s3 =	simm.s32 $0x108;
	s8 =	sld [smem:$0x3FB0]  }
0x2e: {  	s3 =	simm.s32 @!p0 $0x1082;
	s9 =	sld [smem:$0x3FB1]  }
0x2f: {  	lr =	sadd.s32 s0, s3;
	s0 =	sld [smem:$0x3FA8]  }
0x30: {  	s3 =	sld [smem:$0x3FAB]  }
0x31: {  	[smem:$0x3FB4] =	sst s10  }
0x32: {  	s10 =	sld [smem:$0x3FB2];
	_ =	sdelay $0x3  }
0x33: {  	p0 =	seq.s32 s10, $0x1;
	s10 =	sld [smem:$0x3FB4];
	_ =	sdelay $0x3  }
0x34: {  	[smem:$0x3FB4] =	sst s10  }
0x35: {  	s10 =	sld [smem:$0x3FB3];
	_ =	sdelay $0x3  }
0x36: {  	p1 =	seq.s32 s10, $0x1;
	s10 =	sld [smem:$0x3FB4];
	_ =	sdelay $0x3  }
0x37: {  	[smem:$0x3FB4] =	sst s10  }
0x38: {  	s10 =	sld [smem:$0x3FB5]  }
0x39: {  	_ = 	snop;
	(pc) =	sbr.ind lr, $3  }
0x3a: {  	_ = 	snop  }
0x3b: {  	_ = 	snop  }
0x3c: {  	p2 =	seq.s32 s10, $0x1;
	s10 =	sld [smem:$0x3FB4]  }
0x3d: {  	_ =	shalt  }
0x3e: {  	_ =	shalt  }
0x3f: {  	_ =	shalt  }
0x40: {  	_ =	shalt  }
0x41: {  	_ =	shalt  }
0x42: {  	_ =	shalt  }
0x43: {  	_ =	shalt  }
0x44: {  	_ =	shalt  }
0x45: {  	_ =	shalt  }
0x46: {  	_ =	shalt  }
0x47: {  	_ =	shalt  }
0x48: {  	_ =	shalt  }
0x49: {  	_ =	shalt  }
0x4a: {  	_ =	shalt  }
0x4b: {  	_ =	shalt  }
0x4c: {  	_ =	shalt  }
0x4d: {  	_ =	shalt  }
0x4e: {  	_ =	shalt  }
0x4f: {  	_ =	shalt  }
0x50: {  	_ =	shalt  }
0x51: {  	_ =	shalt  }
0x52: {  	_ =	shalt  }
0x53: {  	_ =	shalt  }
0x54: {  	_ =	shalt  }
0x55: {  	_ =	shalt  }
0x56: {  	_ =	shalt  }
0x57: {  	_ =	shalt  }
0x58: {  	_ =	shalt  }
0x59: {  	_ =	shalt  }
0x5a: {  	_ =	shalt  }
0x5b: {  	_ =	shalt  }
0x5c: {  	_ =	shalt  }
0x5d: {  	_ =	shalt  }
0x5e: {  	_ =	shalt  }
0x5f: {  	_ =	shalt  }
0x60: {  	_ =	shalt  }
0x61: {  	_ =	shalt  }
0x62: {  	_ =	shalt  }
0x63: {  	_ =	shalt  }
0x64: {  	_ =	shalt  }
0x65: {  	_ =	shalt  }
0x66: {  	_ =	shalt  }
0x67: {  	_ =	shalt  }
0x68: {  	_ =	shalt  }
0x69: {  	_ =	shalt  }
0x6a: {  	_ =	shalt  }
0x6b: {  	_ =	shalt  }
0x6c: {  	_ =	shalt  }
0x6d: {  	_ =	shalt  }
0x6e: {  	_ =	shalt  }
0x6f: {  	_ =	shalt  }
0x70: {  	_ =	shalt  }
0x71: {  	_ =	shalt  }
0x72: {  	_ =	shalt  }
0x73: {  	_ =	shalt  }
0x74: {  	_ =	shalt  }
0x75: {  	_ =	shalt  }
0x76: {  	_ =	shalt  }
0x77: {  	_ =	shalt  }
0x78: {  	_ =	shalt  }
0x79: {  	_ =	shalt  }
0x7a: {  	_ =	shalt  }
0x7b: {  	_ =	shalt  }
0x7c: {  	_ =	shalt  }
0x7d: {  	_ =	shalt  }
0x7e: {  	_ =	shalt  }
0x7f: {  	_ =	shalt  }
0x80: {  	_ =	shalt  }
0x81: {  	_ =	shalt  }
0x82: {  	_ =	shalt  }
0x83: {  	_ =	shalt  }
0x84: {  	_ =	shalt  }
0x85: {  	_ =	shalt  }
0x86: {  	_ =	shalt  }
0x87: {  	_ =	shalt  }
.Lfunc_end0:
.L_simem_size_0:
called_computation.2_lowered:
.L_overlay_start_0:
0x88: {  	s2 =	sld [smem:$0x3FD9]  }
0x89: {  	s3 =	sld [smem:$0x3FFE];
	_ =	sdelay $0x1  }
0x8a: {  	s1 =	srdreg.scid  }
0x8b: {  	s0 =	sand.u32 $0x1, s1  }
0x8c: {  	s16 =	sshll.u32 s0, $0xA;
	s2 =	sadd.s32 s3, s2  }
0x8d: {  	s2 =	sadd.s32 s2, s16  }
0x8e: {  	[smem:$0x3FC0] =	sst s2  }
0x8f: {  	_ = 	snop  }
0x90: {  	(tm) =	ssettm $0x1  }
0x91: {  	s17 =	sld [smem:$0x3FFB];
	_ =	sdelay $0x3  }
0x92: {  	_ =	strace s17  }
0x93: {  	s2 =	sld [smem:$0x3FFC];
	_ =	sdelay $0x3  }
0x94: {  	_ =	strace s2  }
0x95: {  	s2 =	sld [smem:$0x3FFD];
	_ =	sdelay $0x3  }
0x96: {  	_ =	strace s2  }
0x97: {  	_ =	strace $0x8FFFFFFF  }
0x98: {  	s18 =	sld [smem:$0x3FDB];
	_ =	sdelay $0x1  }
0x99: {  	s19 =	simm.s32 $_scs_section_size  }
0x9a: {  	s4 =	simm.s32 $_size__tile_overlayer_lowered;
	s5 =	simm.s32 $_tile_overlayer_lowered  }
0x9b: {  	s22 =	simm.s32 $0x1BFF;
	s21 =	sshll.u32 s5, $0x1;
	s2 =	sadd.s32 s19, s18  }
0x9c: {  	s6 =	simm.s32 $0x0;
	s20 =	sshll.u32 s4, $0x1;
	s4 =	sadd.s32 s21, s2  }
0x9d: {  	[timem:s6], [sflag:s22] =	dma.local [hbm:s4], s20  }
0x9e: {  	_ =	swait.ge [sflag:s22], s20  }
0x9f: {  	s3 =	ssub.s32 $0x0, s20;
	[sflag:s22] =	ssyncset.done $0x0  }
0xa0: {  	[sflag:s22] =	ssyncadd.s32 s3;
	_ =	sdelay $0x1  }
0xa1: {  	s23 =	simm.s32 $0x1B8B  }
0xa2: {  	_ =	swait.ge [sflag:s23], $0x1  }
0xa3: {  	[sflag:s23] =	ssyncset.done $0x0  }
0xa4: {  	s25 =	simm.s32 $0x1B8E;
	s24 =	sld [smem:$0x3FFE];
	[sflag:s23] =	ssyncadd.s32 $0xFFFFFFFF  }
0xa5: {  	s26 =	simm.s32 $execute0_lowered;
	[smem:$0x3FD2] =	sst s25  }
0xa6: {  	s4 =	sshll.u32 s26, $0x1;
	_ =	strace $0x8000004C;
	[dreg:$0x1] =	wrdreg $0xFFFFFFFF  }
0xa7: {  	s28 =	simm.s32 $_size_execute0_lowered;
	s2 =	sadd.s32 s2, s4;
	[dreg:$0x0] =	wrdreg $0x0  }
0xa8: {  	s4 =	sshll.u32 s28, $0x1;
	[dreg:$0x2] =	wrdreg s2  }
0xa9: {  	[dreg:$0x3] =	wrdreg s4  }
0xaa: {  	[dreg:$0x4] =	wrdreg $0xC0  }
0xab: {  	_ =	task [dreg:s6], $0x5FFFF  }
0xac: {  	[dreg:$0x1] =	wrdreg $0xFFFFFFFF  }
0xad: {  	[dreg:$0x0] =	wrdreg $0x60  }
0xae: {  	[dreg:$0x2] =	wrdreg s24  }
0xaf: {  	[dreg:$0x3] =	wrdreg $0x82000  }
0xb0: {  	[dreg:$0x4] =	wrdreg $0x9  }
0xb1: {  	_ =	task.clear_ibuf [dreg:s6], $0x5FFFF;
	_ =	strace $0x9000004C  }
0xb2: {  	s29 =	simm.s32 $0x9;
	_ =	strace $0x8000004E  }
0xb3: {  	_ =	swait.ge [sflag:s29], $0x1  }
0xb4: {  	[sflag:s29] =	ssyncadd.s32 $0xFFFFFFFF  }
0xb5: {  	_ =	strace $0x9000004E  }
0xb6: {  	_ =	sfence  }
0xb7: {  	s30 =	sld [smem:$0x0];
	_ =	sdelay $0x2  }
0xb8: {  	s31 =	sshll.u32 s1, $0xD;
	s1 =	sshrl.u32 s1, $0x2  }
0xb9: {  	s3 =	sand.u32 $0x4000, s31;
	s1 =	sadd.s32 s1, s30  }
0xba: {  	s0 =	sor.u32 s3, s0;
	s1 =	sshll.u32 s1, $0x11  }
0xbb: {  	s0 =	sor.u32 s1, s0  }
0xbc: {  	s0 =	sadd.s32 $0x8F2B, s0  }
0xbd: {  	[sflag:s0] =	ssyncadd.remote.s32 $0x1  }
0xbe: {  	_ =	sfence.sel $0xFFFF  }
0xbf: {  	[dreg:$0x0] =	wrdreg $0xFFFFFFFF;
	(pc) =	sbr.abs _section_cstart, $3  }
0xc0: {  	[dreg:$0x1] =	wrdreg $0xFFFFFFFF  }
0xc1: {  	_ =	task.clear_ibuf [dreg:s6], $0x2FFFF;
	_ =	strace $0x9FFFFFFF  }
0xc2: {  	(tm) =	ssettm $0x7FFFFFFF  }
0xc3: {  	_ =	shalt  }
tec
execute0_lowered:
.L_overlay_start_1:
0x0: {  	(tag) =	ssettag $0x1  }
0x1: {  	s0 =	rddreg [dreg:$0x0]  }
0x2: {  	s1 =	srdreg.scid;
	s2 =	rddreg [dreg:$0x1]  }
0x3: {  	s11 =	stileid.u32;
	s3 =	simm.s32 $0x0;
	s20 =	simm.s32 $0x200  }
0x4: {  	s21 =	simm.s32 $0x5;
	s22 =	simm.s32 $0x100;
	s23 =	simm.s32 $0x80  }
0x5: {  	s24 =	simm.s32 $0x180;
	s28 =	simm.s32 $0x2;
	s29 =	simm.s32 $0x3  }
0x6: {  	s30 =	simm.s32 $0x4;
	s31 =	simm.s32 $0x0;
	s5 =	smul.u32 $0x14000, s11  }
0x7: {  	s1 =	sand.u32 $0x1, s1;
	[smem:$0x7FF] =	sst s3;
	s6 =	smul.u32 $0x50000, s11  }
0x8: {  	s19 =	sadd.s32 $0xF600, s0;
	s18 =	sadd.s32 $0x5600, s0;
	s14 =	smul.u32 $0x5000, s11  }
0x9: {  	s25 =	sshll.u32 s11, $0x1;
	s4 =	smul.u32 $0x140000, s1;
	_ =	strace $0x8000004D  }
0xa: {  	s7 =	ssub.s32 $0x2, s1;
	s9 =	sor.u32 s1, s25;
	s1 =	smul.u32 $0x2800, s1  }
0xb: {  	s25 =	simm.s32 $0x4200;
	s6 =	sshrl.u32 s6, $0x2;
	s8 =	sshrl.u32 s7, $0x1  }
0xc: {  	s10 =	smul.u32 $0x2800, s9;
	s5 =	sadd.s32 s5, s4;
	s4 =	sadd.s32 $0x19600, s0  }
0xd: {  	s15 =	ssub.s32 s7, s8;
	s1 =	sadd.s32 s1, s14;
	s5 =	sshrl.u32 s5, $0x3  }
0xe: {  	s12 =	sshrl.u32 s10, $0x3;
	s26 =	sor.u32 $0x180, s1;
	s1 =	sor.u32 $0x100, s1  }
0xf: {  	s15 =	smax.u32 s15, $0x1;
	s0 =	sadd.s32 s5, s0;
	s5 =	sadd.s32 s6, s2  }
0x10: {  	s10 =	sadd.s32 s19, s12;
	s11 =	sadd.s32 s18, s12;
	s13 =	sor.u32 $0x10, s12  }
0x11: {  	s1 =	sshrl.u32 s1, $0x3;
	s6 =	sadd.s32 $0x4000, s5;
	s7 =	sadd.s32 $0x8000, s5  }
0x12: {  	s8 =	sadd.s32 $0xC000, s5;
	s9 =	sadd.s32 $0x10000, s5;
	s12 =	sadd.s32 s19, s13  }
0x13: {  	s13 =	sadd.s32 s18, s13;
	s14 =	sadd.s32 $0x8EC00, s0;
	s0 =	sshrl.u32 s26, $0x3  }
0x14: {  	s26 =	simm.s32 $0x1;
	[dreg:$0x3] =	wrdreg s6;
	s16 =	sadd.s32 s0, s18  }
0x15: {  	v0 =	vimm.f32 $0.0e+00;
	s17 =	sadd.s32 s0, s19;
	s18 =	sadd.s32 s1, s18;
	s19 =	sadd.s32 s1, s19  }
.LBB2_1:
0x16: {  	s0 =	simm.s32 $0x0;
	s1 =	simm.s32 $0x200  }
.LBB2_2:
0x17: {  	p0 =	sne.s32 s1, $0xFE00;
	[tilespmem:s0+$0x270] =	vst v0  }
0x18: {  	[tilespmem:s0+$0x200] =	vst v0  }
0x19: {  	[tilespmem:s0+$0x210] =	vst v0  }
.Ltmp0:
0x1a: {  	[tilespmem:s0+$0x220] =	vst v0;
	(pc) =	sbr.rel @p0 .LBB2_2-.Ltmp0, $4  }
0x1b: {  	[tilespmem:s0+$0x230] =	vst v0  }
0x1c: {  	[tilespmem:s0+$0x240] =	vst v0  }
0x1d: {  	[tilespmem:s0+$0x250] =	vst v0  }
0x1e: {  	[tilespmem:s0+$0x260] =	vst v0;
	s0 =	sshra.s32 s1, $0x2;
	s1 =	sadd.s32 $0x200, s1  }
0x1f: {  	[tilespmem:s0+$0x270] =	vst v0  }
0x20: {  	[tilespmem:s0+$0x200] =	vst v0  }
0x21: {  	[tilespmem:s0+$0x210] =	vst v0  }
0x22: {  	[tilespmem:s0+$0x220] =	vst v0  }
0x23: {  	[tilespmem:s0+$0x230] =	vst v0  }
0x24: {  	[tilespmem:s0+$0x240] =	vst v0  }
0x25: {  	[tilespmem:s0+$0x250] =	vst v0  }
0x26: {  	[tilespmem:s0+$0x260] =	vst v0  }
0x27: {  	[spmem:s5] =	stream.linear.scatter [tilespmem:s20], [sflag:$0x5], $0x4000, $0x38;
	[tilespmem:$0x1C200] =	vst v63  }
0x28: {  	_ =	swait.ge [sflag:s21], $0x4000  }
0x29: {  	[sflag:s21] =	ssyncset.done $0x0  }
0x2a: {  	s1 =	rddreg [dreg:$0x3];
	[sflag:s21] =	ssyncadd.s32 $0xFFFFC000  }
0x2b: {  	[spmem:s1] =	stream.linear.scatter [tilespmem:s20], [sflag:$0x5], $0x4000, $0x38;
	[tilespmem:$0x1C200] =	vst v63  }
0x2c: {  	_ =	swait.ge [sflag:s21], $0x4000  }
0x2d: {  	[sflag:s21] =	ssyncset.done $0x0  }
0x2e: {  	[sflag:s21] =	ssyncadd.s32 $0xFFFFC000  }
0x2f: {  	[spmem:s7] =	stream.linear.scatter [tilespmem:s20], [sflag:$0x5], $0x4000, $0x38;
	[tilespmem:$0x1C200] =	vst v63  }
0x30: {  	_ =	swait.ge [sflag:s21], $0x4000  }
0x31: {  	[sflag:s21] =	ssyncset.done $0x0  }
0x32: {  	[sflag:s21] =	ssyncadd.s32 $0xFFFFC000  }
0x33: {  	[spmem:s8] =	stream.linear.scatter [tilespmem:s20], [sflag:$0x5], $0x4000, $0x38;
	[tilespmem:$0x1C200] =	vst v63  }
0x34: {  	_ =	swait.ge [sflag:s21], $0x4000  }
0x35: {  	[sflag:s21] =	ssyncset.done $0x0  }
0x36: {  	[sflag:s21] =	ssyncadd.s32 $0xFFFFC000  }
0x37: {  	[spmem:s9] =	stream.linear.scatter [tilespmem:s20], [sflag:$0x5], $0x4000, $0x38;
	[tilespmem:$0x1C200] =	vst v63  }
0x38: {  	_ =	swait.ge [sflag:s21], $0x4000  }
0x39: {  	[sflag:s21] =	ssyncset.done $0x0  }
0x3a: {  	[sflag:s21] =	ssyncadd.s32 $0xFFFFC000  }
0x3b: {  	s6 =	simm.s32 $0x0;
	[bflag:$0x0] =	sbarrier.arrive $0xFFFF  }
0x3c: {  	[tilespmem:s6], [sflag:$0x5] =	stream.linear.gather [hbm4b:s10+s6], $0x80, $0x38;
	[tilespmem:$0x1C200] =	vst v63  }
0x3d: {  	_ =	swait.ge [sflag:s21], $0x80  }
0x3e: {  	[sflag:s21] =	ssyncset.done $0x0  }
0x3f: {  	[sflag:s21] =	ssyncadd.s32 $0xFFFFFF80  }
0x40: {  	[tilespmem:s22], [sflag:$0x5] =	stream.linear.gather [hbm4b:s11+s6], $0x80, $0x38;
	[tilespmem:$0x1C200] =	vst v63  }
0x41: {  	_ =	swait.ge [sflag:s21], $0x80  }
0x42: {  	[sflag:s21] =	ssyncset.done $0x0  }
0x43: {  	[sflag:s21] =	ssyncadd.s32 $0xFFFFFF80  }
0x44: {  	[tilespmem:s20], [sflag:$0x1] =	stream.indirect.gather [hbm4b:s4+s23], $0x80, s6, s23, $0xb8;
	[tilespmem:$0x1C200] =	vst v63  }
0x45: {  	_ = 	snop  }
0x46: {  	[tilespmem:s23], [sflag:$0x5] =	stream.linear.gather [hbm4b:s12+s6], $0x80, $0x38;
	[tilespmem:$0x1C200] =	vst v63  }
0x47: {  	_ =	swait.ge [sflag:s21], $0x80  }
0x48: {  	[sflag:s21] =	ssyncset.done $0x0  }
0x49: {  	[sflag:s21] =	ssyncadd.s32 $0xFFFFFF80  }
0x4a: {  	[tilespmem:s24], [sflag:$0x5] =	stream.linear.gather [hbm4b:s13+s6], $0x80, $0x38;
	[tilespmem:$0x1C200] =	vst v63  }
0x4b: {  	_ =	swait.ge [sflag:s21], $0x80  }
0x4c: {  	[sflag:s21] =	ssyncset.done $0x0  }
0x4d: {  	[sflag:s21] =	ssyncadd.s32 $0xFFFFFF80  }
0x4e: {  	[tilespmem:s25], [sflag:$0x2] =	stream.indirect.gather [hbm4b:s4+s23], $0x80, s23, s23, $0xb8;
	[tilespmem:$0x1C200] =	vst v63  }
0x4f: {  	_ =	swait.ge [sflag:s26], $0x4000  }
0x50: {  	[sflag:s26] =	ssyncset.done $0x0  }
0x51: {  	[sflag:s26] =	ssyncadd.s32 $0xFFFFC000  }
0x52: {  	[spmem:s2] =	stream.indirect.scatter.add.f32 [tilespmem:s20], [sflag:$0x3], $0x80, s22, s23, $0xb8;
	[tilespmem:$0x1C200] =	vst v63  }
0x53: {  	_ =	swait.ge [sflag:s28], $0x4000  }
0x54: {  	[sflag:s28] =	ssyncset.done $0x0  }
0x55: {  	[sflag:s28] =	ssyncadd.s32 $0xFFFFC000  }
0x56: {  	[spmem:s2] =	stream.indirect.scatter.add.f32 [tilespmem:s25], [sflag:$0x4], $0x80, s24, s23, $0xb8;
	[tilespmem:$0x1C200] =	vst v63  }
0x57: {  	_ =	swait.ge [sflag:s29], $0x4000  }
0x58: {  	[sflag:s29] =	ssyncset.done $0x0  }
0x59: {  	s1 =	sadd.s32 $0x0, s19;
	[sflag:s29] =	ssyncadd.s32 $0xFFFFC000  }
0x5a: {  	[tilespmem:s3], [sflag:$0x5] =	stream.linear.gather [hbm4b:s1+s3], $0x80, $0x38;
	[tilespmem:$0x1C200] =	vst v63  }
0x5b: {  	_ =	swait.ge [sflag:s21], $0x80  }
0x5c: {  	[sflag:s21] =	ssyncset.done $0x0  }
0x5d: {  	s6 =	sadd.s32 $0x0, s18;
	[sflag:s21] =	ssyncadd.s32 $0xFFFFFF80  }
0x5e: {  	[tilespmem:s22], [sflag:$0x5] =	stream.linear.gather [hbm4b:s6+s3], $0x80, $0x38;
	[tilespmem:$0x1C200] =	vst v63  }
0x5f: {  	_ =	swait.ge [sflag:s21], $0x80  }
0x60: {  	[sflag:s21] =	ssyncset.done $0x0  }
0x61: {  	[sflag:s21] =	ssyncadd.s32 $0xFFFFFF80  }
0x62: {  	[tilespmem:s20], [sflag:$0x1] =	stream.indirect.gather [hbm4b:s4+s23], $0x80, s3, s23, $0xb8;
	[tilespmem:$0x1C200] =	vst v63  }
0x63: {  	_ =	swait.ge [sflag:s30], $0x4000  }
0x64: {  	[sflag:s30] =	ssyncset.done $0x0  }
0x65: {  	s1 =	sadd.s32 $0x0, s17;
	[sflag:s30] =	ssyncadd.s32 $0xFFFFC000  }
0x66: {  	[tilespmem:s23], [sflag:$0x5] =	stream.linear.gather [hbm4b:s1+s3], $0x80, $0x38;
	[tilespmem:$0x1C200] =	vst v63  }
0x67: {  	_ =	swait.ge [sflag:s21], $0x80  }
0x68: {  	[sflag:s21] =	ssyncset.done $0x0  }
0x69: {  	s6 =	sadd.s32 $0x0, s16;
	[sflag:s21] =	ssyncadd.s32 $0xFFFFFF80  }
0x6a: {  	[tilespmem:s24], [sflag:$0x5] =	stream.linear.gather [hbm4b:s6+s3], $0x80, $0x38;
	[tilespmem:$0x1C200] =	vst v63  }
0x6b: {  	_ =	swait.ge [sflag:s21], $0x80  }
0x6c: {  	[sflag:s21] =	ssyncset.done $0x0  }
0x6d: {  	s0 =	simm.s32 $0x20;
	[sflag:s21] =	ssyncadd.s32 $0xFFFFFF80  }
.LBB2_4:
0x6e: {  	[tilespmem:s25], [sflag:$0x2] =	stream.indirect.gather [hbm4b:s4+s23], $0x80, s23, s23, $0xb8;
	[tilespmem:$0x1C200] =	vst v63  }
0x6f: {  	s1 =	smov.u32 s0  }
0x70: {  	p0 =	sne.s32 s0, $0x4C0;
	s0 =	sadd.s32 $0x20, s0;
	_ =	swait.ge [sflag:s26], $0x4000  }
0x71: {  	[sflag:s26] =	ssyncset.done $0x0  }
0x72: {  	[sflag:s26] =	ssyncadd.s32 $0xFFFFC000  }
0x73: {  	[spmem:s2] =	stream.indirect.scatter.add.f32 [tilespmem:s20], [sflag:$0x3], $0x80, s22, s23, $0xb8;
	[tilespmem:$0x1C200] =	vst v63  }
0x74: {  	_ =	swait.ge [sflag:s28], $0x4000  }
0x75: {  	[sflag:s28] =	ssyncset.done $0x0  }
0x76: {  	[sflag:s28] =	ssyncadd.s32 $0xFFFFC000  }
0x77: {  	[spmem:s2] =	stream.indirect.scatter.add.f32 [tilespmem:s25], [sflag:$0x4], $0x80, s24, s23, $0xb8;
	[tilespmem:$0x1C200] =	vst v63  }
0x78: {  	_ =	swait.ge [sflag:s29], $0x4000  }
0x79: {  	[sflag:s29] =	ssyncset.done $0x0  }
0x7a: {  	s6 =	sadd.s32 s1, s19;
	[sflag:s29] =	ssyncadd.s32 $0xFFFFC000  }
0x7b: {  	[tilespmem:s3], [sflag:$0x5] =	stream.linear.gather [hbm4b:s6+s3], $0x80, $0x38;
	[tilespmem:$0x1C200] =	vst v63  }
0x7c: {  	_ =	swait.ge [sflag:s21], $0x80  }
0x7d: {  	[sflag:s21] =	ssyncset.done $0x0  }
0x7e: {  	s6 =	sadd.s32 s1, s18;
	[sflag:s21] =	ssyncadd.s32 $0xFFFFFF80  }
0x7f: {  	[tilespmem:s22], [sflag:$0x5] =	stream.linear.gather [hbm4b:s6+s3], $0x80, $0x38;
	[tilespmem:$0x1C200] =	vst v63  }
0x80: {  	_ =	swait.ge [sflag:s21], $0x80  }
0x81: {  	[sflag:s21] =	ssyncset.done $0x0  }
0x82: {  	[sflag:s21] =	ssyncadd.s32 $0xFFFFFF80  }
0x83: {  	[tilespmem:s20], [sflag:$0x1] =	stream.indirect.gather [hbm4b:s4+s23], $0x80, s3, s23, $0xb8;
	[tilespmem:$0x1C200] =	vst v63  }
0x84: {  	_ =	swait.ge [sflag:s30], $0x4000  }
0x85: {  	[sflag:s30] =	ssyncset.done $0x0  }
0x86: {  	s6 =	sadd.s32 s1, s17;
	[sflag:s30] =	ssyncadd.s32 $0xFFFFC000  }
0x87: {  	[tilespmem:s23], [sflag:$0x5] =	stream.linear.gather [hbm4b:s6+s3], $0x80, $0x38;
	[tilespmem:$0x1C200] =	vst v63  }
0x88: {  	_ =	swait.ge [sflag:s21], $0x80  }
0x89: {  	[sflag:s21] =	ssyncset.done $0x0  }
.Ltmp1:
0x8a: {  	s1 =	sadd.s32 s1, s16;
	[sflag:s21] =	ssyncadd.s32 $0xFFFFFF80;
	(pc) =	sbr.rel @p0 .LBB2_4-.Ltmp1, $4  }
0x8b: {  	[tilespmem:s24], [sflag:$0x5] =	stream.linear.gather [hbm4b:s1+s3], $0x80, $0x38;
	[tilespmem:$0x1C200] =	vst v63  }
0x8c: {  	_ =	swait.ge [sflag:s21], $0x80  }
0x8d: {  	[sflag:s21] =	ssyncset.done $0x0  }
0x8e: {  	[sflag:s21] =	ssyncadd.s32 $0xFFFFFF80  }
0x8f: {  	[tilespmem:s25], [sflag:$0x2] =	stream.indirect.gather [hbm4b:s4+s23], $0x80, s23, s23, $0xb8;
	[tilespmem:$0x1C200] =	vst v63  }
0x90: {  	_ =	swait.ge [sflag:s26], $0x4000  }
0x91: {  	[sflag:s26] =	ssyncset.done $0x0  }
0x92: {  	[sflag:s26] =	ssyncadd.s32 $0xFFFFC000  }
0x93: {  	[spmem:s2] =	stream.indirect.scatter.add.f32 [tilespmem:s20], [sflag:$0x3], $0x80, s22, s23, $0xb8;
	[tilespmem:$0x1C200] =	vst v63  }
0x94: {  	_ =	swait.ge [sflag:s28], $0x4000  }
0x95: {  	[sflag:s28] =	ssyncset.done $0x0  }
0x96: {  	[sflag:s28] =	ssyncadd.s32 $0xFFFFC000  }
0x97: {  	[spmem:s2] =	stream.indirect.scatter.add.f32 [tilespmem:s25], [sflag:$0x4], $0x80, s24, s23, $0xb8;
	[tilespmem:$0x1C200] =	vst v63  }
0x98: {  	_ =	swait.ge [sflag:s29], $0x4000  }
0x99: {  	[sflag:s29] =	ssyncset.done $0x0  }
0x9a: {  	[sflag:s29] =	ssyncadd.s32 $0xFFFFC000  }
0x9b: {  	s0 =	stileid.u32;
	_ =	swait.ge [sflag:s30], $0x4000  }
0x9c: {  	s1 =	sshrl.u32 s5, $0x3;
	s31 =	sadd.s32 $0x1, s31;
	[sflag:s30] =	ssyncset.done $0x0  }
0x9d: {  	s0 =	sshll.u32 s0, $0x6;
	p0 =	sne.s32 s31, s15;
	[sflag:s30] =	ssyncadd.s32 $0xFFFFC000  }
.Ltmp2:
0x9e: {  	s0 =	sor.u32 $0x1C05, s0;
	[bflag:$0x0] =	sbarrier.arrive $0xFFFF;
	(pc) =	sbr.rel @p0 .LBB2_1-.Ltmp2, $4  }
0x9f: {  	[hbm:s14], [sflag:s0] =	dma.local [spmem:s1], $0x2800  }
0xa0: {  	_ =	swait.ge [sflag:s21], $0x2800  }
0xa1: {  	[sflag:s21] =	ssyncset.done $0x0  }
0xa2: {  	[sflag:s21] =	ssyncadd.s32 $0xFFFFD800  }
0xa3: {  	_ =	sfence.sel $0x180000  }
0xa4: {  	[bflag:$0x0] =	sbarrier.arrive $0xFFFF  }
0xa5: {  	_ =	strace $0x9000004D  }
0xa6: {  	s0 =	stileid.u32;
	[bflag:$0x2] =	sbarrier.arrive $0xFFFF  }
0xa7: {  	p0 =	sne.s32 s0, $0x0;
	s0 =	rddreg [dreg:$0x2]  }
0xa8: {  	s0 =	sadd.s32 @!p0 $0x100000, s0  }
0xa9: {  	[sflag:s0] =	ssyncadd.tile.s32 @!p0 $0x1;
	_ =	shalt  }
.Lfunc_end2:
_tile_overlayer_lowered:
.L_overlay_start_2:
0xaa: {  	(tag) =	ssettag $0x2  }
0xab: {  	s0 =	rddreg [dreg:$0x0];
	s2 =	stileid.u32  }
0xac: {  	s1 =	rddreg [dreg:$0x1];
	p0 =	sne.s32 s2, $0x0  }
0xad: {  	s3 =	rddreg [dreg:$0x2];
	[bflag:$0x3] =	sbarrier.arrive $0xFFFF;
	s2 =	simm.s32 @!p0 $0x1C05  }
0xae: {  	[timem:s3], [sflag:s2] =	dma.local @!p0 [hbm:s0], s1  }
0xaf: {  	s0 =	simm.s32 @!p0 $0x5  }
0xb0: {  	_ =	swait.ge @!p0 [sflag:s0], s1  }
0xb1: {  	s1 =	ssub.s32 @!p0 $0x0, s1;
	[sflag:s0] =	ssyncset.done @!p0 $0x0  }
0xb2: {  	[sflag:s0] =	ssyncadd.s32 @!p0 s1  }
0xb3: {  	[bflag:$0x3] =	sbarrier.arrive $0xFFFF  }
0xb4: {  	_ =	shalt  }

// kernel: kernel.23.cloned.1.call-start
scs
__scs_entry_jumppad:
0x0: {  	(pc) =	sbr.rel $0x88, $3  }
0x1: {  	(tag) =	ssettag $0x0;
	lr =	simm.s32 $0x1  }
0x2: {  	[smem:$0x3F99] =	sst lr;
	_ =	strace $0xD0000000  }
0x3: {  	_ = 	snop  }
0x4: {  	_ = 	snop  }
0x5: {  	_ = 	snop  }
0x6: {  	_ = 	snop  }
0x7: {  	_ = 	snop  }
__scs_overlays_trampoline_lowered:
0x8: {  	[smem:$0x3FA8] =	sst s0  }
0x9: {  	[smem:$0x3FA9] =	sst s1  }
0xa: {  	[smem:$0x3FAA] =	sst s2  }
0xb: {  	[smem:$0x3FAB] =	sst s3  }
0xc: {  	[smem:$0x3FAC] =	sst s4  }
0xd: {  	[smem:$0x3FAD] =	sst s5  }
0xe: {  	[smem:$0x3FAE] =	sst s6  }
0xf: {  	[smem:$0x3FAF] =	sst s7  }
0x10: {  	[smem:$0x3FB0] =	sst s8  }
0x11: {  	[smem:$0x3FB1] =	sst s9;
	s0 =	simm.s32 @!p0 $0x0  }
0x12: {  	s1 =	sld [smem:$0x3F97];
	s0 =	simm.s32 @p0 $0x1  }
0x13: {  	[smem:$0x3FB2] =	sst s0;
	s0 =	simm.s32 @!p1 $0x0  }
0x14: {  	s2 =	sld [smem:$0x3F96];
	s0 =	simm.s32 @p1 $0x1  }
0x15: {  	[smem:$0x3FB3] =	sst s0;
	s0 =	simm.s32 @!p2 $0x0  }
0x16: {  	s3 =	sld [smem:$0x3FDB];
	s0 =	simm.s32 @p2 $0x1  }
0x17: {  	s4 =	simm.s32 $0x1BF5;
	[smem:$0x3FB5] =	sst s0  }
0x18: {  	s0 =	sld [smem:$0x3F98];
	_ =	swait.ge [sflag:s4], $0x0  }
0x19: {  	s7 =	sld [smem:$0x3F99]  }
0x1a: {  	s8 =	sadd.s32 $0xFFFFE003, lr  }
0x1b: {  	s9 =	sadd.s32 $0xFFFFFEF7, lr;
	s5 =	simm.s32 $0xFFFFFFFF;
	p2 =	slt.u32 s8, $0xFFFFF086  }
0x1c: {  	p1 =	slt.u32 s9, $0xF7A;
	s5 =	simm.s32 @!p2 $0x0  }
0x1d: {  	s5 =	simm.s32 @p1 $0x1;
	p0 =	seq.s32 s7, s2  }
0x1e: {  	s7 =	smul.u32 @!p0 $0xF7A, s2;
	p2 =	seq.s32 @!p0 s5, $0x0  }
0x1f: {  	s9 =	smul.u32 $0xF7A, s1;
	s8 =	simm.s32 @!p0 $0x1BF5;
	p2 =	por !p2, p0  }
0x20: {  	[sflag:s8] =	ssyncset.s32 @!p0 $0xFFFFF086;
	s6 =	sadd.s32 @!p0 s3, s7;
	s7 =	simm.s32 @!p0 $0x108  }
0x21: {  	s3 =	sadd.s32 s3, s9;
	s6 =	sadd.s32 @!p0 $0x88, s6;
	s7 =	simm.s32 @p2 $0x1082  }
0x22: {  	[simem:s7], [sflag:s8] =	dma.local @!p0 [hbm:s6], $0xF7A  }
0x23: {  	s9 =	sor.u32 $0xD0000000, s2;
	s6 =	simm.s32 $0x108;
	_ =	swait.ge @!p0 [sflag:s8], $0x0  }
0x24: {  	s3 =	sadd.s32 $0x88, s3;
	s6 =	simm.s32 @!p1 $0x1082;
	[sflag:s4] =	ssyncset.s32 $0xFFFFF086  }
0x25: {  	[simem:s6], [sflag:s4] =	dma.local [hbm:s3], $0xF7A  }
0x26: {  	[smem:$0x3F99] =	sst s1;
	(tag) =	ssettag s2;
	_ =	strace s9  }
0x27: {  	s1 =	sld [smem:$0x3FA9]  }
0x28: {  	s2 =	sld [smem:$0x3FAA]  }
0x29: {  	s4 =	sld [smem:$0x3FAC]  }
0x2a: {  	p0 =	seq.s32 s5, $0x0;
	s5 =	sld [smem:$0x3FAD]  }
0x2b: {  	s6 =	sld [smem:$0x3FAE]  }
0x2c: {  	s7 =	sld [smem:$0x3FAF]  }
0x2d: {  	s3 =	simm.s32 $0x108;
	s8 =	sld [smem:$0x3FB0]  }
0x2e: {  	s3 =	simm.s32 @!p0 $0x1082;
	s9 =	sld [smem:$0x3FB1]  }
0x2f: {  	lr =	sadd.s32 s0, s3;
	s0 =	sld [smem:$0x3FA8]  }
0x30: {  	s3 =	sld [smem:$0x3FAB]  }
0x31: {  	[smem:$0x3FB4] =	sst s10  }
0x32: {  	s10 =	sld [smem:$0x3FB2];
	_ =	sdelay $0x3  }
0x33: {  	p0 =	seq.s32 s10, $0x1;
	s10 =	sld [smem:$0x3FB4];
	_ =	sdelay $0x3  }
0x34: {  	[smem:$0x3FB4] =	sst s10  }
0x35: {  	s10 =	sld [smem:$0x3FB3];
	_ =	sdelay $0x3  }
0x36: {  	p1 =	seq.s32 s10, $0x1;
	s10 =	sld [smem:$0x3FB4];
	_ =	sdelay $0x3  }
0x37: {  	[smem:$0x3FB4] =	sst s10  }
0x38: {  	s10 =	sld [smem:$0x3FB5]  }
0x39: {  	_ = 	snop;
	(pc) =	sbr.ind lr, $3  }
0x3a: {  	_ = 	snop  }
0x3b: {  	_ = 	snop  }
0x3c: {  	p2 =	seq.s32 s10, $0x1;
	s10 =	sld [smem:$0x3FB4]  }
0x3d: {  	_ =	shalt  }
0x3e: {  	_ =	shalt  }
0x3f: {  	_ =	shalt  }
0x40: {  	_ =	shalt  }
0x41: {  	_ =	shalt  }
0x42: {  	_ =	shalt  }
0x43: {  	_ =	shalt  }
0x44: {  	_ =	shalt  }
0x45: {  	_ =	shalt  }
0x46: {  	_ =	shalt  }
0x47: {  	_ =	shalt  }
0x48: {  	_ =	shalt  }
0x49: {  	_ =	shalt  }
0x4a: {  	_ =	shalt  }
0x4b: {  	_ =	shalt  }
0x4c: {  	_ =	shalt  }
0x4d: {  	_ =	shalt  }
0x4e: {  	_ =	shalt  }
0x4f: {  	_ =	shalt  }
0x50: {  	_ =	shalt  }
0x51: {  	_ =	shalt  }
0x52: {  	_ =	shalt  }
0x53: {  	_ =	shalt  }
0x54: {  	_ =	shalt  }
0x55: {  	_ =	shalt  }
0x56: {  	_ =	shalt  }
0x57: {  	_ =	shalt  }
0x58: {  	_ =	shalt  }
0x59: {  	_ =	shalt  }
0x5a: {  	_ =	shalt  }
0x5b: {  	_ =	shalt  }
0x5c: {  	_ =	shalt  }
0x5d: {  	_ =	shalt  }
0x5e: {  	_ =	shalt  }
0x5f: {  	_ =	shalt  }
0x60: {  	_ =	shalt  }
0x61: {  	_ =	shalt  }
0x62: {  	_ =	shalt  }
0x63: {  	_ =	shalt  }
0x64: {  	_ =	shalt  }
0x65: {  	_ =	shalt  }
0x66: {  	_ =	shalt  }
0x67: {  	_ =	shalt  }
0x68: {  	_ =	shalt  }
0x69: {  	_ =	shalt  }
0x6a: {  	_ =	shalt  }
0x6b: {  	_ =	shalt  }
0x6c: {  	_ =	shalt  }
0x6d: {  	_ =	shalt  }
0x6e: {  	_ =	shalt  }
0x6f: {  	_ =	shalt  }
0x70: {  	_ =	shalt  }
0x71: {  	_ =	shalt  }
0x72: {  	_ =	shalt  }
0x73: {  	_ =	shalt  }
0x74: {  	_ =	shalt  }
0x75: {  	_ =	shalt  }
0x76: {  	_ =	shalt  }
0x77: {  	_ =	shalt  }
0x78: {  	_ =	shalt  }
0x79: {  	_ =	shalt  }
0x7a: {  	_ =	shalt  }
0x7b: {  	_ =	shalt  }
0x7c: {  	_ =	shalt  }
0x7d: {  	_ =	shalt  }
0x7e: {  	_ =	shalt  }
0x7f: {  	_ =	shalt  }
0x80: {  	_ =	shalt  }
0x81: {  	_ =	shalt  }
0x82: {  	_ =	shalt  }
0x83: {  	_ =	shalt  }
0x84: {  	_ =	shalt  }
0x85: {  	_ =	shalt  }
0x86: {  	_ =	shalt  }
0x87: {  	_ =	shalt  }
.Lfunc_end0:
.L_simem_size_0:
called_computation.3_lowered:
.L_overlay_start_0:
0x88: {  	s2 =	sld [smem:$0x3FD9]  }
0x89: {  	s3 =	sld [smem:$0x3FFE];
	_ =	sdelay $0x1  }
0x8a: {  	s1 =	srdreg.scid  }
0x8b: {  	s0 =	sand.u32 $0x1, s1  }
0x8c: {  	s16 =	sshll.u32 s0, $0xA;
	s2 =	sadd.s32 s3, s2  }
0x8d: {  	s2 =	sadd.s32 s2, s16  }
0x8e: {  	[smem:$0x3FC0] =	sst s2  }
0x8f: {  	_ = 	snop  }
0x90: {  	(tm) =	ssettm $0x1  }
0x91: {  	s17 =	sld [smem:$0x3FFB];
	_ =	sdelay $0x3  }
0x92: {  	_ =	strace s17  }
0x93: {  	s2 =	sld [smem:$0x3FFC];
	_ =	sdelay $0x3  }
0x94: {  	_ =	strace s2  }
0x95: {  	s2 =	sld [smem:$0x3FFD];
	_ =	sdelay $0x3  }
0x96: {  	_ =	strace s2  }
0x97: {  	_ =	strace $0x8FFFFFFF  }
0x98: {  	s18 =	sld [smem:$0x3FDB];
	_ =	sdelay $0x1  }
0x99: {  	s19 =	simm.s32 $_scs_section_size  }
0x9a: {  	s4 =	simm.s32 $_size__tile_overlayer_lowered;
	s5 =	simm.s32 $_tile_overlayer_lowered  }
0x9b: {  	s22 =	simm.s32 $0x1BFF;
	s21 =	sshll.u32 s5, $0x1;
	s2 =	sadd.s32 s19, s18  }
0x9c: {  	s6 =	simm.s32 $0x0;
	s20 =	sshll.u32 s4, $0x1;
	s4 =	sadd.s32 s21, s2  }
0x9d: {  	[timem:s6], [sflag:s22] =	dma.local [hbm:s4], s20  }
0x9e: {  	_ =	swait.ge [sflag:s22], s20  }
0x9f: {  	s3 =	ssub.s32 $0x0, s20;
	[sflag:s22] =	ssyncset.done $0x0  }
0xa0: {  	[sflag:s22] =	ssyncadd.s32 s3;
	_ =	sdelay $0x1  }
0xa1: {  	s23 =	simm.s32 $0x1B8B  }
0xa2: {  	_ =	swait.ge [sflag:s23], $0x1  }
0xa3: {  	[sflag:s23] =	ssyncset.done $0x0  }
0xa4: {  	s25 =	simm.s32 $0x1B8E;
	s24 =	sld [smem:$0x3FFE];
	[sflag:s23] =	ssyncadd.s32 $0xFFFFFFFF  }
0xa5: {  	s26 =	simm.s32 $execute0_lowered;
	[smem:$0x3FD2] =	sst s25  }
0xa6: {  	s4 =	sshll.u32 s26, $0x1;
	_ =	strace $0x8000004F;
	[dreg:$0x1] =	wrdreg $0xFFFFFFFF  }
0xa7: {  	s28 =	simm.s32 $_size_execute0_lowered;
	s2 =	sadd.s32 s2, s4;
	[dreg:$0x0] =	wrdreg $0x0  }
0xa8: {  	s4 =	sshll.u32 s28, $0x1;
	[dreg:$0x2] =	wrdreg s2  }
0xa9: {  	[dreg:$0x3] =	wrdreg s4  }
0xaa: {  	[dreg:$0x4] =	wrdreg $0xC0  }
0xab: {  	_ =	task [dreg:s6], $0x5FFFF  }
0xac: {  	[dreg:$0x1] =	wrdreg $0xFFFFFFFF  }
0xad: {  	[dreg:$0x0] =	wrdreg $0x60  }
0xae: {  	[dreg:$0x2] =	wrdreg s24  }
0xaf: {  	[dreg:$0x3] =	wrdreg $0x82000  }
0xb0: {  	[dreg:$0x4] =	wrdreg $0x9  }
0xb1: {  	_ =	task.clear_ibuf [dreg:s6], $0x5FFFF;
	_ =	strace $0x9000004F  }
0xb2: {  	s29 =	simm.s32 $0x9;
	_ =	strace $0x80000051  }
0xb3: {  	_ =	swait.ge [sflag:s29], $0x1  }
0xb4: {  	[sflag:s29] =	ssyncadd.s32 $0xFFFFFFFF  }
0xb5: {  	_ =	strace $0x90000051  }
0xb6: {  	_ =	sfence  }
0xb7: {  	s30 =	sld [smem:$0x0];
	_ =	sdelay $0x2  }
0xb8: {  	s31 =	sshll.u32 s1, $0xD;
	s1 =	sshrl.u32 s1, $0x2  }
0xb9: {  	s3 =	sand.u32 $0x4000, s31;
	s1 =	sadd.s32 s1, s30  }
0xba: {  	s0 =	sor.u32 s3, s0;
	s1 =	sshll.u32 s1, $0x11  }
0xbb: {  	s0 =	sor.u32 s1, s0  }
0xbc: {  	s0 =	sadd.s32 $0x8F2B, s0  }
0xbd: {  	[sflag:s0] =	ssyncadd.remote.s32 $0x1  }
0xbe: {  	_ =	sfence.sel $0xFFFF  }
0xbf: {  	[dreg:$0x0] =	wrdreg $0xFFFFFFFF;
	(pc) =	sbr.abs _section_cstart, $3  }
0xc0: {  	[dreg:$0x1] =	wrdreg $0xFFFFFFFF  }
0xc1: {  	_ =	task.clear_ibuf [dreg:s6], $0x2FFFF;
	_ =	strace $0x9FFFFFFF  }
0xc2: {  	(tm) =	ssettm $0x7FFFFFFF  }
0xc3: {  	_ =	shalt  }
tec
execute0_lowered:
.L_overlay_start_1:
0x0: {  	(tag) =	ssettag $0x1  }
0x1: {  	s0 =	rddreg [dreg:$0x0]  }
0x2: {  	s1 =	srdreg.scid;
	s2 =	rddreg [dreg:$0x1]  }
0x3: {  	s11 =	stileid.u32;
	s3 =	simm.s32 $0x0;
	s20 =	simm.s32 $0x200  }
0x4: {  	s21 =	simm.s32 $0x5;
	s22 =	simm.s32 $0x100;
	s23 =	simm.s32 $0x80  }
0x5: {  	s24 =	simm.s32 $0x180;
	s28 =	simm.s32 $0x2;
	s29 =	simm.s32 $0x3  }
0x6: {  	s30 =	simm.s32 $0x4;
	s31 =	simm.s32 $0x0;
	s5 =	smul.u32 $0x14000, s11  }
0x7: {  	s1 =	sand.u32 $0x1, s1;
	[smem:$0x7FF] =	sst s3;
	s6 =	smul.u32 $0x50000, s11  }
0x8: {  	s19 =	sadd.s32 $0xF600, s0;
	s18 =	sadd.s32 $0x5600, s0;
	s14 =	smul.u32 $0x5000, s11  }
0x9: {  	s25 =	sshll.u32 s11, $0x1;
	s4 =	smul.u32 $0x140000, s1;
	_ =	strace $0x80000050  }
0xa: {  	s7 =	ssub.s32 $0x2, s1;
	s9 =	sor.u32 s1, s25;
	s1 =	smul.u32 $0x2800, s1  }
0xb: {  	s25 =	simm.s32 $0x4200;
	s6 =	sshrl.u32 s6, $0x2;
	s8 =	sshrl.u32 s7, $0x1  }
0xc: {  	s10 =	smul.u32 $0x2800, s9;
	s5 =	sadd.s32 s5, s4;
	s4 =	sadd.s32 $0x19600, s0  }
0xd: {  	s15 =	ssub.s32 s7, s8;
	s1 =	sadd.s32 s1, s14;
	s5 =	sshrl.u32 s5, $0x3  }
0xe: {  	s12 =	sshrl.u32 s10, $0x3;
	s26 =	sor.u32 $0x180, s1;
	s1 =	sor.u32 $0x100, s1  }
0xf: {  	s15 =	smax.u32 s15, $0x1;
	s0 =	sadd.s32 s5, s0;
	s5 =	sadd.s32 s6, s2  }
0x10: {  	s10 =	sadd.s32 s19, s12;
	s11 =	sadd.s32 s18, s12;
	s13 =	sor.u32 $0x10, s12  }
0x11: {  	s1 =	sshrl.u32 s1, $0x3;
	s6 =	sadd.s32 $0x4000, s5;
	s7 =	sadd.s32 $0x8000, s5  }
0x12: {  	s8 =	sadd.s32 $0xC000, s5;
	s9 =	sadd.s32 $0x10000, s5;
	s12 =	sadd.s32 s19, s13  }
0x13: {  	s13 =	sadd.s32 s18, s13;
	s14 =	sadd.s32 $0x8EC00, s0;
	s0 =	sshrl.u32 s26, $0x3  }
0x14: {  	s26 =	simm.s32 $0x1;
	[dreg:$0x3] =	wrdreg s6;
	s16 =	sadd.s32 s0, s18  }
0x15: {  	v0 =	vimm.f32 $0.0e+00;
	s17 =	sadd.s32 s0, s19;
	s18 =	sadd.s32 s1, s18;
	s19 =	sadd.s32 s1, s19  }
.LBB2_1:
0x16: {  	s0 =	simm.s32 $0x0;
	s1 =	simm.s32 $0x200  }
.LBB2_2:
0x17: {  	p0 =	sne.s32 s1, $0xFE00;
	[tilespmem:s0+$0x270] =	vst v0  }
0x18: {  	[tilespmem:s0+$0x200] =	vst v0  }
0x19: {  	[tilespmem:s0+$0x210] =	vst v0  }
.Ltmp0:
0x1a: {  	[tilespmem:s0+$0x220] =	vst v0;
	(pc) =	sbr.rel @p0 .LBB2_2-.Ltmp0, $4  }
0x1b: {  	[tilespmem:s0+$0x230] =	vst v0  }
0x1c: {  	[tilespmem:s0+$0x240] =	vst v0  }
0x1d: {  	[tilespmem:s0+$0x250] =	vst v0  }
0x1e: {  	[tilespmem:s0+$0x260] =	vst v0;
	s0 =	sshra.s32 s1, $0x2;
	s1 =	sadd.s32 $0x200, s1  }
0x1f: {  	[tilespmem:s0+$0x270] =	vst v0  }
0x20: {  	[tilespmem:s0+$0x200] =	vst v0  }
0x21: {  	[tilespmem:s0+$0x210] =	vst v0  }
0x22: {  	[tilespmem:s0+$0x220] =	vst v0  }
0x23: {  	[tilespmem:s0+$0x230] =	vst v0  }
0x24: {  	[tilespmem:s0+$0x240] =	vst v0  }
0x25: {  	[tilespmem:s0+$0x250] =	vst v0  }
0x26: {  	[tilespmem:s0+$0x260] =	vst v0  }
0x27: {  	[spmem:s5] =	stream.linear.scatter [tilespmem:s20], [sflag:$0x5], $0x4000, $0x38;
	[tilespmem:$0x1C200] =	vst v63  }
0x28: {  	_ =	swait.ge [sflag:s21], $0x4000  }
0x29: {  	[sflag:s21] =	ssyncset.done $0x0  }
0x2a: {  	s1 =	rddreg [dreg:$0x3];
	[sflag:s21] =	ssyncadd.s32 $0xFFFFC000  }
0x2b: {  	[spmem:s1] =	stream.linear.scatter [tilespmem:s20], [sflag:$0x5], $0x4000, $0x38;
	[tilespmem:$0x1C200] =	vst v63  }
0x2c: {  	_ =	swait.ge [sflag:s21], $0x4000  }
0x2d: {  	[sflag:s21] =	ssyncset.done $0x0  }
0x2e: {  	[sflag:s21] =	ssyncadd.s32 $0xFFFFC000  }
0x2f: {  	[spmem:s7] =	stream.linear.scatter [tilespmem:s20], [sflag:$0x5], $0x4000, $0x38;
	[tilespmem:$0x1C200] =	vst v63  }
0x30: {  	_ =	swait.ge [sflag:s21], $0x4000  }
0x31: {  	[sflag:s21] =	ssyncset.done $0x0  }
0x32: {  	[sflag:s21] =	ssyncadd.s32 $0xFFFFC000  }
0x33: {  	[spmem:s8] =	stream.linear.scatter [tilespmem:s20], [sflag:$0x5], $0x4000, $0x38;
	[tilespmem:$0x1C200] =	vst v63  }
0x34: {  	_ =	swait.ge [sflag:s21], $0x4000  }
0x35: {  	[sflag:s21] =	ssyncset.done $0x0  }
0x36: {  	[sflag:s21] =	ssyncadd.s32 $0xFFFFC000  }
0x37: {  	[spmem:s9] =	stream.linear.scatter [tilespmem:s20], [sflag:$0x5], $0x4000, $0x38;
	[tilespmem:$0x1C200] =	vst v63  }
0x38: {  	_ =	swait.ge [sflag:s21], $0x4000  }
0x39: {  	[sflag:s21] =	ssyncset.done $0x0  }
0x3a: {  	[sflag:s21] =	ssyncadd.s32 $0xFFFFC000  }
0x3b: {  	s6 =	simm.s32 $0x0;
	[bflag:$0x0] =	sbarrier.arrive $0xFFFF  }
0x3c: {  	[tilespmem:s6], [sflag:$0x5] =	stream.linear.gather [hbm4b:s10+s6], $0x80, $0x38;
	[tilespmem:$0x1C200] =	vst v63  }
0x3d: {  	_ =	swait.ge [sflag:s21], $0x80  }
0x3e: {  	[sflag:s21] =	ssyncset.done $0x0  }
0x3f: {  	[sflag:s21] =	ssyncadd.s32 $0xFFFFFF80  }
0x40: {  	[tilespmem:s22], [sflag:$0x5] =	stream.linear.gather [hbm4b:s11+s6], $0x80, $0x38;
	[tilespmem:$0x1C200] =	vst v63  }
0x41: {  	_ =	swait.ge [sflag:s21], $0x80  }
0x42: {  	[sflag:s21] =	ssyncset.done $0x0  }
0x43: {  	[sflag:s21] =	ssyncadd.s32 $0xFFFFFF80  }
0x44: {  	[tilespmem:s20], [sflag:$0x1] =	stream.indirect.gather [hbm4b:s4+s23], $0x80, s6, s23, $0xb8;
	[tilespmem:$0x1C200] =	vst v63  }
0x45: {  	_ = 	snop  }
0x46: {  	[tilespmem:s23], [sflag:$0x5] =	stream.linear.gather [hbm4b:s12+s6], $0x80, $0x38;
	[tilespmem:$0x1C200] =	vst v63  }
0x47: {  	_ =	swait.ge [sflag:s21], $0x80  }
0x48: {  	[sflag:s21] =	ssyncset.done $0x0  }
0x49: {  	[sflag:s21] =	ssyncadd.s32 $0xFFFFFF80  }
0x4a: {  	[tilespmem:s24], [sflag:$0x5] =	stream.linear.gather [hbm4b:s13+s6], $0x80, $0x38;
	[tilespmem:$0x1C200] =	vst v63  }
0x4b: {  	_ =	swait.ge [sflag:s21], $0x80  }
0x4c: {  	[sflag:s21] =	ssyncset.done $0x0  }
0x4d: {  	[sflag:s21] =	ssyncadd.s32 $0xFFFFFF80  }
0x4e: {  	[tilespmem:s25], [sflag:$0x2] =	stream.indirect.gather [hbm4b:s4+s23], $0x80, s23, s23, $0xb8;
	[tilespmem:$0x1C200] =	vst v63  }
0x4f: {  	_ =	swait.ge [sflag:s26], $0x4000  }
0x50: {  	[sflag:s26] =	ssyncset.done $0x0  }
0x51: {  	[sflag:s26] =	ssyncadd.s32 $0xFFFFC000  }
0x52: {  	[spmem:s2] =	stream.indirect.scatter.add.f32 [tilespmem:s20], [sflag:$0x3], $0x80, s22, s23, $0xb8;
	[tilespmem:$0x1C200] =	vst v63  }
0x53: {  	_ =	swait.ge [sflag:s28], $0x4000  }
0x54: {  	[sflag:s28] =	ssyncset.done $0x0  }
0x55: {  	[sflag:s28] =	ssyncadd.s32 $0xFFFFC000  }
0x56: {  	[spmem:s2] =	stream.indirect.scatter.add.f32 [tilespmem:s25], [sflag:$0x4], $0x80, s24, s23, $0xb8;
	[tilespmem:$0x1C200] =	vst v63  }
0x57: {  	_ =	swait.ge [sflag:s29], $0x4000  }
0x58: {  	[sflag:s29] =	ssyncset.done $0x0  }
0x59: {  	s1 =	sadd.s32 $0x0, s19;
	[sflag:s29] =	ssyncadd.s32 $0xFFFFC000  }
0x5a: {  	[tilespmem:s3], [sflag:$0x5] =	stream.linear.gather [hbm4b:s1+s3], $0x80, $0x38;
	[tilespmem:$0x1C200] =	vst v63  }
0x5b: {  	_ =	swait.ge [sflag:s21], $0x80  }
0x5c: {  	[sflag:s21] =	ssyncset.done $0x0  }
0x5d: {  	s6 =	sadd.s32 $0x0, s18;
	[sflag:s21] =	ssyncadd.s32 $0xFFFFFF80  }
0x5e: {  	[tilespmem:s22], [sflag:$0x5] =	stream.linear.gather [hbm4b:s6+s3], $0x80, $0x38;
	[tilespmem:$0x1C200] =	vst v63  }
0x5f: {  	_ =	swait.ge [sflag:s21], $0x80  }
0x60: {  	[sflag:s21] =	ssyncset.done $0x0  }
0x61: {  	[sflag:s21] =	ssyncadd.s32 $0xFFFFFF80  }
0x62: {  	[tilespmem:s20], [sflag:$0x1] =	stream.indirect.gather [hbm4b:s4+s23], $0x80, s3, s23, $0xb8;
	[tilespmem:$0x1C200] =	vst v63  }
0x63: {  	_ =	swait.ge [sflag:s30], $0x4000  }
0x64: {  	[sflag:s30] =	ssyncset.done $0x0  }
0x65: {  	s1 =	sadd.s32 $0x0, s17;
	[sflag:s30] =	ssyncadd.s32 $0xFFFFC000  }
0x66: {  	[tilespmem:s23], [sflag:$0x5] =	stream.linear.gather [hbm4b:s1+s3], $0x80, $0x38;
	[tilespmem:$0x1C200] =	vst v63  }
0x67: {  	_ =	swait.ge [sflag:s21], $0x80  }
0x68: {  	[sflag:s21] =	ssyncset.done $0x0  }
0x69: {  	s6 =	sadd.s32 $0x0, s16;
	[sflag:s21] =	ssyncadd.s32 $0xFFFFFF80  }
0x6a: {  	[tilespmem:s24], [sflag:$0x5] =	stream.linear.gather [hbm4b:s6+s3], $0x80, $0x38;
	[tilespmem:$0x1C200] =	vst v63  }
0x6b: {  	_ =	swait.ge [sflag:s21], $0x80  }
0x6c: {  	[sflag:s21] =	ssyncset.done $0x0  }
0x6d: {  	s0 =	simm.s32 $0x20;
	[sflag:s21] =	ssyncadd.s32 $0xFFFFFF80  }
.LBB2_4:
0x6e: {  	[tilespmem:s25], [sflag:$0x2] =	stream.indirect.gather [hbm4b:s4+s23], $0x80, s23, s23, $0xb8;
	[tilespmem:$0x1C200] =	vst v63  }
0x6f: {  	s1 =	smov.u32 s0  }
0x70: {  	p0 =	sne.s32 s0, $0x4C0;
	s0 =	sadd.s32 $0x20, s0;
	_ =	swait.ge [sflag:s26], $0x4000  }
0x71: {  	[sflag:s26] =	ssyncset.done $0x0  }
0x72: {  	[sflag:s26] =	ssyncadd.s32 $0xFFFFC000  }
0x73: {  	[spmem:s2] =	stream.indirect.scatter.add.f32 [tilespmem:s20], [sflag:$0x3], $0x80, s22, s23, $0xb8;
	[tilespmem:$0x1C200] =	vst v63  }
0x74: {  	_ =	swait.ge [sflag:s28], $0x4000  }
0x75: {  	[sflag:s28] =	ssyncset.done $0x0  }
0x76: {  	[sflag:s28] =	ssyncadd.s32 $0xFFFFC000  }
0x77: {  	[spmem:s2] =	stream.indirect.scatter.add.f32 [tilespmem:s25], [sflag:$0x4], $0x80, s24, s23, $0xb8;
	[tilespmem:$0x1C200] =	vst v63  }
0x78: {  	_ =	swait.ge [sflag:s29], $0x4000  }
0x79: {  	[sflag:s29] =	ssyncset.done $0x0  }
0x7a: {  	s6 =	sadd.s32 s1, s19;
	[sflag:s29] =	ssyncadd.s32 $0xFFFFC000  }
0x7b: {  	[tilespmem:s3], [sflag:$0x5] =	stream.linear.gather [hbm4b:s6+s3], $0x80, $0x38;
	[tilespmem:$0x1C200] =	vst v63  }
0x7c: {  	_ =	swait.ge [sflag:s21], $0x80  }
0x7d: {  	[sflag:s21] =	ssyncset.done $0x0  }
0x7e: {  	s6 =	sadd.s32 s1, s18;
	[sflag:s21] =	ssyncadd.s32 $0xFFFFFF80  }
0x7f: {  	[tilespmem:s22], [sflag:$0x5] =	stream.linear.gather [hbm4b:s6+s3], $0x80, $0x38;
	[tilespmem:$0x1C200] =	vst v63  }
0x80: {  	_ =	swait.ge [sflag:s21], $0x80  }
0x81: {  	[sflag:s21] =	ssyncset.done $0x0  }
0x82: {  	[sflag:s21] =	ssyncadd.s32 $0xFFFFFF80  }
0x83: {  	[tilespmem:s20], [sflag:$0x1] =	stream.indirect.gather [hbm4b:s4+s23], $0x80, s3, s23, $0xb8;
	[tilespmem:$0x1C200] =	vst v63  }
0x84: {  	_ =	swait.ge [sflag:s30], $0x4000  }
0x85: {  	[sflag:s30] =	ssyncset.done $0x0  }
0x86: {  	s6 =	sadd.s32 s1, s17;
	[sflag:s30] =	ssyncadd.s32 $0xFFFFC000  }
0x87: {  	[tilespmem:s23], [sflag:$0x5] =	stream.linear.gather [hbm4b:s6+s3], $0x80, $0x38;
	[tilespmem:$0x1C200] =	vst v63  }
0x88: {  	_ =	swait.ge [sflag:s21], $0x80  }
0x89: {  	[sflag:s21] =	ssyncset.done $0x0  }
.Ltmp1:
0x8a: {  	s1 =	sadd.s32 s1, s16;
	[sflag:s21] =	ssyncadd.s32 $0xFFFFFF80;
	(pc) =	sbr.rel @p0 .LBB2_4-.Ltmp1, $4  }
0x8b: {  	[tilespmem:s24], [sflag:$0x5] =	stream.linear.gather [hbm4b:s1+s3], $0x80, $0x38;
	[tilespmem:$0x1C200] =	vst v63  }
0x8c: {  	_ =	swait.ge [sflag:s21], $0x80  }
0x8d: {  	[sflag:s21] =	ssyncset.done $0x0  }
0x8e: {  	[sflag:s21] =	ssyncadd.s32 $0xFFFFFF80  }
0x8f: {  	[tilespmem:s25], [sflag:$0x2] =	stream.indirect.gather [hbm4b:s4+s23], $0x80, s23, s23, $0xb8;
	[tilespmem:$0x1C200] =	vst v63  }
0x90: {  	_ =	swait.ge [sflag:s26], $0x4000  }
0x91: {  	[sflag:s26] =	ssyncset.done $0x0  }
0x92: {  	[sflag:s26] =	ssyncadd.s32 $0xFFFFC000  }
0x93: {  	[spmem:s2] =	stream.indirect.scatter.add.f32 [tilespmem:s20], [sflag:$0x3], $0x80, s22, s23, $0xb8;
	[tilespmem:$0x1C200] =	vst v63  }
0x94: {  	_ =	swait.ge [sflag:s28], $0x4000  }
0x95: {  	[sflag:s28] =	ssyncset.done $0x0  }
0x96: {  	[sflag:s28] =	ssyncadd.s32 $0xFFFFC000  }
0x97: {  	[spmem:s2] =	stream.indirect.scatter.add.f32 [tilespmem:s25], [sflag:$0x4], $0x80, s24, s23, $0xb8;
	[tilespmem:$0x1C200] =	vst v63  }
0x98: {  	_ =	swait.ge [sflag:s29], $0x4000  }
0x99: {  	[sflag:s29] =	ssyncset.done $0x0  }
0x9a: {  	[sflag:s29] =	ssyncadd.s32 $0xFFFFC000  }
0x9b: {  	s0 =	stileid.u32;
	_ =	swait.ge [sflag:s30], $0x4000  }
0x9c: {  	s1 =	sshrl.u32 s5, $0x3;
	s31 =	sadd.s32 $0x1, s31;
	[sflag:s30] =	ssyncset.done $0x0  }
0x9d: {  	s0 =	sshll.u32 s0, $0x6;
	p0 =	sne.s32 s31, s15;
	[sflag:s30] =	ssyncadd.s32 $0xFFFFC000  }
.Ltmp2:
0x9e: {  	s0 =	sor.u32 $0x1C05, s0;
	[bflag:$0x0] =	sbarrier.arrive $0xFFFF;
	(pc) =	sbr.rel @p0 .LBB2_1-.Ltmp2, $4  }
0x9f: {  	[hbm:s14], [sflag:s0] =	dma.local [spmem:s1], $0x2800  }
0xa0: {  	_ =	swait.ge [sflag:s21], $0x2800  }
0xa1: {  	[sflag:s21] =	ssyncset.done $0x0  }
0xa2: {  	[sflag:s21] =	ssyncadd.s32 $0xFFFFD800  }
0xa3: {  	_ =	sfence.sel $0x180000  }
0xa4: {  	[bflag:$0x0] =	sbarrier.arrive $0xFFFF  }
0xa5: {  	_ =	strace $0x90000050  }
0xa6: {  	s0 =	stileid.u32;
	[bflag:$0x2] =	sbarrier.arrive $0xFFFF  }
0xa7: {  	p0 =	sne.s32 s0, $0x0;
	s0 =	rddreg [dreg:$0x2]  }
0xa8: {  	s0 =	sadd.s32 @!p0 $0x100000, s0  }
0xa9: {  	[sflag:s0] =	ssyncadd.tile.s32 @!p0 $0x1;
	_ =	shalt  }
.Lfunc_end2:
_tile_overlayer_lowered:
.L_overlay_start_2:
0xaa: {  	(tag) =	ssettag $0x2  }
0xab: {  	s0 =	rddreg [dreg:$0x0];
	s2 =	stileid.u32  }
0xac: {  	s1 =	rddreg [dreg:$0x1];
	p0 =	sne.s32 s2, $0x0  }
0xad: {  	s3 =	rddreg [dreg:$0x2];
	[bflag:$0x3] =	sbarrier.arrive $0xFFFF;
	s2 =	simm.s32 @!p0 $0x1C05  }
0xae: {  	[timem:s3], [sflag:s2] =	dma.local @!p0 [hbm:s0], s1  }
0xaf: {  	s0 =	simm.s32 @!p0 $0x5  }
0xb0: {  	_ =	swait.ge @!p0 [sflag:s0], s1  }
0xb1: {  	s1 =	ssub.s32 @!p0 $0x0, s1;
	[sflag:s0] =	ssyncset.done @!p0 $0x0  }
0xb2: {  	[sflag:s0] =	ssyncadd.s32 @!p0 s1  }
0xb3: {  	[bflag:$0x3] =	sbarrier.arrive $0xFFFF  }
0xb4: {  	_ =	shalt  }

// kernel: kernel.26.cloned.1.call-start
scs
__scs_entry_jumppad:
0x0: {  	(pc) =	sbr.rel $0x88, $3  }
0x1: {  	(tag) =	ssettag $0x0;
	lr =	simm.s32 $0x1  }
0x2: {  	[smem:$0x3F99] =	sst lr;
	_ =	strace $0xD0000000  }
0x3: {  	_ = 	snop  }
0x4: {  	_ = 	snop  }
0x5: {  	_ = 	snop  }
0x6: {  	_ = 	snop  }
0x7: {  	_ = 	snop  }
__scs_overlays_trampoline_lowered:
0x8: {  	[smem:$0x3FA8] =	sst s0  }
0x9: {  	[smem:$0x3FA9] =	sst s1  }
0xa: {  	[smem:$0x3FAA] =	sst s2  }
0xb: {  	[smem:$0x3FAB] =	sst s3  }
0xc: {  	[smem:$0x3FAC] =	sst s4  }
0xd: {  	[smem:$0x3FAD] =	sst s5  }
0xe: {  	[smem:$0x3FAE] =	sst s6  }
0xf: {  	[smem:$0x3FAF] =	sst s7  }
0x10: {  	[smem:$0x3FB0] =	sst s8  }
0x11: {  	[smem:$0x3FB1] =	sst s9;
	s0 =	simm.s32 @!p0 $0x0  }
0x12: {  	s1 =	sld [smem:$0x3F97];
	s0 =	simm.s32 @p0 $0x1  }
0x13: {  	[smem:$0x3FB2] =	sst s0;
	s0 =	simm.s32 @!p1 $0x0  }
0x14: {  	s2 =	sld [smem:$0x3F96];
	s0 =	simm.s32 @p1 $0x1  }
0x15: {  	[smem:$0x3FB3] =	sst s0;
	s0 =	simm.s32 @!p2 $0x0  }
0x16: {  	s3 =	sld [smem:$0x3FDB];
	s0 =	simm.s32 @p2 $0x1  }
0x17: {  	s4 =	simm.s32 $0x1BF5;
	[smem:$0x3FB5] =	sst s0  }
0x18: {  	s0 =	sld [smem:$0x3F98];
	_ =	swait.ge [sflag:s4], $0x0  }
0x19: {  	s7 =	sld [smem:$0x3F99]  }
0x1a: {  	s8 =	sadd.s32 $0xFFFFE003, lr  }
0x1b: {  	s9 =	sadd.s32 $0xFFFFFEF7, lr;
	s5 =	simm.s32 $0xFFFFFFFF;
	p2 =	slt.u32 s8, $0xFFFFF086  }
0x1c: {  	p1 =	slt.u32 s9, $0xF7A;
	s5 =	simm.s32 @!p2 $0x0  }
0x1d: {  	s5 =	simm.s32 @p1 $0x1;
	p0 =	seq.s32 s7, s2  }
0x1e: {  	s7 =	smul.u32 @!p0 $0xF7A, s2;
	p2 =	seq.s32 @!p0 s5, $0x0  }
0x1f: {  	s9 =	smul.u32 $0xF7A, s1;
	s8 =	simm.s32 @!p0 $0x1BF5;
	p2 =	por !p2, p0  }
0x20: {  	[sflag:s8] =	ssyncset.s32 @!p0 $0xFFFFF086;
	s6 =	sadd.s32 @!p0 s3, s7;
	s7 =	simm.s32 @!p0 $0x108  }
0x21: {  	s3 =	sadd.s32 s3, s9;
	s6 =	sadd.s32 @!p0 $0x88, s6;
	s7 =	simm.s32 @p2 $0x1082  }
0x22: {  	[simem:s7], [sflag:s8] =	dma.local @!p0 [hbm:s6], $0xF7A  }
0x23: {  	s9 =	sor.u32 $0xD0000000, s2;
	s6 =	simm.s32 $0x108;
	_ =	swait.ge @!p0 [sflag:s8], $0x0  }
0x24: {  	s3 =	sadd.s32 $0x88, s3;
	s6 =	simm.s32 @!p1 $0x1082;
	[sflag:s4] =	ssyncset.s32 $0xFFFFF086  }
0x25: {  	[simem:s6], [sflag:s4] =	dma.local [hbm:s3], $0xF7A  }
0x26: {  	[smem:$0x3F99] =	sst s1;
	(tag) =	ssettag s2;
	_ =	strace s9  }
0x27: {  	s1 =	sld [smem:$0x3FA9]  }
0x28: {  	s2 =	sld [smem:$0x3FAA]  }
0x29: {  	s4 =	sld [smem:$0x3FAC]  }
0x2a: {  	p0 =	seq.s32 s5, $0x0;
	s5 =	sld [smem:$0x3FAD]  }
0x2b: {  	s6 =	sld [smem:$0x3FAE]  }
0x2c: {  	s7 =	sld [smem:$0x3FAF]  }
0x2d: {  	s3 =	simm.s32 $0x108;
	s8 =	sld [smem:$0x3FB0]  }
0x2e: {  	s3 =	simm.s32 @!p0 $0x1082;
	s9 =	sld [smem:$0x3FB1]  }
0x2f: {  	lr =	sadd.s32 s0, s3;
	s0 =	sld [smem:$0x3FA8]  }
0x30: {  	s3 =	sld [smem:$0x3FAB]  }
0x31: {  	[smem:$0x3FB4] =	sst s10  }
0x32: {  	s10 =	sld [smem:$0x3FB2];
	_ =	sdelay $0x3  }
0x33: {  	p0 =	seq.s32 s10, $0x1;
	s10 =	sld [smem:$0x3FB4];
	_ =	sdelay $0x3  }
0x34: {  	[smem:$0x3FB4] =	sst s10  }
0x35: {  	s10 =	sld [smem:$0x3FB3];
	_ =	sdelay $0x3  }
0x36: {  	p1 =	seq.s32 s10, $0x1;
	s10 =	sld [smem:$0x3FB4];
	_ =	sdelay $0x3  }
0x37: {  	[smem:$0x3FB4] =	sst s10  }
0x38: {  	s10 =	sld [smem:$0x3FB5]  }
0x39: {  	_ = 	snop;
	(pc) =	sbr.ind lr, $3  }
0x3a: {  	_ = 	snop  }
0x3b: {  	_ = 	snop  }
0x3c: {  	p2 =	seq.s32 s10, $0x1;
	s10 =	sld [smem:$0x3FB4]  }
0x3d: {  	_ =	shalt  }
0x3e: {  	_ =	shalt  }
0x3f: {  	_ =	shalt  }
0x40: {  	_ =	shalt  }
0x41: {  	_ =	shalt  }
0x42: {  	_ =	shalt  }
0x43: {  	_ =	shalt  }
0x44: {  	_ =	shalt  }
0x45: {  	_ =	shalt  }
0x46: {  	_ =	shalt  }
0x47: {  	_ =	shalt  }
0x48: {  	_ =	shalt  }
0x49: {  	_ =	shalt  }
0x4a: {  	_ =	shalt  }
0x4b: {  	_ =	shalt  }
0x4c: {  	_ =	shalt  }
0x4d: {  	_ =	shalt  }
0x4e: {  	_ =	shalt  }
0x4f: {  	_ =	shalt  }
0x50: {  	_ =	shalt  }
0x51: {  	_ =	shalt  }
0x52: {  	_ =	shalt  }
0x53: {  	_ =	shalt  }
0x54: {  	_ =	shalt  }
0x55: {  	_ =	shalt  }
0x56: {  	_ =	shalt  }
0x57: {  	_ =	shalt  }
0x58: {  	_ =	shalt  }
0x59: {  	_ =	shalt  }
0x5a: {  	_ =	shalt  }
0x5b: {  	_ =	shalt  }
0x5c: {  	_ =	shalt  }
0x5d: {  	_ =	shalt  }
0x5e: {  	_ =	shalt  }
0x5f: {  	_ =	shalt  }
0x60: {  	_ =	shalt  }
0x61: {  	_ =	shalt  }
0x62: {  	_ =	shalt  }
0x63: {  	_ =	shalt  }
0x64: {  	_ =	shalt  }
0x65: {  	_ =	shalt  }
0x66: {  	_ =	shalt  }
0x67: {  	_ =	shalt  }
0x68: {  	_ =	shalt  }
0x69: {  	_ =	shalt  }
0x6a: {  	_ =	shalt  }
0x6b: {  	_ =	shalt  }
0x6c: {  	_ =	shalt  }
0x6d: {  	_ =	shalt  }
0x6e: {  	_ =	shalt  }
0x6f: {  	_ =	shalt  }
0x70: {  	_ =	shalt  }
0x71: {  	_ =	shalt  }
0x72: {  	_ =	shalt  }
0x73: {  	_ =	shalt  }
0x74: {  	_ =	shalt  }
0x75: {  	_ =	shalt  }
0x76: {  	_ =	shalt  }
0x77: {  	_ =	shalt  }
0x78: {  	_ =	shalt  }
0x79: {  	_ =	shalt  }
0x7a: {  	_ =	shalt  }
0x7b: {  	_ =	shalt  }
0x7c: {  	_ =	shalt  }
0x7d: {  	_ =	shalt  }
0x7e: {  	_ =	shalt  }
0x7f: {  	_ =	shalt  }
0x80: {  	_ =	shalt  }
0x81: {  	_ =	shalt  }
0x82: {  	_ =	shalt  }
0x83: {  	_ =	shalt  }
0x84: {  	_ =	shalt  }
0x85: {  	_ =	shalt  }
0x86: {  	_ =	shalt  }
0x87: {  	_ =	shalt  }
.Lfunc_end0:
.L_simem_size_0:
called_computation.4_lowered:
.L_overlay_start_0:
0x88: {  	s2 =	sld [smem:$0x3FD9]  }
0x89: {  	s3 =	sld [smem:$0x3FFE];
	_ =	sdelay $0x1  }
0x8a: {  	s1 =	srdreg.scid  }
0x8b: {  	s0 =	sand.u32 $0x1, s1  }
0x8c: {  	s16 =	sshll.u32 s0, $0xA;
	s2 =	sadd.s32 s3, s2  }
0x8d: {  	s2 =	sadd.s32 s2, s16  }
0x8e: {  	[smem:$0x3FC0] =	sst s2  }
0x8f: {  	_ = 	snop  }
0x90: {  	(tm) =	ssettm $0x1  }
0x91: {  	s17 =	sld [smem:$0x3FFB];
	_ =	sdelay $0x3  }
0x92: {  	_ =	strace s17  }
0x93: {  	s2 =	sld [smem:$0x3FFC];
	_ =	sdelay $0x3  }
0x94: {  	_ =	strace s2  }
0x95: {  	s2 =	sld [smem:$0x3FFD];
	_ =	sdelay $0x3  }
0x96: {  	_ =	strace s2  }
0x97: {  	_ =	strace $0x8FFFFFFF  }
0x98: {  	s18 =	sld [smem:$0x3FDB];
	_ =	sdelay $0x1  }
0x99: {  	s19 =	simm.s32 $_scs_section_size  }
0x9a: {  	s4 =	simm.s32 $_size__tile_overlayer_lowered;
	s5 =	simm.s32 $_tile_overlayer_lowered  }
0x9b: {  	s22 =	simm.s32 $0x1BFF;
	s21 =	sshll.u32 s5, $0x1;
	s2 =	sadd.s32 s19, s18  }
0x9c: {  	s6 =	simm.s32 $0x0;
	s20 =	sshll.u32 s4, $0x1;
	s4 =	sadd.s32 s21, s2  }
0x9d: {  	[timem:s6], [sflag:s22] =	dma.local [hbm:s4], s20  }
0x9e: {  	_ =	swait.ge [sflag:s22], s20  }
0x9f: {  	s3 =	ssub.s32 $0x0, s20;
	[sflag:s22] =	ssyncset.done $0x0  }
0xa0: {  	[sflag:s22] =	ssyncadd.s32 s3;
	_ =	sdelay $0x1  }
0xa1: {  	s23 =	simm.s32 $0x1B8B  }
0xa2: {  	_ =	swait.ge [sflag:s23], $0x1  }
0xa3: {  	[sflag:s23] =	ssyncset.done $0x0  }
0xa4: {  	s25 =	simm.s32 $0x1B8E;
	s24 =	sld [smem:$0x3FFE];
	[sflag:s23] =	ssyncadd.s32 $0xFFFFFFFF  }
0xa5: {  	s26 =	simm.s32 $execute0_lowered;
	[smem:$0x3FD2] =	sst s25  }
0xa6: {  	s4 =	sshll.u32 s26, $0x1;
	_ =	strace $0x80000052;
	[dreg:$0x1] =	wrdreg $0xFFFFFFFF  }
0xa7: {  	s28 =	simm.s32 $_size_execute0_lowered;
	s2 =	sadd.s32 s2, s4;
	[dreg:$0x0] =	wrdreg $0x0  }
0xa8: {  	s4 =	sshll.u32 s28, $0x1;
	[dreg:$0x2] =	wrdreg s2  }
0xa9: {  	[dreg:$0x3] =	wrdreg s4  }
0xaa: {  	[dreg:$0x4] =	wrdreg $0xC0  }
0xab: {  	_ =	task [dreg:s6], $0x5FFFF  }
0xac: {  	[dreg:$0x1] =	wrdreg $0xFFFFFFFF  }
0xad: {  	[dreg:$0x0] =	wrdreg $0x60  }
0xae: {  	[dreg:$0x2] =	wrdreg s24  }
0xaf: {  	[dreg:$0x3] =	wrdreg $0x82000  }
0xb0: {  	[dreg:$0x4] =	wrdreg $0x9  }
0xb1: {  	_ =	task.clear_ibuf [dreg:s6], $0x5FFFF;
	_ =	strace $0x90000052  }
0xb2: {  	s29 =	simm.s32 $0x9;
	_ =	strace $0x80000054  }
0xb3: {  	_ =	swait.ge [sflag:s29], $0x1  }
0xb4: {  	[sflag:s29] =	ssyncadd.s32 $0xFFFFFFFF  }
0xb5: {  	_ =	strace $0x90000054  }
0xb6: {  	_ =	sfence  }
0xb7: {  	s30 =	sld [smem:$0x0];
	_ =	sdelay $0x2  }
0xb8: {  	s31 =	sshll.u32 s1, $0xD;
	s1 =	sshrl.u32 s1, $0x2  }
0xb9: {  	s3 =	sand.u32 $0x4000, s31;
	s1 =	sadd.s32 s1, s30  }
0xba: {  	s0 =	sor.u32 s3, s0;
	s1 =	sshll.u32 s1, $0x11  }
0xbb: {  	s0 =	sor.u32 s1, s0  }
0xbc: {  	s0 =	sadd.s32 $0x8F2B, s0  }
0xbd: {  	[sflag:s0] =	ssyncadd.remote.s32 $0x1  }
0xbe: {  	_ =	sfence.sel $0xFFFF  }
0xbf: {  	[dreg:$0x0] =	wrdreg $0xFFFFFFFF;
	(pc) =	sbr.abs _section_cstart, $3  }
0xc0: {  	[dreg:$0x1] =	wrdreg $0xFFFFFFFF  }
0xc1: {  	_ =	task.clear_ibuf [dreg:s6], $0x2FFFF;
	_ =	strace $0x9FFFFFFF  }
0xc2: {  	(tm) =	ssettm $0x7FFFFFFF  }
0xc3: {  	_ =	shalt  }
tec
execute0_lowered:
.L_overlay_start_1:
0x0: {  	(tag) =	ssettag $0x1  }
0x1: {  	s0 =	rddreg [dreg:$0x0]  }
0x2: {  	s1 =	srdreg.scid;
	s2 =	rddreg [dreg:$0x1]  }
0x3: {  	s11 =	stileid.u32;
	s3 =	simm.s32 $0x0;
	s20 =	simm.s32 $0x200  }
0x4: {  	s21 =	simm.s32 $0x5;
	s22 =	simm.s32 $0x100;
	s23 =	simm.s32 $0x80  }
0x5: {  	s24 =	simm.s32 $0x180;
	s28 =	simm.s32 $0x2;
	s29 =	simm.s32 $0x3  }
0x6: {  	s30 =	simm.s32 $0x4;
	s31 =	simm.s32 $0x0;
	s5 =	smul.u32 $0x14000, s11  }
0x7: {  	s1 =	sand.u32 $0x1, s1;
	[smem:$0x7FF] =	sst s3;
	s6 =	smul.u32 $0x50000, s11  }
0x8: {  	s19 =	sadd.s32 $0xF600, s0;
	s18 =	sadd.s32 $0x5600, s0;
	s14 =	smul.u32 $0x5000, s11  }
0x9: {  	s25 =	sshll.u32 s11, $0x1;
	s4 =	smul.u32 $0x140000, s1;
	_ =	strace $0x80000053  }
0xa: {  	s7 =	ssub.s32 $0x2, s1;
	s9 =	sor.u32 s1, s25;
	s1 =	smul.u32 $0x2800, s1  }
0xb: {  	s25 =	simm.s32 $0x4200;
	s6 =	sshrl.u32 s6, $0x2;
	s8 =	sshrl.u32 s7, $0x1  }
0xc: {  	s10 =	smul.u32 $0x2800, s9;
	s5 =	sadd.s32 s5, s4;
	s4 =	sadd.s32 $0x19600, s0  }
0xd: {  	s15 =	ssub.s32 s7, s8;
	s1 =	sadd.s32 s1, s14;
	s5 =	sshrl.u32 s5, $0x3  }
0xe: {  	s12 =	sshrl.u32 s10, $0x3;
	s26 =	sor.u32 $0x180, s1;
	s1 =	sor.u32 $0x100, s1  }
0xf: {  	s15 =	smax.u32 s15, $0x1;
	s0 =	sadd.s32 s5, s0;
	s5 =	sadd.s32 s6, s2  }
0x10: {  	s10 =	sadd.s32 s19, s12;
	s11 =	sadd.s32 s18, s12;
	s13 =	sor.u32 $0x10, s12  }
0x11: {  	s1 =	sshrl.u32 s1, $0x3;
	s6 =	sadd.s32 $0x4000, s5;
	s7 =	sadd.s32 $0x8000, s5  }
0x12: {  	s8 =	sadd.s32 $0xC000, s5;
	s9 =	sadd.s32 $0x10000, s5;
	s12 =	sadd.s32 s19, s13  }
0x13: {  	s13 =	sadd.s32 s18, s13;
	s14 =	sadd.s32 $0x8EC00, s0;
	s0 =	sshrl.u32 s26, $0x3  }
0x14: {  	s26 =	simm.s32 $0x1;
	[dreg:$0x3] =	wrdreg s6;
	s16 =	sadd.s32 s0, s18  }
0x15: {  	v0 =	vimm.f32 $0.0e+00;
	s17 =	sadd.s32 s0, s19;
	s18 =	sadd.s32 s1, s18;
	s19 =	sadd.s32 s1, s19  }
.LBB2_1:
0x16: {  	s0 =	simm.s32 $0x0;
	s1 =	simm.s32 $0x200  }
.LBB2_2:
0x17: {  	p0 =	sne.s32 s1, $0xFE00;
	[tilespmem:s0+$0x270] =	vst v0  }
0x18: {  	[tilespmem:s0+$0x200] =	vst v0  }
0x19: {  	[tilespmem:s0+$0x210] =	vst v0  }
.Ltmp0:
0x1a: {  	[tilespmem:s0+$0x220] =	vst v0;
	(pc) =	sbr.rel @p0 .LBB2_2-.Ltmp0, $4  }
0x1b: {  	[tilespmem:s0+$0x230] =	vst v0  }
0x1c: {  	[tilespmem:s0+$0x240] =	vst v0  }
0x1d: {  	[tilespmem:s0+$0x250] =	vst v0  }
0x1e: {  	[tilespmem:s0+$0x260] =	vst v0;
	s0 =	sshra.s32 s1, $0x2;
	s1 =	sadd.s32 $0x200, s1  }
0x1f: {  	[tilespmem:s0+$0x270] =	vst v0  }
0x20: {  	[tilespmem:s0+$0x200] =	vst v0  }
0x21: {  	[tilespmem:s0+$0x210] =	vst v0  }
0x22: {  	[tilespmem:s0+$0x220] =	vst v0  }
0x23: {  	[tilespmem:s0+$0x230] =	vst v0  }
0x24: {  	[tilespmem:s0+$0x240] =	vst v0  }
0x25: {  	[tilespmem:s0+$0x250] =	vst v0  }
0x26: {  	[tilespmem:s0+$0x260] =	vst v0  }
0x27: {  	[spmem:s5] =	stream.linear.scatter [tilespmem:s20], [sflag:$0x5], $0x4000, $0x38;
	[tilespmem:$0x1C200] =	vst v63  }
0x28: {  	_ =	swait.ge [sflag:s21], $0x4000  }
0x29: {  	[sflag:s21] =	ssyncset.done $0x0  }
0x2a: {  	s1 =	rddreg [dreg:$0x3];
	[sflag:s21] =	ssyncadd.s32 $0xFFFFC000  }
0x2b: {  	[spmem:s1] =	stream.linear.scatter [tilespmem:s20], [sflag:$0x5], $0x4000, $0x38;
	[tilespmem:$0x1C200] =	vst v63  }
0x2c: {  	_ =	swait.ge [sflag:s21], $0x4000  }
0x2d: {  	[sflag:s21] =	ssyncset.done $0x0  }
0x2e: {  	[sflag:s21] =	ssyncadd.s32 $0xFFFFC000  }
0x2f: {  	[spmem:s7] =	stream.linear.scatter [tilespmem:s20], [sflag:$0x5], $0x4000, $0x38;
	[tilespmem:$0x1C200] =	vst v63  }
0x30: {  	_ =	swait.ge [sflag:s21], $0x4000  }
0x31: {  	[sflag:s21] =	ssyncset.done $0x0  }
0x32: {  	[sflag:s21] =	ssyncadd.s32 $0xFFFFC000  }
0x33: {  	[spmem:s8] =	stream.linear.scatter [tilespmem:s20], [sflag:$0x5], $0x4000, $0x38;
	[tilespmem:$0x1C200] =	vst v63  }
0x34: {  	_ =	swait.ge [sflag:s21], $0x4000  }
0x35: {  	[sflag:s21] =	ssyncset.done $0x0  }
0x36: {  	[sflag:s21] =	ssyncadd.s32 $0xFFFFC000  }
0x37: {  	[spmem:s9] =	stream.linear.scatter [tilespmem:s20], [sflag:$0x5], $0x4000, $0x38;
	[tilespmem:$0x1C200] =	vst v63  }
0x38: {  	_ =	swait.ge [sflag:s21], $0x4000  }
0x39: {  	[sflag:s21] =	ssyncset.done $0x0  }
0x3a: {  	[sflag:s21] =	ssyncadd.s32 $0xFFFFC000  }
0x3b: {  	s6 =	simm.s32 $0x0;
	[bflag:$0x0] =	sbarrier.arrive $0xFFFF  }
0x3c: {  	[tilespmem:s6], [sflag:$0x5] =	stream.linear.gather [hbm4b:s10+s6], $0x80, $0x38;
	[tilespmem:$0x1C200] =	vst v63  }
0x3d: {  	_ =	swait.ge [sflag:s21], $0x80  }
0x3e: {  	[sflag:s21] =	ssyncset.done $0x0  }
0x3f: {  	[sflag:s21] =	ssyncadd.s32 $0xFFFFFF80  }
0x40: {  	[tilespmem:s22], [sflag:$0x5] =	stream.linear.gather [hbm4b:s11+s6], $0x80, $0x38;
	[tilespmem:$0x1C200] =	vst v63  }
0x41: {  	_ =	swait.ge [sflag:s21], $0x80  }
0x42: {  	[sflag:s21] =	ssyncset.done $0x0  }
0x43: {  	[sflag:s21] =	ssyncadd.s32 $0xFFFFFF80  }
0x44: {  	[tilespmem:s20], [sflag:$0x1] =	stream.indirect.gather [hbm4b:s4+s23], $0x80, s6, s23, $0xb8;
	[tilespmem:$0x1C200] =	vst v63  }
0x45: {  	_ = 	snop  }
0x46: {  	[tilespmem:s23], [sflag:$0x5] =	stream.linear.gather [hbm4b:s12+s6], $0x80, $0x38;
	[tilespmem:$0x1C200] =	vst v63  }
0x47: {  	_ =	swait.ge [sflag:s21], $0x80  }
0x48: {  	[sflag:s21] =	ssyncset.done $0x0  }
0x49: {  	[sflag:s21] =	ssyncadd.s32 $0xFFFFFF80  }
0x4a: {  	[tilespmem:s24], [sflag:$0x5] =	stream.linear.gather [hbm4b:s13+s6], $0x80, $0x38;
	[tilespmem:$0x1C200] =	vst v63  }
0x4b: {  	_ =	swait.ge [sflag:s21], $0x80  }
0x4c: {  	[sflag:s21] =	ssyncset.done $0x0  }
0x4d: {  	[sflag:s21] =	ssyncadd.s32 $0xFFFFFF80  }
0x4e: {  	[tilespmem:s25], [sflag:$0x2] =	stream.indirect.gather [hbm4b:s4+s23], $0x80, s23, s23, $0xb8;
	[tilespmem:$0x1C200] =	vst v63  }
0x4f: {  	_ =	swait.ge [sflag:s26], $0x4000  }
0x50: {  	[sflag:s26] =	ssyncset.done $0x0  }
0x51: {  	[sflag:s26] =	ssyncadd.s32 $0xFFFFC000  }
0x52: {  	[spmem:s2] =	stream.indirect.scatter.add.f32 [tilespmem:s20], [sflag:$0x3], $0x80, s22, s23, $0xb8;
	[tilespmem:$0x1C200] =	vst v63  }
0x53: {  	_ =	swait.ge [sflag:s28], $0x4000  }
0x54: {  	[sflag:s28] =	ssyncset.done $0x0  }
0x55: {  	[sflag:s28] =	ssyncadd.s32 $0xFFFFC000  }
0x56: {  	[spmem:s2] =	stream.indirect.scatter.add.f32 [tilespmem:s25], [sflag:$0x4], $0x80, s24, s23, $0xb8;
	[tilespmem:$0x1C200] =	vst v63  }
0x57: {  	_ =	swait.ge [sflag:s29], $0x4000  }
0x58: {  	[sflag:s29] =	ssyncset.done $0x0  }
0x59: {  	s1 =	sadd.s32 $0x0, s19;
	[sflag:s29] =	ssyncadd.s32 $0xFFFFC000  }
0x5a: {  	[tilespmem:s3], [sflag:$0x5] =	stream.linear.gather [hbm4b:s1+s3], $0x80, $0x38;
	[tilespmem:$0x1C200] =	vst v63  }
0x5b: {  	_ =	swait.ge [sflag:s21], $0x80  }
0x5c: {  	[sflag:s21] =	ssyncset.done $0x0  }
0x5d: {  	s6 =	sadd.s32 $0x0, s18;
	[sflag:s21] =	ssyncadd.s32 $0xFFFFFF80  }
0x5e: {  	[tilespmem:s22], [sflag:$0x5] =	stream.linear.gather [hbm4b:s6+s3], $0x80, $0x38;
	[tilespmem:$0x1C200] =	vst v63  }
0x5f: {  	_ =	swait.ge [sflag:s21], $0x80  }
0x60: {  	[sflag:s21] =	ssyncset.done $0x0  }
0x61: {  	[sflag:s21] =	ssyncadd.s32 $0xFFFFFF80  }
0x62: {  	[tilespmem:s20], [sflag:$0x1] =	stream.indirect.gather [hbm4b:s4+s23], $0x80, s3, s23, $0xb8;
	[tilespmem:$0x1C200] =	vst v63  }
0x63: {  	_ =	swait.ge [sflag:s30], $0x4000  }
0x64: {  	[sflag:s30] =	ssyncset.done $0x0  }
0x65: {  	s1 =	sadd.s32 $0x0, s17;
	[sflag:s30] =	ssyncadd.s32 $0xFFFFC000  }
0x66: {  	[tilespmem:s23], [sflag:$0x5] =	stream.linear.gather [hbm4b:s1+s3], $0x80, $0x38;
	[tilespmem:$0x1C200] =	vst v63  }
0x67: {  	_ =	swait.ge [sflag:s21], $0x80  }
0x68: {  	[sflag:s21] =	ssyncset.done $0x0  }
0x69: {  	s6 =	sadd.s32 $0x0, s16;
	[sflag:s21] =	ssyncadd.s32 $0xFFFFFF80  }
0x6a: {  	[tilespmem:s24], [sflag:$0x5] =	stream.linear.gather [hbm4b:s6+s3], $0x80, $0x38;
	[tilespmem:$0x1C200] =	vst v63  }
0x6b: {  	_ =	swait.ge [sflag:s21], $0x80  }
0x6c: {  	[sflag:s21] =	ssyncset.done $0x0  }
0x6d: {  	s0 =	simm.s32 $0x20;
	[sflag:s21] =	ssyncadd.s32 $0xFFFFFF80  }
.LBB2_4:
0x6e: {  	[tilespmem:s25], [sflag:$0x2] =	stream.indirect.gather [hbm4b:s4+s23], $0x80, s23, s23, $0xb8;
	[tilespmem:$0x1C200] =	vst v63  }
0x6f: {  	s1 =	smov.u32 s0  }
0x70: {  	p0 =	sne.s32 s0, $0x4C0;
	s0 =	sadd.s32 $0x20, s0;
	_ =	swait.ge [sflag:s26], $0x4000  }
0x71: {  	[sflag:s26] =	ssyncset.done $0x0  }
0x72: {  	[sflag:s26] =	ssyncadd.s32 $0xFFFFC000  }
0x73: {  	[spmem:s2] =	stream.indirect.scatter.add.f32 [tilespmem:s20], [sflag:$0x3], $0x80, s22, s23, $0xb8;
	[tilespmem:$0x1C200] =	vst v63  }
0x74: {  	_ =	swait.ge [sflag:s28], $0x4000  }
0x75: {  	[sflag:s28] =	ssyncset.done $0x0  }
0x76: {  	[sflag:s28] =	ssyncadd.s32 $0xFFFFC000  }
0x77: {  	[spmem:s2] =	stream.indirect.scatter.add.f32 [tilespmem:s25], [sflag:$0x4], $0x80, s24, s23, $0xb8;
	[tilespmem:$0x1C200] =	vst v63  }
0x78: {  	_ =	swait.ge [sflag:s29], $0x4000  }
0x79: {  	[sflag:s29] =	ssyncset.done $0x0  }
0x7a: {  	s6 =	sadd.s32 s1, s19;
	[sflag:s29] =	ssyncadd.s32 $0xFFFFC000  }
0x7b: {  	[tilespmem:s3], [sflag:$0x5] =	stream.linear.gather [hbm4b:s6+s3], $0x80, $0x38;
	[tilespmem:$0x1C200] =	vst v63  }
0x7c: {  	_ =	swait.ge [sflag:s21], $0x80  }
0x7d: {  	[sflag:s21] =	ssyncset.done $0x0  }
0x7e: {  	s6 =	sadd.s32 s1, s18;
	[sflag:s21] =	ssyncadd.s32 $0xFFFFFF80  }
0x7f: {  	[tilespmem:s22], [sflag:$0x5] =	stream.linear.gather [hbm4b:s6+s3], $0x80, $0x38;
	[tilespmem:$0x1C200] =	vst v63  }
0x80: {  	_ =	swait.ge [sflag:s21], $0x80  }
0x81: {  	[sflag:s21] =	ssyncset.done $0x0  }
0x82: {  	[sflag:s21] =	ssyncadd.s32 $0xFFFFFF80  }
0x83: {  	[tilespmem:s20], [sflag:$0x1] =	stream.indirect.gather [hbm4b:s4+s23], $0x80, s3, s23, $0xb8;
	[tilespmem:$0x1C200] =	vst v63  }
0x84: {  	_ =	swait.ge [sflag:s30], $0x4000  }
0x85: {  	[sflag:s30] =	ssyncset.done $0x0  }
0x86: {  	s6 =	sadd.s32 s1, s17;
	[sflag:s30] =	ssyncadd.s32 $0xFFFFC000  }
0x87: {  	[tilespmem:s23], [sflag:$0x5] =	stream.linear.gather [hbm4b:s6+s3], $0x80, $0x38;
	[tilespmem:$0x1C200] =	vst v63  }
0x88: {  	_ =	swait.ge [sflag:s21], $0x80  }
0x89: {  	[sflag:s21] =	ssyncset.done $0x0  }
.Ltmp1:
0x8a: {  	s1 =	sadd.s32 s1, s16;
	[sflag:s21] =	ssyncadd.s32 $0xFFFFFF80;
	(pc) =	sbr.rel @p0 .LBB2_4-.Ltmp1, $4  }
0x8b: {  	[tilespmem:s24], [sflag:$0x5] =	stream.linear.gather [hbm4b:s1+s3], $0x80, $0x38;
	[tilespmem:$0x1C200] =	vst v63  }
0x8c: {  	_ =	swait.ge [sflag:s21], $0x80  }
0x8d: {  	[sflag:s21] =	ssyncset.done $0x0  }
0x8e: {  	[sflag:s21] =	ssyncadd.s32 $0xFFFFFF80  }
0x8f: {  	[tilespmem:s25], [sflag:$0x2] =	stream.indirect.gather [hbm4b:s4+s23], $0x80, s23, s23, $0xb8;
	[tilespmem:$0x1C200] =	vst v63  }
0x90: {  	_ =	swait.ge [sflag:s26], $0x4000  }
0x91: {  	[sflag:s26] =	ssyncset.done $0x0  }
0x92: {  	[sflag:s26] =	ssyncadd.s32 $0xFFFFC000  }
0x93: {  	[spmem:s2] =	stream.indirect.scatter.add.f32 [tilespmem:s20], [sflag:$0x3], $0x80, s22, s23, $0xb8;
	[tilespmem:$0x1C200] =	vst v63  }
0x94: {  	_ =	swait.ge [sflag:s28], $0x4000  }
0x95: {  	[sflag:s28] =	ssyncset.done $0x0  }
0x96: {  	[sflag:s28] =	ssyncadd.s32 $0xFFFFC000  }
0x97: {  	[spmem:s2] =	stream.indirect.scatter.add.f32 [tilespmem:s25], [sflag:$0x4], $0x80, s24, s23, $0xb8;
	[tilespmem:$0x1C200] =	vst v63  }
0x98: {  	_ =	swait.ge [sflag:s29], $0x4000  }
0x99: {  	[sflag:s29] =	ssyncset.done $0x0  }
0x9a: {  	[sflag:s29] =	ssyncadd.s32 $0xFFFFC000  }
0x9b: {  	s0 =	stileid.u32;
	_ =	swait.ge [sflag:s30], $0x4000  }
0x9c: {  	s1 =	sshrl.u32 s5, $0x3;
	s31 =	sadd.s32 $0x1, s31;
	[sflag:s30] =	ssyncset.done $0x0  }
0x9d: {  	s0 =	sshll.u32 s0, $0x6;
	p0 =	sne.s32 s31, s15;
	[sflag:s30] =	ssyncadd.s32 $0xFFFFC000  }
.Ltmp2:
0x9e: {  	s0 =	sor.u32 $0x1C05, s0;
	[bflag:$0x0] =	sbarrier.arrive $0xFFFF;
	(pc) =	sbr.rel @p0 .LBB2_1-.Ltmp2, $4  }
0x9f: {  	[hbm:s14], [sflag:s0] =	dma.local [spmem:s1], $0x2800  }
0xa0: {  	_ =	swait.ge [sflag:s21], $0x2800  }
0xa1: {  	[sflag:s21] =	ssyncset.done $0x0  }
0xa2: {  	[sflag:s21] =	ssyncadd.s32 $0xFFFFD800  }
0xa3: {  	_ =	sfence.sel $0x180000  }
0xa4: {  	[bflag:$0x0] =	sbarrier.arrive $0xFFFF  }
0xa5: {  	_ =	strace $0x90000053  }
0xa6: {  	s0 =	stileid.u32;
	[bflag:$0x2] =	sbarrier.arrive $0xFFFF  }
0xa7: {  	p0 =	sne.s32 s0, $0x0;
	s0 =	rddreg [dreg:$0x2]  }
0xa8: {  	s0 =	sadd.s32 @!p0 $0x100000, s0  }
0xa9: {  	[sflag:s0] =	ssyncadd.tile.s32 @!p0 $0x1;
	_ =	shalt  }
.Lfunc_end2:
_tile_overlayer_lowered:
.L_overlay_start_2:
0xaa: {  	(tag) =	ssettag $0x2  }
0xab: {  	s0 =	rddreg [dreg:$0x0];
	s2 =	stileid.u32  }
0xac: {  	s1 =	rddreg [dreg:$0x1];
	p0 =	sne.s32 s2, $0x0  }
0xad: {  	s3 =	rddreg [dreg:$0x2];
	[bflag:$0x3] =	sbarrier.arrive $0xFFFF;
	s2 =	simm.s32 @!p0 $0x1C05  }
0xae: {  	[timem:s3], [sflag:s2] =	dma.local @!p0 [hbm:s0], s1  }
0xaf: {  	s0 =	simm.s32 @!p0 $0x5  }
0xb0: {  	_ =	swait.ge @!p0 [sflag:s0], s1  }
0xb1: {  	s1 =	ssub.s32 @!p0 $0x0, s1;
	[sflag:s0] =	ssyncset.done @!p0 $0x0  }
0xb2: {  	[sflag:s0] =	ssyncadd.s32 @!p0 s1  }
0xb3: {  	[bflag:$0x3] =	sbarrier.arrive $0xFFFF  }
0xb4: {  	_ =	shalt  }

</sc_bundles>
